<compile_context>
chip_gen: v7x
topology: tpu7x:2x2x1
jax: 0.10.2.dev20260603
libtpu: 0.0.44.dev20260713+nightly
codegen_flags: <defaults>
</compile_context>

<pallas_src>
import functools

import jax
import jax.numpy as jnp
from jax import lax
from jax.experimental import pallas as pl
from jax.experimental.pallas import tpu as pltpu
from jax.experimental.pallas import tpu_sc as plsc

G = 128


_NC = 2
_NS = 16
_CHUNK = 80


def _sc_edge_body(hin, e, src, dst, out, sidx0, sidx1, didx0, didx1, hbuf0,
                  hbuf1, ebuf0, ebuf1, zbuf, agg, semi0, semi1, seme0, seme1,
                  semg0, semg1, sems0, sems1, *, n_nodes, n_feat,
                  edges_per_tile):
    c = lax.axis_index("c")
    s = lax.axis_index("s")
    wid = c * _NS + s
    row0 = 632
    row_last = n_nodes - (_NS - 1) * row0
    zrows = zbuf.shape[0]
    nq = n_feat // 16
    base_r = s * row0
    nblk = jnp.where(s < _NS - 1, row0 // 8, row_last // 8)

    def _zrow(r, _):
        for q in range(nq):
            zbuf[r, pl.ds(q * 16, 16)] = jnp.zeros((16,), jnp.float32)
        return 0

    lax.fori_loop(0, zrows, _zrow, 0)

    def _zcp(k, _):
        pltpu.sync_copy(zbuf, agg.at[pl.ds(base_r + k * zrows, zrows)])
        return 0

    lax.fori_loop(0, nblk, _zcp, 0)
    plsc.subcore_barrier()

    n_chunks = edges_per_tile // _CHUNK
    half = _CHUNK // 2
    slots = (
        (sidx0, didx0, hbuf0, ebuf0, semi0, seme0, semg0, sems0),
        (sidx1, didx1, hbuf1, ebuf1, semi1, seme1, semg1, sems1),
    )

    def _base(j):
        return wid * edges_per_tile + j * _CHUNK

    def _issue_loads(j, p):
        sidx, didx, hbuf, ebuf, semi, seme, semg, sems = slots[p]
        b = _base(j)
        pltpu.async_copy(src.at[pl.ds(b, _CHUNK)], sidx, semi)
        pltpu.async_copy(dst.at[wid, j], didx, semi)
        pltpu.async_copy(e.at[pl.ds(b, _CHUNK)], ebuf, seme)

    def _wait_idx(j, p):
        sidx, didx, hbuf, ebuf, semi, seme, semg, sems = slots[p]
        b = _base(j)
        pltpu.make_async_copy(src.at[pl.ds(b, _CHUNK)], sidx, semi).wait()
        pltpu.make_async_copy(dst.at[wid, j], didx, semi).wait()

    def _issue_gather(p):
        sidx, didx, hbuf, ebuf, semi, seme, semg, sems = slots[p]
        pltpu.async_copy(hin.at[sidx], hbuf, semg)

    def _wait_scatter(p):
        sidx, didx, hbuf, ebuf, semi, seme, semg, sems = slots[p]
        for hh in range(2):
            pltpu.make_async_copy(hbuf.at[pl.ds(hh * half, half)],
                                  agg.at[didx.at[hh]], sems).wait()

    def _compute(j, p):
        sidx, didx, hbuf, ebuf, semi, seme, semg, sems = slots[p]
        b = _base(j)
        pltpu.make_async_copy(e.at[pl.ds(b, _CHUNK)], ebuf, seme).wait()
        pltpu.make_async_copy(hin.at[sidx], hbuf, semg).wait()

        def _row(r, _):
            for rr in range(2):
                for q in range(nq):
                    sl = pl.ds(q * 16, 16)
                    hbuf[2 * r + rr, sl] = jnp.maximum(
                        hbuf[2 * r + rr, sl] + ebuf[2 * r + rr, sl], 0.0)
            return 0

        for hh in range(2):
            lax.fori_loop(hh * (half // 2), (hh + 1) * (half // 2), _row, 0)
            pltpu.async_copy(hbuf.at[pl.ds(hh * half, half)],
                             agg.at[didx.at[hh]], sems, add=True)

    _issue_loads(0, 0)
    _wait_idx(0, 0)
    _issue_gather(0)
    _issue_loads(1, 1)

    def _pair(i, _):
        j = 2 * i
        _wait_idx(j + 1, 1)

        @pl.when(i > 0)
        def _():
            _wait_scatter(1)

        _issue_gather(1)
        _compute(j, 0)
        _issue_loads(j + 2, 0)

        _wait_idx(j + 2, 0)
        _wait_scatter(0)
        _issue_gather(0)
        _compute(j + 1, 1)

        @pl.when(j + 3 < n_chunks)
        def _():
            _issue_loads(j + 3, 1)

        return 0

    lax.fori_loop(0, (n_chunks - 1) // 2, _pair, 0)
    _compute(n_chunks - 1, 0)
    _wait_scatter(1)
    _wait_scatter(0)
    plsc.subcore_barrier()

    def _ocp(k, _):
        pltpu.sync_copy(agg.at[pl.ds(base_r + k * zrows, zrows)],
                        out.at[c, pl.ds(base_r + k * zrows, zrows)])
        return 0

    lax.fori_loop(0, nblk, _ocp, 0)


@functools.partial(jax.jit, static_argnames=("n_nodes", "n_feat"))
def _sc_edge(hin, e, src, dst, *, n_nodes, n_feat):
    n_edges = src.shape[0]
    edges_per_tile = n_edges // (_NC * _NS)
    n_chunks = edges_per_tile // _CHUNK
    dst4 = dst.reshape(_NC * _NS, n_chunks, 2, _CHUNK // 2)
    mesh = plsc.VectorSubcoreMesh(core_axis_name="c", subcore_axis_name="s")
    body = functools.partial(
        _sc_edge_body,
        n_nodes=n_nodes, n_feat=n_feat, edges_per_tile=edges_per_tile)
    f = pl.kernel(
        body,
        out_type=jax.ShapeDtypeStruct((_NC, n_nodes, n_feat), jnp.float32),
        mesh=mesh,
        scratch_types=(
            [pltpu.VMEM((_CHUNK,), jnp.int32)] * 2
            + [pltpu.VMEM((2, _CHUNK // 2), jnp.int32)] * 2
            + [pltpu.VMEM((_CHUNK, n_feat), jnp.float32)] * 4
            + [pltpu.VMEM((8, n_feat), jnp.float32),
               pltpu.VMEM_SHARED((n_nodes, n_feat), jnp.float32)]
            + [pltpu.SemaphoreType.DMA] * 8
        ),
    )
    return f(hin, e, src, dst4)



def _bn_in(z, g, b, n):
    m = jnp.sum(z, axis=0, keepdims=True) * (1.0 / n)
    d = z - m
    v = jnp.sum(d * d, axis=0, keepdims=True) * (1.0 / n)
    return d / jnp.sqrt(v + 1e-5) * g + b


def _edge_mlp_body(ea_ref, We_ref, be_ref, o0_ref, o1_ref, o2_ref):
    ea = ea_ref[...]
    outs = (o0_ref, o1_ref, o2_ref)
    for l in range(3):
        outs[l][...] = (
            jnp.dot(ea, We_ref[l], preferred_element_type=jnp.float32)
            + be_ref[pl.ds(l, 1), :])


def _edge_mlp(edge_attr, We, be):
    n_edges, de = edge_attr.shape
    h = We.shape[2]
    blk = 3200
    grid = n_edges // blk
    out_sd = jax.ShapeDtypeStruct((n_edges, h), jnp.float32)
    return pl.pallas_call(
        _edge_mlp_body,
        grid=(grid,),
        in_specs=[
            pl.BlockSpec((blk, de), lambda i: (i, 0)),
            pl.BlockSpec((3, de, h), lambda i: (0, 0, 0)),
            pl.BlockSpec((3, h), lambda i: (0, 0)),
        ],
        out_specs=[
            pl.BlockSpec((blk, h), lambda i: (i, 0)),
            pl.BlockSpec((blk, h), lambda i: (i, 0)),
            pl.BlockSpec((blk, h), lambda i: (i, 0)),
        ],
        out_shape=[out_sd, out_sd, out_sd],
    )(edge_attr, We, be)


def _pre_body(x_ref, w_ref, b_ref, o_ref):
    o_ref[...] = (
        jnp.dot(x_ref[...], w_ref[...], preferred_element_type=jnp.float32)
        + b_ref[...])


def _tc_pre(x, W_in, b_in):
    n, _ = x.shape
    h = W_in.shape[1]
    return pl.pallas_call(
        _pre_body,
        out_shape=jax.ShapeDtypeStruct((n, h), jnp.float32),
    )(x, W_in, b_in.reshape(1, h))


def _mid_body(hin_ref, agg_ref, batch_ref, vn_ref, w1_ref, b1_ref, g1_ref,
              be1_ref, w2_ref, b2_ref, gbn_ref, bbn_ref, vw1_ref, vb1_ref,
              vg1_ref, vbe1_ref, vw2_ref, vb2_ref, vg2_ref, vbe2_ref,
              eps_ref, hin_next_ref, vn_next_ref, *, n, g_graphs):
    hin = hin_ref[...]
    z = (1.0 + eps_ref[0, 0]) * hin + agg_ref[0] + agg_ref[1]
    z1 = jnp.dot(z, w1_ref[...], preferred_element_type=jnp.float32) + b1_ref[...]
    z1 = _bn_in(z1, g1_ref[...], be1_ref[...], n)
    z1 = jnp.maximum(z1, 0.0)
    z2 = jnp.dot(z1, w2_ref[...], preferred_element_type=jnp.float32) + b2_ref[...]
    z2 = _bn_in(z2, gbn_ref[...], bbn_ref[...], n)
    z2 = jnp.maximum(z2, 0.0)
    h_new = z2 + hin
    onehot = (batch_ref[...] ==
              lax.broadcasted_iota(jnp.int32, (n, g_graphs), 1)
              ).astype(jnp.float32)
    segsum = lax.dot_general(onehot, hin, (((0,), (0,)), ((), ())),
                             preferred_element_type=jnp.float32)
    vtmp = segsum + vn_ref[...]
    v = jnp.dot(vtmp, vw1_ref[...], preferred_element_type=jnp.float32) + vb1_ref[...]
    v = _bn_in(v, vg1_ref[...], vbe1_ref[...], g_graphs)
    v = jnp.maximum(v, 0.0)
    v = jnp.dot(v, vw2_ref[...], preferred_element_type=jnp.float32) + vb2_ref[...]
    v = _bn_in(v, vg2_ref[...], vbe2_ref[...], g_graphs)
    vn_next = jnp.maximum(v, 0.0)
    vn_next_ref[...] = vn_next
    hin_next_ref[...] = h_new + jnp.dot(onehot, vn_next,
                                        preferred_element_type=jnp.float32)


def _tc_mid(hin, agg2, batch2, vn, Wl, eps_l):
    n, h = hin.shape
    (w1, b1, g1, be1, w2, b2, gbn, bbn,
     vw1, vb1, vg1, vbe1, vw2, vb2, vg2, vbe2) = Wl
    n_in = 21
    specs = ([pl.BlockSpec(memory_space=pltpu.VMEM)] * (n_in - 1)
             + [pl.BlockSpec(memory_space=pltpu.SMEM)])
    return pl.pallas_call(
        functools.partial(_mid_body, n=n, g_graphs=G),
        in_specs=specs,
        out_shape=[
            jax.ShapeDtypeStruct((n, h), jnp.float32),
            jax.ShapeDtypeStruct((G, h), jnp.float32),
        ],
    )(hin, agg2, batch2, vn, w1, b1, g1, be1, w2, b2, gbn, bbn,
      vw1, vb1, vg1, vbe1, vw2, vb2, vg2, vbe2, eps_l)


def _last_body(hin_ref, agg_ref, batch_ref, w1_ref, b1_ref, g1_ref, be1_ref,
               w2_ref, b2_ref, gbn_ref, bbn_ref, eps_ref,
               hnode_ref, hgraph_ref, *, n, g_graphs):
    hin = hin_ref[...]
    z = (1.0 + eps_ref[0, 0]) * hin + agg_ref[0] + agg_ref[1]
    z1 = jnp.dot(z, w1_ref[...], preferred_element_type=jnp.float32) + b1_ref[...]
    z1 = _bn_in(z1, g1_ref[...], be1_ref[...], n)
    z1 = jnp.maximum(z1, 0.0)
    z2 = jnp.dot(z1, w2_ref[...], preferred_element_type=jnp.float32) + b2_ref[...]
    z2 = _bn_in(z2, gbn_ref[...], bbn_ref[...], n)
    h_node = z2 + hin
    hnode_ref[...] = h_node
    batch = batch_ref[...]
    neg_inf = jnp.float32(-jnp.inf)

    def _seg(gi, _):
        mask = batch == gi
        vals = jnp.where(mask, h_node, neg_inf)
        hgraph_ref[pl.ds(gi, 1), :] = jnp.max(vals, axis=0, keepdims=True)
        return 0

    lax.fori_loop(0, g_graphs, _seg, 0)


def _tc_last(hin, agg2, batch2, Wl, eps_l):
    n, h = hin.shape
    w1, b1, g1, be1, w2, b2, gbn, bbn = Wl
    n_in = 12
    specs = ([pl.BlockSpec(memory_space=pltpu.VMEM)] * (n_in - 1)
             + [pl.BlockSpec(memory_space=pltpu.SMEM)])
    return pl.pallas_call(
        functools.partial(_last_body, n=n, g_graphs=G),
        in_specs=specs,
        out_shape=[
            jax.ShapeDtypeStruct((n, h), jnp.float32),
            jax.ShapeDtypeStruct((G, h), jnp.float32),
        ],
    )(hin, agg2, batch2, w1, b1, g1, be1, w2, b2, gbn, bbn, eps_l)



def kernel(x, edge_index, edge_attr, batch, W_in, b_in, eps, We, be, W1, b1,
           g1, be1, W2, b2, gbn, bbn, Vw1, Vb1, Vg1, Vbe1, Vw2, Vb2, Vg2,
           Vbe2):
    n, _ = x.shape
    h = W_in.shape[1]
    src = edge_index[0]
    dst = edge_index[1]
    batch2 = batch.reshape(n, 1)

    e_all = _edge_mlp(edge_attr, We, be)
    hin = _tc_pre(x, W_in, b_in)
    vn = jnp.zeros((G, h), jnp.float32)

    def row(a):
        return a.reshape(1, -1)

    for l in range(3):
        agg2 = _sc_edge(hin, e_all[l], src, dst, n_nodes=n, n_feat=h)
        eps_l = eps[l].reshape(1, 1)
        if l < 2:
            Wl = (W1[l], row(b1[l]), row(g1[l]), row(be1[l]), W2[l],
                  row(b2[l]), row(gbn[l]), row(bbn[l]),
                  Vw1[l], row(Vb1[l]), row(Vg1[l]), row(Vbe1[l]), Vw2[l],
                  row(Vb2[l]), row(Vg2[l]), row(Vbe2[l]))
            hin, vn = _tc_mid(hin, agg2, batch2, vn, Wl, eps_l)
        else:
            Wl = (W1[l], row(b1[l]), row(g1[l]), row(be1[l]), W2[l],
                  row(b2[l]), row(gbn[l]), row(bbn[l]))
            h_node, h_graph = _tc_last(hin, agg2, batch2, Wl, eps_l)
    return (h_graph, h_node)

# --- scband reference (transcript-rebuilt; emitter-appended) ---
"""Pipeline reference for scband-gnn-80410377716495 (READ-ONLY COPY).

The authoritative reference and input builder live on the scoring server;
editing this copy changes nothing except your own understanding.
"""

import jax, jax.numpy as jnp
import numpy as np

L = 3
N = 10000
E = 320000
D = 128
DE = 16
H = 128
G = 128


def _bn(h, g, b):
    m = jnp.mean(h, axis=0, keepdims=True)
    v = jnp.var(h, axis=0, keepdims=True)
    return (h - m) / jnp.sqrt(v + 1e-5) * g + b


def setup_inputs(seed: int = 0):
    key = jax.random.key(seed)
    ks = jax.random.split(key, 16)
    s_in = 1.0 / np.sqrt(D)
    s_h = 1.0 / np.sqrt(H)
    s_2h = 1.0 / np.sqrt(2 * H)
    s_e = 1.0 / np.sqrt(DE)
    inp = {
        "x": jax.random.normal(ks[0], (N, D), dtype=jnp.float32),
        "edge_index": jax.random.randint(ks[1], (2, E), 0, N, dtype=jnp.int32),
        "edge_attr": jax.random.normal(ks[2], (E, DE), dtype=jnp.float32),
        "batch": jnp.sort(jax.random.randint(ks[3], (N,), 0, G, dtype=jnp.int32)),
        "W_in": jax.random.normal(ks[4], (D, H), dtype=jnp.float32) * s_in,
        "b_in": jnp.zeros((H,), jnp.float32),
        "eps": jnp.zeros((L,), jnp.float32),
        "We": jax.random.normal(ks[5], (L, DE, H), dtype=jnp.float32) * s_e,
        "be": jnp.zeros((L, H), jnp.float32),
        "W1": jax.random.normal(ks[6], (L, H, 2 * H), dtype=jnp.float32) * s_h,
        "b1": jnp.zeros((L, 2 * H), jnp.float32),
        "g1": jnp.ones((L, 2 * H), jnp.float32),
        "be1": jnp.zeros((L, 2 * H), jnp.float32),
        "W2": jax.random.normal(ks[7], (L, 2 * H, H), dtype=jnp.float32) * s_2h,
        "b2": jnp.zeros((L, H), jnp.float32),
        "gbn": jnp.ones((L, H), jnp.float32),
        "bbn": jnp.zeros((L, H), jnp.float32),
        "Vw1": jax.random.normal(ks[8], (L - 1, H, 2 * H), dtype=jnp.float32) * s_h,
        "Vb1": jnp.zeros((L - 1, 2 * H), jnp.float32),
        "Vg1": jnp.ones((L - 1, 2 * H), jnp.float32),
        "Vbe1": jnp.zeros((L - 1, 2 * H), jnp.float32),
        "Vw2": jax.random.normal(ks[9], (L - 1, 2 * H, H), dtype=jnp.float32) * s_2h,
        "Vb2": jnp.zeros((L - 1, H), jnp.float32),
        "Vg2": jnp.ones((L - 1, H), jnp.float32),
        "Vbe2": jnp.zeros((L - 1, H), jnp.float32),
    }
    return inp


def reference(x, edge_index, edge_attr, batch, W_in, b_in, eps, We, be, W1, b1, g1, be1, W2, b2, gbn, bbn, Vw1, Vb1, Vg1, Vbe1, Vw2, Vb2, Vg2, Vbe2):
    src = edge_index[0]
    dst = edge_index[1]
    # node encoder
    h = x @ W_in + b_in
    # virtual node embedding, zero-initialized per graph
    vn = jnp.zeros((G, H), dtype=h.dtype)
    for l in range(L):
        # add virtual node message to every node of its graph (gather)
        h_in = h + vn[batch]
        # GIN conv: edge encoder + relu(x_src + e) messages, scatter-add to dst
        e = edge_attr @ We[l] + be[l]
        msg = jax.nn.relu(h_in[src] + e)
        agg = jnp.zeros((N, H), h_in.dtype).at[dst].add(msg)
        z = (1.0 + eps[l]) * h_in + agg
        # GIN internal MLP: Linear -> BN -> ReLU -> Linear
        z = z @ W1[l] + b1[l]
        z = _bn(z, g1[l], be1[l])
        z = jax.nn.relu(z)
        z = z @ W2[l] + b2[l]
        # per-layer batch norm (training-mode statistics)
        z = _bn(z, gbn[l], bbn[l])
        if l < L - 1:
            z = jax.nn.relu(z)
        # residual
        h_new = z + h_in
        # virtual node update for all but the last layer
        if l < L - 1:
            vn_tmp = jax.ops.segment_sum(h_in, batch, num_segments=G) + vn
            v = vn_tmp @ Vw1[l] + Vb1[l]
            v = _bn(v, Vg1[l], Vbe1[l])
            v = jax.nn.relu(v)
            v = v @ Vw2[l] + Vb2[l]
            v = _bn(v, Vg2[l], Vbe2[l])
            vn = jax.nn.relu(v)
        h = h_new
    h_node = h
    # readout='max' -> global_max_pool
    h_graph = jax.ops.segment_max(h_node, batch, num_segments=G)
    return (h_graph, h_node)

if __name__ == "__main__":
    import jax
    _d = setup_inputs()
    print(jax.jit(kernel)(*tuple(_d.values())))

</pallas_src>

<mosaic_0001>
#map = affine_map<(d0, d1) -> (0, 0)>
#map1 = affine_map<(d0, d1) -> (0)>
#map2 = affine_map<(d0, d1) -> (0, 0, 0, 0)>
#map3 = affine_map<(d0, d1) -> (0, 0, 0)>
module attributes {stable_mosaic.version = 14 : i64} {
  func.func @_sc_edge_body(%arg0: i32, %arg1: i32, %arg2: memref<10000x128xf32, #tpu.memory_space<hbm>>, %arg3: memref<320000x128xf32, #tpu.memory_space<hbm>>, %arg4: memref<320000xi32, #tpu.memory_space<hbm>>, %arg5: memref<32x125x2x40xi32, #tpu.memory_space<hbm>>, %arg6: memref<2x10000x128xf32, #tpu.memory_space<hbm>>, %arg7: memref<80xi32, #tpu.memory_space<vmem>>, %arg8: memref<80xi32, #tpu.memory_space<vmem>>, %arg9: memref<2x40xi32, #tpu.memory_space<vmem>>, %arg10: memref<2x40xi32, #tpu.memory_space<vmem>>, %arg11: memref<80x128xf32, #tpu.memory_space<vmem>>, %arg12: memref<80x128xf32, #tpu.memory_space<vmem>>, %arg13: memref<80x128xf32, #tpu.memory_space<vmem>>, %arg14: memref<80x128xf32, #tpu.memory_space<vmem>>, %arg15: memref<8x128xf32, #tpu.memory_space<vmem>>, %arg16: memref<10000x128xf32, #tpu.memory_space<vmem_shared>>, %arg17: memref<!tpu.dma_semaphore, #tpu.memory_space<semaphore_mem>>, %arg18: memref<!tpu.dma_semaphore, #tpu.memory_space<semaphore_mem>>, %arg19: memref<!tpu.dma_semaphore, #tpu.memory_space<semaphore_mem>>, %arg20: memref<!tpu.dma_semaphore, #tpu.memory_space<semaphore_mem>>, %arg21: memref<!tpu.dma_semaphore, #tpu.memory_space<semaphore_mem>>, %arg22: memref<!tpu.dma_semaphore, #tpu.memory_space<semaphore_mem>>, %arg23: memref<!tpu.dma_semaphore, #tpu.memory_space<semaphore_mem>>, %arg24: memref<!tpu.dma_semaphore, #tpu.memory_space<semaphore_mem>>) attributes {dimension_semantics = [#tpu.dimension_semantics<core_parallel>, #tpu.dimension_semantics<subcore_parallel>], iteration_bounds = array<i64: 2, 16>, scalar_prefetch = 0 : i64, scratch_operands = 18 : i64, tpu.core_type = #tpu.core_type<sc_vector_subcore>, window_params = [{transform_indices = #map}, {transform_indices = #map}, {transform_indices = #map1}, {transform_indices = #map2}, {transform_indices = #map3}]} {
    %mul3A = arith.constant 16 : i32
    %mul3A_0 = arith.muli %arg0, %mul3A : i32
    %add3A = arith.addi %mul3A_0, %arg1 : i32
    %mul3A_1 = arith.constant 632 : i32
    %mul3A_2 = arith.muli %arg1, %mul3A_1 : i32
    %lt3A = arith.constant 15 : i32
    %lt3A_3 = arith.cmpi slt, %arg1, %lt3A : i32
    %jit3A = arith.constant 79 : i32
    %jit3A_4 = arith.constant 65 : i32
    %select_n3A = arith.select %lt3A_3, %jit3A, %jit3A_4 : i32
    %scan3A = arith.constant 0 : i32
    %scan3A_5 = arith.constant 0 : i32
    %scan3A_6 = arith.constant 8 : i32
    %scan3A_7 = arith.addi %scan3A_5, %scan3A_6 : i32
    %scan3A_8 = arith.constant 1 : i32
    %scan3A_9 = scf.for %scan3A_181 = %scan3A_5 to %scan3A_7 step %scan3A_8 iter_args(%scan3A_182 = %scan3A) -> (i32)  : i32 {
      %broadcast_in_dim3A = arith.constant 0.000000e+00 : f32
      %broadcast_in_dim3A_183 = vector.broadcast %broadcast_in_dim3A : f32 to vector<16xf32>
      %swap3A = arith.index_cast %scan3A_181 : i32 to index
      %swap3A_184 = arith.constant 0 : index
      %swap3A_185 = tpu.vector_load %arg15[%swap3A, %swap3A_184] {strides = array<i32>} : memref<8x128xf32, #tpu.memory_space<vmem>>, vector<1x16xf32>,
      %swap3A_186 = vector.shape_cast %swap3A_185 : vector<1x16xf32> to vector<16xf32>
      %swap3A_187 = vector.shape_cast %broadcast_in_dim3A_183 : vector<16xf32> to vector<1x16xf32>
      tpu.vector_store %arg15[%swap3A, %swap3A_184], %swap3A_187 {strides = array<i32>} : memref<8x128xf32, #tpu.memory_space<vmem>>, vector<1x16xf32>,
      %broadcast_in_dim3A_188 = arith.constant 0.000000e+00 : f32
      %broadcast_in_dim3A_189 = vector.broadcast %broadcast_in_dim3A_188 : f32 to vector<16xf32>
      %swap3A_190 = arith.index_cast %scan3A_181 : i32 to index
      %swap3A_191 = arith.constant 16 : index
      %swap3A_192 = tpu.vector_load %arg15[%swap3A_190, %swap3A_191] {strides = array<i32>} : memref<8x128xf32, #tpu.memory_space<vmem>>, vector<1x16xf32>,
      %swap3A_193 = vector.shape_cast %swap3A_192 : vector<1x16xf32> to vector<16xf32>
      %swap3A_194 = vector.shape_cast %broadcast_in_dim3A_189 : vector<16xf32> to vector<1x16xf32>
      tpu.vector_store %arg15[%swap3A_190, %swap3A_191], %swap3A_194 {strides = array<i32>} : memref<8x128xf32, #tpu.memory_space<vmem>>, vector<1x16xf32>,
      %broadcast_in_dim3A_195 = arith.constant 0.000000e+00 : f32
      %broadcast_in_dim3A_196 = vector.broadcast %broadcast_in_dim3A_195 : f32 to vector<16xf32>
      %swap3A_197 = arith.index_cast %scan3A_181 : i32 to index
      %swap3A_198 = arith.constant 32 : index
      %swap3A_199 = tpu.vector_load %arg15[%swap3A_197, %swap3A_198] {strides = array<i32>} : memref<8x128xf32, #tpu.memory_space<vmem>>, vector<1x16xf32>,
      %swap3A_200 = vector.shape_cast %swap3A_199 : vector<1x16xf32> to vector<16xf32>
      %swap3A_201 = vector.shape_cast %broadcast_in_dim3A_196 : vector<16xf32> to vector<1x16xf32>
      tpu.vector_store %arg15[%swap3A_197, %swap3A_198], %swap3A_201 {strides = array<i32>} : memref<8x128xf32, #tpu.memory_space<vmem>>, vector<1x16xf32>,
      %broadcast_in_dim3A_202 = arith.constant 0.000000e+00 : f32
      %broadcast_in_dim3A_203 = vector.broadcast %broadcast_in_dim3A_202 : f32 to vector<16xf32>
      %swap3A_204 = arith.index_cast %scan3A_181 : i32 to index
      %swap3A_205 = arith.constant 48 : index
      %swap3A_206 = tpu.vector_load %arg15[%swap3A_204, %swap3A_205] {strides = array<i32>} : memref<8x128xf32, #tpu.memory_space<vmem>>, vector<1x16xf32>,
      %swap3A_207 = vector.shape_cast %swap3A_206 : vector<1x16xf32> to vector<16xf32>
      %swap3A_208 = vector.shape_cast %broadcast_in_dim3A_203 : vector<16xf32> to vector<1x16xf32>
      tpu.vector_store %arg15[%swap3A_204, %swap3A_205], %swap3A_208 {strides = array<i32>} : memref<8x128xf32, #tpu.memory_space<vmem>>, vector<1x16xf32>,
      %broadcast_in_dim3A_209 = arith.constant 0.000000e+00 : f32
      %broadcast_in_dim3A_210 = vector.broadcast %broadcast_in_dim3A_209 : f32 to vector<16xf32>
      %swap3A_211 = arith.index_cast %scan3A_181 : i32 to index
      %swap3A_212 = arith.constant 64 : index
      %swap3A_213 = tpu.vector_load %arg15[%swap3A_211, %swap3A_212] {strides = array<i32>} : memref<8x128xf32, #tpu.memory_space<vmem>>, vector<1x16xf32>,
      %swap3A_214 = vector.shape_cast %swap3A_213 : vector<1x16xf32> to vector<16xf32>
      %swap3A_215 = vector.shape_cast %broadcast_in_dim3A_210 : vector<16xf32> to vector<1x16xf32>
      tpu.vector_store %arg15[%swap3A_211, %swap3A_212], %swap3A_215 {strides = array<i32>} : memref<8x128xf32, #tpu.memory_space<vmem>>, vector<1x16xf32>,
      %broadcast_in_dim3A_216 = arith.constant 0.000000e+00 : f32
      %broadcast_in_dim3A_217 = vector.broadcast %broadcast_in_dim3A_216 : f32 to vector<16xf32>
      %swap3A_218 = arith.index_cast %scan3A_181 : i32 to index
      %swap3A_219 = arith.constant 80 : index
      %swap3A_220 = tpu.vector_load %arg15[%swap3A_218, %swap3A_219] {strides = array<i32>} : memref<8x128xf32, #tpu.memory_space<vmem>>, vector<1x16xf32>,
      %swap3A_221 = vector.shape_cast %swap3A_220 : vector<1x16xf32> to vector<16xf32>
      %swap3A_222 = vector.shape_cast %broadcast_in_dim3A_217 : vector<16xf32> to vector<1x16xf32>
      tpu.vector_store %arg15[%swap3A_218, %swap3A_219], %swap3A_222 {strides = array<i32>} : memref<8x128xf32, #tpu.memory_space<vmem>>, vector<1x16xf32>,
      %broadcast_in_dim3A_223 = arith.constant 0.000000e+00 : f32
      %broadcast_in_dim3A_224 = vector.broadcast %broadcast_in_dim3A_223 : f32 to vector<16xf32>
      %swap3A_225 = arith.index_cast %scan3A_181 : i32 to index
      %swap3A_226 = arith.constant 96 : index
      %swap3A_227 = tpu.vector_load %arg15[%swap3A_225, %swap3A_226] {strides = array<i32>} : memref<8x128xf32, #tpu.memory_space<vmem>>, vector<1x16xf32>,
      %swap3A_228 = vector.shape_cast %swap3A_227 : vector<1x16xf32> to vector<16xf32>
      %swap3A_229 = vector.shape_cast %broadcast_in_dim3A_224 : vector<16xf32> to vector<1x16xf32>
      tpu.vector_store %arg15[%swap3A_225, %swap3A_226], %swap3A_229 {strides = array<i32>} : memref<8x128xf32, #tpu.memory_space<vmem>>, vector<1x16xf32>,
      %broadcast_in_dim3A_230 = arith.constant 0.000000e+00 : f32
      %broadcast_in_dim3A_231 = vector.broadcast %broadcast_in_dim3A_230 : f32 to vector<16xf32>
      %swap3A_232 = arith.index_cast %scan3A_181 : i32 to index
      %swap3A_233 = arith.constant 112 : index
      %swap3A_234 = tpu.vector_load %arg15[%swap3A_232, %swap3A_233] {strides = array<i32>} : memref<8x128xf32, #tpu.memory_space<vmem>>, vector<1x16xf32>,
      %swap3A_235 = vector.shape_cast %swap3A_234 : vector<1x16xf32> to vector<16xf32>
      %swap3A_236 = vector.shape_cast %broadcast_in_dim3A_231 : vector<16xf32> to vector<1x16xf32>
      tpu.vector_store %arg15[%swap3A_232, %swap3A_233], %swap3A_236 {strides = array<i32>} : memref<8x128xf32, #tpu.memory_space<vmem>>, vector<1x16xf32>,
      %scan3A_237 = arith.constant 0 : i32
      scf.yield %scan3A_237 : i32
    }
    %scan3A_10 = arith.constant 8 : i32
    %while3A = arith.constant 0 : i32
    %while3A_11 = arith.constant 0 : i32
    %while3A_12 = arith.subi %select_n3A, %while3A : i32
    %while3A_13 = arith.addi %while3A, %while3A_12 : i32
    %while3A_14 = arith.constant 1 : i32
    %while3A_15 = arith.divsi %while3A_12, %while3A_14 : i32
    %while3A_16 = arith.muli %while3A_15, %while3A_14 : i32
    %while3A_17 = arith.addi %while3A, %while3A_16 : i32
    %while3A_18 = arith.constant 1 : i32
    %while3A_19 = scf.for %while3A_181 = %while3A to %while3A_17 step %while3A_18 iter_args(%while3A_182 = %while3A_11) -> (i32)  : i32 {
      %mul3A_183 = arith.constant 8 : i32
      %mul3A_184 = arith.muli %while3A_181, %mul3A_183 : i32
      %add3A_185 = arith.addi %mul3A_2, %mul3A_184 : i32
      "tpu.region"() ({
        %run_scoped3A = tpu.sem_alloc : memref<!tpu.dma_semaphore, #tpu.memory_space<semaphore_mem>>
        %dma_start3A_187 = arith.constant 0 : i32
        %dma_start3A_188 = tpu.memref_slice %arg16[%add3A_185, %dma_start3A_187] : memref<10000x128xf32, #tpu.memory_space<vmem_shared>> -> memref<8x128xf32, #tpu.memory_space<vmem_shared>>
        %dma_start3A_189 = arith.constant 0 : i32
        %dma_start3A_190 = tpu.memref_slice %arg16[%add3A_185, %dma_start3A_189] : memref<10000x128xf32, #tpu.memory_space<vmem_shared>> -> memref<8x128xf32, #tpu.memory_space<vmem_shared>>
        tpu.enqueue_dma source(%arg15 : memref<8x128xf32, #tpu.memory_space<vmem>>) target(%dma_start3A_190 : memref<8x128xf32, #tpu.memory_space<vmem_shared>>) target_semaphore(%run_scoped3A : memref<!tpu.dma_semaphore, #tpu.memory_space<semaphore_mem>>)
        %dma_wait3A_191 = arith.constant 0 : i32
        %dma_wait3A_192 = tpu.memref_slice %arg16[%add3A_185, %dma_wait3A_191] : memref<10000x128xf32, #tpu.memory_space<vmem_shared>> -> memref<8x128xf32, #tpu.memory_space<vmem_shared>>
        %dma_wait3A_193 = arith.constant 0 : i32
        %dma_wait3A_194 = tpu.memref_slice %arg16[%add3A_185, %dma_wait3A_193] : memref<10000x128xf32, #tpu.memory_space<vmem_shared>> -> memref<8x128xf32, #tpu.memory_space<vmem_shared>>
        tpu.wait_dma2 semaphore(%run_scoped3A : memref<!tpu.dma_semaphore, #tpu.memory_space<semaphore_mem>>) src(%arg15 : memref<8x128xf32, #tpu.memory_space<vmem>>) dst(%dma_wait3A_194 : memref<8x128xf32, #tpu.memory_space<vmem_shared>>)
        tpu.yield
      }) : () -> ()
      %while3A_186 = arith.constant 0 : i32
      scf.yield %while3A_186 : i32
    }
    %while3A_20 = arith.constant 1 : i32
    %while3A_21 = scf.for %while3A_181 = %while3A_17 to %while3A_13 step %while3A_20 iter_args(%while3A_182 = %while3A_19) -> (i32)  : i32 {
      %mul3A_183 = arith.constant 8 : i32
      %mul3A_184 = arith.muli %while3A_181, %mul3A_183 : i32
      %add3A_185 = arith.addi %mul3A_2, %mul3A_184 : i32
      "tpu.region"() ({
        %run_scoped3A = tpu.sem_alloc : memref<!tpu.dma_semaphore, #tpu.memory_space<semaphore_mem>>
        %dma_start3A_187 = arith.constant 0 : i32
        %dma_start3A_188 = tpu.memref_slice %arg16[%add3A_185, %dma_start3A_187] : memref<10000x128xf32, #tpu.memory_space<vmem_shared>> -> memref<8x128xf32, #tpu.memory_space<vmem_shared>>
        %dma_start3A_189 = arith.constant 0 : i32
        %dma_start3A_190 = tpu.memref_slice %arg16[%add3A_185, %dma_start3A_189] : memref<10000x128xf32, #tpu.memory_space<vmem_shared>> -> memref<8x128xf32, #tpu.memory_space<vmem_shared>>
        tpu.enqueue_dma source(%arg15 : memref<8x128xf32, #tpu.memory_space<vmem>>) target(%dma_start3A_190 : memref<8x128xf32, #tpu.memory_space<vmem_shared>>) target_semaphore(%run_scoped3A : memref<!tpu.dma_semaphore, #tpu.memory_space<semaphore_mem>>)
        %dma_wait3A_191 = arith.constant 0 : i32
        %dma_wait3A_192 = tpu.memref_slice %arg16[%add3A_185, %dma_wait3A_191] : memref<10000x128xf32, #tpu.memory_space<vmem_shared>> -> memref<8x128xf32, #tpu.memory_space<vmem_shared>>
        %dma_wait3A_193 = arith.constant 0 : i32
        %dma_wait3A_194 = tpu.memref_slice %arg16[%add3A_185, %dma_wait3A_193] : memref<10000x128xf32, #tpu.memory_space<vmem_shared>> -> memref<8x128xf32, #tpu.memory_space<vmem_shared>>
        tpu.wait_dma2 semaphore(%run_scoped3A : memref<!tpu.dma_semaphore, #tpu.memory_space<semaphore_mem>>) src(%arg15 : memref<8x128xf32, #tpu.memory_space<vmem>>) dst(%dma_wait3A_194 : memref<8x128xf32, #tpu.memory_space<vmem_shared>>)
        tpu.yield
      }) : () -> ()
      %while3A_186 = arith.constant 0 : i32
      scf.yield %while3A_186 : i32
    }
    %barrier3A = arith.constant 0 : index
    tpu.barrier barrier_id(%barrier3A)
    %mul3A_22 = arith.constant 10000 : i32
    %mul3A_23 = arith.muli %add3A, %mul3A_22 : i32
    %add3A_24 = arith.constant 0 : i32
    %add3A_25 = arith.addi %mul3A_23, %add3A_24 : i32
    %dma_start3A = tpu.memref_slice %arg4[%add3A_25] : memref<320000xi32, #tpu.memory_space<hbm>> -> memref<80xi32, #tpu.memory_space<hbm>>
    %dma_start3A_26 = tpu.memref_slice %arg4[%add3A_25] : memref<320000xi32, #tpu.memory_space<hbm>> -> memref<80xi32, #tpu.memory_space<hbm>>
    tpu.enqueue_dma source(%dma_start3A_26 : memref<80xi32, #tpu.memory_space<hbm>>) target(%arg7 : memref<80xi32, #tpu.memory_space<vmem>>) target_semaphore(%arg17 : memref<!tpu.dma_semaphore, #tpu.memory_space<semaphore_mem>>)
    %dma_start3A_27 = arith.constant 0 : i32
    %dma_start3A_28 = arith.constant 0 : i32
    %dma_start3A_29 = arith.constant 0 : i32
    %dma_start3A_30 = tpu.memref_slice %arg5[%add3A, %dma_start3A_27, %dma_start3A_28, %dma_start3A_29] : memref<32x125x2x40xi32, #tpu.memory_space<hbm>> -> memref<1x1x2x40xi32, #tpu.memory_space<hbm>>
    %dma_start3A_31 = tpu.memref_squeeze %dma_start3A_30 : memref<1x1x2x40xi32, #tpu.memory_space<hbm>> -> memref<2x40xi32, #tpu.memory_space<hbm>>
    %dma_start3A_32 = arith.constant 0 : i32
    %dma_start3A_33 = arith.constant 0 : i32
    %dma_start3A_34 = tpu.memref_slice %arg5[%add3A, %dma_start3A_27, %dma_start3A_32, %dma_start3A_33] : memref<32x125x2x40xi32, #tpu.memory_space<hbm>> -> memref<1x1x2x40xi32, #tpu.memory_space<hbm>>
    %dma_start3A_35 = tpu.memref_squeeze %dma_start3A_34 : memref<1x1x2x40xi32, #tpu.memory_space<hbm>> -> memref<2x40xi32, #tpu.memory_space<hbm>>
    tpu.enqueue_dma source(%dma_start3A_35 : memref<2x40xi32, #tpu.memory_space<hbm>>) target(%arg9 : memref<2x40xi32, #tpu.memory_space<vmem>>) target_semaphore(%arg17 : memref<!tpu.dma_semaphore, #tpu.memory_space<semaphore_mem>>)
    %dma_start3A_36 = arith.constant 0 : i32
    %dma_start3A_37 = tpu.memref_slice %arg3[%add3A_25, %dma_start3A_36] : memref<320000x128xf32, #tpu.memory_space<hbm>> -> memref<80x128xf32, #tpu.memory_space<hbm>>
    %dma_start3A_38 = arith.constant 0 : i32
    %dma_start3A_39 = tpu.memref_slice %arg3[%add3A_25, %dma_start3A_38] : memref<320000x128xf32, #tpu.memory_space<hbm>> -> memref<80x128xf32, #tpu.memory_space<hbm>>
    tpu.enqueue_dma source(%dma_start3A_39 : memref<80x128xf32, #tpu.memory_space<hbm>>) target(%arg13 : memref<80x128xf32, #tpu.memory_space<vmem>>) target_semaphore(%arg19 : memref<!tpu.dma_semaphore, #tpu.memory_space<semaphore_mem>>)
    %mul3A_40 = arith.constant 10000 : i32
    %mul3A_41 = arith.muli %add3A, %mul3A_40 : i32
    %add3A_42 = arith.constant 0 : i32
    %add3A_43 = arith.addi %mul3A_41, %add3A_42 : i32
    %dma_wait3A = tpu.memref_slice %arg4[%add3A_43] : memref<320000xi32, #tpu.memory_space<hbm>> -> memref<80xi32, #tpu.memory_space<hbm>>
    %dma_wait3A_44 = tpu.memref_slice %arg4[%add3A_43] : memref<320000xi32, #tpu.memory_space<hbm>> -> memref<80xi32, #tpu.memory_space<hbm>>
    tpu.wait_dma2 semaphore(%arg17 : memref<!tpu.dma_semaphore, #tpu.memory_space<semaphore_mem>>) src(%dma_wait3A_44 : memref<80xi32, #tpu.memory_space<hbm>>) dst(%arg7 : memref<80xi32, #tpu.memory_space<vmem>>)
    %dma_wait3A_45 = arith.constant 0 : i32
    %dma_wait3A_46 = arith.constant 0 : i32
    %dma_wait3A_47 = arith.constant 0 : i32
    %dma_wait3A_48 = tpu.memref_slice %arg5[%add3A, %dma_wait3A_45, %dma_wait3A_46, %dma_wait3A_47] : memref<32x125x2x40xi32, #tpu.memory_space<hbm>> -> memref<1x1x2x40xi32, #tpu.memory_space<hbm>>
    %dma_wait3A_49 = tpu.memref_squeeze %dma_wait3A_48 : memref<1x1x2x40xi32, #tpu.memory_space<hbm>> -> memref<2x40xi32, #tpu.memory_space<hbm>>
    %dma_wait3A_50 = arith.constant 0 : i32
    %dma_wait3A_51 = arith.constant 0 : i32
    %dma_wait3A_52 = tpu.memref_slice %arg5[%add3A, %dma_wait3A_45, %dma_wait3A_50, %dma_wait3A_51] : memref<32x125x2x40xi32, #tpu.memory_space<hbm>> -> memref<1x1x2x40xi32, #tpu.memory_space<hbm>>
    %dma_wait3A_53 = tpu.memref_squeeze %dma_wait3A_52 : memref<1x1x2x40xi32, #tpu.memory_space<hbm>> -> memref<2x40xi32, #tpu.memory_space<hbm>>
    tpu.wait_dma2 semaphore(%arg17 : memref<!tpu.dma_semaphore, #tpu.memory_space<semaphore_mem>>) src(%dma_wait3A_53 : memref<2x40xi32, #tpu.memory_space<hbm>>) dst(%arg9 : memref<2x40xi32, #tpu.memory_space<vmem>>)
    %dma_start3A_54 = arith.constant 0 : i32
    %dma_start3A_55 = arith.constant 0 : i32
    %dma_start3A_56 = tpu.memref_slice %arg2[%dma_start3A_54, %dma_start3A_55] : memref<10000x128xf32, #tpu.memory_space<hbm>> -> memref<10000x128xf32, #tpu.memory_space<hbm>>
    tpu.enqueue_indirect_dma source(%dma_start3A_56 : memref<10000x128xf32, #tpu.memory_space<hbm>>) target(%arg11 : memref<80x128xf32, #tpu.memory_space<vmem>>) offsets(%arg7 : memref<80xi32, #tpu.memory_space<vmem>>) semaphore(%arg21 : memref<!tpu.dma_semaphore, #tpu.memory_space<semaphore_mem>>)
    %mul3A_57 = arith.constant 10000 : i32
    %mul3A_58 = arith.muli %add3A, %mul3A_57 : i32
    %add3A_59 = arith.constant 80 : i32
    %add3A_60 = arith.addi %mul3A_58, %add3A_59 : i32
    %dma_start3A_61 = tpu.memref_slice %arg4[%add3A_60] : memref<320000xi32, #tpu.memory_space<hbm>> -> memref<80xi32, #tpu.memory_space<hbm>>
    %dma_start3A_62 = tpu.memref_slice %arg4[%add3A_60] : memref<320000xi32, #tpu.memory_space<hbm>> -> memref<80xi32, #tpu.memory_space<hbm>>
    tpu.enqueue_dma source(%dma_start3A_62 : memref<80xi32, #tpu.memory_space<hbm>>) target(%arg8 : memref<80xi32, #tpu.memory_space<vmem>>) target_semaphore(%arg18 : memref<!tpu.dma_semaphore, #tpu.memory_space<semaphore_mem>>)
    %dma_start3A_63 = arith.constant 1 : i32
    %dma_start3A_64 = arith.constant 0 : i32
    %dma_start3A_65 = arith.constant 0 : i32
    %dma_start3A_66 = tpu.memref_slice %arg5[%add3A, %dma_start3A_63, %dma_start3A_64, %dma_start3A_65] : memref<32x125x2x40xi32, #tpu.memory_space<hbm>> -> memref<1x1x2x40xi32, #tpu.memory_space<hbm>>
    %dma_start3A_67 = tpu.memref_squeeze %dma_start3A_66 : memref<1x1x2x40xi32, #tpu.memory_space<hbm>> -> memref<2x40xi32, #tpu.memory_space<hbm>>
    %dma_start3A_68 = arith.constant 0 : i32
    %dma_start3A_69 = arith.constant 0 : i32
    %dma_start3A_70 = tpu.memref_slice %arg5[%add3A, %dma_start3A_63, %dma_start3A_68, %dma_start3A_69] : memref<32x125x2x40xi32, #tpu.memory_space<hbm>> -> memref<1x1x2x40xi32, #tpu.memory_space<hbm>>
    %dma_start3A_71 = tpu.memref_squeeze %dma_start3A_70 : memref<1x1x2x40xi32, #tpu.memory_space<hbm>> -> memref<2x40xi32, #tpu.memory_space<hbm>>
    tpu.enqueue_dma source(%dma_start3A_71 : memref<2x40xi32, #tpu.memory_space<hbm>>) target(%arg10 : memref<2x40xi32, #tpu.memory_space<vmem>>) target_semaphore(%arg18 : memref<!tpu.dma_semaphore, #tpu.memory_space<semaphore_mem>>)
    %dma_start3A_72 = arith.constant 0 : i32
    %dma_start3A_73 = tpu.memref_slice %arg3[%add3A_60, %dma_start3A_72] : memref<320000x128xf32, #tpu.memory_space<hbm>> -> memref<80x128xf32, #tpu.memory_space<hbm>>
    %dma_start3A_74 = arith.constant 0 : i32
    %dma_start3A_75 = tpu.memref_slice %arg3[%add3A_60, %dma_start3A_74] : memref<320000x128xf32, #tpu.memory_space<hbm>> -> memref<80x128xf32, #tpu.memory_space<hbm>>
    tpu.enqueue_dma source(%dma_start3A_75 : memref<80x128xf32, #tpu.memory_space<hbm>>) target(%arg14 : memref<80x128xf32, #tpu.memory_space<vmem>>) target_semaphore(%arg20 : memref<!tpu.dma_semaphore, #tpu.memory_space<semaphore_mem>>)
    %scan3A_76 = arith.constant 0 : i32
    %scan3A_77 = arith.constant 0 : i32
    %scan3A_78 = arith.constant 62 : i32
    %scan3A_79 = arith.addi %scan3A_77, %scan3A_78 : i32
    %scan3A_80 = arith.constant 1 : i32
    %scan3A_81 = scf.for %scan3A_181 = %scan3A_77 to %scan3A_79 step %scan3A_80 iter_args(%scan3A_182 = %scan3A_76) -> (i32)  : i32 {
      %mul3A_183 = arith.constant 2 : i32
      %mul3A_184 = arith.muli %mul3A_183, %scan3A_181 : i32
      %add3A_185 = arith.constant 1 : i32
      %add3A_186 = arith.addi %mul3A_184, %add3A_185 : i32
      %mul3A_187 = arith.constant 10000 : i32
      %mul3A_188 = arith.muli %add3A, %mul3A_187 : i32
      %mul3A_189 = arith.constant 80 : i32
      %mul3A_190 = arith.muli %add3A_186, %mul3A_189 : i32
      %add3A_191 = arith.addi %mul3A_188, %mul3A_190 : i32
      %dma_wait3A_192 = tpu.memref_slice %arg4[%add3A_191] : memref<320000xi32, #tpu.memory_space<hbm>> -> memref<80xi32, #tpu.memory_space<hbm>>
      %dma_wait3A_193 = tpu.memref_slice %arg4[%add3A_191] : memref<320000xi32, #tpu.memory_space<hbm>> -> memref<80xi32, #tpu.memory_space<hbm>>
      tpu.wait_dma2 semaphore(%arg18 : memref<!tpu.dma_semaphore, #tpu.memory_space<semaphore_mem>>) src(%dma_wait3A_193 : memref<80xi32, #tpu.memory_space<hbm>>) dst(%arg8 : memref<80xi32, #tpu.memory_space<vmem>>)
      %dma_wait3A_194 = arith.constant 0 : i32
      %dma_wait3A_195 = arith.constant 0 : i32
      %dma_wait3A_196 = tpu.memref_slice %arg5[%add3A, %add3A_186, %dma_wait3A_194, %dma_wait3A_195] : memref<32x125x2x40xi32, #tpu.memory_space<hbm>> -> memref<1x1x2x40xi32, #tpu.memory_space<hbm>>
      %dma_wait3A_197 = tpu.memref_squeeze %dma_wait3A_196 : memref<1x1x2x40xi32, #tpu.memory_space<hbm>> -> memref<2x40xi32, #tpu.memory_space<hbm>>
      %dma_wait3A_198 = arith.constant 0 : i32
      %dma_wait3A_199 = arith.constant 0 : i32
      %dma_wait3A_200 = tpu.memref_slice %arg5[%add3A, %add3A_186, %dma_wait3A_198, %dma_wait3A_199] : memref<32x125x2x40xi32, #tpu.memory_space<hbm>> -> memref<1x1x2x40xi32, #tpu.memory_space<hbm>>
      %dma_wait3A_201 = tpu.memref_squeeze %dma_wait3A_200 : memref<1x1x2x40xi32, #tpu.memory_space<hbm>> -> memref<2x40xi32, #tpu.memory_space<hbm>>
      tpu.wait_dma2 semaphore(%arg18 : memref<!tpu.dma_semaphore, #tpu.memory_space<semaphore_mem>>) src(%dma_wait3A_201 : memref<2x40xi32, #tpu.memory_space<hbm>>) dst(%arg10 : memref<2x40xi32, #tpu.memory_space<vmem>>)
      %gt3A = arith.constant 0 : i32
      %gt3A_202 = arith.cmpi sgt, %scan3A_181, %gt3A : i32
      %convert_element_type3A = arith.extui %gt3A_202 : i1 to i32
      %cond3A = arith.constant 0 : i32
      %cond3A_203 = arith.cmpi ne, %convert_element_type3A, %cond3A : i32
      scf.if %cond3A_203 {
        %dma_wait3A_370 = arith.constant 0 : i32
        %dma_wait3A_371 = arith.constant 0 : i32
        %dma_wait3A_372 = arith.constant 0 : i32
        %dma_wait3A_373 = tpu.memref_slice %arg12[%dma_wait3A_371, %dma_wait3A_372] : memref<80x128xf32, #tpu.memory_space<vmem>> -> memref<40x128xf32, #tpu.memory_space<vmem>>
        %dma_wait3A_374 = arith.constant 0 : i32
        %dma_wait3A_375 = tpu.memref_slice %arg10[%dma_wait3A_370, %dma_wait3A_374] : memref<2x40xi32, #tpu.memory_space<vmem>> -> memref<1x40xi32, #tpu.memory_space<vmem>>
        %dma_wait3A_376 = tpu.memref_squeeze %dma_wait3A_375 : memref<1x40xi32, #tpu.memory_space<vmem>> -> memref<40xi32, #tpu.memory_space<vmem>>
        %dma_wait3A_377 = arith.constant 0 : i32
        %dma_wait3A_378 = arith.constant 0 : i32
        %dma_wait3A_379 = tpu.memref_slice %arg16[%dma_wait3A_377, %dma_wait3A_378] : memref<10000x128xf32, #tpu.memory_space<vmem_shared>> -> memref<10000x128xf32, #tpu.memory_space<vmem_shared>>
        tpu.wait_indirect_dma semaphore(%arg24 : memref<!tpu.dma_semaphore, #tpu.memory_space<semaphore_mem>>) src(%dma_wait3A_373 : memref<40x128xf32, #tpu.memory_space<vmem>>) dst(%dma_wait3A_379 : memref<10000x128xf32, #tpu.memory_space<vmem_shared>>)
        %dma_wait3A_380 = arith.constant 1 : i32
        %dma_wait3A_381 = arith.constant 40 : i32
        %dma_wait3A_382 = arith.constant 0 : i32
        %dma_wait3A_383 = tpu.memref_slice %arg12[%dma_wait3A_381, %dma_wait3A_382] : memref<80x128xf32, #tpu.memory_space<vmem>> -> memref<40x128xf32, #tpu.memory_space<vmem>>
        %dma_wait3A_384 = arith.constant 0 : i32
        %dma_wait3A_385 = tpu.memref_slice %arg10[%dma_wait3A_380, %dma_wait3A_384] : memref<2x40xi32, #tpu.memory_space<vmem>> -> memref<1x40xi32, #tpu.memory_space<vmem>>
        %dma_wait3A_386 = tpu.memref_squeeze %dma_wait3A_385 : memref<1x40xi32, #tpu.memory_space<vmem>> -> memref<40xi32, #tpu.memory_space<vmem>>
        %dma_wait3A_387 = arith.constant 0 : i32
        %dma_wait3A_388 = arith.constant 0 : i32
        %dma_wait3A_389 = tpu.memref_slice %arg16[%dma_wait3A_387, %dma_wait3A_388] : memref<10000x128xf32, #tpu.memory_space<vmem_shared>> -> memref<10000x128xf32, #tpu.memory_space<vmem_shared>>
        tpu.wait_indirect_dma semaphore(%arg24 : memref<!tpu.dma_semaphore, #tpu.memory_space<semaphore_mem>>) src(%dma_wait3A_383 : memref<40x128xf32, #tpu.memory_space<vmem>>) dst(%dma_wait3A_389 : memref<10000x128xf32, #tpu.memory_space<vmem_shared>>)
      } else {
      }
      %dma_start3A_204 = arith.constant 0 : i32
      %dma_start3A_205 = arith.constant 0 : i32
      %dma_start3A_206 = tpu.memref_slice %arg2[%dma_start3A_204, %dma_start3A_205] : memref<10000x128xf32, #tpu.memory_space<hbm>> -> memref<10000x128xf32, #tpu.memory_space<hbm>>
      tpu.enqueue_indirect_dma source(%dma_start3A_206 : memref<10000x128xf32, #tpu.memory_space<hbm>>) target(%arg12 : memref<80x128xf32, #tpu.memory_space<vmem>>) offsets(%arg8 : memref<80xi32, #tpu.memory_space<vmem>>) semaphore(%arg22 : memref<!tpu.dma_semaphore, #tpu.memory_space<semaphore_mem>>)
      %mul3A_207 = arith.constant 10000 : i32
      %mul3A_208 = arith.muli %add3A, %mul3A_207 : i32
      %mul3A_209 = arith.constant 80 : i32
      %mul3A_210 = arith.muli %mul3A_184, %mul3A_209 : i32
      %add3A_211 = arith.addi %mul3A_208, %mul3A_210 : i32
      %dma_wait3A_212 = arith.constant 0 : i32
      %dma_wait3A_213 = tpu.memref_slice %arg3[%add3A_211, %dma_wait3A_212] : memref<320000x128xf32, #tpu.memory_space<hbm>> -> memref<80x128xf32, #tpu.memory_space<hbm>>
      %dma_wait3A_214 = arith.constant 0 : i32
      %dma_wait3A_215 = tpu.memref_slice %arg3[%add3A_211, %dma_wait3A_214] : memref<320000x128xf32, #tpu.memory_space<hbm>> -> memref<80x128xf32, #tpu.memory_space<hbm>>
      tpu.wait_dma2 semaphore(%arg19 : memref<!tpu.dma_semaphore, #tpu.memory_space<semaphore_mem>>) src(%dma_wait3A_215 : memref<80x128xf32, #tpu.memory_space<hbm>>) dst(%arg13 : memref<80x128xf32, #tpu.memory_space<vmem>>)
      %dma_wait3A_216 = arith.constant 0 : i32
      %dma_wait3A_217 = arith.constant 0 : i32
      %dma_wait3A_218 = tpu.memref_slice %arg2[%dma_wait3A_216, %dma_wait3A_217] : memref<10000x128xf32, #tpu.memory_space<hbm>> -> memref<10000x128xf32, #tpu.memory_space<hbm>>
      tpu.wait_indirect_dma semaphore(%arg21 : memref<!tpu.dma_semaphore, #tpu.memory_space<semaphore_mem>>) src(%dma_wait3A_218 : memref<10000x128xf32, #tpu.memory_space<hbm>>) dst(%arg11 : memref<80x128xf32, #tpu.memory_space<vmem>>)
      %scan3A_219 = arith.constant 0 : i32
      %scan3A_220 = arith.constant 0 : i32
      %scan3A_221 = arith.constant 20 : i32
      %scan3A_222 = arith.addi %scan3A_220, %scan3A_221 : i32
      %scan3A_223 = arith.constant 1 : i32
      %scan3A_224 = scf.for %scan3A_370 = %scan3A_220 to %scan3A_222 step %scan3A_223 iter_args(%scan3A_371 = %scan3A_219) -> (i32)  : i32 {
        %mul3A_372 = arith.constant 2 : i32
        %mul3A_373 = arith.muli %mul3A_372, %scan3A_370 : i32
        %add3A_374 = arith.constant 0 : i32
        %add3A_375 = arith.addi %mul3A_373, %add3A_374 : i32
        %get3A = arith.index_cast %add3A_375 : i32 to index
        %get3A_376 = arith.constant 0 : index
        %get3A_377 = tpu.vector_load %arg11[%get3A, %get3A_376] {strides = array<i32>} : memref<80x128xf32, #tpu.memory_space<vmem>>, vector<1x16xf32>,
        %get3A_378 = vector.shape_cast %get3A_377 : vector<1x16xf32> to vector<16xf32>
        %mul3A_379 = arith.constant 2 : i32
        %mul3A_380 = arith.muli %mul3A_379, %scan3A_370 : i32
        %add3A_381 = arith.constant 0 : i32
        %add3A_382 = arith.addi %mul3A_380, %add3A_381 : i32
        %get3A_383 = arith.index_cast %add3A_382 : i32 to index
        %get3A_384 = arith.constant 0 : index
        %get3A_385 = tpu.vector_load %arg13[%get3A_383, %get3A_384] {strides = array<i32>} : memref<80x128xf32, #tpu.memory_space<vmem>>, vector<1x16xf32>,
        %get3A_386 = vector.shape_cast %get3A_385 : vector<1x16xf32> to vector<16xf32>
        %add3A_387 = arith.addf %get3A_378, %get3A_386 : vector<16xf32>
        %max3A = arith.constant 0.000000e+00 : f32
        %max3A_388 = vector.broadcast %max3A : f32 to vector<16xf32>
        %max3A_389 = arith.maximumf %add3A_387, %max3A_388 : vector<16xf32>
        %mul3A_390 = arith.constant 2 : i32
        %mul3A_391 = arith.muli %mul3A_390, %scan3A_370 : i32
        %add3A_392 = arith.constant 0 : i32
        %add3A_393 = arith.addi %mul3A_391, %add3A_392 : i32
        %swap3A = arith.index_cast %add3A_393 : i32 to index
        %swap3A_394 = arith.constant 0 : index
        %swap3A_395 = tpu.vector_load %arg11[%swap3A, %swap3A_394] {strides = array<i32>} : memref<80x128xf32, #tpu.memory_space<vmem>>, vector<1x16xf32>,
        %swap3A_396 = vector.shape_cast %swap3A_395 : vector<1x16xf32> to vector<16xf32>
        %swap3A_397 = vector.shape_cast %max3A_389 : vector<16xf32> to vector<1x16xf32>
        tpu.vector_store %arg11[%swap3A, %swap3A_394], %swap3A_397 {strides = array<i32>} : memref<80x128xf32, #tpu.memory_space<vmem>>, vector<1x16xf32>,
        %mul3A_398 = arith.constant 2 : i32
        %mul3A_399 = arith.muli %mul3A_398, %scan3A_370 : i32
        %add3A_400 = arith.constant 0 : i32
        %add3A_401 = arith.addi %mul3A_399, %add3A_400 : i32
        %get3A_402 = arith.index_cast %add3A_401 : i32 to index
        %get3A_403 = arith.constant 16 : index
        %get3A_404 = tpu.vector_load %arg11[%get3A_402, %get3A_403] {strides = array<i32>} : memref<80x128xf32, #tpu.memory_space<vmem>>, vector<1x16xf32>,
        %get3A_405 = vector.shape_cast %get3A_404 : vector<1x16xf32> to vector<16xf32>
        %mul3A_406 = arith.constant 2 : i32
        %mul3A_407 = arith.muli %mul3A_406, %scan3A_370 : i32
        %add3A_408 = arith.constant 0 : i32
        %add3A_409 = arith.addi %mul3A_407, %add3A_408 : i32
        %get3A_410 = arith.index_cast %add3A_409 : i32 to index
        %get3A_411 = arith.constant 16 : index
        %get3A_412 = tpu.vector_load %arg13[%get3A_410, %get3A_411] {strides = array<i32>} : memref<80x128xf32, #tpu.memory_space<vmem>>, vector<1x16xf32>,
        %get3A_413 = vector.shape_cast %get3A_412 : vector<1x16xf32> to vector<16xf32>
        %add3A_414 = arith.addf %get3A_405, %get3A_413 : vector<16xf32>
        %max3A_415 = arith.constant 0.000000e+00 : f32
        %max3A_416 = vector.broadcast %max3A_415 : f32 to vector<16xf32>
        %max3A_417 = arith.maximumf %add3A_414, %max3A_416 : vector<16xf32>
        %mul3A_418 = arith.constant 2 : i32
        %mul3A_419 = arith.muli %mul3A_418, %scan3A_370 : i32
        %add3A_420 = arith.constant 0 : i32
        %add3A_421 = arith.addi %mul3A_419, %add3A_420 : i32
        %swap3A_422 = arith.index_cast %add3A_421 : i32 to index
        %swap3A_423 = arith.constant 16 : index
        %swap3A_424 = tpu.vector_load %arg11[%swap3A_422, %swap3A_423] {strides = array<i32>} : memref<80x128xf32, #tpu.memory_space<vmem>>, vector<1x16xf32>,
        %swap3A_425 = vector.shape_cast %swap3A_424 : vector<1x16xf32> to vector<16xf32>
        %swap3A_426 = vector.shape_cast %max3A_417 : vector<16xf32> to vector<1x16xf32>
        tpu.vector_store %arg11[%swap3A_422, %swap3A_423], %swap3A_426 {strides = array<i32>} : memref<80x128xf32, #tpu.memory_space<vmem>>, vector<1x16xf32>,
        %mul3A_427 = arith.constant 2 : i32
        %mul3A_428 = arith.muli %mul3A_427, %scan3A_370 : i32
        %add3A_429 = arith.constant 0 : i32
        %add3A_430 = arith.addi %mul3A_428, %add3A_429 : i32
        %get3A_431 = arith.index_cast %add3A_430 : i32 to index
        %get3A_432 = arith.constant 32 : index
        %get3A_433 = tpu.vector_load %arg11[%get3A_431, %get3A_432] {strides = array<i32>} : memref<80x128xf32, #tpu.memory_space<vmem>>, vector<1x16xf32>,
        %get3A_434 = vector.shape_cast %get3A_433 : vector<1x16xf32> to vector<16xf32>
        %mul3A_435 = arith.constant 2 : i32
        %mul3A_436 = arith.muli %mul3A_435, %scan3A_370 : i32
        %add3A_437 = arith.constant 0 : i32
        %add3A_438 = arith.addi %mul3A_436, %add3A_437 : i32
        %get3A_439 = arith.index_cast %add3A_438 : i32 to index
        %get3A_440 = arith.constant 32 : index
        %get3A_441 = tpu.vector_load %arg13[%get3A_439, %get3A_440] {strides = array<i32>} : memref<80x128xf32, #tpu.memory_space<vmem>>, vector<1x16xf32>,
        %get3A_442 = vector.shape_cast %get3A_441 : vector<1x16xf32> to vector<16xf32>
        %add3A_443 = arith.addf %get3A_434, %get3A_442 : vector<16xf32>
        %max3A_444 = arith.constant 0.000000e+00 : f32
        %max3A_445 = vector.broadcast %max3A_444 : f32 to vector<16xf32>
        %max3A_446 = arith.maximumf %add3A_443, %max3A_445 : vector<16xf32>
        %mul3A_447 = arith.constant 2 : i32
        %mul3A_448 = arith.muli %mul3A_447, %scan3A_370 : i32
        %add3A_449 = arith.constant 0 : i32
        %add3A_450 = arith.addi %mul3A_448, %add3A_449 : i32
        %swap3A_451 = arith.index_cast %add3A_450 : i32 to index
        %swap3A_452 = arith.constant 32 : index
        %swap3A_453 = tpu.vector_load %arg11[%swap3A_451, %swap3A_452] {strides = array<i32>} : memref<80x128xf32, #tpu.memory_space<vmem>>, vector<1x16xf32>,
        %swap3A_454 = vector.shape_cast %swap3A_453 : vector<1x16xf32> to vector<16xf32>
        %swap3A_455 = vector.shape_cast %max3A_446 : vector<16xf32> to vector<1x16xf32>
        tpu.vector_store %arg11[%swap3A_451, %swap3A_452], %swap3A_455 {strides = array<i32>} : memref<80x128xf32, #tpu.memory_space<vmem>>, vector<1x16xf32>,
        %mul3A_456 = arith.constant 2 : i32
        %mul3A_457 = arith.muli %mul3A_456, %scan3A_370 : i32
        %add3A_458 = arith.constant 0 : i32
        %add3A_459 = arith.addi %mul3A_457, %add3A_458 : i32
        %get3A_460 = arith.index_cast %add3A_459 : i32 to index
        %get3A_461 = arith.constant 48 : index
        %get3A_462 = tpu.vector_load %arg11[%get3A_460, %get3A_461] {strides = array<i32>} : memref<80x128xf32, #tpu.memory_space<vmem>>, vector<1x16xf32>,
        %get3A_463 = vector.shape_cast %get3A_462 : vector<1x16xf32> to vector<16xf32>
        %mul3A_464 = arith.constant 2 : i32
        %mul3A_465 = arith.muli %mul3A_464, %scan3A_370 : i32
        %add3A_466 = arith.constant 0 : i32
        %add3A_467 = arith.addi %mul3A_465, %add3A_466 : i32
        %get3A_468 = arith.index_cast %add3A_467 : i32 to index
        %get3A_469 = arith.constant 48 : index
        %get3A_470 = tpu.vector_load %arg13[%get3A_468, %get3A_469] {strides = array<i32>} : memref<80x128xf32, #tpu.memory_space<vmem>>, vector<1x16xf32>,
        %get3A_471 = vector.shape_cast %get3A_470 : vector<1x16xf32> to vector<16xf32>
        %add3A_472 = arith.addf %get3A_463, %get3A_471 : vector<16xf32>
        %max3A_473 = arith.constant 0.000000e+00 : f32
        %max3A_474 = vector.broadcast %max3A_473 : f32 to vector<16xf32>
        %max3A_475 = arith.maximumf %add3A_472, %max3A_474 : vector<16xf32>
        %mul3A_476 = arith.constant 2 : i32
        %mul3A_477 = arith.muli %mul3A_476, %scan3A_370 : i32
        %add3A_478 = arith.constant 0 : i32
        %add3A_479 = arith.addi %mul3A_477, %add3A_478 : i32
        %swap3A_480 = arith.index_cast %add3A_479 : i32 to index
        %swap3A_481 = arith.constant 48 : index
        %swap3A_482 = tpu.vector_load %arg11[%swap3A_480, %swap3A_481] {strides = array<i32>} : memref<80x128xf32, #tpu.memory_space<vmem>>, vector<1x16xf32>,
        %swap3A_483 = vector.shape_cast %swap3A_482 : vector<1x16xf32> to vector<16xf32>
        %swap3A_484 = vector.shape_cast %max3A_475 : vector<16xf32> to vector<1x16xf32>
        tpu.vector_store %arg11[%swap3A_480, %swap3A_481], %swap3A_484 {strides = array<i32>} : memref<80x128xf32, #tpu.memory_space<vmem>>, vector<1x16xf32>,
        %mul3A_485 = arith.constant 2 : i32
        %mul3A_486 = arith.muli %mul3A_485, %scan3A_370 : i32
        %add3A_487 = arith.constant 0 : i32
        %add3A_488 = arith.addi %mul3A_486, %add3A_487 : i32
        %get3A_489 = arith.index_cast %add3A_488 : i32 to index
        %get3A_490 = arith.constant 64 : index
        %get3A_491 = tpu.vector_load %arg11[%get3A_489, %get3A_490] {strides = array<i32>} : memref<80x128xf32, #tpu.memory_space<vmem>>, vector<1x16xf32>,
        %get3A_492 = vector.shape_cast %get3A_491 : vector<1x16xf32> to vector<16xf32>
        %mul3A_493 = arith.constant 2 : i32
        %mul3A_494 = arith.muli %mul3A_493, %scan3A_370 : i32
        %add3A_495 = arith.constant 0 : i32
        %add3A_496 = arith.addi %mul3A_494, %add3A_495 : i32
        %get3A_497 = arith.index_cast %add3A_496 : i32 to index
        %get3A_498 = arith.constant 64 : index
        %get3A_499 = tpu.vector_load %arg13[%get3A_497, %get3A_498] {strides = array<i32>} : memref<80x128xf32, #tpu.memory_space<vmem>>, vector<1x16xf32>,
        %get3A_500 = vector.shape_cast %get3A_499 : vector<1x16xf32> to vector<16xf32>
        %add3A_501 = arith.addf %get3A_492, %get3A_500 : vector<16xf32>
        %max3A_502 = arith.constant 0.000000e+00 : f32
        %max3A_503 = vector.broadcast %max3A_502 : f32 to vector<16xf32>
        %max3A_504 = arith.maximumf %add3A_501, %max3A_503 : vector<16xf32>
        %mul3A_505 = arith.constant 2 : i32
        %mul3A_506 = arith.muli %mul3A_505, %scan3A_370 : i32
        %add3A_507 = arith.constant 0 : i32
        %add3A_508 = arith.addi %mul3A_506, %add3A_507 : i32
        %swap3A_509 = arith.index_cast %add3A_508 : i32 to index
        %swap3A_510 = arith.constant 64 : index
        %swap3A_511 = tpu.vector_load %arg11[%swap3A_509, %swap3A_510] {strides = array<i32>} : memref<80x128xf32, #tpu.memory_space<vmem>>, vector<1x16xf32>,
        %swap3A_512 = vector.shape_cast %swap3A_511 : vector<1x16xf32> to vector<16xf32>
        %swap3A_513 = vector.shape_cast %max3A_504 : vector<16xf32> to vector<1x16xf32>
        tpu.vector_store %arg11[%swap3A_509, %swap3A_510], %swap3A_513 {strides = array<i32>} : memref<80x128xf32, #tpu.memory_space<vmem>>, vector<1x16xf32>,
        %mul3A_514 = arith.constant 2 : i32
        %mul3A_515 = arith.muli %mul3A_514, %scan3A_370 : i32
        %add3A_516 = arith.constant 0 : i32
        %add3A_517 = arith.addi %mul3A_515, %add3A_516 : i32
        %get3A_518 = arith.index_cast %add3A_517 : i32 to index
        %get3A_519 = arith.constant 80 : index
        %get3A_520 = tpu.vector_load %arg11[%get3A_518, %get3A_519] {strides = array<i32>} : memref<80x128xf32, #tpu.memory_space<vmem>>, vector<1x16xf32>,
        %get3A_521 = vector.shape_cast %get3A_520 : vector<1x16xf32> to vector<16xf32>
        %mul3A_522 = arith.constant 2 : i32
        %mul3A_523 = arith.muli %mul3A_522, %scan3A_370 : i32
        %add3A_524 = arith.constant 0 : i32
        %add3A_525 = arith.addi %mul3A_523, %add3A_524 : i32
        %get3A_526 = arith.index_cast %add3A_525 : i32 to index
        %get3A_527 = arith.constant 80 : index
        %get3A_528 = tpu.vector_load %arg13[%get3A_526, %get3A_527] {strides = array<i32>} : memref<80x128xf32, #tpu.memory_space<vmem>>, vector<1x16xf32>,
        %get3A_529 = vector.shape_cast %get3A_528 : vector<1x16xf32> to vector<16xf32>
        %add3A_530 = arith.addf %get3A_521, %get3A_529 : vector<16xf32>
        %max3A_531 = arith.constant 0.000000e+00 : f32
        %max3A_532 = vector.broadcast %max3A_531 : f32 to vector<16xf32>
        %max3A_533 = arith.maximumf %add3A_530, %max3A_532 : vector<16xf32>
        %mul3A_534 = arith.constant 2 : i32
        %mul3A_535 = arith.muli %mul3A_534, %scan3A_370 : i32
        %add3A_536 = arith.constant 0 : i32
        %add3A_537 = arith.addi %mul3A_535, %add3A_536 : i32
        %swap3A_538 = arith.index_cast %add3A_537 : i32 to index
        %swap3A_539 = arith.constant 80 : index
        %swap3A_540 = tpu.vector_load %arg11[%swap3A_538, %swap3A_539] {strides = array<i32>} : memref<80x128xf32, #tpu.memory_space<vmem>>, vector<1x16xf32>,
        %swap3A_541 = vector.shape_cast %swap3A_540 : vector<1x16xf32> to vector<16xf32>
        %swap3A_542 = vector.shape_cast %max3A_533 : vector<16xf32> to vector<1x16xf32>
        tpu.vector_store %arg11[%swap3A_538, %swap3A_539], %swap3A_542 {strides = array<i32>} : memref<80x128xf32, #tpu.memory_space<vmem>>, vector<1x16xf32>,
        %mul3A_543 = arith.constant 2 : i32
        %mul3A_544 = arith.muli %mul3A_543, %scan3A_370 : i32
        %add3A_545 = arith.constant 0 : i32
        %add3A_546 = arith.addi %mul3A_544, %add3A_545 : i32
        %get3A_547 = arith.index_cast %add3A_546 : i32 to index
        %get3A_548 = arith.constant 96 : index
        %get3A_549 = tpu.vector_load %arg11[%get3A_547, %get3A_548] {strides = array<i32>} : memref<80x128xf32, #tpu.memory_space<vmem>>, vector<1x16xf32>,
        %get3A_550 = vector.shape_cast %get3A_549 : vector<1x16xf32> to vector<16xf32>
        %mul3A_551 = arith.constant 2 : i32
        %mul3A_552 = arith.muli %mul3A_551, %scan3A_370 : i32
        %add3A_553 = arith.constant 0 : i32
        %add3A_554 = arith.addi %mul3A_552, %add3A_553 : i32
        %get3A_555 = arith.index_cast %add3A_554 : i32 to index
        %get3A_556 = arith.constant 96 : index
        %get3A_557 = tpu.vector_load %arg13[%get3A_555, %get3A_556] {strides = array<i32>} : memref<80x128xf32, #tpu.memory_space<vmem>>, vector<1x16xf32>,
        %get3A_558 = vector.shape_cast %get3A_557 : vector<1x16xf32> to vector<16xf32>
        %add3A_559 = arith.addf %get3A_550, %get3A_558 : vector<16xf32>
        %max3A_560 = arith.constant 0.000000e+00 : f32
        %max3A_561 = vector.broadcast %max3A_560 : f32 to vector<16xf32>
        %max3A_562 = arith.maximumf %add3A_559, %max3A_561 : vector<16xf32>
        %mul3A_563 = arith.constant 2 : i32
        %mul3A_564 = arith.muli %mul3A_563, %scan3A_370 : i32
        %add3A_565 = arith.constant 0 : i32
        %add3A_566 = arith.addi %mul3A_564, %add3A_565 : i32
        %swap3A_567 = arith.index_cast %add3A_566 : i32 to index
        %swap3A_568 = arith.constant 96 : index
        %swap3A_569 = tpu.vector_load %arg11[%swap3A_567, %swap3A_568] {strides = array<i32>} : memref<80x128xf32, #tpu.memory_space<vmem>>, vector<1x16xf32>,
        %swap3A_570 = vector.shape_cast %swap3A_569 : vector<1x16xf32> to vector<16xf32>
        %swap3A_571 = vector.shape_cast %max3A_562 : vector<16xf32> to vector<1x16xf32>
        tpu.vector_store %arg11[%swap3A_567, %swap3A_568], %swap3A_571 {strides = array<i32>} : memref<80x128xf32, #tpu.memory_space<vmem>>, vector<1x16xf32>,
        %mul3A_572 = arith.constant 2 : i32
        %mul3A_573 = arith.muli %mul3A_572, %scan3A_370 : i32
        %add3A_574 = arith.constant 0 : i32
        %add3A_575 = arith.addi %mul3A_573, %add3A_574 : i32
        %get3A_576 = arith.index_cast %add3A_575 : i32 to index
        %get3A_577 = arith.constant 112 : index
        %get3A_578 = tpu.vector_load %arg11[%get3A_576, %get3A_577] {strides = array<i32>} : memref<80x128xf32, #tpu.memory_space<vmem>>, vector<1x16xf32>,
        %get3A_579 = vector.shape_cast %get3A_578 : vector<1x16xf32> to vector<16xf32>
        %mul3A_580 = arith.constant 2 : i32
        %mul3A_581 = arith.muli %mul3A_580, %scan3A_370 : i32
        %add3A_582 = arith.constant 0 : i32
        %add3A_583 = arith.addi %mul3A_581, %add3A_582 : i32
        %get3A_584 = arith.index_cast %add3A_583 : i32 to index
        %get3A_585 = arith.constant 112 : index
        %get3A_586 = tpu.vector_load %arg13[%get3A_584, %get3A_585] {strides = array<i32>} : memref<80x128xf32, #tpu.memory_space<vmem>>, vector<1x16xf32>,
        %get3A_587 = vector.shape_cast %get3A_586 : vector<1x16xf32> to vector<16xf32>
        %add3A_588 = arith.addf %get3A_579, %get3A_587 : vector<16xf32>
        %max3A_589 = arith.constant 0.000000e+00 : f32
        %max3A_590 = vector.broadcast %max3A_589 : f32 to vector<16xf32>
        %max3A_591 = arith.maximumf %add3A_588, %max3A_590 : vector<16xf32>
        %mul3A_592 = arith.constant 2 : i32
        %mul3A_593 = arith.muli %mul3A_592, %scan3A_370 : i32
        %add3A_594 = arith.constant 0 : i32
        %add3A_595 = arith.addi %mul3A_593, %add3A_594 : i32
        %swap3A_596 = arith.index_cast %add3A_595 : i32 to index
        %swap3A_597 = arith.constant 112 : index
        %swap3A_598 = tpu.vector_load %arg11[%swap3A_596, %swap3A_597] {strides = array<i32>} : memref<80x128xf32, #tpu.memory_space<vmem>>, vector<1x16xf32>,
        %swap3A_599 = vector.shape_cast %swap3A_598 : vector<1x16xf32> to vector<16xf32>
        %swap3A_600 = vector.shape_cast %max3A_591 : vector<16xf32> to vector<1x16xf32>
        tpu.vector_store %arg11[%swap3A_596, %swap3A_597], %swap3A_600 {strides = array<i32>} : memref<80x128xf32, #tpu.memory_space<vmem>>, vector<1x16xf32>,
        %mul3A_601 = arith.constant 2 : i32
        %mul3A_602 = arith.muli %mul3A_601, %scan3A_370 : i32
        %add3A_603 = arith.constant 1 : i32
        %add3A_604 = arith.addi %mul3A_602, %add3A_603 : i32
        %get3A_605 = arith.index_cast %add3A_604 : i32 to index
        %get3A_606 = arith.constant 0 : index
        %get3A_607 = tpu.vector_load %arg11[%get3A_605, %get3A_606] {strides = array<i32>} : memref<80x128xf32, #tpu.memory_space<vmem>>, vector<1x16xf32>,
        %get3A_608 = vector.shape_cast %get3A_607 : vector<1x16xf32> to vector<16xf32>
        %mul3A_609 = arith.constant 2 : i32
        %mul3A_610 = arith.muli %mul3A_609, %scan3A_370 : i32
        %add3A_611 = arith.constant 1 : i32
        %add3A_612 = arith.addi %mul3A_610, %add3A_611 : i32
        %get3A_613 = arith.index_cast %add3A_612 : i32 to index
        %get3A_614 = arith.constant 0 : index
        %get3A_615 = tpu.vector_load %arg13[%get3A_613, %get3A_614] {strides = array<i32>} : memref<80x128xf32, #tpu.memory_space<vmem>>, vector<1x16xf32>,
        %get3A_616 = vector.shape_cast %get3A_615 : vector<1x16xf32> to vector<16xf32>
        %add3A_617 = arith.addf %get3A_608, %get3A_616 : vector<16xf32>
        %max3A_618 = arith.constant 0.000000e+00 : f32
        %max3A_619 = vector.broadcast %max3A_618 : f32 to vector<16xf32>
        %max3A_620 = arith.maximumf %add3A_617, %max3A_619 : vector<16xf32>
        %mul3A_621 = arith.constant 2 : i32
        %mul3A_622 = arith.muli %mul3A_621, %scan3A_370 : i32
        %add3A_623 = arith.constant 1 : i32
        %add3A_624 = arith.addi %mul3A_622, %add3A_623 : i32
        %swap3A_625 = arith.index_cast %add3A_624 : i32 to index
        %swap3A_626 = arith.constant 0 : index
        %swap3A_627 = tpu.vector_load %arg11[%swap3A_625, %swap3A_626] {strides = array<i32>} : memref<80x128xf32, #tpu.memory_space<vmem>>, vector<1x16xf32>,
        %swap3A_628 = vector.shape_cast %swap3A_627 : vector<1x16xf32> to vector<16xf32>
        %swap3A_629 = vector.shape_cast %max3A_620 : vector<16xf32> to vector<1x16xf32>
        tpu.vector_store %arg11[%swap3A_625, %swap3A_626], %swap3A_629 {strides = array<i32>} : memref<80x128xf32, #tpu.memory_space<vmem>>, vector<1x16xf32>,
        %mul3A_630 = arith.constant 2 : i32
        %mul3A_631 = arith.muli %mul3A_630, %scan3A_370 : i32
        %add3A_632 = arith.constant 1 : i32
        %add3A_633 = arith.addi %mul3A_631, %add3A_632 : i32
        %get3A_634 = arith.index_cast %add3A_633 : i32 to index
        %get3A_635 = arith.constant 16 : index
        %get3A_636 = tpu.vector_load %arg11[%get3A_634, %get3A_635] {strides = array<i32>} : memref<80x128xf32, #tpu.memory_space<vmem>>, vector<1x16xf32>,
        %get3A_637 = vector.shape_cast %get3A_636 : vector<1x16xf32> to vector<16xf32>
        %mul3A_638 = arith.constant 2 : i32
        %mul3A_639 = arith.muli %mul3A_638, %scan3A_370 : i32
        %add3A_640 = arith.constant 1 : i32
        %add3A_641 = arith.addi %mul3A_639, %add3A_640 : i32
        %get3A_642 = arith.index_cast %add3A_641 : i32 to index
        %get3A_643 = arith.constant 16 : index
        %get3A_644 = tpu.vector_load %arg13[%get3A_642, %get3A_643] {strides = array<i32>} : memref<80x128xf32, #tpu.memory_space<vmem>>, vector<1x16xf32>,
        %get3A_645 = vector.shape_cast %get3A_644 : vector<1x16xf32> to vector<16xf32>
        %add3A_646 = arith.addf %get3A_637, %get3A_645 : vector<16xf32>
        %max3A_647 = arith.constant 0.000000e+00 : f32
        %max3A_648 = vector.broadcast %max3A_647 : f32 to vector<16xf32>
        %max3A_649 = arith.maximumf %add3A_646, %max3A_648 : vector<16xf32>
        %mul3A_650 = arith.constant 2 : i32
        %mul3A_651 = arith.muli %mul3A_650, %scan3A_370 : i32
        %add3A_652 = arith.constant 1 : i32
        %add3A_653 = arith.addi %mul3A_651, %add3A_652 : i32
        %swap3A_654 = arith.index_cast %add3A_653 : i32 to index
        %swap3A_655 = arith.constant 16 : index
        %swap3A_656 = tpu.vector_load %arg11[%swap3A_654, %swap3A_655] {strides = array<i32>} : memref<80x128xf32, #tpu.memory_space<vmem>>, vector<1x16xf32>,
        %swap3A_657 = vector.shape_cast %swap3A_656 : vector<1x16xf32> to vector<16xf32>
        %swap3A_658 = vector.shape_cast %max3A_649 : vector<16xf32> to vector<1x16xf32>
        tpu.vector_store %arg11[%swap3A_654, %swap3A_655], %swap3A_658 {strides = array<i32>} : memref<80x128xf32, #tpu.memory_space<vmem>>, vector<1x16xf32>,
        %mul3A_659 = arith.constant 2 : i32
        %mul3A_660 = arith.muli %mul3A_659, %scan3A_370 : i32
        %add3A_661 = arith.constant 1 : i32
        %add3A_662 = arith.addi %mul3A_660, %add3A_661 : i32
        %get3A_663 = arith.index_cast %add3A_662 : i32 to index
        %get3A_664 = arith.constant 32 : index
        %get3A_665 = tpu.vector_load %arg11[%get3A_663, %get3A_664] {strides = array<i32>} : memref<80x128xf32, #tpu.memory_space<vmem>>, vector<1x16xf32>,
        %get3A_666 = vector.shape_cast %get3A_665 : vector<1x16xf32> to vector<16xf32>
        %mul3A_667 = arith.constant 2 : i32
        %mul3A_668 = arith.muli %mul3A_667, %scan3A_370 : i32
        %add3A_669 = arith.constant 1 : i32
        %add3A_670 = arith.addi %mul3A_668, %add3A_669 : i32
        %get3A_671 = arith.index_cast %add3A_670 : i32 to index
        %get3A_672 = arith.constant 32 : index
        %get3A_673 = tpu.vector_load %arg13[%get3A_671, %get3A_672] {strides = array<i32>} : memref<80x128xf32, #tpu.memory_space<vmem>>, vector<1x16xf32>,
        %get3A_674 = vector.shape_cast %get3A_673 : vector<1x16xf32> to vector<16xf32>
        %add3A_675 = arith.addf %get3A_666, %get3A_674 : vector<16xf32>
        %max3A_676 = arith.constant 0.000000e+00 : f32
        %max3A_677 = vector.broadcast %max3A_676 : f32 to vector<16xf32>
        %max3A_678 = arith.maximumf %add3A_675, %max3A_677 : vector<16xf32>
        %mul3A_679 = arith.constant 2 : i32
        %mul3A_680 = arith.muli %mul3A_679, %scan3A_370 : i32
        %add3A_681 = arith.constant 1 : i32
        %add3A_682 = arith.addi %mul3A_680, %add3A_681 : i32
        %swap3A_683 = arith.index_cast %add3A_682 : i32 to index
        %swap3A_684 = arith.constant 32 : index
        %swap3A_685 = tpu.vector_load %arg11[%swap3A_683, %swap3A_684] {strides = array<i32>} : memref<80x128xf32, #tpu.memory_space<vmem>>, vector<1x16xf32>,
        %swap3A_686 = vector.shape_cast %swap3A_685 : vector<1x16xf32> to vector<16xf32>
        %swap3A_687 = vector.shape_cast %max3A_678 : vector<16xf32> to vector<1x16xf32>
        tpu.vector_store %arg11[%swap3A_683, %swap3A_684], %swap3A_687 {strides = array<i32>} : memref<80x128xf32, #tpu.memory_space<vmem>>, vector<1x16xf32>,
        %mul3A_688 = arith.constant 2 : i32
        %mul3A_689 = arith.muli %mul3A_688, %scan3A_370 : i32
        %add3A_690 = arith.constant 1 : i32
        %add3A_691 = arith.addi %mul3A_689, %add3A_690 : i32
        %get3A_692 = arith.index_cast %add3A_691 : i32 to index
        %get3A_693 = arith.constant 48 : index
        %get3A_694 = tpu.vector_load %arg11[%get3A_692, %get3A_693] {strides = array<i32>} : memref<80x128xf32, #tpu.memory_space<vmem>>, vector<1x16xf32>,
        %get3A_695 = vector.shape_cast %get3A_694 : vector<1x16xf32> to vector<16xf32>
        %mul3A_696 = arith.constant 2 : i32
        %mul3A_697 = arith.muli %mul3A_696, %scan3A_370 : i32
        %add3A_698 = arith.constant 1 : i32
        %add3A_699 = arith.addi %mul3A_697, %add3A_698 : i32
        %get3A_700 = arith.index_cast %add3A_699 : i32 to index
        %get3A_701 = arith.constant 48 : index
        %get3A_702 = tpu.vector_load %arg13[%get3A_700, %get3A_701] {strides = array<i32>} : memref<80x128xf32, #tpu.memory_space<vmem>>, vector<1x16xf32>,
        %get3A_703 = vector.shape_cast %get3A_702 : vector<1x16xf32> to vector<16xf32>
        %add3A_704 = arith.addf %get3A_695, %get3A_703 : vector<16xf32>
        %max3A_705 = arith.constant 0.000000e+00 : f32
        %max3A_706 = vector.broadcast %max3A_705 : f32 to vector<16xf32>
        %max3A_707 = arith.maximumf %add3A_704, %max3A_706 : vector<16xf32>
        %mul3A_708 = arith.constant 2 : i32
        %mul3A_709 = arith.muli %mul3A_708, %scan3A_370 : i32
        %add3A_710 = arith.constant 1 : i32
        %add3A_711 = arith.addi %mul3A_709, %add3A_710 : i32
        %swap3A_712 = arith.index_cast %add3A_711 : i32 to index
        %swap3A_713 = arith.constant 48 : index
        %swap3A_714 = tpu.vector_load %arg11[%swap3A_712, %swap3A_713] {strides = array<i32>} : memref<80x128xf32, #tpu.memory_space<vmem>>, vector<1x16xf32>,
        %swap3A_715 = vector.shape_cast %swap3A_714 : vector<1x16xf32> to vector<16xf32>
        %swap3A_716 = vector.shape_cast %max3A_707 : vector<16xf32> to vector<1x16xf32>
        tpu.vector_store %arg11[%swap3A_712, %swap3A_713], %swap3A_716 {strides = array<i32>} : memref<80x128xf32, #tpu.memory_space<vmem>>, vector<1x16xf32>,
        %mul3A_717 = arith.constant 2 : i32
        %mul3A_718 = arith.muli %mul3A_717, %scan3A_370 : i32
        %add3A_719 = arith.constant 1 : i32
        %add3A_720 = arith.addi %mul3A_718, %add3A_719 : i32
        %get3A_721 = arith.index_cast %add3A_720 : i32 to index
        %get3A_722 = arith.constant 64 : index
        %get3A_723 = tpu.vector_load %arg11[%get3A_721, %get3A_722] {strides = array<i32>} : memref<80x128xf32, #tpu.memory_space<vmem>>, vector<1x16xf32>,
        %get3A_724 = vector.shape_cast %get3A_723 : vector<1x16xf32> to vector<16xf32>
        %mul3A_725 = arith.constant 2 : i32
        %mul3A_726 = arith.muli %mul3A_725, %scan3A_370 : i32
        %add3A_727 = arith.constant 1 : i32
        %add3A_728 = arith.addi %mul3A_726, %add3A_727 : i32
        %get3A_729 = arith.index_cast %add3A_728 : i32 to index
        %get3A_730 = arith.constant 64 : index
        %get3A_731 = tpu.vector_load %arg13[%get3A_729, %get3A_730] {strides = array<i32>} : memref<80x128xf32, #tpu.memory_space<vmem>>, vector<1x16xf32>,
        %get3A_732 = vector.shape_cast %get3A_731 : vector<1x16xf32> to vector<16xf32>
        %add3A_733 = arith.addf %get3A_724, %get3A_732 : vector<16xf32>
        %max3A_734 = arith.constant 0.000000e+00 : f32
        %max3A_735 = vector.broadcast %max3A_734 : f32 to vector<16xf32>
        %max3A_736 = arith.maximumf %add3A_733, %max3A_735 : vector<16xf32>
        %mul3A_737 = arith.constant 2 : i32
        %mul3A_738 = arith.muli %mul3A_737, %scan3A_370 : i32
        %add3A_739 = arith.constant 1 : i32
        %add3A_740 = arith.addi %mul3A_738, %add3A_739 : i32
        %swap3A_741 = arith.index_cast %add3A_740 : i32 to index
        %swap3A_742 = arith.constant 64 : index
        %swap3A_743 = tpu.vector_load %arg11[%swap3A_741, %swap3A_742] {strides = array<i32>} : memref<80x128xf32, #tpu.memory_space<vmem>>, vector<1x16xf32>,
        %swap3A_744 = vector.shape_cast %swap3A_743 : vector<1x16xf32> to vector<16xf32>
        %swap3A_745 = vector.shape_cast %max3A_736 : vector<16xf32> to vector<1x16xf32>
        tpu.vector_store %arg11[%swap3A_741, %swap3A_742], %swap3A_745 {strides = array<i32>} : memref<80x128xf32, #tpu.memory_space<vmem>>, vector<1x16xf32>,
        %mul3A_746 = arith.constant 2 : i32
        %mul3A_747 = arith.muli %mul3A_746, %scan3A_370 : i32
        %add3A_748 = arith.constant 1 : i32
        %add3A_749 = arith.addi %mul3A_747, %add3A_748 : i32
        %get3A_750 = arith.index_cast %add3A_749 : i32 to index
        %get3A_751 = arith.constant 80 : index
        %get3A_752 = tpu.vector_load %arg11[%get3A_750, %get3A_751] {strides = array<i32>} : memref<80x128xf32, #tpu.memory_space<vmem>>, vector<1x16xf32>,
        %get3A_753 = vector.shape_cast %get3A_752 : vector<1x16xf32> to vector<16xf32>
        %mul3A_754 = arith.constant 2 : i32
        %mul3A_755 = arith.muli %mul3A_754, %scan3A_370 : i32
        %add3A_756 = arith.constant 1 : i32
        %add3A_757 = arith.addi %mul3A_755, %add3A_756 : i32
        %get3A_758 = arith.index_cast %add3A_757 : i32 to index
        %get3A_759 = arith.constant 80 : index
        %get3A_760 = tpu.vector_load %arg13[%get3A_758, %get3A_759] {strides = array<i32>} : memref<80x128xf32, #tpu.memory_space<vmem>>, vector<1x16xf32>,
        %get3A_761 = vector.shape_cast %get3A_760 : vector<1x16xf32> to vector<16xf32>
        %add3A_762 = arith.addf %get3A_753, %get3A_761 : vector<16xf32>
        %max3A_763 = arith.constant 0.000000e+00 : f32
        %max3A_764 = vector.broadcast %max3A_763 : f32 to vector<16xf32>
        %max3A_765 = arith.maximumf %add3A_762, %max3A_764 : vector<16xf32>
        %mul3A_766 = arith.constant 2 : i32
        %mul3A_767 = arith.muli %mul3A_766, %scan3A_370 : i32
        %add3A_768 = arith.constant 1 : i32
        %add3A_769 = arith.addi %mul3A_767, %add3A_768 : i32
        %swap3A_770 = arith.index_cast %add3A_769 : i32 to index
        %swap3A_771 = arith.constant 80 : index
        %swap3A_772 = tpu.vector_load %arg11[%swap3A_770, %swap3A_771] {strides = array<i32>} : memref<80x128xf32, #tpu.memory_space<vmem>>, vector<1x16xf32>,
        %swap3A_773 = vector.shape_cast %swap3A_772 : vector<1x16xf32> to vector<16xf32>
        %swap3A_774 = vector.shape_cast %max3A_765 : vector<16xf32> to vector<1x16xf32>
        tpu.vector_store %arg11[%swap3A_770, %swap3A_771], %swap3A_774 {strides = array<i32>} : memref<80x128xf32, #tpu.memory_space<vmem>>, vector<1x16xf32>,
        %mul3A_775 = arith.constant 2 : i32
        %mul3A_776 = arith.muli %mul3A_775, %scan3A_370 : i32
        %add3A_777 = arith.constant 1 : i32
        %add3A_778 = arith.addi %mul3A_776, %add3A_777 : i32
        %get3A_779 = arith.index_cast %add3A_778 : i32 to index
        %get3A_780 = arith.constant 96 : index
        %get3A_781 = tpu.vector_load %arg11[%get3A_779, %get3A_780] {strides = array<i32>} : memref<80x128xf32, #tpu.memory_space<vmem>>, vector<1x16xf32>,
        %get3A_782 = vector.shape_cast %get3A_781 : vector<1x16xf32> to vector<16xf32>
        %mul3A_783 = arith.constant 2 : i32
        %mul3A_784 = arith.muli %mul3A_783, %scan3A_370 : i32
        %add3A_785 = arith.constant 1 : i32
        %add3A_786 = arith.addi %mul3A_784, %add3A_785 : i32
        %get3A_787 = arith.index_cast %add3A_786 : i32 to index
        %get3A_788 = arith.constant 96 : index
        %get3A_789 = tpu.vector_load %arg13[%get3A_787, %get3A_788] {strides = array<i32>} : memref<80x128xf32, #tpu.memory_space<vmem>>, vector<1x16xf32>,
        %get3A_790 = vector.shape_cast %get3A_789 : vector<1x16xf32> to vector<16xf32>
        %add3A_791 = arith.addf %get3A_782, %get3A_790 : vector<16xf32>
        %max3A_792 = arith.constant 0.000000e+00 : f32
        %max3A_793 = vector.broadcast %max3A_792 : f32 to vector<16xf32>
        %max3A_794 = arith.maximumf %add3A_791, %max3A_793 : vector<16xf32>
        %mul3A_795 = arith.constant 2 : i32
        %mul3A_796 = arith.muli %mul3A_795, %scan3A_370 : i32
        %add3A_797 = arith.constant 1 : i32
        %add3A_798 = arith.addi %mul3A_796, %add3A_797 : i32
        %swap3A_799 = arith.index_cast %add3A_798 : i32 to index
        %swap3A_800 = arith.constant 96 : index
        %swap3A_801 = tpu.vector_load %arg11[%swap3A_799, %swap3A_800] {strides = array<i32>} : memref<80x128xf32, #tpu.memory_space<vmem>>, vector<1x16xf32>,
        %swap3A_802 = vector.shape_cast %swap3A_801 : vector<1x16xf32> to vector<16xf32>
        %swap3A_803 = vector.shape_cast %max3A_794 : vector<16xf32> to vector<1x16xf32>
        tpu.vector_store %arg11[%swap3A_799, %swap3A_800], %swap3A_803 {strides = array<i32>} : memref<80x128xf32, #tpu.memory_space<vmem>>, vector<1x16xf32>,
        %mul3A_804 = arith.constant 2 : i32
        %mul3A_805 = arith.muli %mul3A_804, %scan3A_370 : i32
        %add3A_806 = arith.constant 1 : i32
        %add3A_807 = arith.addi %mul3A_805, %add3A_806 : i32
        %get3A_808 = arith.index_cast %add3A_807 : i32 to index
        %get3A_809 = arith.constant 112 : index
        %get3A_810 = tpu.vector_load %arg11[%get3A_808, %get3A_809] {strides = array<i32>} : memref<80x128xf32, #tpu.memory_space<vmem>>, vector<1x16xf32>,
        %get3A_811 = vector.shape_cast %get3A_810 : vector<1x16xf32> to vector<16xf32>
        %mul3A_812 = arith.constant 2 : i32
        %mul3A_813 = arith.muli %mul3A_812, %scan3A_370 : i32
        %add3A_814 = arith.constant 1 : i32
        %add3A_815 = arith.addi %mul3A_813, %add3A_814 : i32
        %get3A_816 = arith.index_cast %add3A_815 : i32 to index
        %get3A_817 = arith.constant 112 : index
        %get3A_818 = tpu.vector_load %arg13[%get3A_816, %get3A_817] {strides = array<i32>} : memref<80x128xf32, #tpu.memory_space<vmem>>, vector<1x16xf32>,
        %get3A_819 = vector.shape_cast %get3A_818 : vector<1x16xf32> to vector<16xf32>
        %add3A_820 = arith.addf %get3A_811, %get3A_819 : vector<16xf32>
        %max3A_821 = arith.constant 0.000000e+00 : f32
        %max3A_822 = vector.broadcast %max3A_821 : f32 to vector<16xf32>
        %max3A_823 = arith.maximumf %add3A_820, %max3A_822 : vector<16xf32>
        %mul3A_824 = arith.constant 2 : i32
        %mul3A_825 = arith.muli %mul3A_824, %scan3A_370 : i32
        %add3A_826 = arith.constant 1 : i32
        %add3A_827 = arith.addi %mul3A_825, %add3A_826 : i32
        %swap3A_828 = arith.index_cast %add3A_827 : i32 to index
        %swap3A_829 = arith.constant 112 : index
        %swap3A_830 = tpu.vector_load %arg11[%swap3A_828, %swap3A_829] {strides = array<i32>} : memref<80x128xf32, #tpu.memory_space<vmem>>, vector<1x16xf32>,
        %swap3A_831 = vector.shape_cast %swap3A_830 : vector<1x16xf32> to vector<16xf32>
        %swap3A_832 = vector.shape_cast %max3A_823 : vector<16xf32> to vector<1x16xf32>
        tpu.vector_store %arg11[%swap3A_828, %swap3A_829], %swap3A_832 {strides = array<i32>} : memref<80x128xf32, #tpu.memory_space<vmem>>, vector<1x16xf32>,
        %scan3A_833 = arith.constant 0 : i32
        scf.yield %scan3A_833 : i32
      }
      %scan3A_225 = arith.constant 20 : i32
      %dma_start3A_226 = arith.constant 0 : i32
      %dma_start3A_227 = arith.constant 0 : i32
      %dma_start3A_228 = arith.constant 0 : i32
      %dma_start3A_229 = tpu.memref_slice %arg11[%dma_start3A_227, %dma_start3A_228] : memref<80x128xf32, #tpu.memory_space<vmem>> -> memref<40x128xf32, #tpu.memory_space<vmem>>
      %dma_start3A_230 = arith.constant 0 : i32
      %dma_start3A_231 = tpu.memref_slice %arg9[%dma_start3A_226, %dma_start3A_230] : memref<2x40xi32, #tpu.memory_space<vmem>> -> memref<1x40xi32, #tpu.memory_space<vmem>>
      %dma_start3A_232 = tpu.memref_squeeze %dma_start3A_231 : memref<1x40xi32, #tpu.memory_space<vmem>> -> memref<40xi32, #tpu.memory_space<vmem>>
      %dma_start3A_233 = arith.constant 0 : i32
      %dma_start3A_234 = arith.constant 0 : i32
      %dma_start3A_235 = tpu.memref_slice %arg16[%dma_start3A_233, %dma_start3A_234] : memref<10000x128xf32, #tpu.memory_space<vmem_shared>> -> memref<10000x128xf32, #tpu.memory_space<vmem_shared>>
      tpu.enqueue_indirect_dma source(%dma_start3A_229 : memref<40x128xf32, #tpu.memory_space<vmem>>) target(%dma_start3A_235 : memref<10000x128xf32, #tpu.memory_space<vmem_shared>>) offsets(%dma_start3A_232 : memref<40xi32, #tpu.memory_space<vmem>>) semaphore(%arg23 : memref<!tpu.dma_semaphore, #tpu.memory_space<semaphore_mem>>) {add = true}
      %scan3A_236 = arith.constant 0 : i32
      %scan3A_237 = arith.constant 20 : i32
      %scan3A_238 = arith.constant 20 : i32
      %scan3A_239 = arith.addi %scan3A_237, %scan3A_238 : i32
      %scan3A_240 = arith.constant 1 : i32
      %scan3A_241 = scf.for %scan3A_370 = %scan3A_237 to %scan3A_239 step %scan3A_240 iter_args(%scan3A_371 = %scan3A_236) -> (i32)  : i32 {
        %mul3A_372 = arith.constant 2 : i32
        %mul3A_373 = arith.muli %mul3A_372, %scan3A_370 : i32
        %add3A_374 = arith.constant 0 : i32
        %add3A_375 = arith.addi %mul3A_373, %add3A_374 : i32
        %get3A = arith.index_cast %add3A_375 : i32 to index
        %get3A_376 = arith.constant 0 : index
        %get3A_377 = tpu.vector_load %arg11[%get3A, %get3A_376] {strides = array<i32>} : memref<80x128xf32, #tpu.memory_space<vmem>>, vector<1x16xf32>,
        %get3A_378 = vector.shape_cast %get3A_377 : vector<1x16xf32> to vector<16xf32>
        %mul3A_379 = arith.constant 2 : i32
        %mul3A_380 = arith.muli %mul3A_379, %scan3A_370 : i32
        %add3A_381 = arith.constant 0 : i32
        %add3A_382 = arith.addi %mul3A_380, %add3A_381 : i32
        %get3A_383 = arith.index_cast %add3A_382 : i32 to index
        %get3A_384 = arith.constant 0 : index
        %get3A_385 = tpu.vector_load %arg13[%get3A_383, %get3A_384] {strides = array<i32>} : memref<80x128xf32, #tpu.memory_space<vmem>>, vector<1x16xf32>,
        %get3A_386 = vector.shape_cast %get3A_385 : vector<1x16xf32> to vector<16xf32>
        %add3A_387 = arith.addf %get3A_378, %get3A_386 : vector<16xf32>
        %max3A = arith.constant 0.000000e+00 : f32
        %max3A_388 = vector.broadcast %max3A : f32 to vector<16xf32>
        %max3A_389 = arith.maximumf %add3A_387, %max3A_388 : vector<16xf32>
        %mul3A_390 = arith.constant 2 : i32
        %mul3A_391 = arith.muli %mul3A_390, %scan3A_370 : i32
        %add3A_392 = arith.constant 0 : i32
        %add3A_393 = arith.addi %mul3A_391, %add3A_392 : i32
        %swap3A = arith.index_cast %add3A_393 : i32 to index
        %swap3A_394 = arith.constant 0 : index
        %swap3A_395 = tpu.vector_load %arg11[%swap3A, %swap3A_394] {strides = array<i32>} : memref<80x128xf32, #tpu.memory_space<vmem>>, vector<1x16xf32>,
        %swap3A_396 = vector.shape_cast %swap3A_395 : vector<1x16xf32> to vector<16xf32>
        %swap3A_397 = vector.shape_cast %max3A_389 : vector<16xf32> to vector<1x16xf32>
        tpu.vector_store %arg11[%swap3A, %swap3A_394], %swap3A_397 {strides = array<i32>} : memref<80x128xf32, #tpu.memory_space<vmem>>, vector<1x16xf32>,
        %mul3A_398 = arith.constant 2 : i32
        %mul3A_399 = arith.muli %mul3A_398, %scan3A_370 : i32
        %add3A_400 = arith.constant 0 : i32
        %add3A_401 = arith.addi %mul3A_399, %add3A_400 : i32
        %get3A_402 = arith.index_cast %add3A_401 : i32 to index
        %get3A_403 = arith.constant 16 : index
        %get3A_404 = tpu.vector_load %arg11[%get3A_402, %get3A_403] {strides = array<i32>} : memref<80x128xf32, #tpu.memory_space<vmem>>, vector<1x16xf32>,
        %get3A_405 = vector.shape_cast %get3A_404 : vector<1x16xf32> to vector<16xf32>
        %mul3A_406 = arith.constant 2 : i32
        %mul3A_407 = arith.muli %mul3A_406, %scan3A_370 : i32
        %add3A_408 = arith.constant 0 : i32
        %add3A_409 = arith.addi %mul3A_407, %add3A_408 : i32
        %get3A_410 = arith.index_cast %add3A_409 : i32 to index
        %get3A_411 = arith.constant 16 : index
        %get3A_412 = tpu.vector_load %arg13[%get3A_410, %get3A_411] {strides = array<i32>} : memref<80x128xf32, #tpu.memory_space<vmem>>, vector<1x16xf32>,
        %get3A_413 = vector.shape_cast %get3A_412 : vector<1x16xf32> to vector<16xf32>
        %add3A_414 = arith.addf %get3A_405, %get3A_413 : vector<16xf32>
        %max3A_415 = arith.constant 0.000000e+00 : f32
        %max3A_416 = vector.broadcast %max3A_415 : f32 to vector<16xf32>
        %max3A_417 = arith.maximumf %add3A_414, %max3A_416 : vector<16xf32>
        %mul3A_418 = arith.constant 2 : i32
        %mul3A_419 = arith.muli %mul3A_418, %scan3A_370 : i32
        %add3A_420 = arith.constant 0 : i32
        %add3A_421 = arith.addi %mul3A_419, %add3A_420 : i32
        %swap3A_422 = arith.index_cast %add3A_421 : i32 to index
        %swap3A_423 = arith.constant 16 : index
        %swap3A_424 = tpu.vector_load %arg11[%swap3A_422, %swap3A_423] {strides = array<i32>} : memref<80x128xf32, #tpu.memory_space<vmem>>, vector<1x16xf32>,
        %swap3A_425 = vector.shape_cast %swap3A_424 : vector<1x16xf32> to vector<16xf32>
        %swap3A_426 = vector.shape_cast %max3A_417 : vector<16xf32> to vector<1x16xf32>
        tpu.vector_store %arg11[%swap3A_422, %swap3A_423], %swap3A_426 {strides = array<i32>} : memref<80x128xf32, #tpu.memory_space<vmem>>, vector<1x16xf32>,
        %mul3A_427 = arith.constant 2 : i32
        %mul3A_428 = arith.muli %mul3A_427, %scan3A_370 : i32
        %add3A_429 = arith.constant 0 : i32
        %add3A_430 = arith.addi %mul3A_428, %add3A_429 : i32
        %get3A_431 = arith.index_cast %add3A_430 : i32 to index
        %get3A_432 = arith.constant 32 : index
        %get3A_433 = tpu.vector_load %arg11[%get3A_431, %get3A_432] {strides = array<i32>} : memref<80x128xf32, #tpu.memory_space<vmem>>, vector<1x16xf32>,
        %get3A_434 = vector.shape_cast %get3A_433 : vector<1x16xf32> to vector<16xf32>
        %mul3A_435 = arith.constant 2 : i32
        %mul3A_436 = arith.muli %mul3A_435, %scan3A_370 : i32
        %add3A_437 = arith.constant 0 : i32
        %add3A_438 = arith.addi %mul3A_436, %add3A_437 : i32
        %get3A_439 = arith.index_cast %add3A_438 : i32 to index
        %get3A_440 = arith.constant 32 : index
        %get3A_441 = tpu.vector_load %arg13[%get3A_439, %get3A_440] {strides = array<i32>} : memref<80x128xf32, #tpu.memory_space<vmem>>, vector<1x16xf32>,
        %get3A_442 = vector.shape_cast %get3A_441 : vector<1x16xf32> to vector<16xf32>
        %add3A_443 = arith.addf %get3A_434, %get3A_442 : vector<16xf32>
        %max3A_444 = arith.constant 0.000000e+00 : f32
        %max3A_445 = vector.broadcast %max3A_444 : f32 to vector<16xf32>
        %max3A_446 = arith.maximumf %add3A_443, %max3A_445 : vector<16xf32>
        %mul3A_447 = arith.constant 2 : i32
        %mul3A_448 = arith.muli %mul3A_447, %scan3A_370 : i32
        %add3A_449 = arith.constant 0 : i32
        %add3A_450 = arith.addi %mul3A_448, %add3A_449 : i32
        %swap3A_451 = arith.index_cast %add3A_450 : i32 to index
        %swap3A_452 = arith.constant 32 : index
        %swap3A_453 = tpu.vector_load %arg11[%swap3A_451, %swap3A_452] {strides = array<i32>} : memref<80x128xf32, #tpu.memory_space<vmem>>, vector<1x16xf32>,
        %swap3A_454 = vector.shape_cast %swap3A_453 : vector<1x16xf32> to vector<16xf32>
        %swap3A_455 = vector.shape_cast %max3A_446 : vector<16xf32> to vector<1x16xf32>
        tpu.vector_store %arg11[%swap3A_451, %swap3A_452], %swap3A_455 {strides = array<i32>} : memref<80x128xf32, #tpu.memory_space<vmem>>, vector<1x16xf32>,
        %mul3A_456 = arith.constant 2 : i32
        %mul3A_457 = arith.muli %mul3A_456, %scan3A_370 : i32
        %add3A_458 = arith.constant 0 : i32
        %add3A_459 = arith.addi %mul3A_457, %add3A_458 : i32
        %get3A_460 = arith.index_cast %add3A_459 : i32 to index
        %get3A_461 = arith.constant 48 : index
        %get3A_462 = tpu.vector_load %arg11[%get3A_460, %get3A_461] {strides = array<i32>} : memref<80x128xf32, #tpu.memory_space<vmem>>, vector<1x16xf32>,
        %get3A_463 = vector.shape_cast %get3A_462 : vector<1x16xf32> to vector<16xf32>
        %mul3A_464 = arith.constant 2 : i32
        %mul3A_465 = arith.muli %mul3A_464, %scan3A_370 : i32
        %add3A_466 = arith.constant 0 : i32
        %add3A_467 = arith.addi %mul3A_465, %add3A_466 : i32
        %get3A_468 = arith.index_cast %add3A_467 : i32 to index
        %get3A_469 = arith.constant 48 : index
        %get3A_470 = tpu.vector_load %arg13[%get3A_468, %get3A_469] {strides = array<i32>} : memref<80x128xf32, #tpu.memory_space<vmem>>, vector<1x16xf32>,
        %get3A_471 = vector.shape_cast %get3A_470 : vector<1x16xf32> to vector<16xf32>
        %add3A_472 = arith.addf %get3A_463, %get3A_471 : vector<16xf32>
        %max3A_473 = arith.constant 0.000000e+00 : f32
        %max3A_474 = vector.broadcast %max3A_473 : f32 to vector<16xf32>
        %max3A_475 = arith.maximumf %add3A_472, %max3A_474 : vector<16xf32>
        %mul3A_476 = arith.constant 2 : i32
        %mul3A_477 = arith.muli %mul3A_476, %scan3A_370 : i32
        %add3A_478 = arith.constant 0 : i32
        %add3A_479 = arith.addi %mul3A_477, %add3A_478 : i32
        %swap3A_480 = arith.index_cast %add3A_479 : i32 to index
        %swap3A_481 = arith.constant 48 : index
        %swap3A_482 = tpu.vector_load %arg11[%swap3A_480, %swap3A_481] {strides = array<i32>} : memref<80x128xf32, #tpu.memory_space<vmem>>, vector<1x16xf32>,
        %swap3A_483 = vector.shape_cast %swap3A_482 : vector<1x16xf32> to vector<16xf32>
        %swap3A_484 = vector.shape_cast %max3A_475 : vector<16xf32> to vector<1x16xf32>
        tpu.vector_store %arg11[%swap3A_480, %swap3A_481], %swap3A_484 {strides = array<i32>} : memref<80x128xf32, #tpu.memory_space<vmem>>, vector<1x16xf32>,
        %mul3A_485 = arith.constant 2 : i32
        %mul3A_486 = arith.muli %mul3A_485, %scan3A_370 : i32
        %add3A_487 = arith.constant 0 : i32
        %add3A_488 = arith.addi %mul3A_486, %add3A_487 : i32
        %get3A_489 = arith.index_cast %add3A_488 : i32 to index
        %get3A_490 = arith.constant 64 : index
        %get3A_491 = tpu.vector_load %arg11[%get3A_489, %get3A_490] {strides = array<i32>} : memref<80x128xf32, #tpu.memory_space<vmem>>, vector<1x16xf32>,
        %get3A_492 = vector.shape_cast %get3A_491 : vector<1x16xf32> to vector<16xf32>
        %mul3A_493 = arith.constant 2 : i32
        %mul3A_494 = arith.muli %mul3A_493, %scan3A_370 : i32
        %add3A_495 = arith.constant 0 : i32
        %add3A_496 = arith.addi %mul3A_494, %add3A_495 : i32
        %get3A_497 = arith.index_cast %add3A_496 : i32 to index
        %get3A_498 = arith.constant 64 : index
        %get3A_499 = tpu.vector_load %arg13[%get3A_497, %get3A_498] {strides = array<i32>} : memref<80x128xf32, #tpu.memory_space<vmem>>, vector<1x16xf32>,
        %get3A_500 = vector.shape_cast %get3A_499 : vector<1x16xf32> to vector<16xf32>
        %add3A_501 = arith.addf %get3A_492, %get3A_500 : vector<16xf32>
        %max3A_502 = arith.constant 0.000000e+00 : f32
        %max3A_503 = vector.broadcast %max3A_502 : f32 to vector<16xf32>
        %max3A_504 = arith.maximumf %add3A_501, %max3A_503 : vector<16xf32>
        %mul3A_505 = arith.constant 2 : i32
        %mul3A_506 = arith.muli %mul3A_505, %scan3A_370 : i32
        %add3A_507 = arith.constant 0 : i32
        %add3A_508 = arith.addi %mul3A_506, %add3A_507 : i32
        %swap3A_509 = arith.index_cast %add3A_508 : i32 to index
        %swap3A_510 = arith.constant 64 : index
        %swap3A_511 = tpu.vector_load %arg11[%swap3A_509, %swap3A_510] {strides = array<i32>} : memref<80x128xf32, #tpu.memory_space<vmem>>, vector<1x16xf32>,
        %swap3A_512 = vector.shape_cast %swap3A_511 : vector<1x16xf32> to vector<16xf32>
        %swap3A_513 = vector.shape_cast %max3A_504 : vector<16xf32> to vector<1x16xf32>
        tpu.vector_store %arg11[%swap3A_509, %swap3A_510], %swap3A_513 {strides = array<i32>} : memref<80x128xf32, #tpu.memory_space<vmem>>, vector<1x16xf32>,
        %mul3A_514 = arith.constant 2 : i32
        %mul3A_515 = arith.muli %mul3A_514, %scan3A_370 : i32
        %add3A_516 = arith.constant 0 : i32
        %add3A_517 = arith.addi %mul3A_515, %add3A_516 : i32
        %get3A_518 = arith.index_cast %add3A_517 : i32 to index
        %get3A_519 = arith.constant 80 : index
        %get3A_520 = tpu.vector_load %arg11[%get3A_518, %get3A_519] {strides = array<i32>} : memref<80x128xf32, #tpu.memory_space<vmem>>, vector<1x16xf32>,
        %get3A_521 = vector.shape_cast %get3A_520 : vector<1x16xf32> to vector<16xf32>
        %mul3A_522 = arith.constant 2 : i32
        %mul3A_523 = arith.muli %mul3A_522, %scan3A_370 : i32
        %add3A_524 = arith.constant 0 : i32
        %add3A_525 = arith.addi %mul3A_523, %add3A_524 : i32
        %get3A_526 = arith.index_cast %add3A_525 : i32 to index
        %get3A_527 = arith.constant 80 : index
        %get3A_528 = tpu.vector_load %arg13[%get3A_526, %get3A_527] {strides = array<i32>} : memref<80x128xf32, #tpu.memory_space<vmem>>, vector<1x16xf32>,
        %get3A_529 = vector.shape_cast %get3A_528 : vector<1x16xf32> to vector<16xf32>
        %add3A_530 = arith.addf %get3A_521, %get3A_529 : vector<16xf32>
        %max3A_531 = arith.constant 0.000000e+00 : f32
        %max3A_532 = vector.broadcast %max3A_531 : f32 to vector<16xf32>
        %max3A_533 = arith.maximumf %add3A_530, %max3A_532 : vector<16xf32>
        %mul3A_534 = arith.constant 2 : i32
        %mul3A_535 = arith.muli %mul3A_534, %scan3A_370 : i32
        %add3A_536 = arith.constant 0 : i32
        %add3A_537 = arith.addi %mul3A_535, %add3A_536 : i32
        %swap3A_538 = arith.index_cast %add3A_537 : i32 to index
        %swap3A_539 = arith.constant 80 : index
        %swap3A_540 = tpu.vector_load %arg11[%swap3A_538, %swap3A_539] {strides = array<i32>} : memref<80x128xf32, #tpu.memory_space<vmem>>, vector<1x16xf32>,
        %swap3A_541 = vector.shape_cast %swap3A_540 : vector<1x16xf32> to vector<16xf32>
        %swap3A_542 = vector.shape_cast %max3A_533 : vector<16xf32> to vector<1x16xf32>
        tpu.vector_store %arg11[%swap3A_538, %swap3A_539], %swap3A_542 {strides = array<i32>} : memref<80x128xf32, #tpu.memory_space<vmem>>, vector<1x16xf32>,
        %mul3A_543 = arith.constant 2 : i32
        %mul3A_544 = arith.muli %mul3A_543, %scan3A_370 : i32
        %add3A_545 = arith.constant 0 : i32
        %add3A_546 = arith.addi %mul3A_544, %add3A_545 : i32
        %get3A_547 = arith.index_cast %add3A_546 : i32 to index
        %get3A_548 = arith.constant 96 : index
        %get3A_549 = tpu.vector_load %arg11[%get3A_547, %get3A_548] {strides = array<i32>} : memref<80x128xf32, #tpu.memory_space<vmem>>, vector<1x16xf32>,
        %get3A_550 = vector.shape_cast %get3A_549 : vector<1x16xf32> to vector<16xf32>
        %mul3A_551 = arith.constant 2 : i32
        %mul3A_552 = arith.muli %mul3A_551, %scan3A_370 : i32
        %add3A_553 = arith.constant 0 : i32
        %add3A_554 = arith.addi %mul3A_552, %add3A_553 : i32
        %get3A_555 = arith.index_cast %add3A_554 : i32 to index
        %get3A_556 = arith.constant 96 : index
        %get3A_557 = tpu.vector_load %arg13[%get3A_555, %get3A_556] {strides = array<i32>} : memref<80x128xf32, #tpu.memory_space<vmem>>, vector<1x16xf32>,
        %get3A_558 = vector.shape_cast %get3A_557 : vector<1x16xf32> to vector<16xf32>
        %add3A_559 = arith.addf %get3A_550, %get3A_558 : vector<16xf32>
        %max3A_560 = arith.constant 0.000000e+00 : f32
        %max3A_561 = vector.broadcast %max3A_560 : f32 to vector<16xf32>
        %max3A_562 = arith.maximumf %add3A_559, %max3A_561 : vector<16xf32>
        %mul3A_563 = arith.constant 2 : i32
        %mul3A_564 = arith.muli %mul3A_563, %scan3A_370 : i32
        %add3A_565 = arith.constant 0 : i32
        %add3A_566 = arith.addi %mul3A_564, %add3A_565 : i32
        %swap3A_567 = arith.index_cast %add3A_566 : i32 to index
        %swap3A_568 = arith.constant 96 : index
        %swap3A_569 = tpu.vector_load %arg11[%swap3A_567, %swap3A_568] {strides = array<i32>} : memref<80x128xf32, #tpu.memory_space<vmem>>, vector<1x16xf32>,
        %swap3A_570 = vector.shape_cast %swap3A_569 : vector<1x16xf32> to vector<16xf32>
        %swap3A_571 = vector.shape_cast %max3A_562 : vector<16xf32> to vector<1x16xf32>
        tpu.vector_store %arg11[%swap3A_567, %swap3A_568], %swap3A_571 {strides = array<i32>} : memref<80x128xf32, #tpu.memory_space<vmem>>, vector<1x16xf32>,
        %mul3A_572 = arith.constant 2 : i32
        %mul3A_573 = arith.muli %mul3A_572, %scan3A_370 : i32
        %add3A_574 = arith.constant 0 : i32
        %add3A_575 = arith.addi %mul3A_573, %add3A_574 : i32
        %get3A_576 = arith.index_cast %add3A_575 : i32 to index
        %get3A_577 = arith.constant 112 : index
        %get3A_578 = tpu.vector_load %arg11[%get3A_576, %get3A_577] {strides = array<i32>} : memref<80x128xf32, #tpu.memory_space<vmem>>, vector<1x16xf32>,
        %get3A_579 = vector.shape_cast %get3A_578 : vector<1x16xf32> to vector<16xf32>
        %mul3A_580 = arith.constant 2 : i32
        %mul3A_581 = arith.muli %mul3A_580, %scan3A_370 : i32
        %add3A_582 = arith.constant 0 : i32
        %add3A_583 = arith.addi %mul3A_581, %add3A_582 : i32
        %get3A_584 = arith.index_cast %add3A_583 : i32 to index
        %get3A_585 = arith.constant 112 : index
        %get3A_586 = tpu.vector_load %arg13[%get3A_584, %get3A_585] {strides = array<i32>} : memref<80x128xf32, #tpu.memory_space<vmem>>, vector<1x16xf32>,
        %get3A_587 = vector.shape_cast %get3A_586 : vector<1x16xf32> to vector<16xf32>
        %add3A_588 = arith.addf %get3A_579, %get3A_587 : vector<16xf32>
        %max3A_589 = arith.constant 0.000000e+00 : f32
        %max3A_590 = vector.broadcast %max3A_589 : f32 to vector<16xf32>
        %max3A_591 = arith.maximumf %add3A_588, %max3A_590 : vector<16xf32>
        %mul3A_592 = arith.constant 2 : i32
        %mul3A_593 = arith.muli %mul3A_592, %scan3A_370 : i32
        %add3A_594 = arith.constant 0 : i32
        %add3A_595 = arith.addi %mul3A_593, %add3A_594 : i32
        %swap3A_596 = arith.index_cast %add3A_595 : i32 to index
        %swap3A_597 = arith.constant 112 : index
        %swap3A_598 = tpu.vector_load %arg11[%swap3A_596, %swap3A_597] {strides = array<i32>} : memref<80x128xf32, #tpu.memory_space<vmem>>, vector<1x16xf32>,
        %swap3A_599 = vector.shape_cast %swap3A_598 : vector<1x16xf32> to vector<16xf32>
        %swap3A_600 = vector.shape_cast %max3A_591 : vector<16xf32> to vector<1x16xf32>
        tpu.vector_store %arg11[%swap3A_596, %swap3A_597], %swap3A_600 {strides = array<i32>} : memref<80x128xf32, #tpu.memory_space<vmem>>, vector<1x16xf32>,
        %mul3A_601 = arith.constant 2 : i32
        %mul3A_602 = arith.muli %mul3A_601, %scan3A_370 : i32
        %add3A_603 = arith.constant 1 : i32
        %add3A_604 = arith.addi %mul3A_602, %add3A_603 : i32
        %get3A_605 = arith.index_cast %add3A_604 : i32 to index
        %get3A_606 = arith.constant 0 : index
        %get3A_607 = tpu.vector_load %arg11[%get3A_605, %get3A_606] {strides = array<i32>} : memref<80x128xf32, #tpu.memory_space<vmem>>, vector<1x16xf32>,
        %get3A_608 = vector.shape_cast %get3A_607 : vector<1x16xf32> to vector<16xf32>
        %mul3A_609 = arith.constant 2 : i32
        %mul3A_610 = arith.muli %mul3A_609, %scan3A_370 : i32
        %add3A_611 = arith.constant 1 : i32
        %add3A_612 = arith.addi %mul3A_610, %add3A_611 : i32
        %get3A_613 = arith.index_cast %add3A_612 : i32 to index
        %get3A_614 = arith.constant 0 : index
        %get3A_615 = tpu.vector_load %arg13[%get3A_613, %get3A_614] {strides = array<i32>} : memref<80x128xf32, #tpu.memory_space<vmem>>, vector<1x16xf32>,
        %get3A_616 = vector.shape_cast %get3A_615 : vector<1x16xf32> to vector<16xf32>
        %add3A_617 = arith.addf %get3A_608, %get3A_616 : vector<16xf32>
        %max3A_618 = arith.constant 0.000000e+00 : f32
        %max3A_619 = vector.broadcast %max3A_618 : f32 to vector<16xf32>
        %max3A_620 = arith.maximumf %add3A_617, %max3A_619 : vector<16xf32>
        %mul3A_621 = arith.constant 2 : i32
        %mul3A_622 = arith.muli %mul3A_621, %scan3A_370 : i32
        %add3A_623 = arith.constant 1 : i32
        %add3A_624 = arith.addi %mul3A_622, %add3A_623 : i32
        %swap3A_625 = arith.index_cast %add3A_624 : i32 to index
        %swap3A_626 = arith.constant 0 : index
        %swap3A_627 = tpu.vector_load %arg11[%swap3A_625, %swap3A_626] {strides = array<i32>} : memref<80x128xf32, #tpu.memory_space<vmem>>, vector<1x16xf32>,
        %swap3A_628 = vector.shape_cast %swap3A_627 : vector<1x16xf32> to vector<16xf32>
        %swap3A_629 = vector.shape_cast %max3A_620 : vector<16xf32> to vector<1x16xf32>
        tpu.vector_store %arg11[%swap3A_625, %swap3A_626], %swap3A_629 {strides = array<i32>} : memref<80x128xf32, #tpu.memory_space<vmem>>, vector<1x16xf32>,
        %mul3A_630 = arith.constant 2 : i32
        %mul3A_631 = arith.muli %mul3A_630, %scan3A_370 : i32
        %add3A_632 = arith.constant 1 : i32
        %add3A_633 = arith.addi %mul3A_631, %add3A_632 : i32
        %get3A_634 = arith.index_cast %add3A_633 : i32 to index
        %get3A_635 = arith.constant 16 : index
        %get3A_636 = tpu.vector_load %arg11[%get3A_634, %get3A_635] {strides = array<i32>} : memref<80x128xf32, #tpu.memory_space<vmem>>, vector<1x16xf32>,
        %get3A_637 = vector.shape_cast %get3A_636 : vector<1x16xf32> to vector<16xf32>
        %mul3A_638 = arith.constant 2 : i32
        %mul3A_639 = arith.muli %mul3A_638, %scan3A_370 : i32
        %add3A_640 = arith.constant 1 : i32
        %add3A_641 = arith.addi %mul3A_639, %add3A_640 : i32
        %get3A_642 = arith.index_cast %add3A_641 : i32 to index
        %get3A_643 = arith.constant 16 : index
        %get3A_644 = tpu.vector_load %arg13[%get3A_642, %get3A_643] {strides = array<i32>} : memref<80x128xf32, #tpu.memory_space<vmem>>, vector<1x16xf32>,
        %get3A_645 = vector.shape_cast %get3A_644 : vector<1x16xf32> to vector<16xf32>
        %add3A_646 = arith.addf %get3A_637, %get3A_645 : vector<16xf32>
        %max3A_647 = arith.constant 0.000000e+00 : f32
        %max3A_648 = vector.broadcast %max3A_647 : f32 to vector<16xf32>
        %max3A_649 = arith.maximumf %add3A_646, %max3A_648 : vector<16xf32>
        %mul3A_650 = arith.constant 2 : i32
        %mul3A_651 = arith.muli %mul3A_650, %scan3A_370 : i32
        %add3A_652 = arith.constant 1 : i32
        %add3A_653 = arith.addi %mul3A_651, %add3A_652 : i32
        %swap3A_654 = arith.index_cast %add3A_653 : i32 to index
        %swap3A_655 = arith.constant 16 : index
        %swap3A_656 = tpu.vector_load %arg11[%swap3A_654, %swap3A_655] {strides = array<i32>} : memref<80x128xf32, #tpu.memory_space<vmem>>, vector<1x16xf32>,
        %swap3A_657 = vector.shape_cast %swap3A_656 : vector<1x16xf32> to vector<16xf32>
        %swap3A_658 = vector.shape_cast %max3A_649 : vector<16xf32> to vector<1x16xf32>
        tpu.vector_store %arg11[%swap3A_654, %swap3A_655], %swap3A_658 {strides = array<i32>} : memref<80x128xf32, #tpu.memory_space<vmem>>, vector<1x16xf32>,
        %mul3A_659 = arith.constant 2 : i32
        %mul3A_660 = arith.muli %mul3A_659, %scan3A_370 : i32
        %add3A_661 = arith.constant 1 : i32
        %add3A_662 = arith.addi %mul3A_660, %add3A_661 : i32
        %get3A_663 = arith.index_cast %add3A_662 : i32 to index
        %get3A_664 = arith.constant 32 : index
        %get3A_665 = tpu.vector_load %arg11[%get3A_663, %get3A_664] {strides = array<i32>} : memref<80x128xf32, #tpu.memory_space<vmem>>, vector<1x16xf32>,
        %get3A_666 = vector.shape_cast %get3A_665 : vector<1x16xf32> to vector<16xf32>
        %mul3A_667 = arith.constant 2 : i32
        %mul3A_668 = arith.muli %mul3A_667, %scan3A_370 : i32
        %add3A_669 = arith.constant 1 : i32
        %add3A_670 = arith.addi %mul3A_668, %add3A_669 : i32
        %get3A_671 = arith.index_cast %add3A_670 : i32 to index
        %get3A_672 = arith.constant 32 : index
        %get3A_673 = tpu.vector_load %arg13[%get3A_671, %get3A_672] {strides = array<i32>} : memref<80x128xf32, #tpu.memory_space<vmem>>, vector<1x16xf32>,
        %get3A_674 = vector.shape_cast %get3A_673 : vector<1x16xf32> to vector<16xf32>
        %add3A_675 = arith.addf %get3A_666, %get3A_674 : vector<16xf32>
        %max3A_676 = arith.constant 0.000000e+00 : f32
        %max3A_677 = vector.broadcast %max3A_676 : f32 to vector<16xf32>
        %max3A_678 = arith.maximumf %add3A_675, %max3A_677 : vector<16xf32>
        %mul3A_679 = arith.constant 2 : i32
        %mul3A_680 = arith.muli %mul3A_679, %scan3A_370 : i32
        %add3A_681 = arith.constant 1 : i32
        %add3A_682 = arith.addi %mul3A_680, %add3A_681 : i32
        %swap3A_683 = arith.index_cast %add3A_682 : i32 to index
        %swap3A_684 = arith.constant 32 : index
        %swap3A_685 = tpu.vector_load %arg11[%swap3A_683, %swap3A_684] {strides = array<i32>} : memref<80x128xf32, #tpu.memory_space<vmem>>, vector<1x16xf32>,
        %swap3A_686 = vector.shape_cast %swap3A_685 : vector<1x16xf32> to vector<16xf32>
        %swap3A_687 = vector.shape_cast %max3A_678 : vector<16xf32> to vector<1x16xf32>
        tpu.vector_store %arg11[%swap3A_683, %swap3A_684], %swap3A_687 {strides = array<i32>} : memref<80x128xf32, #tpu.memory_space<vmem>>, vector<1x16xf32>,
        %mul3A_688 = arith.constant 2 : i32
        %mul3A_689 = arith.muli %mul3A_688, %scan3A_370 : i32
        %add3A_690 = arith.constant 1 : i32
        %add3A_691 = arith.addi %mul3A_689, %add3A_690 : i32
        %get3A_692 = arith.index_cast %add3A_691 : i32 to index
        %get3A_693 = arith.constant 48 : index
        %get3A_694 = tpu.vector_load %arg11[%get3A_692, %get3A_693] {strides = array<i32>} : memref<80x128xf32, #tpu.memory_space<vmem>>, vector<1x16xf32>,
        %get3A_695 = vector.shape_cast %get3A_694 : vector<1x16xf32> to vector<16xf32>
        %mul3A_696 = arith.constant 2 : i32
        %mul3A_697 = arith.muli %mul3A_696, %scan3A_370 : i32
        %add3A_698 = arith.constant 1 : i32
        %add3A_699 = arith.addi %mul3A_697, %add3A_698 : i32
        %get3A_700 = arith.index_cast %add3A_699 : i32 to index
        %get3A_701 = arith.constant 48 : index
        %get3A_702 = tpu.vector_load %arg13[%get3A_700, %get3A_701] {strides = array<i32>} : memref<80x128xf32, #tpu.memory_space<vmem>>, vector<1x16xf32>,
        %get3A_703 = vector.shape_cast %get3A_702 : vector<1x16xf32> to vector<16xf32>
        %add3A_704 = arith.addf %get3A_695, %get3A_703 : vector<16xf32>
        %max3A_705 = arith.constant 0.000000e+00 : f32
        %max3A_706 = vector.broadcast %max3A_705 : f32 to vector<16xf32>
        %max3A_707 = arith.maximumf %add3A_704, %max3A_706 : vector<16xf32>
        %mul3A_708 = arith.constant 2 : i32
        %mul3A_709 = arith.muli %mul3A_708, %scan3A_370 : i32
        %add3A_710 = arith.constant 1 : i32
        %add3A_711 = arith.addi %mul3A_709, %add3A_710 : i32
        %swap3A_712 = arith.index_cast %add3A_711 : i32 to index
        %swap3A_713 = arith.constant 48 : index
        %swap3A_714 = tpu.vector_load %arg11[%swap3A_712, %swap3A_713] {strides = array<i32>} : memref<80x128xf32, #tpu.memory_space<vmem>>, vector<1x16xf32>,
        %swap3A_715 = vector.shape_cast %swap3A_714 : vector<1x16xf32> to vector<16xf32>
        %swap3A_716 = vector.shape_cast %max3A_707 : vector<16xf32> to vector<1x16xf32>
        tpu.vector_store %arg11[%swap3A_712, %swap3A_713], %swap3A_716 {strides = array<i32>} : memref<80x128xf32, #tpu.memory_space<vmem>>, vector<1x16xf32>,
        %mul3A_717 = arith.constant 2 : i32
        %mul3A_718 = arith.muli %mul3A_717, %scan3A_370 : i32
        %add3A_719 = arith.constant 1 : i32
        %add3A_720 = arith.addi %mul3A_718, %add3A_719 : i32
        %get3A_721 = arith.index_cast %add3A_720 : i32 to index
        %get3A_722 = arith.constant 64 : index
        %get3A_723 = tpu.vector_load %arg11[%get3A_721, %get3A_722] {strides = array<i32>} : memref<80x128xf32, #tpu.memory_space<vmem>>, vector<1x16xf32>,
        %get3A_724 = vector.shape_cast %get3A_723 : vector<1x16xf32> to vector<16xf32>
        %mul3A_725 = arith.constant 2 : i32
        %mul3A_726 = arith.muli %mul3A_725, %scan3A_370 : i32
        %add3A_727 = arith.constant 1 : i32
        %add3A_728 = arith.addi %mul3A_726, %add3A_727 : i32
        %get3A_729 = arith.index_cast %add3A_728 : i32 to index
        %get3A_730 = arith.constant 64 : index
        %get3A_731 = tpu.vector_load %arg13[%get3A_729, %get3A_730] {strides = array<i32>} : memref<80x128xf32, #tpu.memory_space<vmem>>, vector<1x16xf32>,
        %get3A_732 = vector.shape_cast %get3A_731 : vector<1x16xf32> to vector<16xf32>
        %add3A_733 = arith.addf %get3A_724, %get3A_732 : vector<16xf32>
        %max3A_734 = arith.constant 0.000000e+00 : f32
        %max3A_735 = vector.broadcast %max3A_734 : f32 to vector<16xf32>
        %max3A_736 = arith.maximumf %add3A_733, %max3A_735 : vector<16xf32>
        %mul3A_737 = arith.constant 2 : i32
        %mul3A_738 = arith.muli %mul3A_737, %scan3A_370 : i32
        %add3A_739 = arith.constant 1 : i32
        %add3A_740 = arith.addi %mul3A_738, %add3A_739 : i32
        %swap3A_741 = arith.index_cast %add3A_740 : i32 to index
        %swap3A_742 = arith.constant 64 : index
        %swap3A_743 = tpu.vector_load %arg11[%swap3A_741, %swap3A_742] {strides = array<i32>} : memref<80x128xf32, #tpu.memory_space<vmem>>, vector<1x16xf32>,
        %swap3A_744 = vector.shape_cast %swap3A_743 : vector<1x16xf32> to vector<16xf32>
        %swap3A_745 = vector.shape_cast %max3A_736 : vector<16xf32> to vector<1x16xf32>
        tpu.vector_store %arg11[%swap3A_741, %swap3A_742], %swap3A_745 {strides = array<i32>} : memref<80x128xf32, #tpu.memory_space<vmem>>, vector<1x16xf32>,
        %mul3A_746 = arith.constant 2 : i32
        %mul3A_747 = arith.muli %mul3A_746, %scan3A_370 : i32
        %add3A_748 = arith.constant 1 : i32
        %add3A_749 = arith.addi %mul3A_747, %add3A_748 : i32
        %get3A_750 = arith.index_cast %add3A_749 : i32 to index
        %get3A_751 = arith.constant 80 : index
        %get3A_752 = tpu.vector_load %arg11[%get3A_750, %get3A_751] {strides = array<i32>} : memref<80x128xf32, #tpu.memory_space<vmem>>, vector<1x16xf32>,
        %get3A_753 = vector.shape_cast %get3A_752 : vector<1x16xf32> to vector<16xf32>
        %mul3A_754 = arith.constant 2 : i32
        %mul3A_755 = arith.muli %mul3A_754, %scan3A_370 : i32
        %add3A_756 = arith.constant 1 : i32
        %add3A_757 = arith.addi %mul3A_755, %add3A_756 : i32
        %get3A_758 = arith.index_cast %add3A_757 : i32 to index
        %get3A_759 = arith.constant 80 : index
        %get3A_760 = tpu.vector_load %arg13[%get3A_758, %get3A_759] {strides = array<i32>} : memref<80x128xf32, #tpu.memory_space<vmem>>, vector<1x16xf32>,
        %get3A_761 = vector.shape_cast %get3A_760 : vector<1x16xf32> to vector<16xf32>
        %add3A_762 = arith.addf %get3A_753, %get3A_761 : vector<16xf32>
        %max3A_763 = arith.constant 0.000000e+00 : f32
        %max3A_764 = vector.broadcast %max3A_763 : f32 to vector<16xf32>
        %max3A_765 = arith.maximumf %add3A_762, %max3A_764 : vector<16xf32>
        %mul3A_766 = arith.constant 2 : i32
        %mul3A_767 = arith.muli %mul3A_766, %scan3A_370 : i32
        %add3A_768 = arith.constant 1 : i32
        %add3A_769 = arith.addi %mul3A_767, %add3A_768 : i32
        %swap3A_770 = arith.index_cast %add3A_769 : i32 to index
        %swap3A_771 = arith.constant 80 : index
        %swap3A_772 = tpu.vector_load %arg11[%swap3A_770, %swap3A_771] {strides = array<i32>} : memref<80x128xf32, #tpu.memory_space<vmem>>, vector<1x16xf32>,
        %swap3A_773 = vector.shape_cast %swap3A_772 : vector<1x16xf32> to vector<16xf32>
        %swap3A_774 = vector.shape_cast %max3A_765 : vector<16xf32> to vector<1x16xf32>
        tpu.vector_store %arg11[%swap3A_770, %swap3A_771], %swap3A_774 {strides = array<i32>} : memref<80x128xf32, #tpu.memory_space<vmem>>, vector<1x16xf32>,
        %mul3A_775 = arith.constant 2 : i32
        %mul3A_776 = arith.muli %mul3A_775, %scan3A_370 : i32
        %add3A_777 = arith.constant 1 : i32
        %add3A_778 = arith.addi %mul3A_776, %add3A_777 : i32
        %get3A_779 = arith.index_cast %add3A_778 : i32 to index
        %get3A_780 = arith.constant 96 : index
        %get3A_781 = tpu.vector_load %arg11[%get3A_779, %get3A_780] {strides = array<i32>} : memref<80x128xf32, #tpu.memory_space<vmem>>, vector<1x16xf32>,
        %get3A_782 = vector.shape_cast %get3A_781 : vector<1x16xf32> to vector<16xf32>
        %mul3A_783 = arith.constant 2 : i32
        %mul3A_784 = arith.muli %mul3A_783, %scan3A_370 : i32
        %add3A_785 = arith.constant 1 : i32
        %add3A_786 = arith.addi %mul3A_784, %add3A_785 : i32
        %get3A_787 = arith.index_cast %add3A_786 : i32 to index
        %get3A_788 = arith.constant 96 : index
        %get3A_789 = tpu.vector_load %arg13[%get3A_787, %get3A_788] {strides = array<i32>} : memref<80x128xf32, #tpu.memory_space<vmem>>, vector<1x16xf32>,
        %get3A_790 = vector.shape_cast %get3A_789 : vector<1x16xf32> to vector<16xf32>
        %add3A_791 = arith.addf %get3A_782, %get3A_790 : vector<16xf32>
        %max3A_792 = arith.constant 0.000000e+00 : f32
        %max3A_793 = vector.broadcast %max3A_792 : f32 to vector<16xf32>
        %max3A_794 = arith.maximumf %add3A_791, %max3A_793 : vector<16xf32>
        %mul3A_795 = arith.constant 2 : i32
        %mul3A_796 = arith.muli %mul3A_795, %scan3A_370 : i32
        %add3A_797 = arith.constant 1 : i32
        %add3A_798 = arith.addi %mul3A_796, %add3A_797 : i32
        %swap3A_799 = arith.index_cast %add3A_798 : i32 to index
        %swap3A_800 = arith.constant 96 : index
        %swap3A_801 = tpu.vector_load %arg11[%swap3A_799, %swap3A_800] {strides = array<i32>} : memref<80x128xf32, #tpu.memory_space<vmem>>, vector<1x16xf32>,
        %swap3A_802 = vector.shape_cast %swap3A_801 : vector<1x16xf32> to vector<16xf32>
        %swap3A_803 = vector.shape_cast %max3A_794 : vector<16xf32> to vector<1x16xf32>
        tpu.vector_store %arg11[%swap3A_799, %swap3A_800], %swap3A_803 {strides = array<i32>} : memref<80x128xf32, #tpu.memory_space<vmem>>, vector<1x16xf32>,
        %mul3A_804 = arith.constant 2 : i32
        %mul3A_805 = arith.muli %mul3A_804, %scan3A_370 : i32
        %add3A_806 = arith.constant 1 : i32
        %add3A_807 = arith.addi %mul3A_805, %add3A_806 : i32
        %get3A_808 = arith.index_cast %add3A_807 : i32 to index
        %get3A_809 = arith.constant 112 : index
        %get3A_810 = tpu.vector_load %arg11[%get3A_808, %get3A_809] {strides = array<i32>} : memref<80x128xf32, #tpu.memory_space<vmem>>, vector<1x16xf32>,
        %get3A_811 = vector.shape_cast %get3A_810 : vector<1x16xf32> to vector<16xf32>
        %mul3A_812 = arith.constant 2 : i32
        %mul3A_813 = arith.muli %mul3A_812, %scan3A_370 : i32
        %add3A_814 = arith.constant 1 : i32
        %add3A_815 = arith.addi %mul3A_813, %add3A_814 : i32
        %get3A_816 = arith.index_cast %add3A_815 : i32 to index
        %get3A_817 = arith.constant 112 : index
        %get3A_818 = tpu.vector_load %arg13[%get3A_816, %get3A_817] {strides = array<i32>} : memref<80x128xf32, #tpu.memory_space<vmem>>, vector<1x16xf32>,
        %get3A_819 = vector.shape_cast %get3A_818 : vector<1x16xf32> to vector<16xf32>
        %add3A_820 = arith.addf %get3A_811, %get3A_819 : vector<16xf32>
        %max3A_821 = arith.constant 0.000000e+00 : f32
        %max3A_822 = vector.broadcast %max3A_821 : f32 to vector<16xf32>
        %max3A_823 = arith.maximumf %add3A_820, %max3A_822 : vector<16xf32>
        %mul3A_824 = arith.constant 2 : i32
        %mul3A_825 = arith.muli %mul3A_824, %scan3A_370 : i32
        %add3A_826 = arith.constant 1 : i32
        %add3A_827 = arith.addi %mul3A_825, %add3A_826 : i32
        %swap3A_828 = arith.index_cast %add3A_827 : i32 to index
        %swap3A_829 = arith.constant 112 : index
        %swap3A_830 = tpu.vector_load %arg11[%swap3A_828, %swap3A_829] {strides = array<i32>} : memref<80x128xf32, #tpu.memory_space<vmem>>, vector<1x16xf32>,
        %swap3A_831 = vector.shape_cast %swap3A_830 : vector<1x16xf32> to vector<16xf32>
        %swap3A_832 = vector.shape_cast %max3A_823 : vector<16xf32> to vector<1x16xf32>
        tpu.vector_store %arg11[%swap3A_828, %swap3A_829], %swap3A_832 {strides = array<i32>} : memref<80x128xf32, #tpu.memory_space<vmem>>, vector<1x16xf32>,
        %scan3A_833 = arith.constant 0 : i32
        scf.yield %scan3A_833 : i32
      }
      %scan3A_242 = arith.constant 20 : i32
      %dma_start3A_243 = arith.constant 1 : i32
      %dma_start3A_244 = arith.constant 40 : i32
      %dma_start3A_245 = arith.constant 0 : i32
      %dma_start3A_246 = tpu.memref_slice %arg11[%dma_start3A_244, %dma_start3A_245] : memref<80x128xf32, #tpu.memory_space<vmem>> -> memref<40x128xf32, #tpu.memory_space<vmem>>
      %dma_start3A_247 = arith.constant 0 : i32
      %dma_start3A_248 = tpu.memref_slice %arg9[%dma_start3A_243, %dma_start3A_247] : memref<2x40xi32, #tpu.memory_space<vmem>> -> memref<1x40xi32, #tpu.memory_space<vmem>>
      %dma_start3A_249 = tpu.memref_squeeze %dma_start3A_248 : memref<1x40xi32, #tpu.memory_space<vmem>> -> memref<40xi32, #tpu.memory_space<vmem>>
      %dma_start3A_250 = arith.constant 0 : i32
      %dma_start3A_251 = arith.constant 0 : i32
      %dma_start3A_252 = tpu.memref_slice %arg16[%dma_start3A_250, %dma_start3A_251] : memref<10000x128xf32, #tpu.memory_space<vmem_shared>> -> memref<10000x128xf32, #tpu.memory_space<vmem_shared>>
      tpu.enqueue_indirect_dma source(%dma_start3A_246 : memref<40x128xf32, #tpu.memory_space<vmem>>) target(%dma_start3A_252 : memref<10000x128xf32, #tpu.memory_space<vmem_shared>>) offsets(%dma_start3A_249 : memref<40xi32, #tpu.memory_space<vmem>>) semaphore(%arg23 : memref<!tpu.dma_semaphore, #tpu.memory_space<semaphore_mem>>) {add = true}
      %add3A_253 = arith.constant 2 : i32
      %add3A_254 = arith.addi %mul3A_184, %add3A_253 : i32
      %mul3A_255 = arith.constant 10000 : i32
      %mul3A_256 = arith.muli %add3A, %mul3A_255 : i32
      %mul3A_257 = arith.constant 80 : i32
      %mul3A_258 = arith.muli %add3A_254, %mul3A_257 : i32
      %add3A_259 = arith.addi %mul3A_256, %mul3A_258 : i32
      %dma_start3A_260 = tpu.memref_slice %arg4[%add3A_259] : memref<320000xi32, #tpu.memory_space<hbm>> -> memref<80xi32, #tpu.memory_space<hbm>>
      %dma_start3A_261 = tpu.memref_slice %arg4[%add3A_259] : memref<320000xi32, #tpu.memory_space<hbm>> -> memref<80xi32, #tpu.memory_space<hbm>>
      tpu.enqueue_dma source(%dma_start3A_261 : memref<80xi32, #tpu.memory_space<hbm>>) target(%arg7 : memref<80xi32, #tpu.memory_space<vmem>>) target_semaphore(%arg17 : memref<!tpu.dma_semaphore, #tpu.memory_space<semaphore_mem>>)
      %dma_start3A_262 = arith.constant 0 : i32
      %dma_start3A_263 = arith.constant 0 : i32
      %dma_start3A_264 = tpu.memref_slice %arg5[%add3A, %add3A_254, %dma_start3A_262, %dma_start3A_263] : memref<32x125x2x40xi32, #tpu.memory_space<hbm>> -> memref<1x1x2x40xi32, #tpu.memory_space<hbm>>
      %dma_start3A_265 = tpu.memref_squeeze %dma_start3A_264 : memref<1x1x2x40xi32, #tpu.memory_space<hbm>> -> memref<2x40xi32, #tpu.memory_space<hbm>>
      %dma_start3A_266 = arith.constant 0 : i32
      %dma_start3A_267 = arith.constant 0 : i32
      %dma_start3A_268 = tpu.memref_slice %arg5[%add3A, %add3A_254, %dma_start3A_266, %dma_start3A_267] : memref<32x125x2x40xi32, #tpu.memory_space<hbm>> -> memref<1x1x2x40xi32, #tpu.memory_space<hbm>>
      %dma_start3A_269 = tpu.memref_squeeze %dma_start3A_268 : memref<1x1x2x40xi32, #tpu.memory_space<hbm>> -> memref<2x40xi32, #tpu.memory_space<hbm>>
      tpu.enqueue_dma source(%dma_start3A_269 : memref<2x40xi32, #tpu.memory_space<hbm>>) target(%arg9 : memref<2x40xi32, #tpu.memory_space<vmem>>) target_semaphore(%arg17 : memref<!tpu.dma_semaphore, #tpu.memory_space<semaphore_mem>>)
      %dma_start3A_270 = arith.constant 0 : i32
      %dma_start3A_271 = tpu.memref_slice %arg3[%add3A_259, %dma_start3A_270] : memref<320000x128xf32, #tpu.memory_space<hbm>> -> memref<80x128xf32, #tpu.memory_space<hbm>>
      %dma_start3A_272 = arith.constant 0 : i32
      %dma_start3A_273 = tpu.memref_slice %arg3[%add3A_259, %dma_start3A_272] : memref<320000x128xf32, #tpu.memory_space<hbm>> -> memref<80x128xf32, #tpu.memory_space<hbm>>
      tpu.enqueue_dma source(%dma_start3A_273 : memref<80x128xf32, #tpu.memory_space<hbm>>) target(%arg13 : memref<80x128xf32, #tpu.memory_space<vmem>>) target_semaphore(%arg19 : memref<!tpu.dma_semaphore, #tpu.memory_space<semaphore_mem>>)
      %add3A_274 = arith.constant 2 : i32
      %add3A_275 = arith.addi %mul3A_184, %add3A_274 : i32
      %mul3A_276 = arith.constant 10000 : i32
      %mul3A_277 = arith.muli %add3A, %mul3A_276 : i32
      %mul3A_278 = arith.constant 80 : i32
      %mul3A_279 = arith.muli %add3A_275, %mul3A_278 : i32
      %add3A_280 = arith.addi %mul3A_277, %mul3A_279 : i32
      %dma_wait3A_281 = tpu.memref_slice %arg4[%add3A_280] : memref<320000xi32, #tpu.memory_space<hbm>> -> memref<80xi32, #tpu.memory_space<hbm>>
      %dma_wait3A_282 = tpu.memref_slice %arg4[%add3A_280] : memref<320000xi32, #tpu.memory_space<hbm>> -> memref<80xi32, #tpu.memory_space<hbm>>
      tpu.wait_dma2 semaphore(%arg17 : memref<!tpu.dma_semaphore, #tpu.memory_space<semaphore_mem>>) src(%dma_wait3A_282 : memref<80xi32, #tpu.memory_space<hbm>>) dst(%arg7 : memref<80xi32, #tpu.memory_space<vmem>>)
      %dma_wait3A_283 = arith.constant 0 : i32
      %dma_wait3A_284 = arith.constant 0 : i32
      %dma_wait3A_285 = tpu.memref_slice %arg5[%add3A, %add3A_275, %dma_wait3A_283, %dma_wait3A_284] : memref<32x125x2x40xi32, #tpu.memory_space<hbm>> -> memref<1x1x2x40xi32, #tpu.memory_space<hbm>>
      %dma_wait3A_286 = tpu.memref_squeeze %dma_wait3A_285 : memref<1x1x2x40xi32, #tpu.memory_space<hbm>> -> memref<2x40xi32, #tpu.memory_space<hbm>>
      %dma_wait3A_287 = arith.constant 0 : i32
      %dma_wait3A_288 = arith.constant 0 : i32
      %dma_wait3A_289 = tpu.memref_slice %arg5[%add3A, %add3A_275, %dma_wait3A_287, %dma_wait3A_288] : memref<32x125x2x40xi32, #tpu.memory_space<hbm>> -> memref<1x1x2x40xi32, #tpu.memory_space<hbm>>
      %dma_wait3A_290 = tpu.memref_squeeze %dma_wait3A_289 : memref<1x1x2x40xi32, #tpu.memory_space<hbm>> -> memref<2x40xi32, #tpu.memory_space<hbm>>
      tpu.wait_dma2 semaphore(%arg17 : memref<!tpu.dma_semaphore, #tpu.memory_space<semaphore_mem>>) src(%dma_wait3A_290 : memref<2x40xi32, #tpu.memory_space<hbm>>) dst(%arg9 : memref<2x40xi32, #tpu.memory_space<vmem>>)
      %dma_wait3A_291 = arith.constant 0 : i32
      %dma_wait3A_292 = arith.constant 0 : i32
      %dma_wait3A_293 = arith.constant 0 : i32
      %dma_wait3A_294 = tpu.memref_slice %arg11[%dma_wait3A_292, %dma_wait3A_293] : memref<80x128xf32, #tpu.memory_space<vmem>> -> memref<40x128xf32, #tpu.memory_space<vmem>>
      %dma_wait3A_295 = arith.constant 0 : i32
      %dma_wait3A_296 = tpu.memref_slice %arg9[%dma_wait3A_291, %dma_wait3A_295] : memref<2x40xi32, #tpu.memory_space<vmem>> -> memref<1x40xi32, #tpu.memory_space<vmem>>
      %dma_wait3A_297 = tpu.memref_squeeze %dma_wait3A_296 : memref<1x40xi32, #tpu.memory_space<vmem>> -> memref<40xi32, #tpu.memory_space<vmem>>
      %dma_wait3A_298 = arith.constant 0 : i32
      %dma_wait3A_299 = arith.constant 0 : i32
      %dma_wait3A_300 = tpu.memref_slice %arg16[%dma_wait3A_298, %dma_wait3A_299] : memref<10000x128xf32, #tpu.memory_space<vmem_shared>> -> memref<10000x128xf32, #tpu.memory_space<vmem_shared>>
      tpu.wait_indirect_dma semaphore(%arg23 : memref<!tpu.dma_semaphore, #tpu.memory_space<semaphore_mem>>) src(%dma_wait3A_294 : memref<40x128xf32, #tpu.memory_space<vmem>>) dst(%dma_wait3A_300 : memref<10000x128xf32, #tpu.memory_space<vmem_shared>>)
      %dma_wait3A_301 = arith.constant 1 : i32
      %dma_wait3A_302 = arith.constant 40 : i32
      %dma_wait3A_303 = arith.constant 0 : i32
      %dma_wait3A_304 = tpu.memref_slice %arg11[%dma_wait3A_302, %dma_wait3A_303] : memref<80x128xf32, #tpu.memory_space<vmem>> -> memref<40x128xf32, #tpu.memory_space<vmem>>
      %dma_wait3A_305 = arith.constant 0 : i32
      %dma_wait3A_306 = tpu.memref_slice %arg9[%dma_wait3A_301, %dma_wait3A_305] : memref<2x40xi32, #tpu.memory_space<vmem>> -> memref<1x40xi32, #tpu.memory_space<vmem>>
      %dma_wait3A_307 = tpu.memref_squeeze %dma_wait3A_306 : memref<1x40xi32, #tpu.memory_space<vmem>> -> memref<40xi32, #tpu.memory_space<vmem>>
      %dma_wait3A_308 = arith.constant 0 : i32
      %dma_wait3A_309 = arith.constant 0 : i32
      %dma_wait3A_310 = tpu.memref_slice %arg16[%dma_wait3A_308, %dma_wait3A_309] : memref<10000x128xf32, #tpu.memory_space<vmem_shared>> -> memref<10000x128xf32, #tpu.memory_space<vmem_shared>>
      tpu.wait_indirect_dma semaphore(%arg23 : memref<!tpu.dma_semaphore, #tpu.memory_space<semaphore_mem>>) src(%dma_wait3A_304 : memref<40x128xf32, #tpu.memory_space<vmem>>) dst(%dma_wait3A_310 : memref<10000x128xf32, #tpu.memory_space<vmem_shared>>)
      %dma_start3A_311 = arith.constant 0 : i32
      %dma_start3A_312 = arith.constant 0 : i32
      %dma_start3A_313 = tpu.memref_slice %arg2[%dma_start3A_311, %dma_start3A_312] : memref<10000x128xf32, #tpu.memory_space<hbm>> -> memref<10000x128xf32, #tpu.memory_space<hbm>>
      tpu.enqueue_indirect_dma source(%dma_start3A_313 : memref<10000x128xf32, #tpu.memory_space<hbm>>) target(%arg11 : memref<80x128xf32, #tpu.memory_space<vmem>>) offsets(%arg7 : memref<80xi32, #tpu.memory_space<vmem>>) semaphore(%arg21 : memref<!tpu.dma_semaphore, #tpu.memory_space<semaphore_mem>>)
      %add3A_314 = arith.constant 1 : i32
      %add3A_315 = arith.addi %mul3A_184, %add3A_314 : i32
      %mul3A_316 = arith.constant 10000 : i32
      %mul3A_317 = arith.muli %add3A, %mul3A_316 : i32
      %mul3A_318 = arith.constant 80 : i32
      %mul3A_319 = arith.muli %add3A_315, %mul3A_318 : i32
      %add3A_320 = arith.addi %mul3A_317, %mul3A_319 : i32
      %dma_wait3A_321 = arith.constant 0 : i32
      %dma_wait3A_322 = tpu.memref_slice %arg3[%add3A_320, %dma_wait3A_321] : memref<320000x128xf32, #tpu.memory_space<hbm>> -> memref<80x128xf32, #tpu.memory_space<hbm>>
      %dma_wait3A_323 = arith.constant 0 : i32
      %dma_wait3A_324 = tpu.memref_slice %arg3[%add3A_320, %dma_wait3A_323] : memref<320000x128xf32, #tpu.memory_space<hbm>> -> memref<80x128xf32, #tpu.memory_space<hbm>>
      tpu.wait_dma2 semaphore(%arg20 : memref<!tpu.dma_semaphore, #tpu.memory_space<semaphore_mem>>) src(%dma_wait3A_324 : memref<80x128xf32, #tpu.memory_space<hbm>>) dst(%arg14 : memref<80x128xf32, #tpu.memory_space<vmem>>)
      %dma_wait3A_325 = arith.constant 0 : i32
      %dma_wait3A_326 = arith.constant 0 : i32
      %dma_wait3A_327 = tpu.memref_slice %arg2[%dma_wait3A_325, %dma_wait3A_326] : memref<10000x128xf32, #tpu.memory_space<hbm>> -> memref<10000x128xf32, #tpu.memory_space<hbm>>
      tpu.wait_indirect_dma semaphore(%arg22 : memref<!tpu.dma_semaphore, #tpu.memory_space<semaphore_mem>>) src(%dma_wait3A_327 : memref<10000x128xf32, #tpu.memory_space<hbm>>) dst(%arg12 : memref<80x128xf32, #tpu.memory_space<vmem>>)
      %scan3A_328 = arith.constant 0 : i32
      %scan3A_329 = arith.constant 0 : i32
      %scan3A_330 = arith.constant 20 : i32
      %scan3A_331 = arith.addi %scan3A_329, %scan3A_330 : i32
      %scan3A_332 = arith.constant 1 : i32
      %scan3A_333 = scf.for %scan3A_370 = %scan3A_329 to %scan3A_331 step %scan3A_332 iter_args(%scan3A_371 = %scan3A_328) -> (i32)  : i32 {
        %mul3A_372 = arith.constant 2 : i32
        %mul3A_373 = arith.muli %mul3A_372, %scan3A_370 : i32
        %add3A_374 = arith.constant 0 : i32
        %add3A_375 = arith.addi %mul3A_373, %add3A_374 : i32
        %get3A = arith.index_cast %add3A_375 : i32 to index
        %get3A_376 = arith.constant 0 : index
        %get3A_377 = tpu.vector_load %arg12[%get3A, %get3A_376] {strides = array<i32>} : memref<80x128xf32, #tpu.memory_space<vmem>>, vector<1x16xf32>,
        %get3A_378 = vector.shape_cast %get3A_377 : vector<1x16xf32> to vector<16xf32>
        %mul3A_379 = arith.constant 2 : i32
        %mul3A_380 = arith.muli %mul3A_379, %scan3A_370 : i32
        %add3A_381 = arith.constant 0 : i32
        %add3A_382 = arith.addi %mul3A_380, %add3A_381 : i32
        %get3A_383 = arith.index_cast %add3A_382 : i32 to index
        %get3A_384 = arith.constant 0 : index
        %get3A_385 = tpu.vector_load %arg14[%get3A_383, %get3A_384] {strides = array<i32>} : memref<80x128xf32, #tpu.memory_space<vmem>>, vector<1x16xf32>,
        %get3A_386 = vector.shape_cast %get3A_385 : vector<1x16xf32> to vector<16xf32>
        %add3A_387 = arith.addf %get3A_378, %get3A_386 : vector<16xf32>
        %max3A = arith.constant 0.000000e+00 : f32
        %max3A_388 = vector.broadcast %max3A : f32 to vector<16xf32>
        %max3A_389 = arith.maximumf %add3A_387, %max3A_388 : vector<16xf32>
        %mul3A_390 = arith.constant 2 : i32
        %mul3A_391 = arith.muli %mul3A_390, %scan3A_370 : i32
        %add3A_392 = arith.constant 0 : i32
        %add3A_393 = arith.addi %mul3A_391, %add3A_392 : i32
        %swap3A = arith.index_cast %add3A_393 : i32 to index
        %swap3A_394 = arith.constant 0 : index
        %swap3A_395 = tpu.vector_load %arg12[%swap3A, %swap3A_394] {strides = array<i32>} : memref<80x128xf32, #tpu.memory_space<vmem>>, vector<1x16xf32>,
        %swap3A_396 = vector.shape_cast %swap3A_395 : vector<1x16xf32> to vector<16xf32>
        %swap3A_397 = vector.shape_cast %max3A_389 : vector<16xf32> to vector<1x16xf32>
        tpu.vector_store %arg12[%swap3A, %swap3A_394], %swap3A_397 {strides = array<i32>} : memref<80x128xf32, #tpu.memory_space<vmem>>, vector<1x16xf32>,
        %mul3A_398 = arith.constant 2 : i32
        %mul3A_399 = arith.muli %mul3A_398, %scan3A_370 : i32
        %add3A_400 = arith.constant 0 : i32
        %add3A_401 = arith.addi %mul3A_399, %add3A_400 : i32
        %get3A_402 = arith.index_cast %add3A_401 : i32 to index
        %get3A_403 = arith.constant 16 : index
        %get3A_404 = tpu.vector_load %arg12[%get3A_402, %get3A_403] {strides = array<i32>} : memref<80x128xf32, #tpu.memory_space<vmem>>, vector<1x16xf32>,
        %get3A_405 = vector.shape_cast %get3A_404 : vector<1x16xf32> to vector<16xf32>
        %mul3A_406 = arith.constant 2 : i32
        %mul3A_407 = arith.muli %mul3A_406, %scan3A_370 : i32
        %add3A_408 = arith.constant 0 : i32
        %add3A_409 = arith.addi %mul3A_407, %add3A_408 : i32
        %get3A_410 = arith.index_cast %add3A_409 : i32 to index
        %get3A_411 = arith.constant 16 : index
        %get3A_412 = tpu.vector_load %arg14[%get3A_410, %get3A_411] {strides = array<i32>} : memref<80x128xf32, #tpu.memory_space<vmem>>, vector<1x16xf32>,
        %get3A_413 = vector.shape_cast %get3A_412 : vector<1x16xf32> to vector<16xf32>
        %add3A_414 = arith.addf %get3A_405, %get3A_413 : vector<16xf32>
        %max3A_415 = arith.constant 0.000000e+00 : f32
        %max3A_416 = vector.broadcast %max3A_415 : f32 to vector<16xf32>
        %max3A_417 = arith.maximumf %add3A_414, %max3A_416 : vector<16xf32>
        %mul3A_418 = arith.constant 2 : i32
        %mul3A_419 = arith.muli %mul3A_418, %scan3A_370 : i32
        %add3A_420 = arith.constant 0 : i32
        %add3A_421 = arith.addi %mul3A_419, %add3A_420 : i32
        %swap3A_422 = arith.index_cast %add3A_421 : i32 to index
        %swap3A_423 = arith.constant 16 : index
        %swap3A_424 = tpu.vector_load %arg12[%swap3A_422, %swap3A_423] {strides = array<i32>} : memref<80x128xf32, #tpu.memory_space<vmem>>, vector<1x16xf32>,
        %swap3A_425 = vector.shape_cast %swap3A_424 : vector<1x16xf32> to vector<16xf32>
        %swap3A_426 = vector.shape_cast %max3A_417 : vector<16xf32> to vector<1x16xf32>
        tpu.vector_store %arg12[%swap3A_422, %swap3A_423], %swap3A_426 {strides = array<i32>} : memref<80x128xf32, #tpu.memory_space<vmem>>, vector<1x16xf32>,
        %mul3A_427 = arith.constant 2 : i32
        %mul3A_428 = arith.muli %mul3A_427, %scan3A_370 : i32
        %add3A_429 = arith.constant 0 : i32
        %add3A_430 = arith.addi %mul3A_428, %add3A_429 : i32
        %get3A_431 = arith.index_cast %add3A_430 : i32 to index
        %get3A_432 = arith.constant 32 : index
        %get3A_433 = tpu.vector_load %arg12[%get3A_431, %get3A_432] {strides = array<i32>} : memref<80x128xf32, #tpu.memory_space<vmem>>, vector<1x16xf32>,
        %get3A_434 = vector.shape_cast %get3A_433 : vector<1x16xf32> to vector<16xf32>
        %mul3A_435 = arith.constant 2 : i32
        %mul3A_436 = arith.muli %mul3A_435, %scan3A_370 : i32
        %add3A_437 = arith.constant 0 : i32
        %add3A_438 = arith.addi %mul3A_436, %add3A_437 : i32
        %get3A_439 = arith.index_cast %add3A_438 : i32 to index
        %get3A_440 = arith.constant 32 : index
        %get3A_441 = tpu.vector_load %arg14[%get3A_439, %get3A_440] {strides = array<i32>} : memref<80x128xf32, #tpu.memory_space<vmem>>, vector<1x16xf32>,
        %get3A_442 = vector.shape_cast %get3A_441 : vector<1x16xf32> to vector<16xf32>
        %add3A_443 = arith.addf %get3A_434, %get3A_442 : vector<16xf32>
        %max3A_444 = arith.constant 0.000000e+00 : f32
        %max3A_445 = vector.broadcast %max3A_444 : f32 to vector<16xf32>
        %max3A_446 = arith.maximumf %add3A_443, %max3A_445 : vector<16xf32>
        %mul3A_447 = arith.constant 2 : i32
        %mul3A_448 = arith.muli %mul3A_447, %scan3A_370 : i32
        %add3A_449 = arith.constant 0 : i32
        %add3A_450 = arith.addi %mul3A_448, %add3A_449 : i32
        %swap3A_451 = arith.index_cast %add3A_450 : i32 to index
        %swap3A_452 = arith.constant 32 : index
        %swap3A_453 = tpu.vector_load %arg12[%swap3A_451, %swap3A_452] {strides = array<i32>} : memref<80x128xf32, #tpu.memory_space<vmem>>, vector<1x16xf32>,
        %swap3A_454 = vector.shape_cast %swap3A_453 : vector<1x16xf32> to vector<16xf32>
        %swap3A_455 = vector.shape_cast %max3A_446 : vector<16xf32> to vector<1x16xf32>
        tpu.vector_store %arg12[%swap3A_451, %swap3A_452], %swap3A_455 {strides = array<i32>} : memref<80x128xf32, #tpu.memory_space<vmem>>, vector<1x16xf32>,
        %mul3A_456 = arith.constant 2 : i32
        %mul3A_457 = arith.muli %mul3A_456, %scan3A_370 : i32
        %add3A_458 = arith.constant 0 : i32
        %add3A_459 = arith.addi %mul3A_457, %add3A_458 : i32
        %get3A_460 = arith.index_cast %add3A_459 : i32 to index
        %get3A_461 = arith.constant 48 : index
        %get3A_462 = tpu.vector_load %arg12[%get3A_460, %get3A_461] {strides = array<i32>} : memref<80x128xf32, #tpu.memory_space<vmem>>, vector<1x16xf32>,
        %get3A_463 = vector.shape_cast %get3A_462 : vector<1x16xf32> to vector<16xf32>
        %mul3A_464 = arith.constant 2 : i32
        %mul3A_465 = arith.muli %mul3A_464, %scan3A_370 : i32
        %add3A_466 = arith.constant 0 : i32
        %add3A_467 = arith.addi %mul3A_465, %add3A_466 : i32
        %get3A_468 = arith.index_cast %add3A_467 : i32 to index
        %get3A_469 = arith.constant 48 : index
        %get3A_470 = tpu.vector_load %arg14[%get3A_468, %get3A_469] {strides = array<i32>} : memref<80x128xf32, #tpu.memory_space<vmem>>, vector<1x16xf32>,
        %get3A_471 = vector.shape_cast %get3A_470 : vector<1x16xf32> to vector<16xf32>
        %add3A_472 = arith.addf %get3A_463, %get3A_471 : vector<16xf32>
        %max3A_473 = arith.constant 0.000000e+00 : f32
        %max3A_474 = vector.broadcast %max3A_473 : f32 to vector<16xf32>
        %max3A_475 = arith.maximumf %add3A_472, %max3A_474 : vector<16xf32>
        %mul3A_476 = arith.constant 2 : i32
        %mul3A_477 = arith.muli %mul3A_476, %scan3A_370 : i32
        %add3A_478 = arith.constant 0 : i32
        %add3A_479 = arith.addi %mul3A_477, %add3A_478 : i32
        %swap3A_480 = arith.index_cast %add3A_479 : i32 to index
        %swap3A_481 = arith.constant 48 : index
        %swap3A_482 = tpu.vector_load %arg12[%swap3A_480, %swap3A_481] {strides = array<i32>} : memref<80x128xf32, #tpu.memory_space<vmem>>, vector<1x16xf32>,
        %swap3A_483 = vector.shape_cast %swap3A_482 : vector<1x16xf32> to vector<16xf32>
        %swap3A_484 = vector.shape_cast %max3A_475 : vector<16xf32> to vector<1x16xf32>
        tpu.vector_store %arg12[%swap3A_480, %swap3A_481], %swap3A_484 {strides = array<i32>} : memref<80x128xf32, #tpu.memory_space<vmem>>, vector<1x16xf32>,
        %mul3A_485 = arith.constant 2 : i32
        %mul3A_486 = arith.muli %mul3A_485, %scan3A_370 : i32
        %add3A_487 = arith.constant 0 : i32
        %add3A_488 = arith.addi %mul3A_486, %add3A_487 : i32
        %get3A_489 = arith.index_cast %add3A_488 : i32 to index
        %get3A_490 = arith.constant 64 : index
        %get3A_491 = tpu.vector_load %arg12[%get3A_489, %get3A_490] {strides = array<i32>} : memref<80x128xf32, #tpu.memory_space<vmem>>, vector<1x16xf32>,
        %get3A_492 = vector.shape_cast %get3A_491 : vector<1x16xf32> to vector<16xf32>
        %mul3A_493 = arith.constant 2 : i32
        %mul3A_494 = arith.muli %mul3A_493, %scan3A_370 : i32
        %add3A_495 = arith.constant 0 : i32
        %add3A_496 = arith.addi %mul3A_494, %add3A_495 : i32
        %get3A_497 = arith.index_cast %add3A_496 : i32 to index
        %get3A_498 = arith.constant 64 : index
        %get3A_499 = tpu.vector_load %arg14[%get3A_497, %get3A_498] {strides = array<i32>} : memref<80x128xf32, #tpu.memory_space<vmem>>, vector<1x16xf32>,
        %get3A_500 = vector.shape_cast %get3A_499 : vector<1x16xf32> to vector<16xf32>
        %add3A_501 = arith.addf %get3A_492, %get3A_500 : vector<16xf32>
        %max3A_502 = arith.constant 0.000000e+00 : f32
        %max3A_503 = vector.broadcast %max3A_502 : f32 to vector<16xf32>
        %max3A_504 = arith.maximumf %add3A_501, %max3A_503 : vector<16xf32>
        %mul3A_505 = arith.constant 2 : i32
        %mul3A_506 = arith.muli %mul3A_505, %scan3A_370 : i32
        %add3A_507 = arith.constant 0 : i32
        %add3A_508 = arith.addi %mul3A_506, %add3A_507 : i32
        %swap3A_509 = arith.index_cast %add3A_508 : i32 to index
        %swap3A_510 = arith.constant 64 : index
        %swap3A_511 = tpu.vector_load %arg12[%swap3A_509, %swap3A_510] {strides = array<i32>} : memref<80x128xf32, #tpu.memory_space<vmem>>, vector<1x16xf32>,
        %swap3A_512 = vector.shape_cast %swap3A_511 : vector<1x16xf32> to vector<16xf32>
        %swap3A_513 = vector.shape_cast %max3A_504 : vector<16xf32> to vector<1x16xf32>
        tpu.vector_store %arg12[%swap3A_509, %swap3A_510], %swap3A_513 {strides = array<i32>} : memref<80x128xf32, #tpu.memory_space<vmem>>, vector<1x16xf32>,
        %mul3A_514 = arith.constant 2 : i32
        %mul3A_515 = arith.muli %mul3A_514, %scan3A_370 : i32
        %add3A_516 = arith.constant 0 : i32
        %add3A_517 = arith.addi %mul3A_515, %add3A_516 : i32
        %get3A_518 = arith.index_cast %add3A_517 : i32 to index
        %get3A_519 = arith.constant 80 : index
        %get3A_520 = tpu.vector_load %arg12[%get3A_518, %get3A_519] {strides = array<i32>} : memref<80x128xf32, #tpu.memory_space<vmem>>, vector<1x16xf32>,
        %get3A_521 = vector.shape_cast %get3A_520 : vector<1x16xf32> to vector<16xf32>
        %mul3A_522 = arith.constant 2 : i32
        %mul3A_523 = arith.muli %mul3A_522, %scan3A_370 : i32
        %add3A_524 = arith.constant 0 : i32
        %add3A_525 = arith.addi %mul3A_523, %add3A_524 : i32
        %get3A_526 = arith.index_cast %add3A_525 : i32 to index
        %get3A_527 = arith.constant 80 : index
        %get3A_528 = tpu.vector_load %arg14[%get3A_526, %get3A_527] {strides = array<i32>} : memref<80x128xf32, #tpu.memory_space<vmem>>, vector<1x16xf32>,
        %get3A_529 = vector.shape_cast %get3A_528 : vector<1x16xf32> to vector<16xf32>
        %add3A_530 = arith.addf %get3A_521, %get3A_529 : vector<16xf32>
        %max3A_531 = arith.constant 0.000000e+00 : f32
        %max3A_532 = vector.broadcast %max3A_531 : f32 to vector<16xf32>
        %max3A_533 = arith.maximumf %add3A_530, %max3A_532 : vector<16xf32>
        %mul3A_534 = arith.constant 2 : i32
        %mul3A_535 = arith.muli %mul3A_534, %scan3A_370 : i32
        %add3A_536 = arith.constant 0 : i32
        %add3A_537 = arith.addi %mul3A_535, %add3A_536 : i32
        %swap3A_538 = arith.index_cast %add3A_537 : i32 to index
        %swap3A_539 = arith.constant 80 : index
        %swap3A_540 = tpu.vector_load %arg12[%swap3A_538, %swap3A_539] {strides = array<i32>} : memref<80x128xf32, #tpu.memory_space<vmem>>, vector<1x16xf32>,
        %swap3A_541 = vector.shape_cast %swap3A_540 : vector<1x16xf32> to vector<16xf32>
        %swap3A_542 = vector.shape_cast %max3A_533 : vector<16xf32> to vector<1x16xf32>
        tpu.vector_store %arg12[%swap3A_538, %swap3A_539], %swap3A_542 {strides = array<i32>} : memref<80x128xf32, #tpu.memory_space<vmem>>, vector<1x16xf32>,
        %mul3A_543 = arith.constant 2 : i32
        %mul3A_544 = arith.muli %mul3A_543, %scan3A_370 : i32
        %add3A_545 = arith.constant 0 : i32
        %add3A_546 = arith.addi %mul3A_544, %add3A_545 : i32
        %get3A_547 = arith.index_cast %add3A_546 : i32 to index
        %get3A_548 = arith.constant 96 : index
        %get3A_549 = tpu.vector_load %arg12[%get3A_547, %get3A_548] {strides = array<i32>} : memref<80x128xf32, #tpu.memory_space<vmem>>, vector<1x16xf32>,
        %get3A_550 = vector.shape_cast %get3A_549 : vector<1x16xf32> to vector<16xf32>
        %mul3A_551 = arith.constant 2 : i32
        %mul3A_552 = arith.muli %mul3A_551, %scan3A_370 : i32
        %add3A_553 = arith.constant 0 : i32
        %add3A_554 = arith.addi %mul3A_552, %add3A_553 : i32
        %get3A_555 = arith.index_cast %add3A_554 : i32 to index
        %get3A_556 = arith.constant 96 : index
        %get3A_557 = tpu.vector_load %arg14[%get3A_555, %get3A_556] {strides = array<i32>} : memref<80x128xf32, #tpu.memory_space<vmem>>, vector<1x16xf32>,
        %get3A_558 = vector.shape_cast %get3A_557 : vector<1x16xf32> to vector<16xf32>
        %add3A_559 = arith.addf %get3A_550, %get3A_558 : vector<16xf32>
        %max3A_560 = arith.constant 0.000000e+00 : f32
        %max3A_561 = vector.broadcast %max3A_560 : f32 to vector<16xf32>
        %max3A_562 = arith.maximumf %add3A_559, %max3A_561 : vector<16xf32>
        %mul3A_563 = arith.constant 2 : i32
        %mul3A_564 = arith.muli %mul3A_563, %scan3A_370 : i32
        %add3A_565 = arith.constant 0 : i32
        %add3A_566 = arith.addi %mul3A_564, %add3A_565 : i32
        %swap3A_567 = arith.index_cast %add3A_566 : i32 to index
        %swap3A_568 = arith.constant 96 : index
        %swap3A_569 = tpu.vector_load %arg12[%swap3A_567, %swap3A_568] {strides = array<i32>} : memref<80x128xf32, #tpu.memory_space<vmem>>, vector<1x16xf32>,
        %swap3A_570 = vector.shape_cast %swap3A_569 : vector<1x16xf32> to vector<16xf32>
        %swap3A_571 = vector.shape_cast %max3A_562 : vector<16xf32> to vector<1x16xf32>
        tpu.vector_store %arg12[%swap3A_567, %swap3A_568], %swap3A_571 {strides = array<i32>} : memref<80x128xf32, #tpu.memory_space<vmem>>, vector<1x16xf32>,
        %mul3A_572 = arith.constant 2 : i32
        %mul3A_573 = arith.muli %mul3A_572, %scan3A_370 : i32
        %add3A_574 = arith.constant 0 : i32
        %add3A_575 = arith.addi %mul3A_573, %add3A_574 : i32
        %get3A_576 = arith.index_cast %add3A_575 : i32 to index
        %get3A_577 = arith.constant 112 : index
        %get3A_578 = tpu.vector_load %arg12[%get3A_576, %get3A_577] {strides = array<i32>} : memref<80x128xf32, #tpu.memory_space<vmem>>, vector<1x16xf32>,
        %get3A_579 = vector.shape_cast %get3A_578 : vector<1x16xf32> to vector<16xf32>
        %mul3A_580 = arith.constant 2 : i32
        %mul3A_581 = arith.muli %mul3A_580, %scan3A_370 : i32
        %add3A_582 = arith.constant 0 : i32
        %add3A_583 = arith.addi %mul3A_581, %add3A_582 : i32
        %get3A_584 = arith.index_cast %add3A_583 : i32 to index
        %get3A_585 = arith.constant 112 : index
        %get3A_586 = tpu.vector_load %arg14[%get3A_584, %get3A_585] {strides = array<i32>} : memref<80x128xf32, #tpu.memory_space<vmem>>, vector<1x16xf32>,
        %get3A_587 = vector.shape_cast %get3A_586 : vector<1x16xf32> to vector<16xf32>
        %add3A_588 = arith.addf %get3A_579, %get3A_587 : vector<16xf32>
        %max3A_589 = arith.constant 0.000000e+00 : f32
        %max3A_590 = vector.broadcast %max3A_589 : f32 to vector<16xf32>
        %max3A_591 = arith.maximumf %add3A_588, %max3A_590 : vector<16xf32>
        %mul3A_592 = arith.constant 2 : i32
        %mul3A_593 = arith.muli %mul3A_592, %scan3A_370 : i32
        %add3A_594 = arith.constant 0 : i32
        %add3A_595 = arith.addi %mul3A_593, %add3A_594 : i32
        %swap3A_596 = arith.index_cast %add3A_595 : i32 to index
        %swap3A_597 = arith.constant 112 : index
        %swap3A_598 = tpu.vector_load %arg12[%swap3A_596, %swap3A_597] {strides = array<i32>} : memref<80x128xf32, #tpu.memory_space<vmem>>, vector<1x16xf32>,
        %swap3A_599 = vector.shape_cast %swap3A_598 : vector<1x16xf32> to vector<16xf32>
        %swap3A_600 = vector.shape_cast %max3A_591 : vector<16xf32> to vector<1x16xf32>
        tpu.vector_store %arg12[%swap3A_596, %swap3A_597], %swap3A_600 {strides = array<i32>} : memref<80x128xf32, #tpu.memory_space<vmem>>, vector<1x16xf32>,
        %mul3A_601 = arith.constant 2 : i32
        %mul3A_602 = arith.muli %mul3A_601, %scan3A_370 : i32
        %add3A_603 = arith.constant 1 : i32
        %add3A_604 = arith.addi %mul3A_602, %add3A_603 : i32
        %get3A_605 = arith.index_cast %add3A_604 : i32 to index
        %get3A_606 = arith.constant 0 : index
        %get3A_607 = tpu.vector_load %arg12[%get3A_605, %get3A_606] {strides = array<i32>} : memref<80x128xf32, #tpu.memory_space<vmem>>, vector<1x16xf32>,
        %get3A_608 = vector.shape_cast %get3A_607 : vector<1x16xf32> to vector<16xf32>
        %mul3A_609 = arith.constant 2 : i32
        %mul3A_610 = arith.muli %mul3A_609, %scan3A_370 : i32
        %add3A_611 = arith.constant 1 : i32
        %add3A_612 = arith.addi %mul3A_610, %add3A_611 : i32
        %get3A_613 = arith.index_cast %add3A_612 : i32 to index
        %get3A_614 = arith.constant 0 : index
        %get3A_615 = tpu.vector_load %arg14[%get3A_613, %get3A_614] {strides = array<i32>} : memref<80x128xf32, #tpu.memory_space<vmem>>, vector<1x16xf32>,
        %get3A_616 = vector.shape_cast %get3A_615 : vector<1x16xf32> to vector<16xf32>
        %add3A_617 = arith.addf %get3A_608, %get3A_616 : vector<16xf32>
        %max3A_618 = arith.constant 0.000000e+00 : f32
        %max3A_619 = vector.broadcast %max3A_618 : f32 to vector<16xf32>
        %max3A_620 = arith.maximumf %add3A_617, %max3A_619 : vector<16xf32>
        %mul3A_621 = arith.constant 2 : i32
        %mul3A_622 = arith.muli %mul3A_621, %scan3A_370 : i32
        %add3A_623 = arith.constant 1 : i32
        %add3A_624 = arith.addi %mul3A_622, %add3A_623 : i32
        %swap3A_625 = arith.index_cast %add3A_624 : i32 to index
        %swap3A_626 = arith.constant 0 : index
        %swap3A_627 = tpu.vector_load %arg12[%swap3A_625, %swap3A_626] {strides = array<i32>} : memref<80x128xf32, #tpu.memory_space<vmem>>, vector<1x16xf32>,
        %swap3A_628 = vector.shape_cast %swap3A_627 : vector<1x16xf32> to vector<16xf32>
        %swap3A_629 = vector.shape_cast %max3A_620 : vector<16xf32> to vector<1x16xf32>
        tpu.vector_store %arg12[%swap3A_625, %swap3A_626], %swap3A_629 {strides = array<i32>} : memref<80x128xf32, #tpu.memory_space<vmem>>, vector<1x16xf32>,
        %mul3A_630 = arith.constant 2 : i32
        %mul3A_631 = arith.muli %mul3A_630, %scan3A_370 : i32
        %add3A_632 = arith.constant 1 : i32
        %add3A_633 = arith.addi %mul3A_631, %add3A_632 : i32
        %get3A_634 = arith.index_cast %add3A_633 : i32 to index
        %get3A_635 = arith.constant 16 : index
        %get3A_636 = tpu.vector_load %arg12[%get3A_634, %get3A_635] {strides = array<i32>} : memref<80x128xf32, #tpu.memory_space<vmem>>, vector<1x16xf32>,
        %get3A_637 = vector.shape_cast %get3A_636 : vector<1x16xf32> to vector<16xf32>
        %mul3A_638 = arith.constant 2 : i32
        %mul3A_639 = arith.muli %mul3A_638, %scan3A_370 : i32
        %add3A_640 = arith.constant 1 : i32
        %add3A_641 = arith.addi %mul3A_639, %add3A_640 : i32
        %get3A_642 = arith.index_cast %add3A_641 : i32 to index
        %get3A_643 = arith.constant 16 : index
        %get3A_644 = tpu.vector_load %arg14[%get3A_642, %get3A_643] {strides = array<i32>} : memref<80x128xf32, #tpu.memory_space<vmem>>, vector<1x16xf32>,
        %get3A_645 = vector.shape_cast %get3A_644 : vector<1x16xf32> to vector<16xf32>
        %add3A_646 = arith.addf %get3A_637, %get3A_645 : vector<16xf32>
        %max3A_647 = arith.constant 0.000000e+00 : f32
        %max3A_648 = vector.broadcast %max3A_647 : f32 to vector<16xf32>
        %max3A_649 = arith.maximumf %add3A_646, %max3A_648 : vector<16xf32>
        %mul3A_650 = arith.constant 2 : i32
        %mul3A_651 = arith.muli %mul3A_650, %scan3A_370 : i32
        %add3A_652 = arith.constant 1 : i32
        %add3A_653 = arith.addi %mul3A_651, %add3A_652 : i32
        %swap3A_654 = arith.index_cast %add3A_653 : i32 to index
        %swap3A_655 = arith.constant 16 : index
        %swap3A_656 = tpu.vector_load %arg12[%swap3A_654, %swap3A_655] {strides = array<i32>} : memref<80x128xf32, #tpu.memory_space<vmem>>, vector<1x16xf32>,
        %swap3A_657 = vector.shape_cast %swap3A_656 : vector<1x16xf32> to vector<16xf32>
        %swap3A_658 = vector.shape_cast %max3A_649 : vector<16xf32> to vector<1x16xf32>
        tpu.vector_store %arg12[%swap3A_654, %swap3A_655], %swap3A_658 {strides = array<i32>} : memref<80x128xf32, #tpu.memory_space<vmem>>, vector<1x16xf32>,
        %mul3A_659 = arith.constant 2 : i32
        %mul3A_660 = arith.muli %mul3A_659, %scan3A_370 : i32
        %add3A_661 = arith.constant 1 : i32
        %add3A_662 = arith.addi %mul3A_660, %add3A_661 : i32
        %get3A_663 = arith.index_cast %add3A_662 : i32 to index
        %get3A_664 = arith.constant 32 : index
        %get3A_665 = tpu.vector_load %arg12[%get3A_663, %get3A_664] {strides = array<i32>} : memref<80x128xf32, #tpu.memory_space<vmem>>, vector<1x16xf32>,
        %get3A_666 = vector.shape_cast %get3A_665 : vector<1x16xf32> to vector<16xf32>
        %mul3A_667 = arith.constant 2 : i32
        %mul3A_668 = arith.muli %mul3A_667, %scan3A_370 : i32
        %add3A_669 = arith.constant 1 : i32
        %add3A_670 = arith.addi %mul3A_668, %add3A_669 : i32
        %get3A_671 = arith.index_cast %add3A_670 : i32 to index
        %get3A_672 = arith.constant 32 : index
        %get3A_673 = tpu.vector_load %arg14[%get3A_671, %get3A_672] {strides = array<i32>} : memref<80x128xf32, #tpu.memory_space<vmem>>, vector<1x16xf32>,
        %get3A_674 = vector.shape_cast %get3A_673 : vector<1x16xf32> to vector<16xf32>
        %add3A_675 = arith.addf %get3A_666, %get3A_674 : vector<16xf32>
        %max3A_676 = arith.constant 0.000000e+00 : f32
        %max3A_677 = vector.broadcast %max3A_676 : f32 to vector<16xf32>
        %max3A_678 = arith.maximumf %add3A_675, %max3A_677 : vector<16xf32>
        %mul3A_679 = arith.constant 2 : i32
        %mul3A_680 = arith.muli %mul3A_679, %scan3A_370 : i32
        %add3A_681 = arith.constant 1 : i32
        %add3A_682 = arith.addi %mul3A_680, %add3A_681 : i32
        %swap3A_683 = arith.index_cast %add3A_682 : i32 to index
        %swap3A_684 = arith.constant 32 : index
        %swap3A_685 = tpu.vector_load %arg12[%swap3A_683, %swap3A_684] {strides = array<i32>} : memref<80x128xf32, #tpu.memory_space<vmem>>, vector<1x16xf32>,
        %swap3A_686 = vector.shape_cast %swap3A_685 : vector<1x16xf32> to vector<16xf32>
        %swap3A_687 = vector.shape_cast %max3A_678 : vector<16xf32> to vector<1x16xf32>
        tpu.vector_store %arg12[%swap3A_683, %swap3A_684], %swap3A_687 {strides = array<i32>} : memref<80x128xf32, #tpu.memory_space<vmem>>, vector<1x16xf32>,
        %mul3A_688 = arith.constant 2 : i32
        %mul3A_689 = arith.muli %mul3A_688, %scan3A_370 : i32
        %add3A_690 = arith.constant 1 : i32
        %add3A_691 = arith.addi %mul3A_689, %add3A_690 : i32
        %get3A_692 = arith.index_cast %add3A_691 : i32 to index
        %get3A_693 = arith.constant 48 : index
        %get3A_694 = tpu.vector_load %arg12[%get3A_692, %get3A_693] {strides = array<i32>} : memref<80x128xf32, #tpu.memory_space<vmem>>, vector<1x16xf32>,
        %get3A_695 = vector.shape_cast %get3A_694 : vector<1x16xf32> to vector<16xf32>
        %mul3A_696 = arith.constant 2 : i32
        %mul3A_697 = arith.muli %mul3A_696, %scan3A_370 : i32
        %add3A_698 = arith.constant 1 : i32
        %add3A_699 = arith.addi %mul3A_697, %add3A_698 : i32
        %get3A_700 = arith.index_cast %add3A_699 : i32 to index
        %get3A_701 = arith.constant 48 : index
        %get3A_702 = tpu.vector_load %arg14[%get3A_700, %get3A_701] {strides = array<i32>} : memref<80x128xf32, #tpu.memory_space<vmem>>, vector<1x16xf32>,
        %get3A_703 = vector.shape_cast %get3A_702 : vector<1x16xf32> to vector<16xf32>
        %add3A_704 = arith.addf %get3A_695, %get3A_703 : vector<16xf32>
        %max3A_705 = arith.constant 0.000000e+00 : f32
        %max3A_706 = vector.broadcast %max3A_705 : f32 to vector<16xf32>
        %max3A_707 = arith.maximumf %add3A_704, %max3A_706 : vector<16xf32>
        %mul3A_708 = arith.constant 2 : i32
        %mul3A_709 = arith.muli %mul3A_708, %scan3A_370 : i32
        %add3A_710 = arith.constant 1 : i32
        %add3A_711 = arith.addi %mul3A_709, %add3A_710 : i32
        %swap3A_712 = arith.index_cast %add3A_711 : i32 to index
        %swap3A_713 = arith.constant 48 : index
        %swap3A_714 = tpu.vector_load %arg12[%swap3A_712, %swap3A_713] {strides = array<i32>} : memref<80x128xf32, #tpu.memory_space<vmem>>, vector<1x16xf32>,
        %swap3A_715 = vector.shape_cast %swap3A_714 : vector<1x16xf32> to vector<16xf32>
        %swap3A_716 = vector.shape_cast %max3A_707 : vector<16xf32> to vector<1x16xf32>
        tpu.vector_store %arg12[%swap3A_712, %swap3A_713], %swap3A_716 {strides = array<i32>} : memref<80x128xf32, #tpu.memory_space<vmem>>, vector<1x16xf32>,
        %mul3A_717 = arith.constant 2 : i32
        %mul3A_718 = arith.muli %mul3A_717, %scan3A_370 : i32
        %add3A_719 = arith.constant 1 : i32
        %add3A_720 = arith.addi %mul3A_718, %add3A_719 : i32
        %get3A_721 = arith.index_cast %add3A_720 : i32 to index
        %get3A_722 = arith.constant 64 : index
        %get3A_723 = tpu.vector_load %arg12[%get3A_721, %get3A_722] {strides = array<i32>} : memref<80x128xf32, #tpu.memory_space<vmem>>, vector<1x16xf32>,
        %get3A_724 = vector.shape_cast %get3A_723 : vector<1x16xf32> to vector<16xf32>
        %mul3A_725 = arith.constant 2 : i32
        %mul3A_726 = arith.muli %mul3A_725, %scan3A_370 : i32
        %add3A_727 = arith.constant 1 : i32
        %add3A_728 = arith.addi %mul3A_726, %add3A_727 : i32
        %get3A_729 = arith.index_cast %add3A_728 : i32 to index
        %get3A_730 = arith.constant 64 : index
        %get3A_731 = tpu.vector_load %arg14[%get3A_729, %get3A_730] {strides = array<i32>} : memref<80x128xf32, #tpu.memory_space<vmem>>, vector<1x16xf32>,
        %get3A_732 = vector.shape_cast %get3A_731 : vector<1x16xf32> to vector<16xf32>
        %add3A_733 = arith.addf %get3A_724, %get3A_732 : vector<16xf32>
        %max3A_734 = arith.constant 0.000000e+00 : f32
        %max3A_735 = vector.broadcast %max3A_734 : f32 to vector<16xf32>
        %max3A_736 = arith.maximumf %add3A_733, %max3A_735 : vector<16xf32>
        %mul3A_737 = arith.constant 2 : i32
        %mul3A_738 = arith.muli %mul3A_737, %scan3A_370 : i32
        %add3A_739 = arith.constant 1 : i32
        %add3A_740 = arith.addi %mul3A_738, %add3A_739 : i32
        %swap3A_741 = arith.index_cast %add3A_740 : i32 to index
        %swap3A_742 = arith.constant 64 : index
        %swap3A_743 = tpu.vector_load %arg12[%swap3A_741, %swap3A_742] {strides = array<i32>} : memref<80x128xf32, #tpu.memory_space<vmem>>, vector<1x16xf32>,
        %swap3A_744 = vector.shape_cast %swap3A_743 : vector<1x16xf32> to vector<16xf32>
        %swap3A_745 = vector.shape_cast %max3A_736 : vector<16xf32> to vector<1x16xf32>
        tpu.vector_store %arg12[%swap3A_741, %swap3A_742], %swap3A_745 {strides = array<i32>} : memref<80x128xf32, #tpu.memory_space<vmem>>, vector<1x16xf32>,
        %mul3A_746 = arith.constant 2 : i32
        %mul3A_747 = arith.muli %mul3A_746, %scan3A_370 : i32
        %add3A_748 = arith.constant 1 : i32
        %add3A_749 = arith.addi %mul3A_747, %add3A_748 : i32
        %get3A_750 = arith.index_cast %add3A_749 : i32 to index
        %get3A_751 = arith.constant 80 : index
        %get3A_752 = tpu.vector_load %arg12[%get3A_750, %get3A_751] {strides = array<i32>} : memref<80x128xf32, #tpu.memory_space<vmem>>, vector<1x16xf32>,
        %get3A_753 = vector.shape_cast %get3A_752 : vector<1x16xf32> to vector<16xf32>
        %mul3A_754 = arith.constant 2 : i32
        %mul3A_755 = arith.muli %mul3A_754, %scan3A_370 : i32
        %add3A_756 = arith.constant 1 : i32
        %add3A_757 = arith.addi %mul3A_755, %add3A_756 : i32
        %get3A_758 = arith.index_cast %add3A_757 : i32 to index
        %get3A_759 = arith.constant 80 : index
        %get3A_760 = tpu.vector_load %arg14[%get3A_758, %get3A_759] {strides = array<i32>} : memref<80x128xf32, #tpu.memory_space<vmem>>, vector<1x16xf32>,
        %get3A_761 = vector.shape_cast %get3A_760 : vector<1x16xf32> to vector<16xf32>
        %add3A_762 = arith.addf %get3A_753, %get3A_761 : vector<16xf32>
        %max3A_763 = arith.constant 0.000000e+00 : f32
        %max3A_764 = vector.broadcast %max3A_763 : f32 to vector<16xf32>
        %max3A_765 = arith.maximumf %add3A_762, %max3A_764 : vector<16xf32>
        %mul3A_766 = arith.constant 2 : i32
        %mul3A_767 = arith.muli %mul3A_766, %scan3A_370 : i32
        %add3A_768 = arith.constant 1 : i32
        %add3A_769 = arith.addi %mul3A_767, %add3A_768 : i32
        %swap3A_770 = arith.index_cast %add3A_769 : i32 to index
        %swap3A_771 = arith.constant 80 : index
        %swap3A_772 = tpu.vector_load %arg12[%swap3A_770, %swap3A_771] {strides = array<i32>} : memref<80x128xf32, #tpu.memory_space<vmem>>, vector<1x16xf32>,
        %swap3A_773 = vector.shape_cast %swap3A_772 : vector<1x16xf32> to vector<16xf32>
        %swap3A_774 = vector.shape_cast %max3A_765 : vector<16xf32> to vector<1x16xf32>
        tpu.vector_store %arg12[%swap3A_770, %swap3A_771], %swap3A_774 {strides = array<i32>} : memref<80x128xf32, #tpu.memory_space<vmem>>, vector<1x16xf32>,
        %mul3A_775 = arith.constant 2 : i32
        %mul3A_776 = arith.muli %mul3A_775, %scan3A_370 : i32
        %add3A_777 = arith.constant 1 : i32
        %add3A_778 = arith.addi %mul3A_776, %add3A_777 : i32
        %get3A_779 = arith.index_cast %add3A_778 : i32 to index
        %get3A_780 = arith.constant 96 : index
        %get3A_781 = tpu.vector_load %arg12[%get3A_779, %get3A_780] {strides = array<i32>} : memref<80x128xf32, #tpu.memory_space<vmem>>, vector<1x16xf32>,
        %get3A_782 = vector.shape_cast %get3A_781 : vector<1x16xf32> to vector<16xf32>
        %mul3A_783 = arith.constant 2 : i32
        %mul3A_784 = arith.muli %mul3A_783, %scan3A_370 : i32
        %add3A_785 = arith.constant 1 : i32
        %add3A_786 = arith.addi %mul3A_784, %add3A_785 : i32
        %get3A_787 = arith.index_cast %add3A_786 : i32 to index
        %get3A_788 = arith.constant 96 : index
        %get3A_789 = tpu.vector_load %arg14[%get3A_787, %get3A_788] {strides = array<i32>} : memref<80x128xf32, #tpu.memory_space<vmem>>, vector<1x16xf32>,
        %get3A_790 = vector.shape_cast %get3A_789 : vector<1x16xf32> to vector<16xf32>
        %add3A_791 = arith.addf %get3A_782, %get3A_790 : vector<16xf32>
        %max3A_792 = arith.constant 0.000000e+00 : f32
        %max3A_793 = vector.broadcast %max3A_792 : f32 to vector<16xf32>
        %max3A_794 = arith.maximumf %add3A_791, %max3A_793 : vector<16xf32>
        %mul3A_795 = arith.constant 2 : i32
        %mul3A_796 = arith.muli %mul3A_795, %scan3A_370 : i32
        %add3A_797 = arith.constant 1 : i32
        %add3A_798 = arith.addi %mul3A_796, %add3A_797 : i32
        %swap3A_799 = arith.index_cast %add3A_798 : i32 to index
        %swap3A_800 = arith.constant 96 : index
        %swap3A_801 = tpu.vector_load %arg12[%swap3A_799, %swap3A_800] {strides = array<i32>} : memref<80x128xf32, #tpu.memory_space<vmem>>, vector<1x16xf32>,
        %swap3A_802 = vector.shape_cast %swap3A_801 : vector<1x16xf32> to vector<16xf32>
        %swap3A_803 = vector.shape_cast %max3A_794 : vector<16xf32> to vector<1x16xf32>
        tpu.vector_store %arg12[%swap3A_799, %swap3A_800], %swap3A_803 {strides = array<i32>} : memref<80x128xf32, #tpu.memory_space<vmem>>, vector<1x16xf32>,
        %mul3A_804 = arith.constant 2 : i32
        %mul3A_805 = arith.muli %mul3A_804, %scan3A_370 : i32
        %add3A_806 = arith.constant 1 : i32
        %add3A_807 = arith.addi %mul3A_805, %add3A_806 : i32
        %get3A_808 = arith.index_cast %add3A_807 : i32 to index
        %get3A_809 = arith.constant 112 : index
        %get3A_810 = tpu.vector_load %arg12[%get3A_808, %get3A_809] {strides = array<i32>} : memref<80x128xf32, #tpu.memory_space<vmem>>, vector<1x16xf32>,
        %get3A_811 = vector.shape_cast %get3A_810 : vector<1x16xf32> to vector<16xf32>
        %mul3A_812 = arith.constant 2 : i32
        %mul3A_813 = arith.muli %mul3A_812, %scan3A_370 : i32
        %add3A_814 = arith.constant 1 : i32
        %add3A_815 = arith.addi %mul3A_813, %add3A_814 : i32
        %get3A_816 = arith.index_cast %add3A_815 : i32 to index
        %get3A_817 = arith.constant 112 : index
        %get3A_818 = tpu.vector_load %arg14[%get3A_816, %get3A_817] {strides = array<i32>} : memref<80x128xf32, #tpu.memory_space<vmem>>, vector<1x16xf32>,
        %get3A_819 = vector.shape_cast %get3A_818 : vector<1x16xf32> to vector<16xf32>
        %add3A_820 = arith.addf %get3A_811, %get3A_819 : vector<16xf32>
        %max3A_821 = arith.constant 0.000000e+00 : f32
        %max3A_822 = vector.broadcast %max3A_821 : f32 to vector<16xf32>
        %max3A_823 = arith.maximumf %add3A_820, %max3A_822 : vector<16xf32>
        %mul3A_824 = arith.constant 2 : i32
        %mul3A_825 = arith.muli %mul3A_824, %scan3A_370 : i32
        %add3A_826 = arith.constant 1 : i32
        %add3A_827 = arith.addi %mul3A_825, %add3A_826 : i32
        %swap3A_828 = arith.index_cast %add3A_827 : i32 to index
        %swap3A_829 = arith.constant 112 : index
        %swap3A_830 = tpu.vector_load %arg12[%swap3A_828, %swap3A_829] {strides = array<i32>} : memref<80x128xf32, #tpu.memory_space<vmem>>, vector<1x16xf32>,
        %swap3A_831 = vector.shape_cast %swap3A_830 : vector<1x16xf32> to vector<16xf32>
        %swap3A_832 = vector.shape_cast %max3A_823 : vector<16xf32> to vector<1x16xf32>
        tpu.vector_store %arg12[%swap3A_828, %swap3A_829], %swap3A_832 {strides = array<i32>} : memref<80x128xf32, #tpu.memory_space<vmem>>, vector<1x16xf32>,
        %scan3A_833 = arith.constant 0 : i32
        scf.yield %scan3A_833 : i32
      }
      %scan3A_334 = arith.constant 20 : i32
      %dma_start3A_335 = arith.constant 0 : i32
      %dma_start3A_336 = arith.constant 0 : i32
      %dma_start3A_337 = arith.constant 0 : i32
      %dma_start3A_338 = tpu.memref_slice %arg12[%dma_start3A_336, %dma_start3A_337] : memref<80x128xf32, #tpu.memory_space<vmem>> -> memref<40x128xf32, #tpu.memory_space<vmem>>
      %dma_start3A_339 = arith.constant 0 : i32
      %dma_start3A_340 = tpu.memref_slice %arg10[%dma_start3A_335, %dma_start3A_339] : memref<2x40xi32, #tpu.memory_space<vmem>> -> memref<1x40xi32, #tpu.memory_space<vmem>>
      %dma_start3A_341 = tpu.memref_squeeze %dma_start3A_340 : memref<1x40xi32, #tpu.memory_space<vmem>> -> memref<40xi32, #tpu.memory_space<vmem>>
      %dma_start3A_342 = arith.constant 0 : i32
      %dma_start3A_343 = arith.constant 0 : i32
      %dma_start3A_344 = tpu.memref_slice %arg16[%dma_start3A_342, %dma_start3A_343] : memref<10000x128xf32, #tpu.memory_space<vmem_shared>> -> memref<10000x128xf32, #tpu.memory_space<vmem_shared>>
      tpu.enqueue_indirect_dma source(%dma_start3A_338 : memref<40x128xf32, #tpu.memory_space<vmem>>) target(%dma_start3A_344 : memref<10000x128xf32, #tpu.memory_space<vmem_shared>>) offsets(%dma_start3A_341 : memref<40xi32, #tpu.memory_space<vmem>>) semaphore(%arg24 : memref<!tpu.dma_semaphore, #tpu.memory_space<semaphore_mem>>) {add = true}
      %scan3A_345 = arith.constant 0 : i32
      %scan3A_346 = arith.constant 20 : i32
      %scan3A_347 = arith.constant 20 : i32
      %scan3A_348 = arith.addi %scan3A_346, %scan3A_347 : i32
      %scan3A_349 = arith.constant 1 : i32
      %scan3A_350 = scf.for %scan3A_370 = %scan3A_346 to %scan3A_348 step %scan3A_349 iter_args(%scan3A_371 = %scan3A_345) -> (i32)  : i32 {
        %mul3A_372 = arith.constant 2 : i32
        %mul3A_373 = arith.muli %mul3A_372, %scan3A_370 : i32
        %add3A_374 = arith.constant 0 : i32
        %add3A_375 = arith.addi %mul3A_373, %add3A_374 : i32
        %get3A = arith.index_cast %add3A_375 : i32 to index
        %get3A_376 = arith.constant 0 : index
        %get3A_377 = tpu.vector_load %arg12[%get3A, %get3A_376] {strides = array<i32>} : memref<80x128xf32, #tpu.memory_space<vmem>>, vector<1x16xf32>,
        %get3A_378 = vector.shape_cast %get3A_377 : vector<1x16xf32> to vector<16xf32>
        %mul3A_379 = arith.constant 2 : i32
        %mul3A_380 = arith.muli %mul3A_379, %scan3A_370 : i32
        %add3A_381 = arith.constant 0 : i32
        %add3A_382 = arith.addi %mul3A_380, %add3A_381 : i32
        %get3A_383 = arith.index_cast %add3A_382 : i32 to index
        %get3A_384 = arith.constant 0 : index
        %get3A_385 = tpu.vector_load %arg14[%get3A_383, %get3A_384] {strides = array<i32>} : memref<80x128xf32, #tpu.memory_space<vmem>>, vector<1x16xf32>,
        %get3A_386 = vector.shape_cast %get3A_385 : vector<1x16xf32> to vector<16xf32>
        %add3A_387 = arith.addf %get3A_378, %get3A_386 : vector<16xf32>
        %max3A = arith.constant 0.000000e+00 : f32
        %max3A_388 = vector.broadcast %max3A : f32 to vector<16xf32>
        %max3A_389 = arith.maximumf %add3A_387, %max3A_388 : vector<16xf32>
        %mul3A_390 = arith.constant 2 : i32
        %mul3A_391 = arith.muli %mul3A_390, %scan3A_370 : i32
        %add3A_392 = arith.constant 0 : i32
        %add3A_393 = arith.addi %mul3A_391, %add3A_392 : i32
        %swap3A = arith.index_cast %add3A_393 : i32 to index
        %swap3A_394 = arith.constant 0 : index
        %swap3A_395 = tpu.vector_load %arg12[%swap3A, %swap3A_394] {strides = array<i32>} : memref<80x128xf32, #tpu.memory_space<vmem>>, vector<1x16xf32>,
        %swap3A_396 = vector.shape_cast %swap3A_395 : vector<1x16xf32> to vector<16xf32>
        %swap3A_397 = vector.shape_cast %max3A_389 : vector<16xf32> to vector<1x16xf32>
        tpu.vector_store %arg12[%swap3A, %swap3A_394], %swap3A_397 {strides = array<i32>} : memref<80x128xf32, #tpu.memory_space<vmem>>, vector<1x16xf32>,
        %mul3A_398 = arith.constant 2 : i32
        %mul3A_399 = arith.muli %mul3A_398, %scan3A_370 : i32
        %add3A_400 = arith.constant 0 : i32
        %add3A_401 = arith.addi %mul3A_399, %add3A_400 : i32
        %get3A_402 = arith.index_cast %add3A_401 : i32 to index
        %get3A_403 = arith.constant 16 : index
        %get3A_404 = tpu.vector_load %arg12[%get3A_402, %get3A_403] {strides = array<i32>} : memref<80x128xf32, #tpu.memory_space<vmem>>, vector<1x16xf32>,
        %get3A_405 = vector.shape_cast %get3A_404 : vector<1x16xf32> to vector<16xf32>
        %mul3A_406 = arith.constant 2 : i32
        %mul3A_407 = arith.muli %mul3A_406, %scan3A_370 : i32
        %add3A_408 = arith.constant 0 : i32
        %add3A_409 = arith.addi %mul3A_407, %add3A_408 : i32
        %get3A_410 = arith.index_cast %add3A_409 : i32 to index
        %get3A_411 = arith.constant 16 : index
        %get3A_412 = tpu.vector_load %arg14[%get3A_410, %get3A_411] {strides = array<i32>} : memref<80x128xf32, #tpu.memory_space<vmem>>, vector<1x16xf32>,
        %get3A_413 = vector.shape_cast %get3A_412 : vector<1x16xf32> to vector<16xf32>
        %add3A_414 = arith.addf %get3A_405, %get3A_413 : vector<16xf32>
        %max3A_415 = arith.constant 0.000000e+00 : f32
        %max3A_416 = vector.broadcast %max3A_415 : f32 to vector<16xf32>
        %max3A_417 = arith.maximumf %add3A_414, %max3A_416 : vector<16xf32>
        %mul3A_418 = arith.constant 2 : i32
        %mul3A_419 = arith.muli %mul3A_418, %scan3A_370 : i32
        %add3A_420 = arith.constant 0 : i32
        %add3A_421 = arith.addi %mul3A_419, %add3A_420 : i32
        %swap3A_422 = arith.index_cast %add3A_421 : i32 to index
        %swap3A_423 = arith.constant 16 : index
        %swap3A_424 = tpu.vector_load %arg12[%swap3A_422, %swap3A_423] {strides = array<i32>} : memref<80x128xf32, #tpu.memory_space<vmem>>, vector<1x16xf32>,
        %swap3A_425 = vector.shape_cast %swap3A_424 : vector<1x16xf32> to vector<16xf32>
        %swap3A_426 = vector.shape_cast %max3A_417 : vector<16xf32> to vector<1x16xf32>
        tpu.vector_store %arg12[%swap3A_422, %swap3A_423], %swap3A_426 {strides = array<i32>} : memref<80x128xf32, #tpu.memory_space<vmem>>, vector<1x16xf32>,
        %mul3A_427 = arith.constant 2 : i32
        %mul3A_428 = arith.muli %mul3A_427, %scan3A_370 : i32
        %add3A_429 = arith.constant 0 : i32
        %add3A_430 = arith.addi %mul3A_428, %add3A_429 : i32
        %get3A_431 = arith.index_cast %add3A_430 : i32 to index
        %get3A_432 = arith.constant 32 : index
        %get3A_433 = tpu.vector_load %arg12[%get3A_431, %get3A_432] {strides = array<i32>} : memref<80x128xf32, #tpu.memory_space<vmem>>, vector<1x16xf32>,
        %get3A_434 = vector.shape_cast %get3A_433 : vector<1x16xf32> to vector<16xf32>
        %mul3A_435 = arith.constant 2 : i32
        %mul3A_436 = arith.muli %mul3A_435, %scan3A_370 : i32
        %add3A_437 = arith.constant 0 : i32
        %add3A_438 = arith.addi %mul3A_436, %add3A_437 : i32
        %get3A_439 = arith.index_cast %add3A_438 : i32 to index
        %get3A_440 = arith.constant 32 : index
        %get3A_441 = tpu.vector_load %arg14[%get3A_439, %get3A_440] {strides = array<i32>} : memref<80x128xf32, #tpu.memory_space<vmem>>, vector<1x16xf32>,
        %get3A_442 = vector.shape_cast %get3A_441 : vector<1x16xf32> to vector<16xf32>
        %add3A_443 = arith.addf %get3A_434, %get3A_442 : vector<16xf32>
        %max3A_444 = arith.constant 0.000000e+00 : f32
        %max3A_445 = vector.broadcast %max3A_444 : f32 to vector<16xf32>
        %max3A_446 = arith.maximumf %add3A_443, %max3A_445 : vector<16xf32>
        %mul3A_447 = arith.constant 2 : i32
        %mul3A_448 = arith.muli %mul3A_447, %scan3A_370 : i32
        %add3A_449 = arith.constant 0 : i32
        %add3A_450 = arith.addi %mul3A_448, %add3A_449 : i32
        %swap3A_451 = arith.index_cast %add3A_450 : i32 to index
        %swap3A_452 = arith.constant 32 : index
        %swap3A_453 = tpu.vector_load %arg12[%swap3A_451, %swap3A_452] {strides = array<i32>} : memref<80x128xf32, #tpu.memory_space<vmem>>, vector<1x16xf32>,
        %swap3A_454 = vector.shape_cast %swap3A_453 : vector<1x16xf32> to vector<16xf32>
        %swap3A_455 = vector.shape_cast %max3A_446 : vector<16xf32> to vector<1x16xf32>
        tpu.vector_store %arg12[%swap3A_451, %swap3A_452], %swap3A_455 {strides = array<i32>} : memref<80x128xf32, #tpu.memory_space<vmem>>, vector<1x16xf32>,
        %mul3A_456 = arith.constant 2 : i32
        %mul3A_457 = arith.muli %mul3A_456, %scan3A_370 : i32
        %add3A_458 = arith.constant 0 : i32
        %add3A_459 = arith.addi %mul3A_457, %add3A_458 : i32
        %get3A_460 = arith.index_cast %add3A_459 : i32 to index
        %get3A_461 = arith.constant 48 : index
        %get3A_462 = tpu.vector_load %arg12[%get3A_460, %get3A_461] {strides = array<i32>} : memref<80x128xf32, #tpu.memory_space<vmem>>, vector<1x16xf32>,
        %get3A_463 = vector.shape_cast %get3A_462 : vector<1x16xf32> to vector<16xf32>
        %mul3A_464 = arith.constant 2 : i32
        %mul3A_465 = arith.muli %mul3A_464, %scan3A_370 : i32
        %add3A_466 = arith.constant 0 : i32
        %add3A_467 = arith.addi %mul3A_465, %add3A_466 : i32
        %get3A_468 = arith.index_cast %add3A_467 : i32 to index
        %get3A_469 = arith.constant 48 : index
        %get3A_470 = tpu.vector_load %arg14[%get3A_468, %get3A_469] {strides = array<i32>} : memref<80x128xf32, #tpu.memory_space<vmem>>, vector<1x16xf32>,
        %get3A_471 = vector.shape_cast %get3A_470 : vector<1x16xf32> to vector<16xf32>
        %add3A_472 = arith.addf %get3A_463, %get3A_471 : vector<16xf32>
        %max3A_473 = arith.constant 0.000000e+00 : f32
        %max3A_474 = vector.broadcast %max3A_473 : f32 to vector<16xf32>
        %max3A_475 = arith.maximumf %add3A_472, %max3A_474 : vector<16xf32>
        %mul3A_476 = arith.constant 2 : i32
        %mul3A_477 = arith.muli %mul3A_476, %scan3A_370 : i32
        %add3A_478 = arith.constant 0 : i32
        %add3A_479 = arith.addi %mul3A_477, %add3A_478 : i32
        %swap3A_480 = arith.index_cast %add3A_479 : i32 to index
        %swap3A_481 = arith.constant 48 : index
        %swap3A_482 = tpu.vector_load %arg12[%swap3A_480, %swap3A_481] {strides = array<i32>} : memref<80x128xf32, #tpu.memory_space<vmem>>, vector<1x16xf32>,
        %swap3A_483 = vector.shape_cast %swap3A_482 : vector<1x16xf32> to vector<16xf32>
        %swap3A_484 = vector.shape_cast %max3A_475 : vector<16xf32> to vector<1x16xf32>
        tpu.vector_store %arg12[%swap3A_480, %swap3A_481], %swap3A_484 {strides = array<i32>} : memref<80x128xf32, #tpu.memory_space<vmem>>, vector<1x16xf32>,
        %mul3A_485 = arith.constant 2 : i32
        %mul3A_486 = arith.muli %mul3A_485, %scan3A_370 : i32
        %add3A_487 = arith.constant 0 : i32
        %add3A_488 = arith.addi %mul3A_486, %add3A_487 : i32
        %get3A_489 = arith.index_cast %add3A_488 : i32 to index
        %get3A_490 = arith.constant 64 : index
        %get3A_491 = tpu.vector_load %arg12[%get3A_489, %get3A_490] {strides = array<i32>} : memref<80x128xf32, #tpu.memory_space<vmem>>, vector<1x16xf32>,
        %get3A_492 = vector.shape_cast %get3A_491 : vector<1x16xf32> to vector<16xf32>
        %mul3A_493 = arith.constant 2 : i32
        %mul3A_494 = arith.muli %mul3A_493, %scan3A_370 : i32
        %add3A_495 = arith.constant 0 : i32
        %add3A_496 = arith.addi %mul3A_494, %add3A_495 : i32
        %get3A_497 = arith.index_cast %add3A_496 : i32 to index
        %get3A_498 = arith.constant 64 : index
        %get3A_499 = tpu.vector_load %arg14[%get3A_497, %get3A_498] {strides = array<i32>} : memref<80x128xf32, #tpu.memory_space<vmem>>, vector<1x16xf32>,
        %get3A_500 = vector.shape_cast %get3A_499 : vector<1x16xf32> to vector<16xf32>
        %add3A_501 = arith.addf %get3A_492, %get3A_500 : vector<16xf32>
        %max3A_502 = arith.constant 0.000000e+00 : f32
        %max3A_503 = vector.broadcast %max3A_502 : f32 to vector<16xf32>
        %max3A_504 = arith.maximumf %add3A_501, %max3A_503 : vector<16xf32>
        %mul3A_505 = arith.constant 2 : i32
        %mul3A_506 = arith.muli %mul3A_505, %scan3A_370 : i32
        %add3A_507 = arith.constant 0 : i32
        %add3A_508 = arith.addi %mul3A_506, %add3A_507 : i32
        %swap3A_509 = arith.index_cast %add3A_508 : i32 to index
        %swap3A_510 = arith.constant 64 : index
        %swap3A_511 = tpu.vector_load %arg12[%swap3A_509, %swap3A_510] {strides = array<i32>} : memref<80x128xf32, #tpu.memory_space<vmem>>, vector<1x16xf32>,
        %swap3A_512 = vector.shape_cast %swap3A_511 : vector<1x16xf32> to vector<16xf32>
        %swap3A_513 = vector.shape_cast %max3A_504 : vector<16xf32> to vector<1x16xf32>
        tpu.vector_store %arg12[%swap3A_509, %swap3A_510], %swap3A_513 {strides = array<i32>} : memref<80x128xf32, #tpu.memory_space<vmem>>, vector<1x16xf32>,
        %mul3A_514 = arith.constant 2 : i32
        %mul3A_515 = arith.muli %mul3A_514, %scan3A_370 : i32
        %add3A_516 = arith.constant 0 : i32
        %add3A_517 = arith.addi %mul3A_515, %add3A_516 : i32
        %get3A_518 = arith.index_cast %add3A_517 : i32 to index
        %get3A_519 = arith.constant 80 : index
        %get3A_520 = tpu.vector_load %arg12[%get3A_518, %get3A_519] {strides = array<i32>} : memref<80x128xf32, #tpu.memory_space<vmem>>, vector<1x16xf32>,
        %get3A_521 = vector.shape_cast %get3A_520 : vector<1x16xf32> to vector<16xf32>
        %mul3A_522 = arith.constant 2 : i32
        %mul3A_523 = arith.muli %mul3A_522, %scan3A_370 : i32
        %add3A_524 = arith.constant 0 : i32
        %add3A_525 = arith.addi %mul3A_523, %add3A_524 : i32
        %get3A_526 = arith.index_cast %add3A_525 : i32 to index
        %get3A_527 = arith.constant 80 : index
        %get3A_528 = tpu.vector_load %arg14[%get3A_526, %get3A_527] {strides = array<i32>} : memref<80x128xf32, #tpu.memory_space<vmem>>, vector<1x16xf32>,
        %get3A_529 = vector.shape_cast %get3A_528 : vector<1x16xf32> to vector<16xf32>
        %add3A_530 = arith.addf %get3A_521, %get3A_529 : vector<16xf32>
        %max3A_531 = arith.constant 0.000000e+00 : f32
        %max3A_532 = vector.broadcast %max3A_531 : f32 to vector<16xf32>
        %max3A_533 = arith.maximumf %add3A_530, %max3A_532 : vector<16xf32>
        %mul3A_534 = arith.constant 2 : i32
        %mul3A_535 = arith.muli %mul3A_534, %scan3A_370 : i32
        %add3A_536 = arith.constant 0 : i32
        %add3A_537 = arith.addi %mul3A_535, %add3A_536 : i32
        %swap3A_538 = arith.index_cast %add3A_537 : i32 to index
        %swap3A_539 = arith.constant 80 : index
        %swap3A_540 = tpu.vector_load %arg12[%swap3A_538, %swap3A_539] {strides = array<i32>} : memref<80x128xf32, #tpu.memory_space<vmem>>, vector<1x16xf32>,
        %swap3A_541 = vector.shape_cast %swap3A_540 : vector<1x16xf32> to vector<16xf32>
        %swap3A_542 = vector.shape_cast %max3A_533 : vector<16xf32> to vector<1x16xf32>
        tpu.vector_store %arg12[%swap3A_538, %swap3A_539], %swap3A_542 {strides = array<i32>} : memref<80x128xf32, #tpu.memory_space<vmem>>, vector<1x16xf32>,
        %mul3A_543 = arith.constant 2 : i32
        %mul3A_544 = arith.muli %mul3A_543, %scan3A_370 : i32
        %add3A_545 = arith.constant 0 : i32
        %add3A_546 = arith.addi %mul3A_544, %add3A_545 : i32
        %get3A_547 = arith.index_cast %add3A_546 : i32 to index
        %get3A_548 = arith.constant 96 : index
        %get3A_549 = tpu.vector_load %arg12[%get3A_547, %get3A_548] {strides = array<i32>} : memref<80x128xf32, #tpu.memory_space<vmem>>, vector<1x16xf32>,
        %get3A_550 = vector.shape_cast %get3A_549 : vector<1x16xf32> to vector<16xf32>
        %mul3A_551 = arith.constant 2 : i32
        %mul3A_552 = arith.muli %mul3A_551, %scan3A_370 : i32
        %add3A_553 = arith.constant 0 : i32
        %add3A_554 = arith.addi %mul3A_552, %add3A_553 : i32
        %get3A_555 = arith.index_cast %add3A_554 : i32 to index
        %get3A_556 = arith.constant 96 : index
        %get3A_557 = tpu.vector_load %arg14[%get3A_555, %get3A_556] {strides = array<i32>} : memref<80x128xf32, #tpu.memory_space<vmem>>, vector<1x16xf32>,
        %get3A_558 = vector.shape_cast %get3A_557 : vector<1x16xf32> to vector<16xf32>
        %add3A_559 = arith.addf %get3A_550, %get3A_558 : vector<16xf32>
        %max3A_560 = arith.constant 0.000000e+00 : f32
        %max3A_561 = vector.broadcast %max3A_560 : f32 to vector<16xf32>
        %max3A_562 = arith.maximumf %add3A_559, %max3A_561 : vector<16xf32>
        %mul3A_563 = arith.constant 2 : i32
        %mul3A_564 = arith.muli %mul3A_563, %scan3A_370 : i32
        %add3A_565 = arith.constant 0 : i32
        %add3A_566 = arith.addi %mul3A_564, %add3A_565 : i32
        %swap3A_567 = arith.index_cast %add3A_566 : i32 to index
        %swap3A_568 = arith.constant 96 : index
        %swap3A_569 = tpu.vector_load %arg12[%swap3A_567, %swap3A_568] {strides = array<i32>} : memref<80x128xf32, #tpu.memory_space<vmem>>, vector<1x16xf32>,
        %swap3A_570 = vector.shape_cast %swap3A_569 : vector<1x16xf32> to vector<16xf32>
        %swap3A_571 = vector.shape_cast %max3A_562 : vector<16xf32> to vector<1x16xf32>
        tpu.vector_store %arg12[%swap3A_567, %swap3A_568], %swap3A_571 {strides = array<i32>} : memref<80x128xf32, #tpu.memory_space<vmem>>, vector<1x16xf32>,
        %mul3A_572 = arith.constant 2 : i32
        %mul3A_573 = arith.muli %mul3A_572, %scan3A_370 : i32
        %add3A_574 = arith.constant 0 : i32
        %add3A_575 = arith.addi %mul3A_573, %add3A_574 : i32
        %get3A_576 = arith.index_cast %add3A_575 : i32 to index
        %get3A_577 = arith.constant 112 : index
        %get3A_578 = tpu.vector_load %arg12[%get3A_576, %get3A_577] {strides = array<i32>} : memref<80x128xf32, #tpu.memory_space<vmem>>, vector<1x16xf32>,
        %get3A_579 = vector.shape_cast %get3A_578 : vector<1x16xf32> to vector<16xf32>
        %mul3A_580 = arith.constant 2 : i32
        %mul3A_581 = arith.muli %mul3A_580, %scan3A_370 : i32
        %add3A_582 = arith.constant 0 : i32
        %add3A_583 = arith.addi %mul3A_581, %add3A_582 : i32
        %get3A_584 = arith.index_cast %add3A_583 : i32 to index
        %get3A_585 = arith.constant 112 : index
        %get3A_586 = tpu.vector_load %arg14[%get3A_584, %get3A_585] {strides = array<i32>} : memref<80x128xf32, #tpu.memory_space<vmem>>, vector<1x16xf32>,
        %get3A_587 = vector.shape_cast %get3A_586 : vector<1x16xf32> to vector<16xf32>
        %add3A_588 = arith.addf %get3A_579, %get3A_587 : vector<16xf32>
        %max3A_589 = arith.constant 0.000000e+00 : f32
        %max3A_590 = vector.broadcast %max3A_589 : f32 to vector<16xf32>
        %max3A_591 = arith.maximumf %add3A_588, %max3A_590 : vector<16xf32>
        %mul3A_592 = arith.constant 2 : i32
        %mul3A_593 = arith.muli %mul3A_592, %scan3A_370 : i32
        %add3A_594 = arith.constant 0 : i32
        %add3A_595 = arith.addi %mul3A_593, %add3A_594 : i32
        %swap3A_596 = arith.index_cast %add3A_595 : i32 to index
        %swap3A_597 = arith.constant 112 : index
        %swap3A_598 = tpu.vector_load %arg12[%swap3A_596, %swap3A_597] {strides = array<i32>} : memref<80x128xf32, #tpu.memory_space<vmem>>, vector<1x16xf32>,
        %swap3A_599 = vector.shape_cast %swap3A_598 : vector<1x16xf32> to vector<16xf32>
        %swap3A_600 = vector.shape_cast %max3A_591 : vector<16xf32> to vector<1x16xf32>
        tpu.vector_store %arg12[%swap3A_596, %swap3A_597], %swap3A_600 {strides = array<i32>} : memref<80x128xf32, #tpu.memory_space<vmem>>, vector<1x16xf32>,
        %mul3A_601 = arith.constant 2 : i32
        %mul3A_602 = arith.muli %mul3A_601, %scan3A_370 : i32
        %add3A_603 = arith.constant 1 : i32
        %add3A_604 = arith.addi %mul3A_602, %add3A_603 : i32
        %get3A_605 = arith.index_cast %add3A_604 : i32 to index
        %get3A_606 = arith.constant 0 : index
        %get3A_607 = tpu.vector_load %arg12[%get3A_605, %get3A_606] {strides = array<i32>} : memref<80x128xf32, #tpu.memory_space<vmem>>, vector<1x16xf32>,
        %get3A_608 = vector.shape_cast %get3A_607 : vector<1x16xf32> to vector<16xf32>
        %mul3A_609 = arith.constant 2 : i32
        %mul3A_610 = arith.muli %mul3A_609, %scan3A_370 : i32
        %add3A_611 = arith.constant 1 : i32
        %add3A_612 = arith.addi %mul3A_610, %add3A_611 : i32
        %get3A_613 = arith.index_cast %add3A_612 : i32 to index
        %get3A_614 = arith.constant 0 : index
        %get3A_615 = tpu.vector_load %arg14[%get3A_613, %get3A_614] {strides = array<i32>} : memref<80x128xf32, #tpu.memory_space<vmem>>, vector<1x16xf32>,
        %get3A_616 = vector.shape_cast %get3A_615 : vector<1x16xf32> to vector<16xf32>
        %add3A_617 = arith.addf %get3A_608, %get3A_616 : vector<16xf32>
        %max3A_618 = arith.constant 0.000000e+00 : f32
        %max3A_619 = vector.broadcast %max3A_618 : f32 to vector<16xf32>
        %max3A_620 = arith.maximumf %add3A_617, %max3A_619 : vector<16xf32>
        %mul3A_621 = arith.constant 2 : i32
        %mul3A_622 = arith.muli %mul3A_621, %scan3A_370 : i32
        %add3A_623 = arith.constant 1 : i32
        %add3A_624 = arith.addi %mul3A_622, %add3A_623 : i32
        %swap3A_625 = arith.index_cast %add3A_624 : i32 to index
        %swap3A_626 = arith.constant 0 : index
        %swap3A_627 = tpu.vector_load %arg12[%swap3A_625, %swap3A_626] {strides = array<i32>} : memref<80x128xf32, #tpu.memory_space<vmem>>, vector<1x16xf32>,
        %swap3A_628 = vector.shape_cast %swap3A_627 : vector<1x16xf32> to vector<16xf32>
        %swap3A_629 = vector.shape_cast %max3A_620 : vector<16xf32> to vector<1x16xf32>
        tpu.vector_store %arg12[%swap3A_625, %swap3A_626], %swap3A_629 {strides = array<i32>} : memref<80x128xf32, #tpu.memory_space<vmem>>, vector<1x16xf32>,
        %mul3A_630 = arith.constant 2 : i32
        %mul3A_631 = arith.muli %mul3A_630, %scan3A_370 : i32
        %add3A_632 = arith.constant 1 : i32
        %add3A_633 = arith.addi %mul3A_631, %add3A_632 : i32
        %get3A_634 = arith.index_cast %add3A_633 : i32 to index
        %get3A_635 = arith.constant 16 : index
        %get3A_636 = tpu.vector_load %arg12[%get3A_634, %get3A_635] {strides = array<i32>} : memref<80x128xf32, #tpu.memory_space<vmem>>, vector<1x16xf32>,
        %get3A_637 = vector.shape_cast %get3A_636 : vector<1x16xf32> to vector<16xf32>
        %mul3A_638 = arith.constant 2 : i32
        %mul3A_639 = arith.muli %mul3A_638, %scan3A_370 : i32
        %add3A_640 = arith.constant 1 : i32
        %add3A_641 = arith.addi %mul3A_639, %add3A_640 : i32
        %get3A_642 = arith.index_cast %add3A_641 : i32 to index
        %get3A_643 = arith.constant 16 : index
        %get3A_644 = tpu.vector_load %arg14[%get3A_642, %get3A_643] {strides = array<i32>} : memref<80x128xf32, #tpu.memory_space<vmem>>, vector<1x16xf32>,
        %get3A_645 = vector.shape_cast %get3A_644 : vector<1x16xf32> to vector<16xf32>
        %add3A_646 = arith.addf %get3A_637, %get3A_645 : vector<16xf32>
        %max3A_647 = arith.constant 0.000000e+00 : f32
        %max3A_648 = vector.broadcast %max3A_647 : f32 to vector<16xf32>
        %max3A_649 = arith.maximumf %add3A_646, %max3A_648 : vector<16xf32>
        %mul3A_650 = arith.constant 2 : i32
        %mul3A_651 = arith.muli %mul3A_650, %scan3A_370 : i32
        %add3A_652 = arith.constant 1 : i32
        %add3A_653 = arith.addi %mul3A_651, %add3A_652 : i32
        %swap3A_654 = arith.index_cast %add3A_653 : i32 to index
        %swap3A_655 = arith.constant 16 : index
        %swap3A_656 = tpu.vector_load %arg12[%swap3A_654, %swap3A_655] {strides = array<i32>} : memref<80x128xf32, #tpu.memory_space<vmem>>, vector<1x16xf32>,
        %swap3A_657 = vector.shape_cast %swap3A_656 : vector<1x16xf32> to vector<16xf32>
        %swap3A_658 = vector.shape_cast %max3A_649 : vector<16xf32> to vector<1x16xf32>
        tpu.vector_store %arg12[%swap3A_654, %swap3A_655], %swap3A_658 {strides = array<i32>} : memref<80x128xf32, #tpu.memory_space<vmem>>, vector<1x16xf32>,
        %mul3A_659 = arith.constant 2 : i32
        %mul3A_660 = arith.muli %mul3A_659, %scan3A_370 : i32
        %add3A_661 = arith.constant 1 : i32
        %add3A_662 = arith.addi %mul3A_660, %add3A_661 : i32
        %get3A_663 = arith.index_cast %add3A_662 : i32 to index
        %get3A_664 = arith.constant 32 : index
        %get3A_665 = tpu.vector_load %arg12[%get3A_663, %get3A_664] {strides = array<i32>} : memref<80x128xf32, #tpu.memory_space<vmem>>, vector<1x16xf32>,
        %get3A_666 = vector.shape_cast %get3A_665 : vector<1x16xf32> to vector<16xf32>
        %mul3A_667 = arith.constant 2 : i32
        %mul3A_668 = arith.muli %mul3A_667, %scan3A_370 : i32
        %add3A_669 = arith.constant 1 : i32
        %add3A_670 = arith.addi %mul3A_668, %add3A_669 : i32
        %get3A_671 = arith.index_cast %add3A_670 : i32 to index
        %get3A_672 = arith.constant 32 : index
        %get3A_673 = tpu.vector_load %arg14[%get3A_671, %get3A_672] {strides = array<i32>} : memref<80x128xf32, #tpu.memory_space<vmem>>, vector<1x16xf32>,
        %get3A_674 = vector.shape_cast %get3A_673 : vector<1x16xf32> to vector<16xf32>
        %add3A_675 = arith.addf %get3A_666, %get3A_674 : vector<16xf32>
        %max3A_676 = arith.constant 0.000000e+00 : f32
        %max3A_677 = vector.broadcast %max3A_676 : f32 to vector<16xf32>
        %max3A_678 = arith.maximumf %add3A_675, %max3A_677 : vector<16xf32>
        %mul3A_679 = arith.constant 2 : i32
        %mul3A_680 = arith.muli %mul3A_679, %scan3A_370 : i32
        %add3A_681 = arith.constant 1 : i32
        %add3A_682 = arith.addi %mul3A_680, %add3A_681 : i32
        %swap3A_683 = arith.index_cast %add3A_682 : i32 to index
        %swap3A_684 = arith.constant 32 : index
        %swap3A_685 = tpu.vector_load %arg12[%swap3A_683, %swap3A_684] {strides = array<i32>} : memref<80x128xf32, #tpu.memory_space<vmem>>, vector<1x16xf32>,
        %swap3A_686 = vector.shape_cast %swap3A_685 : vector<1x16xf32> to vector<16xf32>
        %swap3A_687 = vector.shape_cast %max3A_678 : vector<16xf32> to vector<1x16xf32>
        tpu.vector_store %arg12[%swap3A_683, %swap3A_684], %swap3A_687 {strides = array<i32>} : memref<80x128xf32, #tpu.memory_space<vmem>>, vector<1x16xf32>,
        %mul3A_688 = arith.constant 2 : i32
        %mul3A_689 = arith.muli %mul3A_688, %scan3A_370 : i32
        %add3A_690 = arith.constant 1 : i32
        %add3A_691 = arith.addi %mul3A_689, %add3A_690 : i32
        %get3A_692 = arith.index_cast %add3A_691 : i32 to index
        %get3A_693 = arith.constant 48 : index
        %get3A_694 = tpu.vector_load %arg12[%get3A_692, %get3A_693] {strides = array<i32>} : memref<80x128xf32, #tpu.memory_space<vmem>>, vector<1x16xf32>,
        %get3A_695 = vector.shape_cast %get3A_694 : vector<1x16xf32> to vector<16xf32>
        %mul3A_696 = arith.constant 2 : i32
        %mul3A_697 = arith.muli %mul3A_696, %scan3A_370 : i32
        %add3A_698 = arith.constant 1 : i32
        %add3A_699 = arith.addi %mul3A_697, %add3A_698 : i32
        %get3A_700 = arith.index_cast %add3A_699 : i32 to index
        %get3A_701 = arith.constant 48 : index
        %get3A_702 = tpu.vector_load %arg14[%get3A_700, %get3A_701] {strides = array<i32>} : memref<80x128xf32, #tpu.memory_space<vmem>>, vector<1x16xf32>,
        %get3A_703 = vector.shape_cast %get3A_702 : vector<1x16xf32> to vector<16xf32>
        %add3A_704 = arith.addf %get3A_695, %get3A_703 : vector<16xf32>
        %max3A_705 = arith.constant 0.000000e+00 : f32
        %max3A_706 = vector.broadcast %max3A_705 : f32 to vector<16xf32>
        %max3A_707 = arith.maximumf %add3A_704, %max3A_706 : vector<16xf32>
        %mul3A_708 = arith.constant 2 : i32
        %mul3A_709 = arith.muli %mul3A_708, %scan3A_370 : i32
        %add3A_710 = arith.constant 1 : i32
        %add3A_711 = arith.addi %mul3A_709, %add3A_710 : i32
        %swap3A_712 = arith.index_cast %add3A_711 : i32 to index
        %swap3A_713 = arith.constant 48 : index
        %swap3A_714 = tpu.vector_load %arg12[%swap3A_712, %swap3A_713] {strides = array<i32>} : memref<80x128xf32, #tpu.memory_space<vmem>>, vector<1x16xf32>,
        %swap3A_715 = vector.shape_cast %swap3A_714 : vector<1x16xf32> to vector<16xf32>
        %swap3A_716 = vector.shape_cast %max3A_707 : vector<16xf32> to vector<1x16xf32>
        tpu.vector_store %arg12[%swap3A_712, %swap3A_713], %swap3A_716 {strides = array<i32>} : memref<80x128xf32, #tpu.memory_space<vmem>>, vector<1x16xf32>,
        %mul3A_717 = arith.constant 2 : i32
        %mul3A_718 = arith.muli %mul3A_717, %scan3A_370 : i32
        %add3A_719 = arith.constant 1 : i32
        %add3A_720 = arith.addi %mul3A_718, %add3A_719 : i32
        %get3A_721 = arith.index_cast %add3A_720 : i32 to index
        %get3A_722 = arith.constant 64 : index
        %get3A_723 = tpu.vector_load %arg12[%get3A_721, %get3A_722] {strides = array<i32>} : memref<80x128xf32, #tpu.memory_space<vmem>>, vector<1x16xf32>,
        %get3A_724 = vector.shape_cast %get3A_723 : vector<1x16xf32> to vector<16xf32>
        %mul3A_725 = arith.constant 2 : i32
        %mul3A_726 = arith.muli %mul3A_725, %scan3A_370 : i32
        %add3A_727 = arith.constant 1 : i32
        %add3A_728 = arith.addi %mul3A_726, %add3A_727 : i32
        %get3A_729 = arith.index_cast %add3A_728 : i32 to index
        %get3A_730 = arith.constant 64 : index
        %get3A_731 = tpu.vector_load %arg14[%get3A_729, %get3A_730] {strides = array<i32>} : memref<80x128xf32, #tpu.memory_space<vmem>>, vector<1x16xf32>,
        %get3A_732 = vector.shape_cast %get3A_731 : vector<1x16xf32> to vector<16xf32>
        %add3A_733 = arith.addf %get3A_724, %get3A_732 : vector<16xf32>
        %max3A_734 = arith.constant 0.000000e+00 : f32
        %max3A_735 = vector.broadcast %max3A_734 : f32 to vector<16xf32>
        %max3A_736 = arith.maximumf %add3A_733, %max3A_735 : vector<16xf32>
        %mul3A_737 = arith.constant 2 : i32
        %mul3A_738 = arith.muli %mul3A_737, %scan3A_370 : i32
        %add3A_739 = arith.constant 1 : i32
        %add3A_740 = arith.addi %mul3A_738, %add3A_739 : i32
        %swap3A_741 = arith.index_cast %add3A_740 : i32 to index
        %swap3A_742 = arith.constant 64 : index
        %swap3A_743 = tpu.vector_load %arg12[%swap3A_741, %swap3A_742] {strides = array<i32>} : memref<80x128xf32, #tpu.memory_space<vmem>>, vector<1x16xf32>,
        %swap3A_744 = vector.shape_cast %swap3A_743 : vector<1x16xf32> to vector<16xf32>
        %swap3A_745 = vector.shape_cast %max3A_736 : vector<16xf32> to vector<1x16xf32>
        tpu.vector_store %arg12[%swap3A_741, %swap3A_742], %swap3A_745 {strides = array<i32>} : memref<80x128xf32, #tpu.memory_space<vmem>>, vector<1x16xf32>,
        %mul3A_746 = arith.constant 2 : i32
        %mul3A_747 = arith.muli %mul3A_746, %scan3A_370 : i32
        %add3A_748 = arith.constant 1 : i32
        %add3A_749 = arith.addi %mul3A_747, %add3A_748 : i32
        %get3A_750 = arith.index_cast %add3A_749 : i32 to index
        %get3A_751 = arith.constant 80 : index
        %get3A_752 = tpu.vector_load %arg12[%get3A_750, %get3A_751] {strides = array<i32>} : memref<80x128xf32, #tpu.memory_space<vmem>>, vector<1x16xf32>,
        %get3A_753 = vector.shape_cast %get3A_752 : vector<1x16xf32> to vector<16xf32>
        %mul3A_754 = arith.constant 2 : i32
        %mul3A_755 = arith.muli %mul3A_754, %scan3A_370 : i32
        %add3A_756 = arith.constant 1 : i32
        %add3A_757 = arith.addi %mul3A_755, %add3A_756 : i32
        %get3A_758 = arith.index_cast %add3A_757 : i32 to index
        %get3A_759 = arith.constant 80 : index
        %get3A_760 = tpu.vector_load %arg14[%get3A_758, %get3A_759] {strides = array<i32>} : memref<80x128xf32, #tpu.memory_space<vmem>>, vector<1x16xf32>,
        %get3A_761 = vector.shape_cast %get3A_760 : vector<1x16xf32> to vector<16xf32>
        %add3A_762 = arith.addf %get3A_753, %get3A_761 : vector<16xf32>
        %max3A_763 = arith.constant 0.000000e+00 : f32
        %max3A_764 = vector.broadcast %max3A_763 : f32 to vector<16xf32>
        %max3A_765 = arith.maximumf %add3A_762, %max3A_764 : vector<16xf32>
        %mul3A_766 = arith.constant 2 : i32
        %mul3A_767 = arith.muli %mul3A_766, %scan3A_370 : i32
        %add3A_768 = arith.constant 1 : i32
        %add3A_769 = arith.addi %mul3A_767, %add3A_768 : i32
        %swap3A_770 = arith.index_cast %add3A_769 : i32 to index
        %swap3A_771 = arith.constant 80 : index
        %swap3A_772 = tpu.vector_load %arg12[%swap3A_770, %swap3A_771] {strides = array<i32>} : memref<80x128xf32, #tpu.memory_space<vmem>>, vector<1x16xf32>,
        %swap3A_773 = vector.shape_cast %swap3A_772 : vector<1x16xf32> to vector<16xf32>
        %swap3A_774 = vector.shape_cast %max3A_765 : vector<16xf32> to vector<1x16xf32>
        tpu.vector_store %arg12[%swap3A_770, %swap3A_771], %swap3A_774 {strides = array<i32>} : memref<80x128xf32, #tpu.memory_space<vmem>>, vector<1x16xf32>,
        %mul3A_775 = arith.constant 2 : i32
        %mul3A_776 = arith.muli %mul3A_775, %scan3A_370 : i32
        %add3A_777 = arith.constant 1 : i32
        %add3A_778 = arith.addi %mul3A_776, %add3A_777 : i32
        %get3A_779 = arith.index_cast %add3A_778 : i32 to index
        %get3A_780 = arith.constant 96 : index
        %get3A_781 = tpu.vector_load %arg12[%get3A_779, %get3A_780] {strides = array<i32>} : memref<80x128xf32, #tpu.memory_space<vmem>>, vector<1x16xf32>,
        %get3A_782 = vector.shape_cast %get3A_781 : vector<1x16xf32> to vector<16xf32>
        %mul3A_783 = arith.constant 2 : i32
        %mul3A_784 = arith.muli %mul3A_783, %scan3A_370 : i32
        %add3A_785 = arith.constant 1 : i32
        %add3A_786 = arith.addi %mul3A_784, %add3A_785 : i32
        %get3A_787 = arith.index_cast %add3A_786 : i32 to index
        %get3A_788 = arith.constant 96 : index
        %get3A_789 = tpu.vector_load %arg14[%get3A_787, %get3A_788] {strides = array<i32>} : memref<80x128xf32, #tpu.memory_space<vmem>>, vector<1x16xf32>,
        %get3A_790 = vector.shape_cast %get3A_789 : vector<1x16xf32> to vector<16xf32>
        %add3A_791 = arith.addf %get3A_782, %get3A_790 : vector<16xf32>
        %max3A_792 = arith.constant 0.000000e+00 : f32
        %max3A_793 = vector.broadcast %max3A_792 : f32 to vector<16xf32>
        %max3A_794 = arith.maximumf %add3A_791, %max3A_793 : vector<16xf32>
        %mul3A_795 = arith.constant 2 : i32
        %mul3A_796 = arith.muli %mul3A_795, %scan3A_370 : i32
        %add3A_797 = arith.constant 1 : i32
        %add3A_798 = arith.addi %mul3A_796, %add3A_797 : i32
        %swap3A_799 = arith.index_cast %add3A_798 : i32 to index
        %swap3A_800 = arith.constant 96 : index
        %swap3A_801 = tpu.vector_load %arg12[%swap3A_799, %swap3A_800] {strides = array<i32>} : memref<80x128xf32, #tpu.memory_space<vmem>>, vector<1x16xf32>,
        %swap3A_802 = vector.shape_cast %swap3A_801 : vector<1x16xf32> to vector<16xf32>
        %swap3A_803 = vector.shape_cast %max3A_794 : vector<16xf32> to vector<1x16xf32>
        tpu.vector_store %arg12[%swap3A_799, %swap3A_800], %swap3A_803 {strides = array<i32>} : memref<80x128xf32, #tpu.memory_space<vmem>>, vector<1x16xf32>,
        %mul3A_804 = arith.constant 2 : i32
        %mul3A_805 = arith.muli %mul3A_804, %scan3A_370 : i32
        %add3A_806 = arith.constant 1 : i32
        %add3A_807 = arith.addi %mul3A_805, %add3A_806 : i32
        %get3A_808 = arith.index_cast %add3A_807 : i32 to index
        %get3A_809 = arith.constant 112 : index
        %get3A_810 = tpu.vector_load %arg12[%get3A_808, %get3A_809] {strides = array<i32>} : memref<80x128xf32, #tpu.memory_space<vmem>>, vector<1x16xf32>,
        %get3A_811 = vector.shape_cast %get3A_810 : vector<1x16xf32> to vector<16xf32>
        %mul3A_812 = arith.constant 2 : i32
        %mul3A_813 = arith.muli %mul3A_812, %scan3A_370 : i32
        %add3A_814 = arith.constant 1 : i32
        %add3A_815 = arith.addi %mul3A_813, %add3A_814 : i32
        %get3A_816 = arith.index_cast %add3A_815 : i32 to index
        %get3A_817 = arith.constant 112 : index
        %get3A_818 = tpu.vector_load %arg14[%get3A_816, %get3A_817] {strides = array<i32>} : memref<80x128xf32, #tpu.memory_space<vmem>>, vector<1x16xf32>,
        %get3A_819 = vector.shape_cast %get3A_818 : vector<1x16xf32> to vector<16xf32>
        %add3A_820 = arith.addf %get3A_811, %get3A_819 : vector<16xf32>
        %max3A_821 = arith.constant 0.000000e+00 : f32
        %max3A_822 = vector.broadcast %max3A_821 : f32 to vector<16xf32>
        %max3A_823 = arith.maximumf %add3A_820, %max3A_822 : vector<16xf32>
        %mul3A_824 = arith.constant 2 : i32
        %mul3A_825 = arith.muli %mul3A_824, %scan3A_370 : i32
        %add3A_826 = arith.constant 1 : i32
        %add3A_827 = arith.addi %mul3A_825, %add3A_826 : i32
        %swap3A_828 = arith.index_cast %add3A_827 : i32 to index
        %swap3A_829 = arith.constant 112 : index
        %swap3A_830 = tpu.vector_load %arg12[%swap3A_828, %swap3A_829] {strides = array<i32>} : memref<80x128xf32, #tpu.memory_space<vmem>>, vector<1x16xf32>,
        %swap3A_831 = vector.shape_cast %swap3A_830 : vector<1x16xf32> to vector<16xf32>
        %swap3A_832 = vector.shape_cast %max3A_823 : vector<16xf32> to vector<1x16xf32>
        tpu.vector_store %arg12[%swap3A_828, %swap3A_829], %swap3A_832 {strides = array<i32>} : memref<80x128xf32, #tpu.memory_space<vmem>>, vector<1x16xf32>,
        %scan3A_833 = arith.constant 0 : i32
        scf.yield %scan3A_833 : i32
      }
      %scan3A_351 = arith.constant 20 : i32
      %dma_start3A_352 = arith.constant 1 : i32
      %dma_start3A_353 = arith.constant 40 : i32
      %dma_start3A_354 = arith.constant 0 : i32
      %dma_start3A_355 = tpu.memref_slice %arg12[%dma_start3A_353, %dma_start3A_354] : memref<80x128xf32, #tpu.memory_space<vmem>> -> memref<40x128xf32, #tpu.memory_space<vmem>>
      %dma_start3A_356 = arith.constant 0 : i32
      %dma_start3A_357 = tpu.memref_slice %arg10[%dma_start3A_352, %dma_start3A_356] : memref<2x40xi32, #tpu.memory_space<vmem>> -> memref<1x40xi32, #tpu.memory_space<vmem>>
      %dma_start3A_358 = tpu.memref_squeeze %dma_start3A_357 : memref<1x40xi32, #tpu.memory_space<vmem>> -> memref<40xi32, #tpu.memory_space<vmem>>
      %dma_start3A_359 = arith.constant 0 : i32
      %dma_start3A_360 = arith.constant 0 : i32
      %dma_start3A_361 = tpu.memref_slice %arg16[%dma_start3A_359, %dma_start3A_360] : memref<10000x128xf32, #tpu.memory_space<vmem_shared>> -> memref<10000x128xf32, #tpu.memory_space<vmem_shared>>
      tpu.enqueue_indirect_dma source(%dma_start3A_355 : memref<40x128xf32, #tpu.memory_space<vmem>>) target(%dma_start3A_361 : memref<10000x128xf32, #tpu.memory_space<vmem_shared>>) offsets(%dma_start3A_358 : memref<40xi32, #tpu.memory_space<vmem>>) semaphore(%arg24 : memref<!tpu.dma_semaphore, #tpu.memory_space<semaphore_mem>>) {add = true}
      %add3A_362 = arith.constant 3 : i32
      %add3A_363 = arith.addi %mul3A_184, %add3A_362 : i32
      %lt3A_364 = arith.constant 125 : i32
      %lt3A_365 = arith.cmpi slt, %add3A_363, %lt3A_364 : i32
      %convert_element_type3A_366 = arith.extui %lt3A_365 : i1 to i32
      %cond3A_367 = arith.constant 0 : i32
      %cond3A_368 = arith.cmpi ne, %convert_element_type3A_366, %cond3A_367 : i32
      scf.if %cond3A_368 {
        %add3A_370 = arith.constant 3 : i32
        %add3A_371 = arith.addi %mul3A_184, %add3A_370 : i32
        %mul3A_372 = arith.constant 10000 : i32
        %mul3A_373 = arith.muli %add3A, %mul3A_372 : i32
        %mul3A_374 = arith.constant 80 : i32
        %mul3A_375 = arith.muli %add3A_371, %mul3A_374 : i32
        %add3A_376 = arith.addi %mul3A_373, %mul3A_375 : i32
        %dma_start3A_377 = tpu.memref_slice %arg4[%add3A_376] : memref<320000xi32, #tpu.memory_space<hbm>> -> memref<80xi32, #tpu.memory_space<hbm>>
        %dma_start3A_378 = tpu.memref_slice %arg4[%add3A_376] : memref<320000xi32, #tpu.memory_space<hbm>> -> memref<80xi32, #tpu.memory_space<hbm>>
        tpu.enqueue_dma source(%dma_start3A_378 : memref<80xi32, #tpu.memory_space<hbm>>) target(%arg8 : memref<80xi32, #tpu.memory_space<vmem>>) target_semaphore(%arg18 : memref<!tpu.dma_semaphore, #tpu.memory_space<semaphore_mem>>)
        %dma_start3A_379 = arith.constant 0 : i32
        %dma_start3A_380 = arith.constant 0 : i32
        %dma_start3A_381 = tpu.memref_slice %arg5[%add3A, %add3A_371, %dma_start3A_379, %dma_start3A_380] : memref<32x125x2x40xi32, #tpu.memory_space<hbm>> -> memref<1x1x2x40xi32, #tpu.memory_space<hbm>>
        %dma_start3A_382 = tpu.memref_squeeze %dma_start3A_381 : memref<1x1x2x40xi32, #tpu.memory_space<hbm>> -> memref<2x40xi32, #tpu.memory_space<hbm>>
        %dma_start3A_383 = arith.constant 0 : i32
        %dma_start3A_384 = arith.constant 0 : i32
        %dma_start3A_385 = tpu.memref_slice %arg5[%add3A, %add3A_371, %dma_start3A_383, %dma_start3A_384] : memref<32x125x2x40xi32, #tpu.memory_space<hbm>> -> memref<1x1x2x40xi32, #tpu.memory_space<hbm>>
        %dma_start3A_386 = tpu.memref_squeeze %dma_start3A_385 : memref<1x1x2x40xi32, #tpu.memory_space<hbm>> -> memref<2x40xi32, #tpu.memory_space<hbm>>
        tpu.enqueue_dma source(%dma_start3A_386 : memref<2x40xi32, #tpu.memory_space<hbm>>) target(%arg10 : memref<2x40xi32, #tpu.memory_space<vmem>>) target_semaphore(%arg18 : memref<!tpu.dma_semaphore, #tpu.memory_space<semaphore_mem>>)
        %dma_start3A_387 = arith.constant 0 : i32
        %dma_start3A_388 = tpu.memref_slice %arg3[%add3A_376, %dma_start3A_387] : memref<320000x128xf32, #tpu.memory_space<hbm>> -> memref<80x128xf32, #tpu.memory_space<hbm>>
        %dma_start3A_389 = arith.constant 0 : i32
        %dma_start3A_390 = tpu.memref_slice %arg3[%add3A_376, %dma_start3A_389] : memref<320000x128xf32, #tpu.memory_space<hbm>> -> memref<80x128xf32, #tpu.memory_space<hbm>>
        tpu.enqueue_dma source(%dma_start3A_390 : memref<80x128xf32, #tpu.memory_space<hbm>>) target(%arg14 : memref<80x128xf32, #tpu.memory_space<vmem>>) target_semaphore(%arg20 : memref<!tpu.dma_semaphore, #tpu.memory_space<semaphore_mem>>)
      } else {
      }
      %scan3A_369 = arith.constant 0 : i32
      scf.yield %scan3A_369 : i32
    }
    %scan3A_82 = arith.constant 62 : i32
    %mul3A_83 = arith.constant 10000 : i32
    %mul3A_84 = arith.muli %add3A, %mul3A_83 : i32
    %add3A_85 = arith.constant 9920 : i32
    %add3A_86 = arith.addi %mul3A_84, %add3A_85 : i32
    %dma_wait3A_87 = arith.constant 0 : i32
    %dma_wait3A_88 = tpu.memref_slice %arg3[%add3A_86, %dma_wait3A_87] : memref<320000x128xf32, #tpu.memory_space<hbm>> -> memref<80x128xf32, #tpu.memory_space<hbm>>
    %dma_wait3A_89 = arith.constant 0 : i32
    %dma_wait3A_90 = tpu.memref_slice %arg3[%add3A_86, %dma_wait3A_89] : memref<320000x128xf32, #tpu.memory_space<hbm>> -> memref<80x128xf32, #tpu.memory_space<hbm>>
    tpu.wait_dma2 semaphore(%arg19 : memref<!tpu.dma_semaphore, #tpu.memory_space<semaphore_mem>>) src(%dma_wait3A_90 : memref<80x128xf32, #tpu.memory_space<hbm>>) dst(%arg13 : memref<80x128xf32, #tpu.memory_space<vmem>>)
    %dma_wait3A_91 = arith.constant 0 : i32
    %dma_wait3A_92 = arith.constant 0 : i32
    %dma_wait3A_93 = tpu.memref_slice %arg2[%dma_wait3A_91, %dma_wait3A_92] : memref<10000x128xf32, #tpu.memory_space<hbm>> -> memref<10000x128xf32, #tpu.memory_space<hbm>>
    tpu.wait_indirect_dma semaphore(%arg21 : memref<!tpu.dma_semaphore, #tpu.memory_space<semaphore_mem>>) src(%dma_wait3A_93 : memref<10000x128xf32, #tpu.memory_space<hbm>>) dst(%arg11 : memref<80x128xf32, #tpu.memory_space<vmem>>)
    %scan3A_94 = arith.constant 0 : i32
    %scan3A_95 = arith.constant 0 : i32
    %scan3A_96 = arith.constant 20 : i32
    %scan3A_97 = arith.addi %scan3A_95, %scan3A_96 : i32
    %scan3A_98 = arith.constant 1 : i32
    %scan3A_99 = scf.for %scan3A_181 = %scan3A_95 to %scan3A_97 step %scan3A_98 iter_args(%scan3A_182 = %scan3A_94) -> (i32)  : i32 {
      %mul3A_183 = arith.constant 2 : i32
      %mul3A_184 = arith.muli %mul3A_183, %scan3A_181 : i32
      %add3A_185 = arith.constant 0 : i32
      %add3A_186 = arith.addi %mul3A_184, %add3A_185 : i32
      %get3A = arith.index_cast %add3A_186 : i32 to index
      %get3A_187 = arith.constant 0 : index
      %get3A_188 = tpu.vector_load %arg11[%get3A, %get3A_187] {strides = array<i32>} : memref<80x128xf32, #tpu.memory_space<vmem>>, vector<1x16xf32>,
      %get3A_189 = vector.shape_cast %get3A_188 : vector<1x16xf32> to vector<16xf32>
      %mul3A_190 = arith.constant 2 : i32
      %mul3A_191 = arith.muli %mul3A_190, %scan3A_181 : i32
      %add3A_192 = arith.constant 0 : i32
      %add3A_193 = arith.addi %mul3A_191, %add3A_192 : i32
      %get3A_194 = arith.index_cast %add3A_193 : i32 to index
      %get3A_195 = arith.constant 0 : index
      %get3A_196 = tpu.vector_load %arg13[%get3A_194, %get3A_195] {strides = array<i32>} : memref<80x128xf32, #tpu.memory_space<vmem>>, vector<1x16xf32>,
      %get3A_197 = vector.shape_cast %get3A_196 : vector<1x16xf32> to vector<16xf32>
      %add3A_198 = arith.addf %get3A_189, %get3A_197 : vector<16xf32>
      %max3A = arith.constant 0.000000e+00 : f32
      %max3A_199 = vector.broadcast %max3A : f32 to vector<16xf32>
      %max3A_200 = arith.maximumf %add3A_198, %max3A_199 : vector<16xf32>
      %mul3A_201 = arith.constant 2 : i32
      %mul3A_202 = arith.muli %mul3A_201, %scan3A_181 : i32
      %add3A_203 = arith.constant 0 : i32
      %add3A_204 = arith.addi %mul3A_202, %add3A_203 : i32
      %swap3A = arith.index_cast %add3A_204 : i32 to index
      %swap3A_205 = arith.constant 0 : index
      %swap3A_206 = tpu.vector_load %arg11[%swap3A, %swap3A_205] {strides = array<i32>} : memref<80x128xf32, #tpu.memory_space<vmem>>, vector<1x16xf32>,
      %swap3A_207 = vector.shape_cast %swap3A_206 : vector<1x16xf32> to vector<16xf32>
      %swap3A_208 = vector.shape_cast %max3A_200 : vector<16xf32> to vector<1x16xf32>
      tpu.vector_store %arg11[%swap3A, %swap3A_205], %swap3A_208 {strides = array<i32>} : memref<80x128xf32, #tpu.memory_space<vmem>>, vector<1x16xf32>,
      %mul3A_209 = arith.constant 2 : i32
      %mul3A_210 = arith.muli %mul3A_209, %scan3A_181 : i32
      %add3A_211 = arith.constant 0 : i32
      %add3A_212 = arith.addi %mul3A_210, %add3A_211 : i32
      %get3A_213 = arith.index_cast %add3A_212 : i32 to index
      %get3A_214 = arith.constant 16 : index
      %get3A_215 = tpu.vector_load %arg11[%get3A_213, %get3A_214] {strides = array<i32>} : memref<80x128xf32, #tpu.memory_space<vmem>>, vector<1x16xf32>,
      %get3A_216 = vector.shape_cast %get3A_215 : vector<1x16xf32> to vector<16xf32>
      %mul3A_217 = arith.constant 2 : i32
      %mul3A_218 = arith.muli %mul3A_217, %scan3A_181 : i32
      %add3A_219 = arith.constant 0 : i32
      %add3A_220 = arith.addi %mul3A_218, %add3A_219 : i32
      %get3A_221 = arith.index_cast %add3A_220 : i32 to index
      %get3A_222 = arith.constant 16 : index
      %get3A_223 = tpu.vector_load %arg13[%get3A_221, %get3A_222] {strides = array<i32>} : memref<80x128xf32, #tpu.memory_space<vmem>>, vector<1x16xf32>,
      %get3A_224 = vector.shape_cast %get3A_223 : vector<1x16xf32> to vector<16xf32>
      %add3A_225 = arith.addf %get3A_216, %get3A_224 : vector<16xf32>
      %max3A_226 = arith.constant 0.000000e+00 : f32
      %max3A_227 = vector.broadcast %max3A_226 : f32 to vector<16xf32>
      %max3A_228 = arith.maximumf %add3A_225, %max3A_227 : vector<16xf32>
      %mul3A_229 = arith.constant 2 : i32
      %mul3A_230 = arith.muli %mul3A_229, %scan3A_181 : i32
      %add3A_231 = arith.constant 0 : i32
      %add3A_232 = arith.addi %mul3A_230, %add3A_231 : i32
      %swap3A_233 = arith.index_cast %add3A_232 : i32 to index
      %swap3A_234 = arith.constant 16 : index
      %swap3A_235 = tpu.vector_load %arg11[%swap3A_233, %swap3A_234] {strides = array<i32>} : memref<80x128xf32, #tpu.memory_space<vmem>>, vector<1x16xf32>,
      %swap3A_236 = vector.shape_cast %swap3A_235 : vector<1x16xf32> to vector<16xf32>
      %swap3A_237 = vector.shape_cast %max3A_228 : vector<16xf32> to vector<1x16xf32>
      tpu.vector_store %arg11[%swap3A_233, %swap3A_234], %swap3A_237 {strides = array<i32>} : memref<80x128xf32, #tpu.memory_space<vmem>>, vector<1x16xf32>,
      %mul3A_238 = arith.constant 2 : i32
      %mul3A_239 = arith.muli %mul3A_238, %scan3A_181 : i32
      %add3A_240 = arith.constant 0 : i32
      %add3A_241 = arith.addi %mul3A_239, %add3A_240 : i32
      %get3A_242 = arith.index_cast %add3A_241 : i32 to index
      %get3A_243 = arith.constant 32 : index
      %get3A_244 = tpu.vector_load %arg11[%get3A_242, %get3A_243] {strides = array<i32>} : memref<80x128xf32, #tpu.memory_space<vmem>>, vector<1x16xf32>,
      %get3A_245 = vector.shape_cast %get3A_244 : vector<1x16xf32> to vector<16xf32>
      %mul3A_246 = arith.constant 2 : i32
      %mul3A_247 = arith.muli %mul3A_246, %scan3A_181 : i32
      %add3A_248 = arith.constant 0 : i32
      %add3A_249 = arith.addi %mul3A_247, %add3A_248 : i32
      %get3A_250 = arith.index_cast %add3A_249 : i32 to index
      %get3A_251 = arith.constant 32 : index
      %get3A_252 = tpu.vector_load %arg13[%get3A_250, %get3A_251] {strides = array<i32>} : memref<80x128xf32, #tpu.memory_space<vmem>>, vector<1x16xf32>,
      %get3A_253 = vector.shape_cast %get3A_252 : vector<1x16xf32> to vector<16xf32>
      %add3A_254 = arith.addf %get3A_245, %get3A_253 : vector<16xf32>
      %max3A_255 = arith.constant 0.000000e+00 : f32
      %max3A_256 = vector.broadcast %max3A_255 : f32 to vector<16xf32>
      %max3A_257 = arith.maximumf %add3A_254, %max3A_256 : vector<16xf32>
      %mul3A_258 = arith.constant 2 : i32
      %mul3A_259 = arith.muli %mul3A_258, %scan3A_181 : i32
      %add3A_260 = arith.constant 0 : i32
      %add3A_261 = arith.addi %mul3A_259, %add3A_260 : i32
      %swap3A_262 = arith.index_cast %add3A_261 : i32 to index
      %swap3A_263 = arith.constant 32 : index
      %swap3A_264 = tpu.vector_load %arg11[%swap3A_262, %swap3A_263] {strides = array<i32>} : memref<80x128xf32, #tpu.memory_space<vmem>>, vector<1x16xf32>,
      %swap3A_265 = vector.shape_cast %swap3A_264 : vector<1x16xf32> to vector<16xf32>
      %swap3A_266 = vector.shape_cast %max3A_257 : vector<16xf32> to vector<1x16xf32>
      tpu.vector_store %arg11[%swap3A_262, %swap3A_263], %swap3A_266 {strides = array<i32>} : memref<80x128xf32, #tpu.memory_space<vmem>>, vector<1x16xf32>,
      %mul3A_267 = arith.constant 2 : i32
      %mul3A_268 = arith.muli %mul3A_267, %scan3A_181 : i32
      %add3A_269 = arith.constant 0 : i32
      %add3A_270 = arith.addi %mul3A_268, %add3A_269 : i32
      %get3A_271 = arith.index_cast %add3A_270 : i32 to index
      %get3A_272 = arith.constant 48 : index
      %get3A_273 = tpu.vector_load %arg11[%get3A_271, %get3A_272] {strides = array<i32>} : memref<80x128xf32, #tpu.memory_space<vmem>>, vector<1x16xf32>,
      %get3A_274 = vector.shape_cast %get3A_273 : vector<1x16xf32> to vector<16xf32>
      %mul3A_275 = arith.constant 2 : i32
      %mul3A_276 = arith.muli %mul3A_275, %scan3A_181 : i32
      %add3A_277 = arith.constant 0 : i32
      %add3A_278 = arith.addi %mul3A_276, %add3A_277 : i32
      %get3A_279 = arith.index_cast %add3A_278 : i32 to index
      %get3A_280 = arith.constant 48 : index
      %get3A_281 = tpu.vector_load %arg13[%get3A_279, %get3A_280] {strides = array<i32>} : memref<80x128xf32, #tpu.memory_space<vmem>>, vector<1x16xf32>,
      %get3A_282 = vector.shape_cast %get3A_281 : vector<1x16xf32> to vector<16xf32>
      %add3A_283 = arith.addf %get3A_274, %get3A_282 : vector<16xf32>
      %max3A_284 = arith.constant 0.000000e+00 : f32
      %max3A_285 = vector.broadcast %max3A_284 : f32 to vector<16xf32>
      %max3A_286 = arith.maximumf %add3A_283, %max3A_285 : vector<16xf32>
      %mul3A_287 = arith.constant 2 : i32
      %mul3A_288 = arith.muli %mul3A_287, %scan3A_181 : i32
      %add3A_289 = arith.constant 0 : i32
      %add3A_290 = arith.addi %mul3A_288, %add3A_289 : i32
      %swap3A_291 = arith.index_cast %add3A_290 : i32 to index
      %swap3A_292 = arith.constant 48 : index
      %swap3A_293 = tpu.vector_load %arg11[%swap3A_291, %swap3A_292] {strides = array<i32>} : memref<80x128xf32, #tpu.memory_space<vmem>>, vector<1x16xf32>,
      %swap3A_294 = vector.shape_cast %swap3A_293 : vector<1x16xf32> to vector<16xf32>
      %swap3A_295 = vector.shape_cast %max3A_286 : vector<16xf32> to vector<1x16xf32>
      tpu.vector_store %arg11[%swap3A_291, %swap3A_292], %swap3A_295 {strides = array<i32>} : memref<80x128xf32, #tpu.memory_space<vmem>>, vector<1x16xf32>,
      %mul3A_296 = arith.constant 2 : i32
      %mul3A_297 = arith.muli %mul3A_296, %scan3A_181 : i32
      %add3A_298 = arith.constant 0 : i32
      %add3A_299 = arith.addi %mul3A_297, %add3A_298 : i32
      %get3A_300 = arith.index_cast %add3A_299 : i32 to index
      %get3A_301 = arith.constant 64 : index
      %get3A_302 = tpu.vector_load %arg11[%get3A_300, %get3A_301] {strides = array<i32>} : memref<80x128xf32, #tpu.memory_space<vmem>>, vector<1x16xf32>,
      %get3A_303 = vector.shape_cast %get3A_302 : vector<1x16xf32> to vector<16xf32>
      %mul3A_304 = arith.constant 2 : i32
      %mul3A_305 = arith.muli %mul3A_304, %scan3A_181 : i32
      %add3A_306 = arith.constant 0 : i32
      %add3A_307 = arith.addi %mul3A_305, %add3A_306 : i32
      %get3A_308 = arith.index_cast %add3A_307 : i32 to index
      %get3A_309 = arith.constant 64 : index
      %get3A_310 = tpu.vector_load %arg13[%get3A_308, %get3A_309] {strides = array<i32>} : memref<80x128xf32, #tpu.memory_space<vmem>>, vector<1x16xf32>,
      %get3A_311 = vector.shape_cast %get3A_310 : vector<1x16xf32> to vector<16xf32>
      %add3A_312 = arith.addf %get3A_303, %get3A_311 : vector<16xf32>
      %max3A_313 = arith.constant 0.000000e+00 : f32
      %max3A_314 = vector.broadcast %max3A_313 : f32 to vector<16xf32>
      %max3A_315 = arith.maximumf %add3A_312, %max3A_314 : vector<16xf32>
      %mul3A_316 = arith.constant 2 : i32
      %mul3A_317 = arith.muli %mul3A_316, %scan3A_181 : i32
      %add3A_318 = arith.constant 0 : i32
      %add3A_319 = arith.addi %mul3A_317, %add3A_318 : i32
      %swap3A_320 = arith.index_cast %add3A_319 : i32 to index
      %swap3A_321 = arith.constant 64 : index
      %swap3A_322 = tpu.vector_load %arg11[%swap3A_320, %swap3A_321] {strides = array<i32>} : memref<80x128xf32, #tpu.memory_space<vmem>>, vector<1x16xf32>,
      %swap3A_323 = vector.shape_cast %swap3A_322 : vector<1x16xf32> to vector<16xf32>
      %swap3A_324 = vector.shape_cast %max3A_315 : vector<16xf32> to vector<1x16xf32>
      tpu.vector_store %arg11[%swap3A_320, %swap3A_321], %swap3A_324 {strides = array<i32>} : memref<80x128xf32, #tpu.memory_space<vmem>>, vector<1x16xf32>,
      %mul3A_325 = arith.constant 2 : i32
      %mul3A_326 = arith.muli %mul3A_325, %scan3A_181 : i32
      %add3A_327 = arith.constant 0 : i32
      %add3A_328 = arith.addi %mul3A_326, %add3A_327 : i32
      %get3A_329 = arith.index_cast %add3A_328 : i32 to index
      %get3A_330 = arith.constant 80 : index
      %get3A_331 = tpu.vector_load %arg11[%get3A_329, %get3A_330] {strides = array<i32>} : memref<80x128xf32, #tpu.memory_space<vmem>>, vector<1x16xf32>,
      %get3A_332 = vector.shape_cast %get3A_331 : vector<1x16xf32> to vector<16xf32>
      %mul3A_333 = arith.constant 2 : i32
      %mul3A_334 = arith.muli %mul3A_333, %scan3A_181 : i32
      %add3A_335 = arith.constant 0 : i32
      %add3A_336 = arith.addi %mul3A_334, %add3A_335 : i32
      %get3A_337 = arith.index_cast %add3A_336 : i32 to index
      %get3A_338 = arith.constant 80 : index
      %get3A_339 = tpu.vector_load %arg13[%get3A_337, %get3A_338] {strides = array<i32>} : memref<80x128xf32, #tpu.memory_space<vmem>>, vector<1x16xf32>,
      %get3A_340 = vector.shape_cast %get3A_339 : vector<1x16xf32> to vector<16xf32>
      %add3A_341 = arith.addf %get3A_332, %get3A_340 : vector<16xf32>
      %max3A_342 = arith.constant 0.000000e+00 : f32
      %max3A_343 = vector.broadcast %max3A_342 : f32 to vector<16xf32>
      %max3A_344 = arith.maximumf %add3A_341, %max3A_343 : vector<16xf32>
      %mul3A_345 = arith.constant 2 : i32
      %mul3A_346 = arith.muli %mul3A_345, %scan3A_181 : i32
      %add3A_347 = arith.constant 0 : i32
      %add3A_348 = arith.addi %mul3A_346, %add3A_347 : i32
      %swap3A_349 = arith.index_cast %add3A_348 : i32 to index
      %swap3A_350 = arith.constant 80 : index
      %swap3A_351 = tpu.vector_load %arg11[%swap3A_349, %swap3A_350] {strides = array<i32>} : memref<80x128xf32, #tpu.memory_space<vmem>>, vector<1x16xf32>,
      %swap3A_352 = vector.shape_cast %swap3A_351 : vector<1x16xf32> to vector<16xf32>
      %swap3A_353 = vector.shape_cast %max3A_344 : vector<16xf32> to vector<1x16xf32>
      tpu.vector_store %arg11[%swap3A_349, %swap3A_350], %swap3A_353 {strides = array<i32>} : memref<80x128xf32, #tpu.memory_space<vmem>>, vector<1x16xf32>,
      %mul3A_354 = arith.constant 2 : i32
      %mul3A_355 = arith.muli %mul3A_354, %scan3A_181 : i32
      %add3A_356 = arith.constant 0 : i32
      %add3A_357 = arith.addi %mul3A_355, %add3A_356 : i32
      %get3A_358 = arith.index_cast %add3A_357 : i32 to index
      %get3A_359 = arith.constant 96 : index
      %get3A_360 = tpu.vector_load %arg11[%get3A_358, %get3A_359] {strides = array<i32>} : memref<80x128xf32, #tpu.memory_space<vmem>>, vector<1x16xf32>,
      %get3A_361 = vector.shape_cast %get3A_360 : vector<1x16xf32> to vector<16xf32>
      %mul3A_362 = arith.constant 2 : i32
      %mul3A_363 = arith.muli %mul3A_362, %scan3A_181 : i32
      %add3A_364 = arith.constant 0 : i32
      %add3A_365 = arith.addi %mul3A_363, %add3A_364 : i32
      %get3A_366 = arith.index_cast %add3A_365 : i32 to index
      %get3A_367 = arith.constant 96 : index
      %get3A_368 = tpu.vector_load %arg13[%get3A_366, %get3A_367] {strides = array<i32>} : memref<80x128xf32, #tpu.memory_space<vmem>>, vector<1x16xf32>,
      %get3A_369 = vector.shape_cast %get3A_368 : vector<1x16xf32> to vector<16xf32>
      %add3A_370 = arith.addf %get3A_361, %get3A_369 : vector<16xf32>
      %max3A_371 = arith.constant 0.000000e+00 : f32
      %max3A_372 = vector.broadcast %max3A_371 : f32 to vector<16xf32>
      %max3A_373 = arith.maximumf %add3A_370, %max3A_372 : vector<16xf32>
      %mul3A_374 = arith.constant 2 : i32
      %mul3A_375 = arith.muli %mul3A_374, %scan3A_181 : i32
      %add3A_376 = arith.constant 0 : i32
      %add3A_377 = arith.addi %mul3A_375, %add3A_376 : i32
      %swap3A_378 = arith.index_cast %add3A_377 : i32 to index
      %swap3A_379 = arith.constant 96 : index
      %swap3A_380 = tpu.vector_load %arg11[%swap3A_378, %swap3A_379] {strides = array<i32>} : memref<80x128xf32, #tpu.memory_space<vmem>>, vector<1x16xf32>,
      %swap3A_381 = vector.shape_cast %swap3A_380 : vector<1x16xf32> to vector<16xf32>
      %swap3A_382 = vector.shape_cast %max3A_373 : vector<16xf32> to vector<1x16xf32>
      tpu.vector_store %arg11[%swap3A_378, %swap3A_379], %swap3A_382 {strides = array<i32>} : memref<80x128xf32, #tpu.memory_space<vmem>>, vector<1x16xf32>,
      %mul3A_383 = arith.constant 2 : i32
      %mul3A_384 = arith.muli %mul3A_383, %scan3A_181 : i32
      %add3A_385 = arith.constant 0 : i32
      %add3A_386 = arith.addi %mul3A_384, %add3A_385 : i32
      %get3A_387 = arith.index_cast %add3A_386 : i32 to index
      %get3A_388 = arith.constant 112 : index
      %get3A_389 = tpu.vector_load %arg11[%get3A_387, %get3A_388] {strides = array<i32>} : memref<80x128xf32, #tpu.memory_space<vmem>>, vector<1x16xf32>,
      %get3A_390 = vector.shape_cast %get3A_389 : vector<1x16xf32> to vector<16xf32>
      %mul3A_391 = arith.constant 2 : i32
      %mul3A_392 = arith.muli %mul3A_391, %scan3A_181 : i32
      %add3A_393 = arith.constant 0 : i32
      %add3A_394 = arith.addi %mul3A_392, %add3A_393 : i32
      %get3A_395 = arith.index_cast %add3A_394 : i32 to index
      %get3A_396 = arith.constant 112 : index
      %get3A_397 = tpu.vector_load %arg13[%get3A_395, %get3A_396] {strides = array<i32>} : memref<80x128xf32, #tpu.memory_space<vmem>>, vector<1x16xf32>,
      %get3A_398 = vector.shape_cast %get3A_397 : vector<1x16xf32> to vector<16xf32>
      %add3A_399 = arith.addf %get3A_390, %get3A_398 : vector<16xf32>
      %max3A_400 = arith.constant 0.000000e+00 : f32
      %max3A_401 = vector.broadcast %max3A_400 : f32 to vector<16xf32>
      %max3A_402 = arith.maximumf %add3A_399, %max3A_401 : vector<16xf32>
      %mul3A_403 = arith.constant 2 : i32
      %mul3A_404 = arith.muli %mul3A_403, %scan3A_181 : i32
      %add3A_405 = arith.constant 0 : i32
      %add3A_406 = arith.addi %mul3A_404, %add3A_405 : i32
      %swap3A_407 = arith.index_cast %add3A_406 : i32 to index
      %swap3A_408 = arith.constant 112 : index
      %swap3A_409 = tpu.vector_load %arg11[%swap3A_407, %swap3A_408] {strides = array<i32>} : memref<80x128xf32, #tpu.memory_space<vmem>>, vector<1x16xf32>,
      %swap3A_410 = vector.shape_cast %swap3A_409 : vector<1x16xf32> to vector<16xf32>
      %swap3A_411 = vector.shape_cast %max3A_402 : vector<16xf32> to vector<1x16xf32>
      tpu.vector_store %arg11[%swap3A_407, %swap3A_408], %swap3A_411 {strides = array<i32>} : memref<80x128xf32, #tpu.memory_space<vmem>>, vector<1x16xf32>,
      %mul3A_412 = arith.constant 2 : i32
      %mul3A_413 = arith.muli %mul3A_412, %scan3A_181 : i32
      %add3A_414 = arith.constant 1 : i32
      %add3A_415 = arith.addi %mul3A_413, %add3A_414 : i32
      %get3A_416 = arith.index_cast %add3A_415 : i32 to index
      %get3A_417 = arith.constant 0 : index
      %get3A_418 = tpu.vector_load %arg11[%get3A_416, %get3A_417] {strides = array<i32>} : memref<80x128xf32, #tpu.memory_space<vmem>>, vector<1x16xf32>,
      %get3A_419 = vector.shape_cast %get3A_418 : vector<1x16xf32> to vector<16xf32>
      %mul3A_420 = arith.constant 2 : i32
      %mul3A_421 = arith.muli %mul3A_420, %scan3A_181 : i32
      %add3A_422 = arith.constant 1 : i32
      %add3A_423 = arith.addi %mul3A_421, %add3A_422 : i32
      %get3A_424 = arith.index_cast %add3A_423 : i32 to index
      %get3A_425 = arith.constant 0 : index
      %get3A_426 = tpu.vector_load %arg13[%get3A_424, %get3A_425] {strides = array<i32>} : memref<80x128xf32, #tpu.memory_space<vmem>>, vector<1x16xf32>,
      %get3A_427 = vector.shape_cast %get3A_426 : vector<1x16xf32> to vector<16xf32>
      %add3A_428 = arith.addf %get3A_419, %get3A_427 : vector<16xf32>
      %max3A_429 = arith.constant 0.000000e+00 : f32
      %max3A_430 = vector.broadcast %max3A_429 : f32 to vector<16xf32>
      %max3A_431 = arith.maximumf %add3A_428, %max3A_430 : vector<16xf32>
      %mul3A_432 = arith.constant 2 : i32
      %mul3A_433 = arith.muli %mul3A_432, %scan3A_181 : i32
      %add3A_434 = arith.constant 1 : i32
      %add3A_435 = arith.addi %mul3A_433, %add3A_434 : i32
      %swap3A_436 = arith.index_cast %add3A_435 : i32 to index
      %swap3A_437 = arith.constant 0 : index
      %swap3A_438 = tpu.vector_load %arg11[%swap3A_436, %swap3A_437] {strides = array<i32>} : memref<80x128xf32, #tpu.memory_space<vmem>>, vector<1x16xf32>,
      %swap3A_439 = vector.shape_cast %swap3A_438 : vector<1x16xf32> to vector<16xf32>
      %swap3A_440 = vector.shape_cast %max3A_431 : vector<16xf32> to vector<1x16xf32>
      tpu.vector_store %arg11[%swap3A_436, %swap3A_437], %swap3A_440 {strides = array<i32>} : memref<80x128xf32, #tpu.memory_space<vmem>>, vector<1x16xf32>,
      %mul3A_441 = arith.constant 2 : i32
      %mul3A_442 = arith.muli %mul3A_441, %scan3A_181 : i32
      %add3A_443 = arith.constant 1 : i32
      %add3A_444 = arith.addi %mul3A_442, %add3A_443 : i32
      %get3A_445 = arith.index_cast %add3A_444 : i32 to index
      %get3A_446 = arith.constant 16 : index
      %get3A_447 = tpu.vector_load %arg11[%get3A_445, %get3A_446] {strides = array<i32>} : memref<80x128xf32, #tpu.memory_space<vmem>>, vector<1x16xf32>,
      %get3A_448 = vector.shape_cast %get3A_447 : vector<1x16xf32> to vector<16xf32>
      %mul3A_449 = arith.constant 2 : i32
      %mul3A_450 = arith.muli %mul3A_449, %scan3A_181 : i32
      %add3A_451 = arith.constant 1 : i32
      %add3A_452 = arith.addi %mul3A_450, %add3A_451 : i32
      %get3A_453 = arith.index_cast %add3A_452 : i32 to index
      %get3A_454 = arith.constant 16 : index
      %get3A_455 = tpu.vector_load %arg13[%get3A_453, %get3A_454] {strides = array<i32>} : memref<80x128xf32, #tpu.memory_space<vmem>>, vector<1x16xf32>,
      %get3A_456 = vector.shape_cast %get3A_455 : vector<1x16xf32> to vector<16xf32>
      %add3A_457 = arith.addf %get3A_448, %get3A_456 : vector<16xf32>
      %max3A_458 = arith.constant 0.000000e+00 : f32
      %max3A_459 = vector.broadcast %max3A_458 : f32 to vector<16xf32>
      %max3A_460 = arith.maximumf %add3A_457, %max3A_459 : vector<16xf32>
      %mul3A_461 = arith.constant 2 : i32
      %mul3A_462 = arith.muli %mul3A_461, %scan3A_181 : i32
      %add3A_463 = arith.constant 1 : i32
      %add3A_464 = arith.addi %mul3A_462, %add3A_463 : i32
      %swap3A_465 = arith.index_cast %add3A_464 : i32 to index
      %swap3A_466 = arith.constant 16 : index
      %swap3A_467 = tpu.vector_load %arg11[%swap3A_465, %swap3A_466] {strides = array<i32>} : memref<80x128xf32, #tpu.memory_space<vmem>>, vector<1x16xf32>,
      %swap3A_468 = vector.shape_cast %swap3A_467 : vector<1x16xf32> to vector<16xf32>
      %swap3A_469 = vector.shape_cast %max3A_460 : vector<16xf32> to vector<1x16xf32>
      tpu.vector_store %arg11[%swap3A_465, %swap3A_466], %swap3A_469 {strides = array<i32>} : memref<80x128xf32, #tpu.memory_space<vmem>>, vector<1x16xf32>,
      %mul3A_470 = arith.constant 2 : i32
      %mul3A_471 = arith.muli %mul3A_470, %scan3A_181 : i32
      %add3A_472 = arith.constant 1 : i32
      %add3A_473 = arith.addi %mul3A_471, %add3A_472 : i32
      %get3A_474 = arith.index_cast %add3A_473 : i32 to index
      %get3A_475 = arith.constant 32 : index
      %get3A_476 = tpu.vector_load %arg11[%get3A_474, %get3A_475] {strides = array<i32>} : memref<80x128xf32, #tpu.memory_space<vmem>>, vector<1x16xf32>,
      %get3A_477 = vector.shape_cast %get3A_476 : vector<1x16xf32> to vector<16xf32>
      %mul3A_478 = arith.constant 2 : i32
      %mul3A_479 = arith.muli %mul3A_478, %scan3A_181 : i32
      %add3A_480 = arith.constant 1 : i32
      %add3A_481 = arith.addi %mul3A_479, %add3A_480 : i32
      %get3A_482 = arith.index_cast %add3A_481 : i32 to index
      %get3A_483 = arith.constant 32 : index
      %get3A_484 = tpu.vector_load %arg13[%get3A_482, %get3A_483] {strides = array<i32>} : memref<80x128xf32, #tpu.memory_space<vmem>>, vector<1x16xf32>,
      %get3A_485 = vector.shape_cast %get3A_484 : vector<1x16xf32> to vector<16xf32>
      %add3A_486 = arith.addf %get3A_477, %get3A_485 : vector<16xf32>
      %max3A_487 = arith.constant 0.000000e+00 : f32
      %max3A_488 = vector.broadcast %max3A_487 : f32 to vector<16xf32>
      %max3A_489 = arith.maximumf %add3A_486, %max3A_488 : vector<16xf32>
      %mul3A_490 = arith.constant 2 : i32
      %mul3A_491 = arith.muli %mul3A_490, %scan3A_181 : i32
      %add3A_492 = arith.constant 1 : i32
      %add3A_493 = arith.addi %mul3A_491, %add3A_492 : i32
      %swap3A_494 = arith.index_cast %add3A_493 : i32 to index
      %swap3A_495 = arith.constant 32 : index
      %swap3A_496 = tpu.vector_load %arg11[%swap3A_494, %swap3A_495] {strides = array<i32>} : memref<80x128xf32, #tpu.memory_space<vmem>>, vector<1x16xf32>,
      %swap3A_497 = vector.shape_cast %swap3A_496 : vector<1x16xf32> to vector<16xf32>
      %swap3A_498 = vector.shape_cast %max3A_489 : vector<16xf32> to vector<1x16xf32>
      tpu.vector_store %arg11[%swap3A_494, %swap3A_495], %swap3A_498 {strides = array<i32>} : memref<80x128xf32, #tpu.memory_space<vmem>>, vector<1x16xf32>,
      %mul3A_499 = arith.constant 2 : i32
      %mul3A_500 = arith.muli %mul3A_499, %scan3A_181 : i32
      %add3A_501 = arith.constant 1 : i32
      %add3A_502 = arith.addi %mul3A_500, %add3A_501 : i32
      %get3A_503 = arith.index_cast %add3A_502 : i32 to index
      %get3A_504 = arith.constant 48 : index
      %get3A_505 = tpu.vector_load %arg11[%get3A_503, %get3A_504] {strides = array<i32>} : memref<80x128xf32, #tpu.memory_space<vmem>>, vector<1x16xf32>,
      %get3A_506 = vector.shape_cast %get3A_505 : vector<1x16xf32> to vector<16xf32>
      %mul3A_507 = arith.constant 2 : i32
      %mul3A_508 = arith.muli %mul3A_507, %scan3A_181 : i32
      %add3A_509 = arith.constant 1 : i32
      %add3A_510 = arith.addi %mul3A_508, %add3A_509 : i32
      %get3A_511 = arith.index_cast %add3A_510 : i32 to index
      %get3A_512 = arith.constant 48 : index
      %get3A_513 = tpu.vector_load %arg13[%get3A_511, %get3A_512] {strides = array<i32>} : memref<80x128xf32, #tpu.memory_space<vmem>>, vector<1x16xf32>,
      %get3A_514 = vector.shape_cast %get3A_513 : vector<1x16xf32> to vector<16xf32>
      %add3A_515 = arith.addf %get3A_506, %get3A_514 : vector<16xf32>
      %max3A_516 = arith.constant 0.000000e+00 : f32
      %max3A_517 = vector.broadcast %max3A_516 : f32 to vector<16xf32>
      %max3A_518 = arith.maximumf %add3A_515, %max3A_517 : vector<16xf32>
      %mul3A_519 = arith.constant 2 : i32
      %mul3A_520 = arith.muli %mul3A_519, %scan3A_181 : i32
      %add3A_521 = arith.constant 1 : i32
      %add3A_522 = arith.addi %mul3A_520, %add3A_521 : i32
      %swap3A_523 = arith.index_cast %add3A_522 : i32 to index
      %swap3A_524 = arith.constant 48 : index
      %swap3A_525 = tpu.vector_load %arg11[%swap3A_523, %swap3A_524] {strides = array<i32>} : memref<80x128xf32, #tpu.memory_space<vmem>>, vector<1x16xf32>,
      %swap3A_526 = vector.shape_cast %swap3A_525 : vector<1x16xf32> to vector<16xf32>
      %swap3A_527 = vector.shape_cast %max3A_518 : vector<16xf32> to vector<1x16xf32>
      tpu.vector_store %arg11[%swap3A_523, %swap3A_524], %swap3A_527 {strides = array<i32>} : memref<80x128xf32, #tpu.memory_space<vmem>>, vector<1x16xf32>,
      %mul3A_528 = arith.constant 2 : i32
      %mul3A_529 = arith.muli %mul3A_528, %scan3A_181 : i32
      %add3A_530 = arith.constant 1 : i32
      %add3A_531 = arith.addi %mul3A_529, %add3A_530 : i32
      %get3A_532 = arith.index_cast %add3A_531 : i32 to index
      %get3A_533 = arith.constant 64 : index
      %get3A_534 = tpu.vector_load %arg11[%get3A_532, %get3A_533] {strides = array<i32>} : memref<80x128xf32, #tpu.memory_space<vmem>>, vector<1x16xf32>,
      %get3A_535 = vector.shape_cast %get3A_534 : vector<1x16xf32> to vector<16xf32>
      %mul3A_536 = arith.constant 2 : i32
      %mul3A_537 = arith.muli %mul3A_536, %scan3A_181 : i32
      %add3A_538 = arith.constant 1 : i32
      %add3A_539 = arith.addi %mul3A_537, %add3A_538 : i32
      %get3A_540 = arith.index_cast %add3A_539 : i32 to index
      %get3A_541 = arith.constant 64 : index
      %get3A_542 = tpu.vector_load %arg13[%get3A_540, %get3A_541] {strides = array<i32>} : memref<80x128xf32, #tpu.memory_space<vmem>>, vector<1x16xf32>,
      %get3A_543 = vector.shape_cast %get3A_542 : vector<1x16xf32> to vector<16xf32>
      %add3A_544 = arith.addf %get3A_535, %get3A_543 : vector<16xf32>
      %max3A_545 = arith.constant 0.000000e+00 : f32
      %max3A_546 = vector.broadcast %max3A_545 : f32 to vector<16xf32>
      %max3A_547 = arith.maximumf %add3A_544, %max3A_546 : vector<16xf32>
      %mul3A_548 = arith.constant 2 : i32
      %mul3A_549 = arith.muli %mul3A_548, %scan3A_181 : i32
      %add3A_550 = arith.constant 1 : i32
      %add3A_551 = arith.addi %mul3A_549, %add3A_550 : i32
      %swap3A_552 = arith.index_cast %add3A_551 : i32 to index
      %swap3A_553 = arith.constant 64 : index
      %swap3A_554 = tpu.vector_load %arg11[%swap3A_552, %swap3A_553] {strides = array<i32>} : memref<80x128xf32, #tpu.memory_space<vmem>>, vector<1x16xf32>,
      %swap3A_555 = vector.shape_cast %swap3A_554 : vector<1x16xf32> to vector<16xf32>
      %swap3A_556 = vector.shape_cast %max3A_547 : vector<16xf32> to vector<1x16xf32>
      tpu.vector_store %arg11[%swap3A_552, %swap3A_553], %swap3A_556 {strides = array<i32>} : memref<80x128xf32, #tpu.memory_space<vmem>>, vector<1x16xf32>,
      %mul3A_557 = arith.constant 2 : i32
      %mul3A_558 = arith.muli %mul3A_557, %scan3A_181 : i32
      %add3A_559 = arith.constant 1 : i32
      %add3A_560 = arith.addi %mul3A_558, %add3A_559 : i32
      %get3A_561 = arith.index_cast %add3A_560 : i32 to index
      %get3A_562 = arith.constant 80 : index
      %get3A_563 = tpu.vector_load %arg11[%get3A_561, %get3A_562] {strides = array<i32>} : memref<80x128xf32, #tpu.memory_space<vmem>>, vector<1x16xf32>,
      %get3A_564 = vector.shape_cast %get3A_563 : vector<1x16xf32> to vector<16xf32>
      %mul3A_565 = arith.constant 2 : i32
      %mul3A_566 = arith.muli %mul3A_565, %scan3A_181 : i32
      %add3A_567 = arith.constant 1 : i32
      %add3A_568 = arith.addi %mul3A_566, %add3A_567 : i32
      %get3A_569 = arith.index_cast %add3A_568 : i32 to index
      %get3A_570 = arith.constant 80 : index
      %get3A_571 = tpu.vector_load %arg13[%get3A_569, %get3A_570] {strides = array<i32>} : memref<80x128xf32, #tpu.memory_space<vmem>>, vector<1x16xf32>,
      %get3A_572 = vector.shape_cast %get3A_571 : vector<1x16xf32> to vector<16xf32>
      %add3A_573 = arith.addf %get3A_564, %get3A_572 : vector<16xf32>
      %max3A_574 = arith.constant 0.000000e+00 : f32
      %max3A_575 = vector.broadcast %max3A_574 : f32 to vector<16xf32>
      %max3A_576 = arith.maximumf %add3A_573, %max3A_575 : vector<16xf32>
      %mul3A_577 = arith.constant 2 : i32
      %mul3A_578 = arith.muli %mul3A_577, %scan3A_181 : i32
      %add3A_579 = arith.constant 1 : i32
      %add3A_580 = arith.addi %mul3A_578, %add3A_579 : i32
      %swap3A_581 = arith.index_cast %add3A_580 : i32 to index
      %swap3A_582 = arith.constant 80 : index
      %swap3A_583 = tpu.vector_load %arg11[%swap3A_581, %swap3A_582] {strides = array<i32>} : memref<80x128xf32, #tpu.memory_space<vmem>>, vector<1x16xf32>,
      %swap3A_584 = vector.shape_cast %swap3A_583 : vector<1x16xf32> to vector<16xf32>
      %swap3A_585 = vector.shape_cast %max3A_576 : vector<16xf32> to vector<1x16xf32>
      tpu.vector_store %arg11[%swap3A_581, %swap3A_582], %swap3A_585 {strides = array<i32>} : memref<80x128xf32, #tpu.memory_space<vmem>>, vector<1x16xf32>,
      %mul3A_586 = arith.constant 2 : i32
      %mul3A_587 = arith.muli %mul3A_586, %scan3A_181 : i32
      %add3A_588 = arith.constant 1 : i32
      %add3A_589 = arith.addi %mul3A_587, %add3A_588 : i32
      %get3A_590 = arith.index_cast %add3A_589 : i32 to index
      %get3A_591 = arith.constant 96 : index
      %get3A_592 = tpu.vector_load %arg11[%get3A_590, %get3A_591] {strides = array<i32>} : memref<80x128xf32, #tpu.memory_space<vmem>>, vector<1x16xf32>,
      %get3A_593 = vector.shape_cast %get3A_592 : vector<1x16xf32> to vector<16xf32>
      %mul3A_594 = arith.constant 2 : i32
      %mul3A_595 = arith.muli %mul3A_594, %scan3A_181 : i32
      %add3A_596 = arith.constant 1 : i32
      %add3A_597 = arith.addi %mul3A_595, %add3A_596 : i32
      %get3A_598 = arith.index_cast %add3A_597 : i32 to index
      %get3A_599 = arith.constant 96 : index
      %get3A_600 = tpu.vector_load %arg13[%get3A_598, %get3A_599] {strides = array<i32>} : memref<80x128xf32, #tpu.memory_space<vmem>>, vector<1x16xf32>,
      %get3A_601 = vector.shape_cast %get3A_600 : vector<1x16xf32> to vector<16xf32>
      %add3A_602 = arith.addf %get3A_593, %get3A_601 : vector<16xf32>
      %max3A_603 = arith.constant 0.000000e+00 : f32
      %max3A_604 = vector.broadcast %max3A_603 : f32 to vector<16xf32>
      %max3A_605 = arith.maximumf %add3A_602, %max3A_604 : vector<16xf32>
      %mul3A_606 = arith.constant 2 : i32
      %mul3A_607 = arith.muli %mul3A_606, %scan3A_181 : i32
      %add3A_608 = arith.constant 1 : i32
      %add3A_609 = arith.addi %mul3A_607, %add3A_608 : i32
      %swap3A_610 = arith.index_cast %add3A_609 : i32 to index
      %swap3A_611 = arith.constant 96 : index
      %swap3A_612 = tpu.vector_load %arg11[%swap3A_610, %swap3A_611] {strides = array<i32>} : memref<80x128xf32, #tpu.memory_space<vmem>>, vector<1x16xf32>,
      %swap3A_613 = vector.shape_cast %swap3A_612 : vector<1x16xf32> to vector<16xf32>
      %swap3A_614 = vector.shape_cast %max3A_605 : vector<16xf32> to vector<1x16xf32>
      tpu.vector_store %arg11[%swap3A_610, %swap3A_611], %swap3A_614 {strides = array<i32>} : memref<80x128xf32, #tpu.memory_space<vmem>>, vector<1x16xf32>,
      %mul3A_615 = arith.constant 2 : i32
      %mul3A_616 = arith.muli %mul3A_615, %scan3A_181 : i32
      %add3A_617 = arith.constant 1 : i32
      %add3A_618 = arith.addi %mul3A_616, %add3A_617 : i32
      %get3A_619 = arith.index_cast %add3A_618 : i32 to index
      %get3A_620 = arith.constant 112 : index
      %get3A_621 = tpu.vector_load %arg11[%get3A_619, %get3A_620] {strides = array<i32>} : memref<80x128xf32, #tpu.memory_space<vmem>>, vector<1x16xf32>,
      %get3A_622 = vector.shape_cast %get3A_621 : vector<1x16xf32> to vector<16xf32>
      %mul3A_623 = arith.constant 2 : i32
      %mul3A_624 = arith.muli %mul3A_623, %scan3A_181 : i32
      %add3A_625 = arith.constant 1 : i32
      %add3A_626 = arith.addi %mul3A_624, %add3A_625 : i32
      %get3A_627 = arith.index_cast %add3A_626 : i32 to index
      %get3A_628 = arith.constant 112 : index
      %get3A_629 = tpu.vector_load %arg13[%get3A_627, %get3A_628] {strides = array<i32>} : memref<80x128xf32, #tpu.memory_space<vmem>>, vector<1x16xf32>,
      %get3A_630 = vector.shape_cast %get3A_629 : vector<1x16xf32> to vector<16xf32>
      %add3A_631 = arith.addf %get3A_622, %get3A_630 : vector<16xf32>
      %max3A_632 = arith.constant 0.000000e+00 : f32
      %max3A_633 = vector.broadcast %max3A_632 : f32 to vector<16xf32>
      %max3A_634 = arith.maximumf %add3A_631, %max3A_633 : vector<16xf32>
      %mul3A_635 = arith.constant 2 : i32
      %mul3A_636 = arith.muli %mul3A_635, %scan3A_181 : i32
      %add3A_637 = arith.constant 1 : i32
      %add3A_638 = arith.addi %mul3A_636, %add3A_637 : i32
      %swap3A_639 = arith.index_cast %add3A_638 : i32 to index
      %swap3A_640 = arith.constant 112 : index
      %swap3A_641 = tpu.vector_load %arg11[%swap3A_639, %swap3A_640] {strides = array<i32>} : memref<80x128xf32, #tpu.memory_space<vmem>>, vector<1x16xf32>,
      %swap3A_642 = vector.shape_cast %swap3A_641 : vector<1x16xf32> to vector<16xf32>
      %swap3A_643 = vector.shape_cast %max3A_634 : vector<16xf32> to vector<1x16xf32>
      tpu.vector_store %arg11[%swap3A_639, %swap3A_640], %swap3A_643 {strides = array<i32>} : memref<80x128xf32, #tpu.memory_space<vmem>>, vector<1x16xf32>,
      %scan3A_644 = arith.constant 0 : i32
      scf.yield %scan3A_644 : i32
    }
    %scan3A_100 = arith.constant 20 : i32
    %dma_start3A_101 = arith.constant 0 : i32
    %dma_start3A_102 = arith.constant 0 : i32
    %dma_start3A_103 = arith.constant 0 : i32
    %dma_start3A_104 = tpu.memref_slice %arg11[%dma_start3A_102, %dma_start3A_103] : memref<80x128xf32, #tpu.memory_space<vmem>> -> memref<40x128xf32, #tpu.memory_space<vmem>>
    %dma_start3A_105 = arith.constant 0 : i32
    %dma_start3A_106 = tpu.memref_slice %arg9[%dma_start3A_101, %dma_start3A_105] : memref<2x40xi32, #tpu.memory_space<vmem>> -> memref<1x40xi32, #tpu.memory_space<vmem>>
    %dma_start3A_107 = tpu.memref_squeeze %dma_start3A_106 : memref<1x40xi32, #tpu.memory_space<vmem>> -> memref<40xi32, #tpu.memory_space<vmem>>
    %dma_start3A_108 = arith.constant 0 : i32
    %dma_start3A_109 = arith.constant 0 : i32
    %dma_start3A_110 = tpu.memref_slice %arg16[%dma_start3A_108, %dma_start3A_109] : memref<10000x128xf32, #tpu.memory_space<vmem_shared>> -> memref<10000x128xf32, #tpu.memory_space<vmem_shared>>
    tpu.enqueue_indirect_dma source(%dma_start3A_104 : memref<40x128xf32, #tpu.memory_space<vmem>>) target(%dma_start3A_110 : memref<10000x128xf32, #tpu.memory_space<vmem_shared>>) offsets(%dma_start3A_107 : memref<40xi32, #tpu.memory_space<vmem>>) semaphore(%arg23 : memref<!tpu.dma_semaphore, #tpu.memory_space<semaphore_mem>>) {add = true}
    %scan3A_111 = arith.constant 0 : i32
    %scan3A_112 = arith.constant 20 : i32
    %scan3A_113 = arith.constant 20 : i32
    %scan3A_114 = arith.addi %scan3A_112, %scan3A_113 : i32
    %scan3A_115 = arith.constant 1 : i32
    %scan3A_116 = scf.for %scan3A_181 = %scan3A_112 to %scan3A_114 step %scan3A_115 iter_args(%scan3A_182 = %scan3A_111) -> (i32)  : i32 {
      %mul3A_183 = arith.constant 2 : i32
      %mul3A_184 = arith.muli %mul3A_183, %scan3A_181 : i32
      %add3A_185 = arith.constant 0 : i32
      %add3A_186 = arith.addi %mul3A_184, %add3A_185 : i32
      %get3A = arith.index_cast %add3A_186 : i32 to index
      %get3A_187 = arith.constant 0 : index
      %get3A_188 = tpu.vector_load %arg11[%get3A, %get3A_187] {strides = array<i32>} : memref<80x128xf32, #tpu.memory_space<vmem>>, vector<1x16xf32>,
      %get3A_189 = vector.shape_cast %get3A_188 : vector<1x16xf32> to vector<16xf32>
      %mul3A_190 = arith.constant 2 : i32
      %mul3A_191 = arith.muli %mul3A_190, %scan3A_181 : i32
      %add3A_192 = arith.constant 0 : i32
      %add3A_193 = arith.addi %mul3A_191, %add3A_192 : i32
      %get3A_194 = arith.index_cast %add3A_193 : i32 to index
      %get3A_195 = arith.constant 0 : index
      %get3A_196 = tpu.vector_load %arg13[%get3A_194, %get3A_195] {strides = array<i32>} : memref<80x128xf32, #tpu.memory_space<vmem>>, vector<1x16xf32>,
      %get3A_197 = vector.shape_cast %get3A_196 : vector<1x16xf32> to vector<16xf32>
      %add3A_198 = arith.addf %get3A_189, %get3A_197 : vector<16xf32>
      %max3A = arith.constant 0.000000e+00 : f32
      %max3A_199 = vector.broadcast %max3A : f32 to vector<16xf32>
      %max3A_200 = arith.maximumf %add3A_198, %max3A_199 : vector<16xf32>
      %mul3A_201 = arith.constant 2 : i32
      %mul3A_202 = arith.muli %mul3A_201, %scan3A_181 : i32
      %add3A_203 = arith.constant 0 : i32
      %add3A_204 = arith.addi %mul3A_202, %add3A_203 : i32
      %swap3A = arith.index_cast %add3A_204 : i32 to index
      %swap3A_205 = arith.constant 0 : index
      %swap3A_206 = tpu.vector_load %arg11[%swap3A, %swap3A_205] {strides = array<i32>} : memref<80x128xf32, #tpu.memory_space<vmem>>, vector<1x16xf32>,
      %swap3A_207 = vector.shape_cast %swap3A_206 : vector<1x16xf32> to vector<16xf32>
      %swap3A_208 = vector.shape_cast %max3A_200 : vector<16xf32> to vector<1x16xf32>
      tpu.vector_store %arg11[%swap3A, %swap3A_205], %swap3A_208 {strides = array<i32>} : memref<80x128xf32, #tpu.memory_space<vmem>>, vector<1x16xf32>,
      %mul3A_209 = arith.constant 2 : i32
      %mul3A_210 = arith.muli %mul3A_209, %scan3A_181 : i32
      %add3A_211 = arith.constant 0 : i32
      %add3A_212 = arith.addi %mul3A_210, %add3A_211 : i32
      %get3A_213 = arith.index_cast %add3A_212 : i32 to index
      %get3A_214 = arith.constant 16 : index
      %get3A_215 = tpu.vector_load %arg11[%get3A_213, %get3A_214] {strides = array<i32>} : memref<80x128xf32, #tpu.memory_space<vmem>>, vector<1x16xf32>,
      %get3A_216 = vector.shape_cast %get3A_215 : vector<1x16xf32> to vector<16xf32>
      %mul3A_217 = arith.constant 2 : i32
      %mul3A_218 = arith.muli %mul3A_217, %scan3A_181 : i32
      %add3A_219 = arith.constant 0 : i32
      %add3A_220 = arith.addi %mul3A_218, %add3A_219 : i32
      %get3A_221 = arith.index_cast %add3A_220 : i32 to index
      %get3A_222 = arith.constant 16 : index
      %get3A_223 = tpu.vector_load %arg13[%get3A_221, %get3A_222] {strides = array<i32>} : memref<80x128xf32, #tpu.memory_space<vmem>>, vector<1x16xf32>,
      %get3A_224 = vector.shape_cast %get3A_223 : vector<1x16xf32> to vector<16xf32>
      %add3A_225 = arith.addf %get3A_216, %get3A_224 : vector<16xf32>
      %max3A_226 = arith.constant 0.000000e+00 : f32
      %max3A_227 = vector.broadcast %max3A_226 : f32 to vector<16xf32>
      %max3A_228 = arith.maximumf %add3A_225, %max3A_227 : vector<16xf32>
      %mul3A_229 = arith.constant 2 : i32
      %mul3A_230 = arith.muli %mul3A_229, %scan3A_181 : i32
      %add3A_231 = arith.constant 0 : i32
      %add3A_232 = arith.addi %mul3A_230, %add3A_231 : i32
      %swap3A_233 = arith.index_cast %add3A_232 : i32 to index
      %swap3A_234 = arith.constant 16 : index
      %swap3A_235 = tpu.vector_load %arg11[%swap3A_233, %swap3A_234] {strides = array<i32>} : memref<80x128xf32, #tpu.memory_space<vmem>>, vector<1x16xf32>,
      %swap3A_236 = vector.shape_cast %swap3A_235 : vector<1x16xf32> to vector<16xf32>
      %swap3A_237 = vector.shape_cast %max3A_228 : vector<16xf32> to vector<1x16xf32>
      tpu.vector_store %arg11[%swap3A_233, %swap3A_234], %swap3A_237 {strides = array<i32>} : memref<80x128xf32, #tpu.memory_space<vmem>>, vector<1x16xf32>,
      %mul3A_238 = arith.constant 2 : i32
      %mul3A_239 = arith.muli %mul3A_238, %scan3A_181 : i32
      %add3A_240 = arith.constant 0 : i32
      %add3A_241 = arith.addi %mul3A_239, %add3A_240 : i32
      %get3A_242 = arith.index_cast %add3A_241 : i32 to index
      %get3A_243 = arith.constant 32 : index
      %get3A_244 = tpu.vector_load %arg11[%get3A_242, %get3A_243] {strides = array<i32>} : memref<80x128xf32, #tpu.memory_space<vmem>>, vector<1x16xf32>,
      %get3A_245 = vector.shape_cast %get3A_244 : vector<1x16xf32> to vector<16xf32>
      %mul3A_246 = arith.constant 2 : i32
      %mul3A_247 = arith.muli %mul3A_246, %scan3A_181 : i32
      %add3A_248 = arith.constant 0 : i32
      %add3A_249 = arith.addi %mul3A_247, %add3A_248 : i32
      %get3A_250 = arith.index_cast %add3A_249 : i32 to index
      %get3A_251 = arith.constant 32 : index
      %get3A_252 = tpu.vector_load %arg13[%get3A_250, %get3A_251] {strides = array<i32>} : memref<80x128xf32, #tpu.memory_space<vmem>>, vector<1x16xf32>,
      %get3A_253 = vector.shape_cast %get3A_252 : vector<1x16xf32> to vector<16xf32>
      %add3A_254 = arith.addf %get3A_245, %get3A_253 : vector<16xf32>
      %max3A_255 = arith.constant 0.000000e+00 : f32
      %max3A_256 = vector.broadcast %max3A_255 : f32 to vector<16xf32>
      %max3A_257 = arith.maximumf %add3A_254, %max3A_256 : vector<16xf32>
      %mul3A_258 = arith.constant 2 : i32
      %mul3A_259 = arith.muli %mul3A_258, %scan3A_181 : i32
      %add3A_260 = arith.constant 0 : i32
      %add3A_261 = arith.addi %mul3A_259, %add3A_260 : i32
      %swap3A_262 = arith.index_cast %add3A_261 : i32 to index
      %swap3A_263 = arith.constant 32 : index
      %swap3A_264 = tpu.vector_load %arg11[%swap3A_262, %swap3A_263] {strides = array<i32>} : memref<80x128xf32, #tpu.memory_space<vmem>>, vector<1x16xf32>,
      %swap3A_265 = vector.shape_cast %swap3A_264 : vector<1x16xf32> to vector<16xf32>
      %swap3A_266 = vector.shape_cast %max3A_257 : vector<16xf32> to vector<1x16xf32>
      tpu.vector_store %arg11[%swap3A_262, %swap3A_263], %swap3A_266 {strides = array<i32>} : memref<80x128xf32, #tpu.memory_space<vmem>>, vector<1x16xf32>,
      %mul3A_267 = arith.constant 2 : i32
      %mul3A_268 = arith.muli %mul3A_267, %scan3A_181 : i32
      %add3A_269 = arith.constant 0 : i32
      %add3A_270 = arith.addi %mul3A_268, %add3A_269 : i32
      %get3A_271 = arith.index_cast %add3A_270 : i32 to index
      %get3A_272 = arith.constant 48 : index
      %get3A_273 = tpu.vector_load %arg11[%get3A_271, %get3A_272] {strides = array<i32>} : memref<80x128xf32, #tpu.memory_space<vmem>>, vector<1x16xf32>,
      %get3A_274 = vector.shape_cast %get3A_273 : vector<1x16xf32> to vector<16xf32>
      %mul3A_275 = arith.constant 2 : i32
      %mul3A_276 = arith.muli %mul3A_275, %scan3A_181 : i32
      %add3A_277 = arith.constant 0 : i32
      %add3A_278 = arith.addi %mul3A_276, %add3A_277 : i32
      %get3A_279 = arith.index_cast %add3A_278 : i32 to index
      %get3A_280 = arith.constant 48 : index
      %get3A_281 = tpu.vector_load %arg13[%get3A_279, %get3A_280] {strides = array<i32>} : memref<80x128xf32, #tpu.memory_space<vmem>>, vector<1x16xf32>,
      %get3A_282 = vector.shape_cast %get3A_281 : vector<1x16xf32> to vector<16xf32>
      %add3A_283 = arith.addf %get3A_274, %get3A_282 : vector<16xf32>
      %max3A_284 = arith.constant 0.000000e+00 : f32
      %max3A_285 = vector.broadcast %max3A_284 : f32 to vector<16xf32>
      %max3A_286 = arith.maximumf %add3A_283, %max3A_285 : vector<16xf32>
      %mul3A_287 = arith.constant 2 : i32
      %mul3A_288 = arith.muli %mul3A_287, %scan3A_181 : i32
      %add3A_289 = arith.constant 0 : i32
      %add3A_290 = arith.addi %mul3A_288, %add3A_289 : i32
      %swap3A_291 = arith.index_cast %add3A_290 : i32 to index
      %swap3A_292 = arith.constant 48 : index
      %swap3A_293 = tpu.vector_load %arg11[%swap3A_291, %swap3A_292] {strides = array<i32>} : memref<80x128xf32, #tpu.memory_space<vmem>>, vector<1x16xf32>,
      %swap3A_294 = vector.shape_cast %swap3A_293 : vector<1x16xf32> to vector<16xf32>
      %swap3A_295 = vector.shape_cast %max3A_286 : vector<16xf32> to vector<1x16xf32>
      tpu.vector_store %arg11[%swap3A_291, %swap3A_292], %swap3A_295 {strides = array<i32>} : memref<80x128xf32, #tpu.memory_space<vmem>>, vector<1x16xf32>,
      %mul3A_296 = arith.constant 2 : i32
      %mul3A_297 = arith.muli %mul3A_296, %scan3A_181 : i32
      %add3A_298 = arith.constant 0 : i32
      %add3A_299 = arith.addi %mul3A_297, %add3A_298 : i32
      %get3A_300 = arith.index_cast %add3A_299 : i32 to index
      %get3A_301 = arith.constant 64 : index
      %get3A_302 = tpu.vector_load %arg11[%get3A_300, %get3A_301] {strides = array<i32>} : memref<80x128xf32, #tpu.memory_space<vmem>>, vector<1x16xf32>,
      %get3A_303 = vector.shape_cast %get3A_302 : vector<1x16xf32> to vector<16xf32>
      %mul3A_304 = arith.constant 2 : i32
      %mul3A_305 = arith.muli %mul3A_304, %scan3A_181 : i32
      %add3A_306 = arith.constant 0 : i32
      %add3A_307 = arith.addi %mul3A_305, %add3A_306 : i32
      %get3A_308 = arith.index_cast %add3A_307 : i32 to index
      %get3A_309 = arith.constant 64 : index
      %get3A_310 = tpu.vector_load %arg13[%get3A_308, %get3A_309] {strides = array<i32>} : memref<80x128xf32, #tpu.memory_space<vmem>>, vector<1x16xf32>,
      %get3A_311 = vector.shape_cast %get3A_310 : vector<1x16xf32> to vector<16xf32>
      %add3A_312 = arith.addf %get3A_303, %get3A_311 : vector<16xf32>
      %max3A_313 = arith.constant 0.000000e+00 : f32
      %max3A_314 = vector.broadcast %max3A_313 : f32 to vector<16xf32>
      %max3A_315 = arith.maximumf %add3A_312, %max3A_314 : vector<16xf32>
      %mul3A_316 = arith.constant 2 : i32
      %mul3A_317 = arith.muli %mul3A_316, %scan3A_181 : i32
      %add3A_318 = arith.constant 0 : i32
      %add3A_319 = arith.addi %mul3A_317, %add3A_318 : i32
      %swap3A_320 = arith.index_cast %add3A_319 : i32 to index
      %swap3A_321 = arith.constant 64 : index
      %swap3A_322 = tpu.vector_load %arg11[%swap3A_320, %swap3A_321] {strides = array<i32>} : memref<80x128xf32, #tpu.memory_space<vmem>>, vector<1x16xf32>,
      %swap3A_323 = vector.shape_cast %swap3A_322 : vector<1x16xf32> to vector<16xf32>
      %swap3A_324 = vector.shape_cast %max3A_315 : vector<16xf32> to vector<1x16xf32>
      tpu.vector_store %arg11[%swap3A_320, %swap3A_321], %swap3A_324 {strides = array<i32>} : memref<80x128xf32, #tpu.memory_space<vmem>>, vector<1x16xf32>,
      %mul3A_325 = arith.constant 2 : i32
      %mul3A_326 = arith.muli %mul3A_325, %scan3A_181 : i32
      %add3A_327 = arith.constant 0 : i32
      %add3A_328 = arith.addi %mul3A_326, %add3A_327 : i32
      %get3A_329 = arith.index_cast %add3A_328 : i32 to index
      %get3A_330 = arith.constant 80 : index
      %get3A_331 = tpu.vector_load %arg11[%get3A_329, %get3A_330] {strides = array<i32>} : memref<80x128xf32, #tpu.memory_space<vmem>>, vector<1x16xf32>,
      %get3A_332 = vector.shape_cast %get3A_331 : vector<1x16xf32> to vector<16xf32>
      %mul3A_333 = arith.constant 2 : i32
      %mul3A_334 = arith.muli %mul3A_333, %scan3A_181 : i32
      %add3A_335 = arith.constant 0 : i32
      %add3A_336 = arith.addi %mul3A_334, %add3A_335 : i32
      %get3A_337 = arith.index_cast %add3A_336 : i32 to index
      %get3A_338 = arith.constant 80 : index
      %get3A_339 = tpu.vector_load %arg13[%get3A_337, %get3A_338] {strides = array<i32>} : memref<80x128xf32, #tpu.memory_space<vmem>>, vector<1x16xf32>,
      %get3A_340 = vector.shape_cast %get3A_339 : vector<1x16xf32> to vector<16xf32>
      %add3A_341 = arith.addf %get3A_332, %get3A_340 : vector<16xf32>
      %max3A_342 = arith.constant 0.000000e+00 : f32
      %max3A_343 = vector.broadcast %max3A_342 : f32 to vector<16xf32>
      %max3A_344 = arith.maximumf %add3A_341, %max3A_343 : vector<16xf32>
      %mul3A_345 = arith.constant 2 : i32
      %mul3A_346 = arith.muli %mul3A_345, %scan3A_181 : i32
      %add3A_347 = arith.constant 0 : i32
      %add3A_348 = arith.addi %mul3A_346, %add3A_347 : i32
      %swap3A_349 = arith.index_cast %add3A_348 : i32 to index
      %swap3A_350 = arith.constant 80 : index
      %swap3A_351 = tpu.vector_load %arg11[%swap3A_349, %swap3A_350] {strides = array<i32>} : memref<80x128xf32, #tpu.memory_space<vmem>>, vector<1x16xf32>,
      %swap3A_352 = vector.shape_cast %swap3A_351 : vector<1x16xf32> to vector<16xf32>
      %swap3A_353 = vector.shape_cast %max3A_344 : vector<16xf32> to vector<1x16xf32>
      tpu.vector_store %arg11[%swap3A_349, %swap3A_350], %swap3A_353 {strides = array<i32>} : memref<80x128xf32, #tpu.memory_space<vmem>>, vector<1x16xf32>,
      %mul3A_354 = arith.constant 2 : i32
      %mul3A_355 = arith.muli %mul3A_354, %scan3A_181 : i32
      %add3A_356 = arith.constant 0 : i32
      %add3A_357 = arith.addi %mul3A_355, %add3A_356 : i32
      %get3A_358 = arith.index_cast %add3A_357 : i32 to index
      %get3A_359 = arith.constant 96 : index
      %get3A_360 = tpu.vector_load %arg11[%get3A_358, %get3A_359] {strides = array<i32>} : memref<80x128xf32, #tpu.memory_space<vmem>>, vector<1x16xf32>,
      %get3A_361 = vector.shape_cast %get3A_360 : vector<1x16xf32> to vector<16xf32>
      %mul3A_362 = arith.constant 2 : i32
      %mul3A_363 = arith.muli %mul3A_362, %scan3A_181 : i32
      %add3A_364 = arith.constant 0 : i32
      %add3A_365 = arith.addi %mul3A_363, %add3A_364 : i32
      %get3A_366 = arith.index_cast %add3A_365 : i32 to index
      %get3A_367 = arith.constant 96 : index
      %get3A_368 = tpu.vector_load %arg13[%get3A_366, %get3A_367] {strides = array<i32>} : memref<80x128xf32, #tpu.memory_space<vmem>>, vector<1x16xf32>,
      %get3A_369 = vector.shape_cast %get3A_368 : vector<1x16xf32> to vector<16xf32>
      %add3A_370 = arith.addf %get3A_361, %get3A_369 : vector<16xf32>
      %max3A_371 = arith.constant 0.000000e+00 : f32
      %max3A_372 = vector.broadcast %max3A_371 : f32 to vector<16xf32>
      %max3A_373 = arith.maximumf %add3A_370, %max3A_372 : vector<16xf32>
      %mul3A_374 = arith.constant 2 : i32
      %mul3A_375 = arith.muli %mul3A_374, %scan3A_181 : i32
      %add3A_376 = arith.constant 0 : i32
      %add3A_377 = arith.addi %mul3A_375, %add3A_376 : i32
      %swap3A_378 = arith.index_cast %add3A_377 : i32 to index
      %swap3A_379 = arith.constant 96 : index
      %swap3A_380 = tpu.vector_load %arg11[%swap3A_378, %swap3A_379] {strides = array<i32>} : memref<80x128xf32, #tpu.memory_space<vmem>>, vector<1x16xf32>,
      %swap3A_381 = vector.shape_cast %swap3A_380 : vector<1x16xf32> to vector<16xf32>
      %swap3A_382 = vector.shape_cast %max3A_373 : vector<16xf32> to vector<1x16xf32>
      tpu.vector_store %arg11[%swap3A_378, %swap3A_379], %swap3A_382 {strides = array<i32>} : memref<80x128xf32, #tpu.memory_space<vmem>>, vector<1x16xf32>,
      %mul3A_383 = arith.constant 2 : i32
      %mul3A_384 = arith.muli %mul3A_383, %scan3A_181 : i32
      %add3A_385 = arith.constant 0 : i32
      %add3A_386 = arith.addi %mul3A_384, %add3A_385 : i32
      %get3A_387 = arith.index_cast %add3A_386 : i32 to index
      %get3A_388 = arith.constant 112 : index
      %get3A_389 = tpu.vector_load %arg11[%get3A_387, %get3A_388] {strides = array<i32>} : memref<80x128xf32, #tpu.memory_space<vmem>>, vector<1x16xf32>,
      %get3A_390 = vector.shape_cast %get3A_389 : vector<1x16xf32> to vector<16xf32>
      %mul3A_391 = arith.constant 2 : i32
      %mul3A_392 = arith.muli %mul3A_391, %scan3A_181 : i32
      %add3A_393 = arith.constant 0 : i32
      %add3A_394 = arith.addi %mul3A_392, %add3A_393 : i32
      %get3A_395 = arith.index_cast %add3A_394 : i32 to index
      %get3A_396 = arith.constant 112 : index
      %get3A_397 = tpu.vector_load %arg13[%get3A_395, %get3A_396] {strides = array<i32>} : memref<80x128xf32, #tpu.memory_space<vmem>>, vector<1x16xf32>,
      %get3A_398 = vector.shape_cast %get3A_397 : vector<1x16xf32> to vector<16xf32>
      %add3A_399 = arith.addf %get3A_390, %get3A_398 : vector<16xf32>
      %max3A_400 = arith.constant 0.000000e+00 : f32
      %max3A_401 = vector.broadcast %max3A_400 : f32 to vector<16xf32>
      %max3A_402 = arith.maximumf %add3A_399, %max3A_401 : vector<16xf32>
      %mul3A_403 = arith.constant 2 : i32
      %mul3A_404 = arith.muli %mul3A_403, %scan3A_181 : i32
      %add3A_405 = arith.constant 0 : i32
      %add3A_406 = arith.addi %mul3A_404, %add3A_405 : i32
      %swap3A_407 = arith.index_cast %add3A_406 : i32 to index
      %swap3A_408 = arith.constant 112 : index
      %swap3A_409 = tpu.vector_load %arg11[%swap3A_407, %swap3A_408] {strides = array<i32>} : memref<80x128xf32, #tpu.memory_space<vmem>>, vector<1x16xf32>,
      %swap3A_410 = vector.shape_cast %swap3A_409 : vector<1x16xf32> to vector<16xf32>
      %swap3A_411 = vector.shape_cast %max3A_402 : vector<16xf32> to vector<1x16xf32>
      tpu.vector_store %arg11[%swap3A_407, %swap3A_408], %swap3A_411 {strides = array<i32>} : memref<80x128xf32, #tpu.memory_space<vmem>>, vector<1x16xf32>,
      %mul3A_412 = arith.constant 2 : i32
      %mul3A_413 = arith.muli %mul3A_412, %scan3A_181 : i32
      %add3A_414 = arith.constant 1 : i32
      %add3A_415 = arith.addi %mul3A_413, %add3A_414 : i32
      %get3A_416 = arith.index_cast %add3A_415 : i32 to index
      %get3A_417 = arith.constant 0 : index
      %get3A_418 = tpu.vector_load %arg11[%get3A_416, %get3A_417] {strides = array<i32>} : memref<80x128xf32, #tpu.memory_space<vmem>>, vector<1x16xf32>,
      %get3A_419 = vector.shape_cast %get3A_418 : vector<1x16xf32> to vector<16xf32>
      %mul3A_420 = arith.constant 2 : i32
      %mul3A_421 = arith.muli %mul3A_420, %scan3A_181 : i32
      %add3A_422 = arith.constant 1 : i32
      %add3A_423 = arith.addi %mul3A_421, %add3A_422 : i32
      %get3A_424 = arith.index_cast %add3A_423 : i32 to index
      %get3A_425 = arith.constant 0 : index
      %get3A_426 = tpu.vector_load %arg13[%get3A_424, %get3A_425] {strides = array<i32>} : memref<80x128xf32, #tpu.memory_space<vmem>>, vector<1x16xf32>,
      %get3A_427 = vector.shape_cast %get3A_426 : vector<1x16xf32> to vector<16xf32>
      %add3A_428 = arith.addf %get3A_419, %get3A_427 : vector<16xf32>
      %max3A_429 = arith.constant 0.000000e+00 : f32
      %max3A_430 = vector.broadcast %max3A_429 : f32 to vector<16xf32>
      %max3A_431 = arith.maximumf %add3A_428, %max3A_430 : vector<16xf32>
      %mul3A_432 = arith.constant 2 : i32
      %mul3A_433 = arith.muli %mul3A_432, %scan3A_181 : i32
      %add3A_434 = arith.constant 1 : i32
      %add3A_435 = arith.addi %mul3A_433, %add3A_434 : i32
      %swap3A_436 = arith.index_cast %add3A_435 : i32 to index
      %swap3A_437 = arith.constant 0 : index
      %swap3A_438 = tpu.vector_load %arg11[%swap3A_436, %swap3A_437] {strides = array<i32>} : memref<80x128xf32, #tpu.memory_space<vmem>>, vector<1x16xf32>,
      %swap3A_439 = vector.shape_cast %swap3A_438 : vector<1x16xf32> to vector<16xf32>
      %swap3A_440 = vector.shape_cast %max3A_431 : vector<16xf32> to vector<1x16xf32>
      tpu.vector_store %arg11[%swap3A_436, %swap3A_437], %swap3A_440 {strides = array<i32>} : memref<80x128xf32, #tpu.memory_space<vmem>>, vector<1x16xf32>,
      %mul3A_441 = arith.constant 2 : i32
      %mul3A_442 = arith.muli %mul3A_441, %scan3A_181 : i32
      %add3A_443 = arith.constant 1 : i32
      %add3A_444 = arith.addi %mul3A_442, %add3A_443 : i32
      %get3A_445 = arith.index_cast %add3A_444 : i32 to index
      %get3A_446 = arith.constant 16 : index
      %get3A_447 = tpu.vector_load %arg11[%get3A_445, %get3A_446] {strides = array<i32>} : memref<80x128xf32, #tpu.memory_space<vmem>>, vector<1x16xf32>,
      %get3A_448 = vector.shape_cast %get3A_447 : vector<1x16xf32> to vector<16xf32>
      %mul3A_449 = arith.constant 2 : i32
      %mul3A_450 = arith.muli %mul3A_449, %scan3A_181 : i32
      %add3A_451 = arith.constant 1 : i32
      %add3A_452 = arith.addi %mul3A_450, %add3A_451 : i32
      %get3A_453 = arith.index_cast %add3A_452 : i32 to index
      %get3A_454 = arith.constant 16 : index
      %get3A_455 = tpu.vector_load %arg13[%get3A_453, %get3A_454] {strides = array<i32>} : memref<80x128xf32, #tpu.memory_space<vmem>>, vector<1x16xf32>,
      %get3A_456 = vector.shape_cast %get3A_455 : vector<1x16xf32> to vector<16xf32>
      %add3A_457 = arith.addf %get3A_448, %get3A_456 : vector<16xf32>
      %max3A_458 = arith.constant 0.000000e+00 : f32
      %max3A_459 = vector.broadcast %max3A_458 : f32 to vector<16xf32>
      %max3A_460 = arith.maximumf %add3A_457, %max3A_459 : vector<16xf32>
      %mul3A_461 = arith.constant 2 : i32
      %mul3A_462 = arith.muli %mul3A_461, %scan3A_181 : i32
      %add3A_463 = arith.constant 1 : i32
      %add3A_464 = arith.addi %mul3A_462, %add3A_463 : i32
      %swap3A_465 = arith.index_cast %add3A_464 : i32 to index
      %swap3A_466 = arith.constant 16 : index
      %swap3A_467 = tpu.vector_load %arg11[%swap3A_465, %swap3A_466] {strides = array<i32>} : memref<80x128xf32, #tpu.memory_space<vmem>>, vector<1x16xf32>,
      %swap3A_468 = vector.shape_cast %swap3A_467 : vector<1x16xf32> to vector<16xf32>
      %swap3A_469 = vector.shape_cast %max3A_460 : vector<16xf32> to vector<1x16xf32>
      tpu.vector_store %arg11[%swap3A_465, %swap3A_466], %swap3A_469 {strides = array<i32>} : memref<80x128xf32, #tpu.memory_space<vmem>>, vector<1x16xf32>,
      %mul3A_470 = arith.constant 2 : i32
      %mul3A_471 = arith.muli %mul3A_470, %scan3A_181 : i32
      %add3A_472 = arith.constant 1 : i32
      %add3A_473 = arith.addi %mul3A_471, %add3A_472 : i32
      %get3A_474 = arith.index_cast %add3A_473 : i32 to index
      %get3A_475 = arith.constant 32 : index
      %get3A_476 = tpu.vector_load %arg11[%get3A_474, %get3A_475] {strides = array<i32>} : memref<80x128xf32, #tpu.memory_space<vmem>>, vector<1x16xf32>,
      %get3A_477 = vector.shape_cast %get3A_476 : vector<1x16xf32> to vector<16xf32>
      %mul3A_478 = arith.constant 2 : i32
      %mul3A_479 = arith.muli %mul3A_478, %scan3A_181 : i32
      %add3A_480 = arith.constant 1 : i32
      %add3A_481 = arith.addi %mul3A_479, %add3A_480 : i32
      %get3A_482 = arith.index_cast %add3A_481 : i32 to index
      %get3A_483 = arith.constant 32 : index
      %get3A_484 = tpu.vector_load %arg13[%get3A_482, %get3A_483] {strides = array<i32>} : memref<80x128xf32, #tpu.memory_space<vmem>>, vector<1x16xf32>,
      %get3A_485 = vector.shape_cast %get3A_484 : vector<1x16xf32> to vector<16xf32>
      %add3A_486 = arith.addf %get3A_477, %get3A_485 : vector<16xf32>
      %max3A_487 = arith.constant 0.000000e+00 : f32
      %max3A_488 = vector.broadcast %max3A_487 : f32 to vector<16xf32>
      %max3A_489 = arith.maximumf %add3A_486, %max3A_488 : vector<16xf32>
      %mul3A_490 = arith.constant 2 : i32
      %mul3A_491 = arith.muli %mul3A_490, %scan3A_181 : i32
      %add3A_492 = arith.constant 1 : i32
      %add3A_493 = arith.addi %mul3A_491, %add3A_492 : i32
      %swap3A_494 = arith.index_cast %add3A_493 : i32 to index
      %swap3A_495 = arith.constant 32 : index
      %swap3A_496 = tpu.vector_load %arg11[%swap3A_494, %swap3A_495] {strides = array<i32>} : memref<80x128xf32, #tpu.memory_space<vmem>>, vector<1x16xf32>,
      %swap3A_497 = vector.shape_cast %swap3A_496 : vector<1x16xf32> to vector<16xf32>
      %swap3A_498 = vector.shape_cast %max3A_489 : vector<16xf32> to vector<1x16xf32>
      tpu.vector_store %arg11[%swap3A_494, %swap3A_495], %swap3A_498 {strides = array<i32>} : memref<80x128xf32, #tpu.memory_space<vmem>>, vector<1x16xf32>,
      %mul3A_499 = arith.constant 2 : i32
      %mul3A_500 = arith.muli %mul3A_499, %scan3A_181 : i32
      %add3A_501 = arith.constant 1 : i32
      %add3A_502 = arith.addi %mul3A_500, %add3A_501 : i32
      %get3A_503 = arith.index_cast %add3A_502 : i32 to index
      %get3A_504 = arith.constant 48 : index
      %get3A_505 = tpu.vector_load %arg11[%get3A_503, %get3A_504] {strides = array<i32>} : memref<80x128xf32, #tpu.memory_space<vmem>>, vector<1x16xf32>,
      %get3A_506 = vector.shape_cast %get3A_505 : vector<1x16xf32> to vector<16xf32>
      %mul3A_507 = arith.constant 2 : i32
      %mul3A_508 = arith.muli %mul3A_507, %scan3A_181 : i32
      %add3A_509 = arith.constant 1 : i32
      %add3A_510 = arith.addi %mul3A_508, %add3A_509 : i32
      %get3A_511 = arith.index_cast %add3A_510 : i32 to index
      %get3A_512 = arith.constant 48 : index
      %get3A_513 = tpu.vector_load %arg13[%get3A_511, %get3A_512] {strides = array<i32>} : memref<80x128xf32, #tpu.memory_space<vmem>>, vector<1x16xf32>,
      %get3A_514 = vector.shape_cast %get3A_513 : vector<1x16xf32> to vector<16xf32>
      %add3A_515 = arith.addf %get3A_506, %get3A_514 : vector<16xf32>
      %max3A_516 = arith.constant 0.000000e+00 : f32
      %max3A_517 = vector.broadcast %max3A_516 : f32 to vector<16xf32>
      %max3A_518 = arith.maximumf %add3A_515, %max3A_517 : vector<16xf32>
      %mul3A_519 = arith.constant 2 : i32
      %mul3A_520 = arith.muli %mul3A_519, %scan3A_181 : i32
      %add3A_521 = arith.constant 1 : i32
      %add3A_522 = arith.addi %mul3A_520, %add3A_521 : i32
      %swap3A_523 = arith.index_cast %add3A_522 : i32 to index
      %swap3A_524 = arith.constant 48 : index
      %swap3A_525 = tpu.vector_load %arg11[%swap3A_523, %swap3A_524] {strides = array<i32>} : memref<80x128xf32, #tpu.memory_space<vmem>>, vector<1x16xf32>,
      %swap3A_526 = vector.shape_cast %swap3A_525 : vector<1x16xf32> to vector<16xf32>
      %swap3A_527 = vector.shape_cast %max3A_518 : vector<16xf32> to vector<1x16xf32>
      tpu.vector_store %arg11[%swap3A_523, %swap3A_524], %swap3A_527 {strides = array<i32>} : memref<80x128xf32, #tpu.memory_space<vmem>>, vector<1x16xf32>,
      %mul3A_528 = arith.constant 2 : i32
      %mul3A_529 = arith.muli %mul3A_528, %scan3A_181 : i32
      %add3A_530 = arith.constant 1 : i32
      %add3A_531 = arith.addi %mul3A_529, %add3A_530 : i32
      %get3A_532 = arith.index_cast %add3A_531 : i32 to index
      %get3A_533 = arith.constant 64 : index
      %get3A_534 = tpu.vector_load %arg11[%get3A_532, %get3A_533] {strides = array<i32>} : memref<80x128xf32, #tpu.memory_space<vmem>>, vector<1x16xf32>,
      %get3A_535 = vector.shape_cast %get3A_534 : vector<1x16xf32> to vector<16xf32>
      %mul3A_536 = arith.constant 2 : i32
      %mul3A_537 = arith.muli %mul3A_536, %scan3A_181 : i32
      %add3A_538 = arith.constant 1 : i32
      %add3A_539 = arith.addi %mul3A_537, %add3A_538 : i32
      %get3A_540 = arith.index_cast %add3A_539 : i32 to index
      %get3A_541 = arith.constant 64 : index
      %get3A_542 = tpu.vector_load %arg13[%get3A_540, %get3A_541] {strides = array<i32>} : memref<80x128xf32, #tpu.memory_space<vmem>>, vector<1x16xf32>,
      %get3A_543 = vector.shape_cast %get3A_542 : vector<1x16xf32> to vector<16xf32>
      %add3A_544 = arith.addf %get3A_535, %get3A_543 : vector<16xf32>
      %max3A_545 = arith.constant 0.000000e+00 : f32
      %max3A_546 = vector.broadcast %max3A_545 : f32 to vector<16xf32>
      %max3A_547 = arith.maximumf %add3A_544, %max3A_546 : vector<16xf32>
      %mul3A_548 = arith.constant 2 : i32
      %mul3A_549 = arith.muli %mul3A_548, %scan3A_181 : i32
      %add3A_550 = arith.constant 1 : i32
      %add3A_551 = arith.addi %mul3A_549, %add3A_550 : i32
      %swap3A_552 = arith.index_cast %add3A_551 : i32 to index
      %swap3A_553 = arith.constant 64 : index
      %swap3A_554 = tpu.vector_load %arg11[%swap3A_552, %swap3A_553] {strides = array<i32>} : memref<80x128xf32, #tpu.memory_space<vmem>>, vector<1x16xf32>,
      %swap3A_555 = vector.shape_cast %swap3A_554 : vector<1x16xf32> to vector<16xf32>
      %swap3A_556 = vector.shape_cast %max3A_547 : vector<16xf32> to vector<1x16xf32>
      tpu.vector_store %arg11[%swap3A_552, %swap3A_553], %swap3A_556 {strides = array<i32>} : memref<80x128xf32, #tpu.memory_space<vmem>>, vector<1x16xf32>,
      %mul3A_557 = arith.constant 2 : i32
      %mul3A_558 = arith.muli %mul3A_557, %scan3A_181 : i32
      %add3A_559 = arith.constant 1 : i32
      %add3A_560 = arith.addi %mul3A_558, %add3A_559 : i32
      %get3A_561 = arith.index_cast %add3A_560 : i32 to index
      %get3A_562 = arith.constant 80 : index
      %get3A_563 = tpu.vector_load %arg11[%get3A_561, %get3A_562] {strides = array<i32>} : memref<80x128xf32, #tpu.memory_space<vmem>>, vector<1x16xf32>,
      %get3A_564 = vector.shape_cast %get3A_563 : vector<1x16xf32> to vector<16xf32>
      %mul3A_565 = arith.constant 2 : i32
      %mul3A_566 = arith.muli %mul3A_565, %scan3A_181 : i32
      %add3A_567 = arith.constant 1 : i32
      %add3A_568 = arith.addi %mul3A_566, %add3A_567 : i32
      %get3A_569 = arith.index_cast %add3A_568 : i32 to index
      %get3A_570 = arith.constant 80 : index
      %get3A_571 = tpu.vector_load %arg13[%get3A_569, %get3A_570] {strides = array<i32>} : memref<80x128xf32, #tpu.memory_space<vmem>>, vector<1x16xf32>,
      %get3A_572 = vector.shape_cast %get3A_571 : vector<1x16xf32> to vector<16xf32>
      %add3A_573 = arith.addf %get3A_564, %get3A_572 : vector<16xf32>
      %max3A_574 = arith.constant 0.000000e+00 : f32
      %max3A_575 = vector.broadcast %max3A_574 : f32 to vector<16xf32>
      %max3A_576 = arith.maximumf %add3A_573, %max3A_575 : vector<16xf32>
      %mul3A_577 = arith.constant 2 : i32
      %mul3A_578 = arith.muli %mul3A_577, %scan3A_181 : i32
      %add3A_579 = arith.constant 1 : i32
      %add3A_580 = arith.addi %mul3A_578, %add3A_579 : i32
      %swap3A_581 = arith.index_cast %add3A_580 : i32 to index
      %swap3A_582 = arith.constant 80 : index
      %swap3A_583 = tpu.vector_load %arg11[%swap3A_581, %swap3A_582] {strides = array<i32>} : memref<80x128xf32, #tpu.memory_space<vmem>>, vector<1x16xf32>,
      %swap3A_584 = vector.shape_cast %swap3A_583 : vector<1x16xf32> to vector<16xf32>
      %swap3A_585 = vector.shape_cast %max3A_576 : vector<16xf32> to vector<1x16xf32>
      tpu.vector_store %arg11[%swap3A_581, %swap3A_582], %swap3A_585 {strides = array<i32>} : memref<80x128xf32, #tpu.memory_space<vmem>>, vector<1x16xf32>,
      %mul3A_586 = arith.constant 2 : i32
      %mul3A_587 = arith.muli %mul3A_586, %scan3A_181 : i32
      %add3A_588 = arith.constant 1 : i32
      %add3A_589 = arith.addi %mul3A_587, %add3A_588 : i32
      %get3A_590 = arith.index_cast %add3A_589 : i32 to index
      %get3A_591 = arith.constant 96 : index
      %get3A_592 = tpu.vector_load %arg11[%get3A_590, %get3A_591] {strides = array<i32>} : memref<80x128xf32, #tpu.memory_space<vmem>>, vector<1x16xf32>,
      %get3A_593 = vector.shape_cast %get3A_592 : vector<1x16xf32> to vector<16xf32>
      %mul3A_594 = arith.constant 2 : i32
      %mul3A_595 = arith.muli %mul3A_594, %scan3A_181 : i32
      %add3A_596 = arith.constant 1 : i32
      %add3A_597 = arith.addi %mul3A_595, %add3A_596 : i32
      %get3A_598 = arith.index_cast %add3A_597 : i32 to index
      %get3A_599 = arith.constant 96 : index
      %get3A_600 = tpu.vector_load %arg13[%get3A_598, %get3A_599] {strides = array<i32>} : memref<80x128xf32, #tpu.memory_space<vmem>>, vector<1x16xf32>,
      %get3A_601 = vector.shape_cast %get3A_600 : vector<1x16xf32> to vector<16xf32>
      %add3A_602 = arith.addf %get3A_593, %get3A_601 : vector<16xf32>
      %max3A_603 = arith.constant 0.000000e+00 : f32
      %max3A_604 = vector.broadcast %max3A_603 : f32 to vector<16xf32>
      %max3A_605 = arith.maximumf %add3A_602, %max3A_604 : vector<16xf32>
      %mul3A_606 = arith.constant 2 : i32
      %mul3A_607 = arith.muli %mul3A_606, %scan3A_181 : i32
      %add3A_608 = arith.constant 1 : i32
      %add3A_609 = arith.addi %mul3A_607, %add3A_608 : i32
      %swap3A_610 = arith.index_cast %add3A_609 : i32 to index
      %swap3A_611 = arith.constant 96 : index
      %swap3A_612 = tpu.vector_load %arg11[%swap3A_610, %swap3A_611] {strides = array<i32>} : memref<80x128xf32, #tpu.memory_space<vmem>>, vector<1x16xf32>,
      %swap3A_613 = vector.shape_cast %swap3A_612 : vector<1x16xf32> to vector<16xf32>
      %swap3A_614 = vector.shape_cast %max3A_605 : vector<16xf32> to vector<1x16xf32>
      tpu.vector_store %arg11[%swap3A_610, %swap3A_611], %swap3A_614 {strides = array<i32>} : memref<80x128xf32, #tpu.memory_space<vmem>>, vector<1x16xf32>,
      %mul3A_615 = arith.constant 2 : i32
      %mul3A_616 = arith.muli %mul3A_615, %scan3A_181 : i32
      %add3A_617 = arith.constant 1 : i32
      %add3A_618 = arith.addi %mul3A_616, %add3A_617 : i32
      %get3A_619 = arith.index_cast %add3A_618 : i32 to index
      %get3A_620 = arith.constant 112 : index
      %get3A_621 = tpu.vector_load %arg11[%get3A_619, %get3A_620] {strides = array<i32>} : memref<80x128xf32, #tpu.memory_space<vmem>>, vector<1x16xf32>,
      %get3A_622 = vector.shape_cast %get3A_621 : vector<1x16xf32> to vector<16xf32>
      %mul3A_623 = arith.constant 2 : i32
      %mul3A_624 = arith.muli %mul3A_623, %scan3A_181 : i32
      %add3A_625 = arith.constant 1 : i32
      %add3A_626 = arith.addi %mul3A_624, %add3A_625 : i32
      %get3A_627 = arith.index_cast %add3A_626 : i32 to index
      %get3A_628 = arith.constant 112 : index
      %get3A_629 = tpu.vector_load %arg13[%get3A_627, %get3A_628] {strides = array<i32>} : memref<80x128xf32, #tpu.memory_space<vmem>>, vector<1x16xf32>,
      %get3A_630 = vector.shape_cast %get3A_629 : vector<1x16xf32> to vector<16xf32>
      %add3A_631 = arith.addf %get3A_622, %get3A_630 : vector<16xf32>
      %max3A_632 = arith.constant 0.000000e+00 : f32
      %max3A_633 = vector.broadcast %max3A_632 : f32 to vector<16xf32>
      %max3A_634 = arith.maximumf %add3A_631, %max3A_633 : vector<16xf32>
      %mul3A_635 = arith.constant 2 : i32
      %mul3A_636 = arith.muli %mul3A_635, %scan3A_181 : i32
      %add3A_637 = arith.constant 1 : i32
      %add3A_638 = arith.addi %mul3A_636, %add3A_637 : i32
      %swap3A_639 = arith.index_cast %add3A_638 : i32 to index
      %swap3A_640 = arith.constant 112 : index
      %swap3A_641 = tpu.vector_load %arg11[%swap3A_639, %swap3A_640] {strides = array<i32>} : memref<80x128xf32, #tpu.memory_space<vmem>>, vector<1x16xf32>,
      %swap3A_642 = vector.shape_cast %swap3A_641 : vector<1x16xf32> to vector<16xf32>
      %swap3A_643 = vector.shape_cast %max3A_634 : vector<16xf32> to vector<1x16xf32>
      tpu.vector_store %arg11[%swap3A_639, %swap3A_640], %swap3A_643 {strides = array<i32>} : memref<80x128xf32, #tpu.memory_space<vmem>>, vector<1x16xf32>,
      %scan3A_644 = arith.constant 0 : i32
      scf.yield %scan3A_644 : i32
    }
    %scan3A_117 = arith.constant 20 : i32
    %dma_start3A_118 = arith.constant 1 : i32
    %dma_start3A_119 = arith.constant 40 : i32
    %dma_start3A_120 = arith.constant 0 : i32
    %dma_start3A_121 = tpu.memref_slice %arg11[%dma_start3A_119, %dma_start3A_120] : memref<80x128xf32, #tpu.memory_space<vmem>> -> memref<40x128xf32, #tpu.memory_space<vmem>>
    %dma_start3A_122 = arith.constant 0 : i32
    %dma_start3A_123 = tpu.memref_slice %arg9[%dma_start3A_118, %dma_start3A_122] : memref<2x40xi32, #tpu.memory_space<vmem>> -> memref<1x40xi32, #tpu.memory_space<vmem>>
    %dma_start3A_124 = tpu.memref_squeeze %dma_start3A_123 : memref<1x40xi32, #tpu.memory_space<vmem>> -> memref<40xi32, #tpu.memory_space<vmem>>
    %dma_start3A_125 = arith.constant 0 : i32
    %dma_start3A_126 = arith.constant 0 : i32
    %dma_start3A_127 = tpu.memref_slice %arg16[%dma_start3A_125, %dma_start3A_126] : memref<10000x128xf32, #tpu.memory_space<vmem_shared>> -> memref<10000x128xf32, #tpu.memory_space<vmem_shared>>
    tpu.enqueue_indirect_dma source(%dma_start3A_121 : memref<40x128xf32, #tpu.memory_space<vmem>>) target(%dma_start3A_127 : memref<10000x128xf32, #tpu.memory_space<vmem_shared>>) offsets(%dma_start3A_124 : memref<40xi32, #tpu.memory_space<vmem>>) semaphore(%arg23 : memref<!tpu.dma_semaphore, #tpu.memory_space<semaphore_mem>>) {add = true}
    %dma_wait3A_128 = arith.constant 0 : i32
    %dma_wait3A_129 = arith.constant 0 : i32
    %dma_wait3A_130 = arith.constant 0 : i32
    %dma_wait3A_131 = tpu.memref_slice %arg12[%dma_wait3A_129, %dma_wait3A_130] : memref<80x128xf32, #tpu.memory_space<vmem>> -> memref<40x128xf32, #tpu.memory_space<vmem>>
    %dma_wait3A_132 = arith.constant 0 : i32
    %dma_wait3A_133 = tpu.memref_slice %arg10[%dma_wait3A_128, %dma_wait3A_132] : memref<2x40xi32, #tpu.memory_space<vmem>> -> memref<1x40xi32, #tpu.memory_space<vmem>>
    %dma_wait3A_134 = tpu.memref_squeeze %dma_wait3A_133 : memref<1x40xi32, #tpu.memory_space<vmem>> -> memref<40xi32, #tpu.memory_space<vmem>>
    %dma_wait3A_135 = arith.constant 0 : i32
    %dma_wait3A_136 = arith.constant 0 : i32
    %dma_wait3A_137 = tpu.memref_slice %arg16[%dma_wait3A_135, %dma_wait3A_136] : memref<10000x128xf32, #tpu.memory_space<vmem_shared>> -> memref<10000x128xf32, #tpu.memory_space<vmem_shared>>
    tpu.wait_indirect_dma semaphore(%arg24 : memref<!tpu.dma_semaphore, #tpu.memory_space<semaphore_mem>>) src(%dma_wait3A_131 : memref<40x128xf32, #tpu.memory_space<vmem>>) dst(%dma_wait3A_137 : memref<10000x128xf32, #tpu.memory_space<vmem_shared>>)
    %dma_wait3A_138 = arith.constant 1 : i32
    %dma_wait3A_139 = arith.constant 40 : i32
    %dma_wait3A_140 = arith.constant 0 : i32
    %dma_wait3A_141 = tpu.memref_slice %arg12[%dma_wait3A_139, %dma_wait3A_140] : memref<80x128xf32, #tpu.memory_space<vmem>> -> memref<40x128xf32, #tpu.memory_space<vmem>>
    %dma_wait3A_142 = arith.constant 0 : i32
    %dma_wait3A_143 = tpu.memref_slice %arg10[%dma_wait3A_138, %dma_wait3A_142] : memref<2x40xi32, #tpu.memory_space<vmem>> -> memref<1x40xi32, #tpu.memory_space<vmem>>
    %dma_wait3A_144 = tpu.memref_squeeze %dma_wait3A_143 : memref<1x40xi32, #tpu.memory_space<vmem>> -> memref<40xi32, #tpu.memory_space<vmem>>
    %dma_wait3A_145 = arith.constant 0 : i32
    %dma_wait3A_146 = arith.constant 0 : i32
    %dma_wait3A_147 = tpu.memref_slice %arg16[%dma_wait3A_145, %dma_wait3A_146] : memref<10000x128xf32, #tpu.memory_space<vmem_shared>> -> memref<10000x128xf32, #tpu.memory_space<vmem_shared>>
    tpu.wait_indirect_dma semaphore(%arg24 : memref<!tpu.dma_semaphore, #tpu.memory_space<semaphore_mem>>) src(%dma_wait3A_141 : memref<40x128xf32, #tpu.memory_space<vmem>>) dst(%dma_wait3A_147 : memref<10000x128xf32, #tpu.memory_space<vmem_shared>>)
    %dma_wait3A_148 = arith.constant 0 : i32
    %dma_wait3A_149 = arith.constant 0 : i32
    %dma_wait3A_150 = arith.constant 0 : i32
    %dma_wait3A_151 = tpu.memref_slice %arg11[%dma_wait3A_149, %dma_wait3A_150] : memref<80x128xf32, #tpu.memory_space<vmem>> -> memref<40x128xf32, #tpu.memory_space<vmem>>
    %dma_wait3A_152 = arith.constant 0 : i32
    %dma_wait3A_153 = tpu.memref_slice %arg9[%dma_wait3A_148, %dma_wait3A_152] : memref<2x40xi32, #tpu.memory_space<vmem>> -> memref<1x40xi32, #tpu.memory_space<vmem>>
    %dma_wait3A_154 = tpu.memref_squeeze %dma_wait3A_153 : memref<1x40xi32, #tpu.memory_space<vmem>> -> memref<40xi32, #tpu.memory_space<vmem>>
    %dma_wait3A_155 = arith.constant 0 : i32
    %dma_wait3A_156 = arith.constant 0 : i32
    %dma_wait3A_157 = tpu.memref_slice %arg16[%dma_wait3A_155, %dma_wait3A_156] : memref<10000x128xf32, #tpu.memory_space<vmem_shared>> -> memref<10000x128xf32, #tpu.memory_space<vmem_shared>>
    tpu.wait_indirect_dma semaphore(%arg23 : memref<!tpu.dma_semaphore, #tpu.memory_space<semaphore_mem>>) src(%dma_wait3A_151 : memref<40x128xf32, #tpu.memory_space<vmem>>) dst(%dma_wait3A_157 : memref<10000x128xf32, #tpu.memory_space<vmem_shared>>)
    %dma_wait3A_158 = arith.constant 1 : i32
    %dma_wait3A_159 = arith.constant 40 : i32
    %dma_wait3A_160 = arith.constant 0 : i32
    %dma_wait3A_161 = tpu.memref_slice %arg11[%dma_wait3A_159, %dma_wait3A_160] : memref<80x128xf32, #tpu.memory_space<vmem>> -> memref<40x128xf32, #tpu.memory_space<vmem>>
    %dma_wait3A_162 = arith.constant 0 : i32
    %dma_wait3A_163 = tpu.memref_slice %arg9[%dma_wait3A_158, %dma_wait3A_162] : memref<2x40xi32, #tpu.memory_space<vmem>> -> memref<1x40xi32, #tpu.memory_space<vmem>>
    %dma_wait3A_164 = tpu.memref_squeeze %dma_wait3A_163 : memref<1x40xi32, #tpu.memory_space<vmem>> -> memref<40xi32, #tpu.memory_space<vmem>>
    %dma_wait3A_165 = arith.constant 0 : i32
    %dma_wait3A_166 = arith.constant 0 : i32
    %dma_wait3A_167 = tpu.memref_slice %arg16[%dma_wait3A_165, %dma_wait3A_166] : memref<10000x128xf32, #tpu.memory_space<vmem_shared>> -> memref<10000x128xf32, #tpu.memory_space<vmem_shared>>
    tpu.wait_indirect_dma semaphore(%arg23 : memref<!tpu.dma_semaphore, #tpu.memory_space<semaphore_mem>>) src(%dma_wait3A_161 : memref<40x128xf32, #tpu.memory_space<vmem>>) dst(%dma_wait3A_167 : memref<10000x128xf32, #tpu.memory_space<vmem_shared>>)
    %barrier3A_168 = arith.constant 0 : index
    tpu.barrier barrier_id(%barrier3A_168)
    %while3A_169 = arith.constant 0 : i32
    %while3A_170 = arith.constant 0 : i32
    %while3A_171 = arith.subi %select_n3A, %while3A_169 : i32
    %while3A_172 = arith.addi %while3A_169, %while3A_171 : i32
    %while3A_173 = arith.constant 1 : i32
    %while3A_174 = arith.divsi %while3A_171, %while3A_173 : i32
    %while3A_175 = arith.muli %while3A_174, %while3A_173 : i32
    %while3A_176 = arith.addi %while3A_169, %while3A_175 : i32
    %while3A_177 = arith.constant 1 : i32
    %while3A_178 = scf.for %while3A_181 = %while3A_169 to %while3A_176 step %while3A_177 iter_args(%while3A_182 = %while3A_170) -> (i32)  : i32 {
      %mul3A_183 = arith.constant 8 : i32
      %mul3A_184 = arith.muli %while3A_181, %mul3A_183 : i32
      %add3A_185 = arith.addi %mul3A_2, %mul3A_184 : i32
      %mul3A_186 = arith.constant 8 : i32
      %mul3A_187 = arith.muli %while3A_181, %mul3A_186 : i32
      %add3A_188 = arith.addi %mul3A_2, %mul3A_187 : i32
      "tpu.region"() ({
        %run_scoped3A = tpu.sem_alloc : memref<!tpu.dma_semaphore, #tpu.memory_space<semaphore_mem>>
        %dma_start3A_190 = arith.constant 0 : i32
        %dma_start3A_191 = tpu.memref_slice %arg6[%arg0, %add3A_188, %dma_start3A_190] : memref<2x10000x128xf32, #tpu.memory_space<hbm>> -> memref<1x8x128xf32, #tpu.memory_space<hbm>>
        %dma_start3A_192 = tpu.memref_squeeze %dma_start3A_191 : memref<1x8x128xf32, #tpu.memory_space<hbm>> -> memref<8x128xf32, #tpu.memory_space<hbm>>
        %dma_start3A_193 = arith.constant 0 : i32
        %dma_start3A_194 = tpu.memref_slice %arg16[%add3A_185, %dma_start3A_193] : memref<10000x128xf32, #tpu.memory_space<vmem_shared>> -> memref<8x128xf32, #tpu.memory_space<vmem_shared>>
        tpu.enqueue_dma source(%dma_start3A_194 : memref<8x128xf32, #tpu.memory_space<vmem_shared>>) target(%dma_start3A_192 : memref<8x128xf32, #tpu.memory_space<hbm>>) target_semaphore(%run_scoped3A : memref<!tpu.dma_semaphore, #tpu.memory_space<semaphore_mem>>)
        %dma_wait3A_195 = arith.constant 0 : i32
        %dma_wait3A_196 = tpu.memref_slice %arg6[%arg0, %add3A_188, %dma_wait3A_195] : memref<2x10000x128xf32, #tpu.memory_space<hbm>> -> memref<1x8x128xf32, #tpu.memory_space<hbm>>
        %dma_wait3A_197 = tpu.memref_squeeze %dma_wait3A_196 : memref<1x8x128xf32, #tpu.memory_space<hbm>> -> memref<8x128xf32, #tpu.memory_space<hbm>>
        %dma_wait3A_198 = arith.constant 0 : i32
        %dma_wait3A_199 = tpu.memref_slice %arg16[%add3A_185, %dma_wait3A_198] : memref<10000x128xf32, #tpu.memory_space<vmem_shared>> -> memref<8x128xf32, #tpu.memory_space<vmem_shared>>
        tpu.wait_dma2 semaphore(%run_scoped3A : memref<!tpu.dma_semaphore, #tpu.memory_space<semaphore_mem>>) src(%dma_wait3A_199 : memref<8x128xf32, #tpu.memory_space<vmem_shared>>) dst(%dma_wait3A_197 : memref<8x128xf32, #tpu.memory_space<hbm>>)
        tpu.yield
      }) : () -> ()
      %while3A_189 = arith.constant 0 : i32
      scf.yield %while3A_189 : i32
    }
    %while3A_179 = arith.constant 1 : i32
    %while3A_180 = scf.for %while3A_181 = %while3A_176 to %while3A_172 step %while3A_179 iter_args(%while3A_182 = %while3A_178) -> (i32)  : i32 {
      %mul3A_183 = arith.constant 8 : i32
      %mul3A_184 = arith.muli %while3A_181, %mul3A_183 : i32
      %add3A_185 = arith.addi %mul3A_2, %mul3A_184 : i32
      %mul3A_186 = arith.constant 8 : i32
      %mul3A_187 = arith.muli %while3A_181, %mul3A_186 : i32
      %add3A_188 = arith.addi %mul3A_2, %mul3A_187 : i32
      "tpu.region"() ({
        %run_scoped3A = tpu.sem_alloc : memref<!tpu.dma_semaphore, #tpu.memory_space<semaphore_mem>>
        %dma_start3A_190 = arith.constant 0 : i32
        %dma_start3A_191 = tpu.memref_slice %arg6[%arg0, %add3A_188, %dma_start3A_190] : memref<2x10000x128xf32, #tpu.memory_space<hbm>> -> memref<1x8x128xf32, #tpu.memory_space<hbm>>
        %dma_start3A_192 = tpu.memref_squeeze %dma_start3A_191 : memref<1x8x128xf32, #tpu.memory_space<hbm>> -> memref<8x128xf32, #tpu.memory_space<hbm>>
        %dma_start3A_193 = arith.constant 0 : i32
        %dma_start3A_194 = tpu.memref_slice %arg16[%add3A_185, %dma_start3A_193] : memref<10000x128xf32, #tpu.memory_space<vmem_shared>> -> memref<8x128xf32, #tpu.memory_space<vmem_shared>>
        tpu.enqueue_dma source(%dma_start3A_194 : memref<8x128xf32, #tpu.memory_space<vmem_shared>>) target(%dma_start3A_192 : memref<8x128xf32, #tpu.memory_space<hbm>>) target_semaphore(%run_scoped3A : memref<!tpu.dma_semaphore, #tpu.memory_space<semaphore_mem>>)
        %dma_wait3A_195 = arith.constant 0 : i32
        %dma_wait3A_196 = tpu.memref_slice %arg6[%arg0, %add3A_188, %dma_wait3A_195] : memref<2x10000x128xf32, #tpu.memory_space<hbm>> -> memref<1x8x128xf32, #tpu.memory_space<hbm>>
        %dma_wait3A_197 = tpu.memref_squeeze %dma_wait3A_196 : memref<1x8x128xf32, #tpu.memory_space<hbm>> -> memref<8x128xf32, #tpu.memory_space<hbm>>
        %dma_wait3A_198 = arith.constant 0 : i32
        %dma_wait3A_199 = tpu.memref_slice %arg16[%add3A_185, %dma_wait3A_198] : memref<10000x128xf32, #tpu.memory_space<vmem_shared>> -> memref<8x128xf32, #tpu.memory_space<vmem_shared>>
        tpu.wait_dma2 semaphore(%run_scoped3A : memref<!tpu.dma_semaphore, #tpu.memory_space<semaphore_mem>>) src(%dma_wait3A_199 : memref<8x128xf32, #tpu.memory_space<vmem_shared>>) dst(%dma_wait3A_197 : memref<8x128xf32, #tpu.memory_space<hbm>>)
        tpu.yield
      }) : () -> ()
      %while3A_189 = arith.constant 0 : i32
      scf.yield %while3A_189 : i32
    }
    return
  }
}

</mosaic_0001>

<sc_bundles>
// kernel: _sc_edge.3.cloned.1.call-start
scs
__scs_entry_jumppad:
0x0: {  	(pc) =	sbr.rel $0x88, $3  }
0x1: {  	(tag) =	ssettag $0x0;
	lr =	simm.s32 $0x1  }
0x2: {  	[smem:$0x3F9D] =	sst lr;
	_ =	strace $0xD0000000  }
0x3: {  	_ = 	snop  }
0x4: {  	_ = 	snop  }
0x5: {  	_ = 	snop  }
0x6: {  	_ = 	snop  }
0x7: {  	_ = 	snop  }
__scs_overlays_trampoline_lowered:
0x8: {  	[smem:$0x3FAC] =	sst s0  }
0x9: {  	[smem:$0x3FAD] =	sst s1  }
0xa: {  	[smem:$0x3FAE] =	sst s2  }
0xb: {  	[smem:$0x3FAF] =	sst s3  }
0xc: {  	[smem:$0x3FB0] =	sst s4  }
0xd: {  	[smem:$0x3FB1] =	sst s5  }
0xe: {  	[smem:$0x3FB2] =	sst s6  }
0xf: {  	[smem:$0x3FB3] =	sst s7  }
0x10: {  	[smem:$0x3FB4] =	sst s8  }
0x11: {  	[smem:$0x3FB5] =	sst s9;
	s0 =	simm.s32 @!p0 $0x0  }
0x12: {  	s1 =	sld [smem:$0x3F9B];
	s0 =	simm.s32 @p0 $0x1  }
0x13: {  	[smem:$0x3FB6] =	sst s0;
	s0 =	simm.s32 @!p1 $0x0  }
0x14: {  	s2 =	sld [smem:$0x3F9A];
	s0 =	simm.s32 @p1 $0x1  }
0x15: {  	[smem:$0x3FB7] =	sst s0;
	s0 =	simm.s32 @!p2 $0x0  }
0x16: {  	s3 =	sld [smem:$0x3FDB];
	s0 =	simm.s32 @p2 $0x1  }
0x17: {  	s4 =	simm.s32 $0x1BF5;
	[smem:$0x3FB9] =	sst s0  }
0x18: {  	s0 =	sld [smem:$0x3F9C];
	_ =	swait.ge [sflag:s4], $0x0  }
0x19: {  	s7 =	sld [smem:$0x3F9D]  }
0x1a: {  	s8 =	sadd.s32 $0xFFFFE003, lr  }
0x1b: {  	s9 =	sadd.s32 $0xFFFFFEF7, lr;
	s5 =	simm.s32 $0xFFFFFFFF;
	p2 =	slt.u32 s8, $0xFFFFF086  }
0x1c: {  	p1 =	slt.u32 s9, $0xF7A;
	s5 =	simm.s32 @!p2 $0x0  }
0x1d: {  	s5 =	simm.s32 @p1 $0x1;
	p0 =	seq.s32 s7, s2  }
0x1e: {  	s7 =	smul.u32 @!p0 $0xF7A, s2;
	p2 =	seq.s32 @!p0 s5, $0x0  }
0x1f: {  	s9 =	smul.u32 $0xF7A, s1;
	s8 =	simm.s32 @!p0 $0x1BF5;
	p2 =	por !p2, p0  }
0x20: {  	[sflag:s8] =	ssyncset.s32 @!p0 $0xFFFFF086;
	s6 =	sadd.s32 @!p0 s3, s7;
	s7 =	simm.s32 @!p0 $0x108  }
0x21: {  	s3 =	sadd.s32 s3, s9;
	s6 =	sadd.s32 @!p0 $0x88, s6;
	s7 =	simm.s32 @p2 $0x1082  }
0x22: {  	[simem:s7], [sflag:s8] =	dma.local @!p0 [hbm:s6], $0xF7A  }
0x23: {  	s9 =	sor.u32 $0xD0000000, s2;
	s6 =	simm.s32 $0x108;
	_ =	swait.ge @!p0 [sflag:s8], $0x0  }
0x24: {  	s3 =	sadd.s32 $0x88, s3;
	s6 =	simm.s32 @!p1 $0x1082;
	[sflag:s4] =	ssyncset.s32 $0xFFFFF086  }
0x25: {  	[simem:s6], [sflag:s4] =	dma.local [hbm:s3], $0xF7A  }
0x26: {  	[smem:$0x3F9D] =	sst s1;
	(tag) =	ssettag s2;
	_ =	strace s9  }
0x27: {  	s1 =	sld [smem:$0x3FAD]  }
0x28: {  	s2 =	sld [smem:$0x3FAE]  }
0x29: {  	s4 =	sld [smem:$0x3FB0]  }
0x2a: {  	p0 =	seq.s32 s5, $0x0;
	s5 =	sld [smem:$0x3FB1]  }
0x2b: {  	s6 =	sld [smem:$0x3FB2]  }
0x2c: {  	s7 =	sld [smem:$0x3FB3]  }
0x2d: {  	s3 =	simm.s32 $0x108;
	s8 =	sld [smem:$0x3FB4]  }
0x2e: {  	s3 =	simm.s32 @!p0 $0x1082;
	s9 =	sld [smem:$0x3FB5]  }
0x2f: {  	lr =	sadd.s32 s0, s3;
	s0 =	sld [smem:$0x3FAC]  }
0x30: {  	s3 =	sld [smem:$0x3FAF]  }
0x31: {  	[smem:$0x3FB8] =	sst s10  }
0x32: {  	s10 =	sld [smem:$0x3FB6];
	_ =	sdelay $0x3  }
0x33: {  	p0 =	seq.s32 s10, $0x1;
	s10 =	sld [smem:$0x3FB8];
	_ =	sdelay $0x3  }
0x34: {  	[smem:$0x3FB8] =	sst s10  }
0x35: {  	s10 =	sld [smem:$0x3FB7];
	_ =	sdelay $0x3  }
0x36: {  	p1 =	seq.s32 s10, $0x1;
	s10 =	sld [smem:$0x3FB8];
	_ =	sdelay $0x3  }
0x37: {  	[smem:$0x3FB8] =	sst s10  }
0x38: {  	s10 =	sld [smem:$0x3FB9]  }
0x39: {  	_ = 	snop;
	(pc) =	sbr.ind lr, $3  }
0x3a: {  	_ = 	snop  }
0x3b: {  	_ = 	snop  }
0x3c: {  	p2 =	seq.s32 s10, $0x1;
	s10 =	sld [smem:$0x3FB8]  }
0x3d: {  	_ =	shalt  }
0x3e: {  	_ =	shalt  }
0x3f: {  	_ =	shalt  }
0x40: {  	_ =	shalt  }
0x41: {  	_ =	shalt  }
0x42: {  	_ =	shalt  }
0x43: {  	_ =	shalt  }
0x44: {  	_ =	shalt  }
0x45: {  	_ =	shalt  }
0x46: {  	_ =	shalt  }
0x47: {  	_ =	shalt  }
0x48: {  	_ =	shalt  }
0x49: {  	_ =	shalt  }
0x4a: {  	_ =	shalt  }
0x4b: {  	_ =	shalt  }
0x4c: {  	_ =	shalt  }
0x4d: {  	_ =	shalt  }
0x4e: {  	_ =	shalt  }
0x4f: {  	_ =	shalt  }
0x50: {  	_ =	shalt  }
0x51: {  	_ =	shalt  }
0x52: {  	_ =	shalt  }
0x53: {  	_ =	shalt  }
0x54: {  	_ =	shalt  }
0x55: {  	_ =	shalt  }
0x56: {  	_ =	shalt  }
0x57: {  	_ =	shalt  }
0x58: {  	_ =	shalt  }
0x59: {  	_ =	shalt  }
0x5a: {  	_ =	shalt  }
0x5b: {  	_ =	shalt  }
0x5c: {  	_ =	shalt  }
0x5d: {  	_ =	shalt  }
0x5e: {  	_ =	shalt  }
0x5f: {  	_ =	shalt  }
0x60: {  	_ =	shalt  }
0x61: {  	_ =	shalt  }
0x62: {  	_ =	shalt  }
0x63: {  	_ =	shalt  }
0x64: {  	_ =	shalt  }
0x65: {  	_ =	shalt  }
0x66: {  	_ =	shalt  }
0x67: {  	_ =	shalt  }
0x68: {  	_ =	shalt  }
0x69: {  	_ =	shalt  }
0x6a: {  	_ =	shalt  }
0x6b: {  	_ =	shalt  }
0x6c: {  	_ =	shalt  }
0x6d: {  	_ =	shalt  }
0x6e: {  	_ =	shalt  }
0x6f: {  	_ =	shalt  }
0x70: {  	_ =	shalt  }
0x71: {  	_ =	shalt  }
0x72: {  	_ =	shalt  }
0x73: {  	_ =	shalt  }
0x74: {  	_ =	shalt  }
0x75: {  	_ =	shalt  }
0x76: {  	_ =	shalt  }
0x77: {  	_ =	shalt  }
0x78: {  	_ =	shalt  }
0x79: {  	_ =	shalt  }
0x7a: {  	_ =	shalt  }
0x7b: {  	_ =	shalt  }
0x7c: {  	_ =	shalt  }
0x7d: {  	_ =	shalt  }
0x7e: {  	_ =	shalt  }
0x7f: {  	_ =	shalt  }
0x80: {  	_ =	shalt  }
0x81: {  	_ =	shalt  }
0x82: {  	_ =	shalt  }
0x83: {  	_ =	shalt  }
0x84: {  	_ =	shalt  }
0x85: {  	_ =	shalt  }
0x86: {  	_ =	shalt  }
0x87: {  	_ =	shalt  }
.Lfunc_end0:
.L_simem_size_0:
called_computation_lowered:
.L_overlay_start_0:
0x88: {  	s2 =	sld [smem:$0x3FD9]  }
0x89: {  	s3 =	sld [smem:$0x3FFE];
	_ =	sdelay $0x1  }
0x8a: {  	s1 =	srdreg.scid  }
0x8b: {  	s0 =	sand.u32 $0x1, s1  }
0x8c: {  	s17 =	sshll.u32 s0, $0xA;
	s2 =	sadd.s32 s3, s2  }
0x8d: {  	s2 =	sadd.s32 s2, s17  }
0x8e: {  	[smem:$0x3FC4] =	sst s2  }
0x8f: {  	_ = 	snop  }
0x90: {  	s2 =	sld [smem:$0x3FC9]  }
0x91: {  	s18 =	sld [smem:$0x3FC8]  }
0x92: {  	s4 =	sld [smem:$0x3FC7]  }
0x93: {  	s5 =	sld [smem:$0x3FD0];
	(tm) =	ssettm $0x1  }
0x94: {  	s6 =	sld [smem:$0x3FFB];
	_ =	sdelay $0x3  }
0x95: {  	_ =	strace s6  }
0x96: {  	s6 =	sld [smem:$0x3FFC];
	_ =	sdelay $0x3  }
0x97: {  	_ =	strace s6  }
0x98: {  	s6 =	sld [smem:$0x3FFD];
	_ =	sdelay $0x3  }
0x99: {  	_ =	strace s6  }
0x9a: {  	_ =	strace $0x8FFFFFFF  }
0x9b: {  	s19 =	sld [smem:$0x3FDB];
	_ =	sdelay $0x1  }
0x9c: {  	s7 =	simm.s32 $_scs_section_size  }
0x9d: {  	s8 =	simm.s32 $_size__tile_overlayer_lowered;
	s9 =	simm.s32 $_tile_overlayer_lowered  }
0x9e: {  	s22 =	simm.s32 $0x1BFF;
	s21 =	sshll.u32 s9, $0x1;
	s6 =	sadd.s32 s7, s19  }
0x9f: {  	s10 =	simm.s32 $0x0;
	s20 =	sshll.u32 s8, $0x1;
	s8 =	sadd.s32 s21, s6  }
0xa0: {  	[timem:s10], [sflag:s22] =	dma.local [hbm:s8], s20  }
0xa1: {  	_ =	swait.ge [sflag:s22], s20  }
0xa2: {  	s7 =	ssub.s32 $0x0, s20;
	[sflag:s22] =	ssyncset.done $0x0  }
0xa3: {  	[sflag:s22] =	ssyncadd.s32 s7;
	_ =	sdelay $0x1  }
0xa4: {  	s23 =	simm.s32 $0x1B8B  }
0xa5: {  	_ =	swait.ge [sflag:s23], $0x1  }
0xa6: {  	[sflag:s23] =	ssyncset.done $0x0  }
0xa7: {  	s25 =	simm.s32 $0x1B8E;
	s24 =	sld [smem:$0x3FFE];
	[sflag:s23] =	ssyncadd.s32 $0xFFFFFFFF  }
0xa8: {  	s26 =	simm.s32 $execute0_lowered;
	[smem:$0x3FD2] =	sst s25  }
0xa9: {  	s8 =	sshll.u32 s26, $0x1;
	_ =	strace $0x80000046;
	[dreg:$0x1] =	wrdreg $0xFFFFFFFF  }
0xaa: {  	s28 =	simm.s32 $_size_execute0_lowered;
	s6 =	sadd.s32 s6, s8;
	[dreg:$0x0] =	wrdreg $0x0  }
0xab: {  	s8 =	sshll.u32 s28, $0x1;
	[dreg:$0x2] =	wrdreg s6  }
0xac: {  	[dreg:$0x3] =	wrdreg s8  }
0xad: {  	[dreg:$0x4] =	wrdreg $0xC0  }
0xae: {  	_ =	task [dreg:s10], $0x5FFFF  }
0xaf: {  	[dreg:$0x1] =	wrdreg $0xFFFFFFFF  }
0xb0: {  	[dreg:$0x0] =	wrdreg $0x60  }
0xb1: {  	[dreg:$0x2] =	wrdreg s2  }
0xb2: {  	[dreg:$0x3] =	wrdreg s18  }
0xb3: {  	[dreg:$0x4] =	wrdreg s4  }
0xb4: {  	[dreg:$0x5] =	wrdreg s24  }
0xb5: {  	[dreg:$0x6] =	wrdreg s5  }
0xb6: {  	[dreg:$0x7] =	wrdreg $0xA7000  }
0xb7: {  	[dreg:$0x8] =	wrdreg $0x9  }
0xb8: {  	_ =	task.clear_ibuf [dreg:s10], $0x9FFFF;
	_ =	strace $0x90000046  }
0xb9: {  	s29 =	simm.s32 $0x9;
	_ =	strace $0x80000048  }
0xba: {  	_ =	swait.ge [sflag:s29], $0x1  }
0xbb: {  	[sflag:s29] =	ssyncadd.s32 $0xFFFFFFFF  }
0xbc: {  	_ =	strace $0x90000048  }
0xbd: {  	_ =	sfence  }
0xbe: {  	s30 =	sld [smem:$0x0];
	_ =	sdelay $0x2  }
0xbf: {  	s31 =	sshll.u32 s1, $0xD;
	s1 =	sshrl.u32 s1, $0x2  }
0xc0: {  	s3 =	sand.u32 $0x4000, s31;
	s1 =	sadd.s32 s1, s30  }
0xc1: {  	s0 =	sor.u32 s3, s0;
	s1 =	sshll.u32 s1, $0x11  }
0xc2: {  	s0 =	sor.u32 s1, s0  }
0xc3: {  	s0 =	sadd.s32 $0x8F2B, s0  }
0xc4: {  	[sflag:s0] =	ssyncadd.remote.s32 $0x1  }
0xc5: {  	_ =	sfence.sel $0xFFFF  }
0xc6: {  	[dreg:$0x0] =	wrdreg $0xFFFFFFFF;
	(pc) =	sbr.abs _section_cstart, $3  }
0xc7: {  	[dreg:$0x1] =	wrdreg $0xFFFFFFFF  }
0xc8: {  	_ =	task.clear_ibuf [dreg:s10], $0x2FFFF;
	_ =	strace $0x9FFFFFFF  }
0xc9: {  	(tm) =	ssettm $0x7FFFFFFF  }
tec
execute0_lowered:
.L_overlay_start_1:
0x0: {  	(tag) =	ssettag $0x1  }
0x1: {  	s1 =	rddreg [dreg:$0x0]  }
0x2: {  	s2 =	rddreg [dreg:$0x1]  }
0x3: {  	s3 =	rddreg [dreg:$0x2]  }
0x4: {  	s0 =	rddreg [dreg:$0x3]  }
0x5: {  	s6 =	rddreg [dreg:$0x4]  }
0x6: {  	s4 =	rddreg [dreg:$0x5];
	s5 =	simm.s32 $0x0  }
0x7: {  	s7 =	srdreg.scid;
	s15 =	stileid.u32;
	s13 =	simm.s32 $0x41  }
0x8: {  	s28 =	simm.s32 $0x80;
	s29 =	simm.s32 $0x200;
	s31 =	simm.s32 $0x2  }
0x9: {  	s16 =	simm.s32 $0x1700;
	s17 =	simm.s32 $0x7;
	s18 =	simm.s32 $0x4  }
0xa: {  	[smem:$0x7FF] =	sst s5;
	s9 =	sand.u32 $0x1, s7;
	s12 =	smul.u32 $0x4F000, s15  }
0xb: {  	p0 =	seq.s32 s15, $0xF;
	_ =	strace $0x80000047;
	s8 =	ssub.s32 $0x2, s9  }
0xc: {  	s7 =	sshll.u32 s9, $0x4;
	s13 =	simm.s32 @!p0 $0x4F;
	s9 =	smul.u32 $0x138800, s9  }
0xd: {  	s10 =	sshrl.u32 s8, $0x1;
	s11 =	sor.u32 s15, s7;
	s15 =	smul.u32 $0x13C00, s15  }
0xe: {  	s12 =	sshrl.u32 s12, $0x2;
	s20 =	ssub.s32 s8, s10;
	s8 =	smul.u32 $0x2710, s11  }
0xf: {  	[dreg:$0x7] =	wrdreg s13;
	s10 =	smul.u32 $0x7D00, s11;
	s12 =	sadd.s32 s12, s4  }
0x10: {  	s7 =	sadd.s32 $0x400, s0;
	s11 =	smul.u32 $0x27100, s11;
	[dreg:$0x8] =	wrdreg s12  }
0x11: {  	s9 =	sadd.s32 s15, s9;
	s0 =	smax.u32 s20, $0x1;
	s20 =	simm.s32 $0xA300  }
0x12: {  	s15 =	simm.s32 $0x180;
	s21 =	sshrl.u32 s8, $0x3;
	s22 =	sshrl.u32 s10, $0x3  }
0x13: {  	s14 =	sadd.s32 $0x50, s8;
	s11 =	sadd.s32 s2, s11;
	s9 =	sshrl.u32 s9, $0x3  }
0x14: {  	[dreg:$0xf] =	wrdreg s0;
	s0 =	simm.s32 $0x2B00;
	s12 =	sadd.s32 s3, s21  }
0x15: {  	s13 =	sadd.s32 s7, s22;
	s23 =	sshrl.u32 s14, $0x3;
	[dreg:$0xb] =	wrdreg s11  }
0x16: {  	s26 =	sshll.u32 s14, $0x4;
	s30 =	sadd.s32 s9, s6;
	[dreg:$0x9] =	wrdreg s12  }
0x17: {  	s21 =	simm.s32 $0x9;
	s22 =	simm.s32 $0x100;
	[dreg:$0xa] =	wrdreg s13  }
0x18: {  	s6 =	simm.s32 $0x3;
	s24 =	sadd.s32 s3, s23;
	[dreg:$0x10] =	wrdreg s30  }
0x19: {  	s14 =	simm.s32 $0x28;
	s25 =	sadd.s32 $0x20, s13;
	[dreg:$0xc] =	wrdreg s24  }
0x1a: {  	s11 =	sadd.s32 s2, s26;
	s26 =	simm.s32 $0x300;
	[dreg:$0xd] =	wrdreg s25  }
0x1b: {  	s12 =	simm.s32 $0x5;
	s13 =	simm.s32 $0x6;
	[dreg:$0xe] =	wrdreg s11  }
0x1c: {  	v0 =	vimm.f32 $0.0e+00;
	s24 =	simm.s32 $0x1;
	s25 =	simm.s32 $0x50;
	s11 =	simm.s32 $0x0  }
.LBB2_1:
0x1d: {  	[tilespmem:$0xA300] =	vst v0  }
0x1e: {  	[tilespmem:$0xA310] =	vst v0  }
0x1f: {  	[tilespmem:$0xA320] =	vst v0  }
0x20: {  	[tilespmem:$0xA330] =	vst v0  }
0x21: {  	[tilespmem:$0xA340] =	vst v0  }
0x22: {  	[tilespmem:$0xA350] =	vst v0  }
0x23: {  	[tilespmem:$0xA360] =	vst v0  }
0x24: {  	[tilespmem:$0xA370] =	vst v0  }
0x25: {  	[tilespmem:$0xA380] =	vst v0  }
0x26: {  	[tilespmem:$0xA390] =	vst v0  }
0x27: {  	[tilespmem:$0xA3A0] =	vst v0  }
0x28: {  	[tilespmem:$0xA3B0] =	vst v0  }
0x29: {  	[tilespmem:$0xA3C0] =	vst v0  }
0x2a: {  	[tilespmem:$0xA3D0] =	vst v0  }
0x2b: {  	[tilespmem:$0xA3E0] =	vst v0  }
0x2c: {  	[tilespmem:$0xA3F0] =	vst v0  }
0x2d: {  	[tilespmem:$0xA400] =	vst v0  }
0x2e: {  	[tilespmem:$0xA410] =	vst v0  }
0x2f: {  	[tilespmem:$0xA420] =	vst v0  }
0x30: {  	[tilespmem:$0xA430] =	vst v0  }
0x31: {  	[tilespmem:$0xA440] =	vst v0  }
0x32: {  	[tilespmem:$0xA450] =	vst v0  }
0x33: {  	[tilespmem:$0xA460] =	vst v0  }
0x34: {  	[tilespmem:$0xA470] =	vst v0  }
0x35: {  	[tilespmem:$0xA480] =	vst v0  }
0x36: {  	[tilespmem:$0xA490] =	vst v0  }
0x37: {  	[tilespmem:$0xA4A0] =	vst v0  }
0x38: {  	[tilespmem:$0xA4B0] =	vst v0  }
0x39: {  	[tilespmem:$0xA4C0] =	vst v0  }
0x3a: {  	[tilespmem:$0xA4D0] =	vst v0  }
0x3b: {  	[tilespmem:$0xA4E0] =	vst v0  }
0x3c: {  	[tilespmem:$0xA4F0] =	vst v0  }
0x3d: {  	[tilespmem:$0xA500] =	vst v0  }
0x3e: {  	[tilespmem:$0xA510] =	vst v0  }
0x3f: {  	[tilespmem:$0xA520] =	vst v0  }
0x40: {  	[tilespmem:$0xA530] =	vst v0  }
0x41: {  	[tilespmem:$0xA540] =	vst v0  }
0x42: {  	[tilespmem:$0xA550] =	vst v0  }
0x43: {  	[tilespmem:$0xA560] =	vst v0  }
0x44: {  	[tilespmem:$0xA570] =	vst v0  }
0x45: {  	[tilespmem:$0xA580] =	vst v0  }
0x46: {  	[tilespmem:$0xA590] =	vst v0  }
0x47: {  	[tilespmem:$0xA5A0] =	vst v0  }
0x48: {  	[tilespmem:$0xA5B0] =	vst v0  }
0x49: {  	[tilespmem:$0xA5C0] =	vst v0  }
0x4a: {  	[tilespmem:$0xA5D0] =	vst v0  }
0x4b: {  	[tilespmem:$0xA5E0] =	vst v0  }
0x4c: {  	[tilespmem:$0xA5F0] =	vst v0  }
0x4d: {  	[tilespmem:$0xA600] =	vst v0  }
0x4e: {  	[tilespmem:$0xA610] =	vst v0  }
0x4f: {  	[tilespmem:$0xA620] =	vst v0  }
0x50: {  	[tilespmem:$0xA630] =	vst v0  }
0x51: {  	[tilespmem:$0xA640] =	vst v0  }
0x52: {  	[tilespmem:$0xA650] =	vst v0  }
0x53: {  	[tilespmem:$0xA660] =	vst v0  }
0x54: {  	[tilespmem:$0xA670] =	vst v0  }
0x55: {  	[tilespmem:$0xA680] =	vst v0  }
0x56: {  	[tilespmem:$0xA690] =	vst v0  }
0x57: {  	[tilespmem:$0xA6A0] =	vst v0  }
0x58: {  	[tilespmem:$0xA6B0] =	vst v0  }
0x59: {  	[tilespmem:$0xA6C0] =	vst v0;
	s9 =	rddreg [dreg:$0x7]  }
0x5a: {  	[tilespmem:$0xA6D0] =	vst v0;
	p0 =	sne.s32 s9, $0x1  }
.Ltmp0:
0x5b: {  	[dreg:$0x11] =	wrdreg s11;
	[tilespmem:$0xA6E0] =	vst v0;
	(pc) =	sbr.rel @!p0 .LBB2_3-.Ltmp0, $4  }
0x5c: {  	[tilespmem:$0xA6F0] =	vst v0;
	s11 =	rddreg [dreg:$0x8]  }
0x5d: {  	[spmem:s11] =	stream.linear.scatter [tilespmem:s20], [sflag:$0x9], $0x400, $0x38;
	[tilespmem:$0x1DF80] =	vst v63  }
0x5e: {  	_ =	swait.ge [sflag:s21], $0x400  }
0x5f: {  	s9 =	sadd.s32 $0xFFFFFFFF, s9;
	[sflag:s21] =	ssyncset.done $0x0  }
.LBB2_2:
0x60: {  	p1 =	sne.s32 s9, $0x1;
	[sflag:s21] =	ssyncadd.s32 $0xFFFFFC00;
	s11 =	sadd.s32 $0x400, s11  }
.Ltmp1:
0x61: {  	s9 =	sadd.s32 $0xFFFFFFFF, s9;
	(pc) =	sbr.rel @p1 .LBB2_2-.Ltmp1, $4  }
0x62: {  	_ = 	snop  }
0x63: {  	[spmem:s11] =	stream.linear.scatter [tilespmem:s20], [sflag:$0x9], $0x400, $0x38;
	[tilespmem:$0x1DF80] =	vst v63  }
0x64: {  	_ =	swait.ge [sflag:s21], $0x400  }
0x65: {  	[sflag:s21] =	ssyncset.done $0x0  }
.LBB2_3:
0x66: {  	[sflag:s21] =	ssyncadd.s32 $0xFFFFFC00  }
0x67: {  	[bflag:$0x0] =	sbarrier.arrive $0xFFFF  }
0x68: {  	s11 =	simm.s32 $0x0;
	s9 =	rddreg [dreg:$0x9]  }
0x69: {  	[tilespmem:s11], [sflag:$0x1] =	stream.linear.gather [hbm4b:s9+s11], $0x50, $0x38;
	[tilespmem:$0x1DF80] =	vst v63  }
0x6a: {  	s19 =	rddreg [dreg:$0xa]  }
0x6b: {  	[tilespmem:s22], [sflag:$0x1] =	stream.linear.gather [hbm4b:s19+s11], $0x100, $0x38;
	[tilespmem:$0x1DF80] =	vst v63  }
0x6c: {  	s23 =	rddreg [dreg:$0xb];
	s19 =	simm.s32 $0x5300  }
0x6d: {  	[tilespmem:s19], [sflag:$0x3] =	stream.linear.gather [hbm4b:s23+s11], $0x2800, $0x38;
	[tilespmem:$0x1DF80] =	vst v63  }
0x6e: {  	_ =	swait.ge [sflag:s24], $0x50  }
0x6f: {  	[sflag:s24] =	ssyncset.done $0x0  }
0x70: {  	[sflag:s24] =	ssyncadd.s32 $0xFFFFFFB0  }
0x71: {  	_ =	swait.ge [sflag:s24], $0x100  }
0x72: {  	[sflag:s24] =	ssyncset.done $0x0  }
0x73: {  	[sflag:s24] =	ssyncadd.s32 $0xFFFFFF00  }
0x74: {  	[tilespmem:s26], [sflag:$0x5] =	stream.indirect.gather [hbm4b:s1+s25], $0x80, s11, s25, $0xb8;
	[tilespmem:$0x1DF80] =	vst v63  }
0x75: {  	s30 =	rddreg [dreg:$0xc]  }
0x76: {  	[tilespmem:s28], [sflag:$0x2] =	stream.linear.gather [hbm4b:s30+s11], $0x50, $0x38;
	[tilespmem:$0x1DF80] =	vst v63  }
0x77: {  	s19 =	rddreg [dreg:$0xd]  }
0x78: {  	[tilespmem:s29], [sflag:$0x2] =	stream.linear.gather [hbm4b:s19+s11], $0x100, $0x38;
	[tilespmem:$0x1DF80] =	vst v63  }
0x79: {  	s23 =	rddreg [dreg:$0xe];
	s30 =	simm.s32 $0x7B00  }
0x7a: {  	[tilespmem:s30], [sflag:$0x4] =	stream.linear.gather [hbm4b:s23+s11], $0x2800, $0x38;
	[tilespmem:$0x1DF80] =	vst v63  }
.LBB2_4:
0x7b: {  	_ =	swait.ge [sflag:s31], $0x50  }
0x7c: {  	[sflag:s31] =	ssyncset.done $0x0  }
0x7d: {  	[sflag:s31] =	ssyncadd.s32 $0xFFFFFFB0  }
0x7e: {  	_ =	swait.ge [sflag:s31], $0x100  }
0x7f: {  	p1 =	seq.s32 s11, $0x0;
	[sflag:s31] =	ssyncset.done $0x0  }
0x80: {  	s9 =	simm.s32 @!p1 $0x8;
	[sflag:s31] =	ssyncadd.s32 $0xFFFFFF00  }
0x81: {  	_ =	swait.ge @!p1 [sflag:s9], $0x1400  }
0x82: {  	[sflag:s9] =	ssyncset.done @!p1 $0x0  }
0x83: {  	[sflag:s9] =	ssyncadd.s32 @!p1 $0xFFFFEC00  }
0x84: {  	_ =	swait.ge @!p1 [sflag:s9], $0x1400  }
0x85: {  	[sflag:s9] =	ssyncset.done @!p1 $0x0  }
0x86: {  	[sflag:s9] =	ssyncadd.s32 @!p1 $0xFFFFEC00  }
0x87: {  	[tilespmem:s0], [sflag:$0x6] =	stream.indirect.gather [hbm4b:s1+s25], $0x80, s28, s25, $0xb8;
	[tilespmem:$0x1DF80] =	vst v63  }
0x88: {  	_ =	swait.ge [sflag:s6], $0x2800  }
0x89: {  	[sflag:s6] =	ssyncset.done $0x0  }
0x8a: {  	[sflag:s6] =	ssyncadd.s32 $0xFFFFD800  }
0x8b: {  	_ =	swait.ge [sflag:s12], $0x2800  }
0x8c: {  	[sflag:s12] =	ssyncset.done $0x0  }
0x8d: {  	s19 =	simm.s32 $0xF0;
	[sflag:s12] =	ssyncadd.s32 $0xFFFFD800  }
0x8e: {  	v7 =	vld [tilespmem:s19+$0x5210]  }
0x8f: {  	v8 =	vld [tilespmem:s19+$0x5220]  }
0x90: {  	v9 =	vld [tilespmem:s19+$0x5230]  }
0x91: {  	v10 =	vld [tilespmem:s19+$0x5240]  }
0x92: {  	v11 =	vld [tilespmem:s19+$0x5250]  }
0x93: {  	v12 =	vld [tilespmem:s19+$0x5260]  }
0x94: {  	v13 =	vld [tilespmem:s19+$0x5270]  }
0x95: {  	v14 =	vld [tilespmem:s19+$0x5280]  }
0x96: {  	v15 =	vld [tilespmem:s19+$0x5290]  }
0x97: {  	v16 =	vld [tilespmem:s19+$0x52A0]  }
0x98: {  	v6 =	vld [tilespmem:s19+$0x52B0]  }
0x99: {  	v5 =	vld [tilespmem:s19+$0x52C0]  }
0x9a: {  	v4 =	vld [tilespmem:s19+$0x52D0]  }
0x9b: {  	v17 =	vld [tilespmem:s19+$0x210]  }
0x9c: {  	v18 =	vld [tilespmem:s19+$0x220]  }
0x9d: {  	v3 =	vld [tilespmem:s19+$0x52E0]  }
0x9e: {  	v19 =	vld [tilespmem:s19+$0x230]  }
0x9f: {  	v20 =	vld [tilespmem:s19+$0x240]  }
0xa0: {  	v2 =	vld [tilespmem:s19+$0x52F0];
	v7 =	vadd.f32 v7, v17  }
0xa1: {  	v21 =	vld [tilespmem:s19+$0x250];
	v8 =	vadd.f32 v8, v18  }
0xa2: {  	v60 =	vld [tilespmem:s19+$0x260];
	v7 =	vmax.f32 v7, $0.0e+00  }
0xa3: {  	v1 =	vld [tilespmem:s19+$0x5300];
	v8 =	vmax.f32 v8, $0.0e+00;
	[tilespmem:s19+$0x210] =	vst v7;
	v7 =	vadd.f32 v9, v19  }
0xa4: {  	v22 =	vld [tilespmem:s19+$0x270];
	[tilespmem:s19+$0x220] =	vst v8;
	v8 =	vadd.f32 v10, v20  }
0xa5: {  	v61 =	vld [tilespmem:s19+$0x280];
	v7 =	vmax.f32 v7, $0.0e+00  }
0xa6: {  	v62 =	vld [tilespmem:s19+$0x290];
	v9 =	vmax.f32 v8, $0.0e+00;
	[tilespmem:s19+$0x230] =	vst v7;
	v7 =	vadd.f32 v11, v21  }
0xa7: {  	v63 =	vld [tilespmem:s19+$0x2A0];
	[tilespmem:s19+$0x240] =	vst v9;
	v9 =	vadd.f32 v12, v60  }
0xa8: {  	v8 =	vld [tilespmem:s19+$0x2B0];
	v10 =	vmax.f32 v7, $0.0e+00  }
0xa9: {  	v7 =	vld [tilespmem:s19+$0x2C0];
	v11 =	vmax.f32 v9, $0.0e+00;
	[tilespmem:s19+$0x250] =	vst v10;
	v10 =	vadd.f32 v13, v22  }
0xaa: {  	v9 =	vld [tilespmem:s19+$0x2D0];
	[tilespmem:s19+$0x260] =	vst v11;
	v11 =	vadd.f32 v14, v61  }
0xab: {  	v13 =	vadd.f32 v15, v62;
	v12 =	vmax.f32 v10, $0.0e+00;
	v10 =	vld [tilespmem:s19+$0x2E0]  }
0xac: {  	s30 =	sshll.u32 s11, $0x1;
	s9 =	simm.s32 $0x7C0;
	v14 =	vmax.f32 v11, $0.0e+00;
	v11 =	vld [tilespmem:s19+$0x2F0];
	[tilespmem:s19+$0x270] =	vst v12;
	v12 =	vadd.f32 v16, v63  }
.LBB2_5:
0xad: {  	s23 =	sshra.s32 s9, $0x2;
	p1 =	sne.s32 s9, $0x4FC0;
	[tilespmem:s19+$0x280] =	vst v14;
	v13 =	vmax.f32 v13, $0.0e+00;
	v6 =	vadd.f32 v6, v8;
	v8 =	vld [tilespmem:s19+$0x300]  }
0xae: {  	v14 =	vld [tilespmem:s23+$0x5210];
	[tilespmem:s19+$0x290] =	vst v13;
	v12 =	vmax.f32 v12, $0.0e+00;
	v5 =	vadd.f32 v5, v7  }
0xaf: {  	v7 =	vld [tilespmem:s23+$0x5220];
	[tilespmem:s19+$0x2A0] =	vst v12;
	v6 =	vmax.f32 v6, $0.0e+00;
	v4 =	vadd.f32 v4, v9  }
0xb0: {  	v9 =	vld [tilespmem:s23+$0x5230];
	[tilespmem:s19+$0x2B0] =	vst v6;
	v5 =	vmax.f32 v5, $0.0e+00;
	v3 =	vadd.f32 v3, v10  }
0xb1: {  	v10 =	vld [tilespmem:s23+$0x5240];
	[tilespmem:s19+$0x2C0] =	vst v5;
	v4 =	vmax.f32 v4, $0.0e+00;
	v2 =	vadd.f32 v2, v11  }
0xb2: {  	v11 =	vld [tilespmem:s23+$0x5250];
	[tilespmem:s19+$0x2D0] =	vst v4;
	v3 =	vmax.f32 v3, $0.0e+00;
	v1 =	vadd.f32 v1, v8  }
0xb3: {  	v8 =	vld [tilespmem:s23+$0x5260];
	[tilespmem:s19+$0x2E0] =	vst v3;
	v2 =	vmax.f32 v2, $0.0e+00  }
0xb4: {  	v12 =	vld [tilespmem:s23+$0x5270];
	[tilespmem:s19+$0x2F0] =	vst v2;
	v1 =	vmax.f32 v1, $0.0e+00  }
0xb5: {  	v13 =	vld [tilespmem:s23+$0x5280];
	[tilespmem:s19+$0x300] =	vst v1;
	s19 =	smov.u32 s23  }
0xb6: {  	v15 =	vld [tilespmem:s19+$0x5290]  }
0xb7: {  	v16 =	vld [tilespmem:s19+$0x52A0]  }
0xb8: {  	v6 =	vld [tilespmem:s19+$0x52B0]  }
0xb9: {  	v5 =	vld [tilespmem:s19+$0x52C0]  }
0xba: {  	v4 =	vld [tilespmem:s19+$0x52D0]  }
0xbb: {  	v3 =	vld [tilespmem:s19+$0x52E0]  }
0xbc: {  	v2 =	vld [tilespmem:s19+$0x52F0]  }
0xbd: {  	v1 =	vld [tilespmem:s19+$0x5300]  }
0xbe: {  	v17 =	vld [tilespmem:s19+$0x210]  }
0xbf: {  	v18 =	vld [tilespmem:s19+$0x220]  }
0xc0: {  	v19 =	vld [tilespmem:s19+$0x230]  }
0xc1: {  	v20 =	vld [tilespmem:s19+$0x240]  }
0xc2: {  	v21 =	vld [tilespmem:s19+$0x250]  }
0xc3: {  	v14 =	vadd.f32 v14, v17;
	v17 =	vld [tilespmem:s19+$0x260]  }
0xc4: {  	v7 =	vadd.f32 v7, v18;
	v18 =	vld [tilespmem:s19+$0x270]  }
0xc5: {  	v14 =	vmax.f32 v14, $0.0e+00;
	v9 =	vadd.f32 v9, v19;
	v19 =	vld [tilespmem:s19+$0x280]  }
0xc6: {  	[tilespmem:s19+$0x210] =	vst v14;
	v7 =	vmax.f32 v7, $0.0e+00;
	v10 =	vadd.f32 v10, v20;
	v14 =	vld [tilespmem:s19+$0x290]  }
0xc7: {  	[tilespmem:s19+$0x220] =	vst v7;
	v7 =	vmax.f32 v9, $0.0e+00;
	v9 =	vadd.f32 v11, v21;
	v11 =	vld [tilespmem:s19+$0x2A0]  }
.Ltmp2:
0xc8: {  	[tilespmem:s19+$0x230] =	vst v7;
	v7 =	vmax.f32 v10, $0.0e+00;
	v10 =	vadd.f32 v8, v17;
	v8 =	vld [tilespmem:s19+$0x2B0];
	(pc) =	sbr.rel @p1 .LBB2_5-.Ltmp2, $4  }
0xc9: {  	[tilespmem:s19+$0x240] =	vst v7;
	v9 =	vmax.f32 v9, $0.0e+00;
	v12 =	vadd.f32 v12, v18;
	v7 =	vld [tilespmem:s19+$0x2C0]  }
0xca: {  	[tilespmem:s19+$0x250] =	vst v9;
	v10 =	vmax.f32 v10, $0.0e+00;
	v17 =	vadd.f32 v13, v19;
	v9 =	vld [tilespmem:s19+$0x2D0]  }
0xcb: {  	[tilespmem:s19+$0x260] =	vst v10;
	v12 =	vmax.f32 v12, $0.0e+00;
	v13 =	vadd.f32 v15, v14;
	v10 =	vld [tilespmem:s19+$0x2E0]  }
0xcc: {  	s9 =	sadd.s32 $0x400, s9;
	[tilespmem:s19+$0x270] =	vst v12;
	v14 =	vmax.f32 v17, $0.0e+00;
	v12 =	vadd.f32 v16, v11;
	v11 =	vld [tilespmem:s19+$0x2F0]  }
0xcd: {  	[tilespmem:s19+$0x280] =	vst v14;
	v13 =	vmax.f32 v13, $0.0e+00;
	v6 =	vadd.f32 v6, v8;
	v8 =	vld [tilespmem:s19+$0x300]  }
0xce: {  	[tilespmem:s19+$0x290] =	vst v13;
	v12 =	vmax.f32 v12, $0.0e+00;
	v5 =	vadd.f32 v5, v7  }
0xcf: {  	[tilespmem:s19+$0x2A0] =	vst v12;
	v6 =	vmax.f32 v6, $0.0e+00;
	v4 =	vadd.f32 v4, v9  }
0xd0: {  	[tilespmem:s19+$0x2B0] =	vst v6;
	v5 =	vmax.f32 v5, $0.0e+00;
	v3 =	vadd.f32 v3, v10  }
0xd1: {  	[tilespmem:s19+$0x2C0] =	vst v5;
	v4 =	vmax.f32 v4, $0.0e+00;
	v2 =	vadd.f32 v2, v11  }
0xd2: {  	[tilespmem:s19+$0x2D0] =	vst v4;
	v3 =	vmax.f32 v3, $0.0e+00;
	v1 =	vadd.f32 v1, v8  }
0xd3: {  	[tilespmem:s19+$0x2E0] =	vst v3;
	v2 =	vmax.f32 v2, $0.0e+00  }
0xd4: {  	[tilespmem:s19+$0x2F0] =	vst v2;
	v1 =	vmax.f32 v1, $0.0e+00  }
0xd5: {  	[tilespmem:s19+$0x300] =	vst v1;
	s19 =	simm.s32 $0x0  }
0xd6: {  	[spmem:s4] =	stream.indirect.scatter.add.f32 [tilespmem:s26], [sflag:$0x7], $0x80, s22, s14, $0xb8;
	[tilespmem:$0x1DF80] =	vst v63  }
0xd7: {  	v7 =	vld [tilespmem:s19+$0x6700]  }
0xd8: {  	v8 =	vld [tilespmem:s19+$0x6710]  }
0xd9: {  	v9 =	vld [tilespmem:s19+$0x6720]  }
0xda: {  	v10 =	vld [tilespmem:s19+$0x6730]  }
0xdb: {  	v11 =	vld [tilespmem:s19+$0x6740]  }
0xdc: {  	v12 =	vld [tilespmem:s19+$0x6750]  }
0xdd: {  	v13 =	vld [tilespmem:s19+$0x6760]  }
0xde: {  	v14 =	vld [tilespmem:s19+$0x6770]  }
0xdf: {  	v15 =	vld [tilespmem:s19+$0x6780]  }
0xe0: {  	v16 =	vld [tilespmem:s19+$0x6790]  }
0xe1: {  	v6 =	vld [tilespmem:s19+$0x67A0]  }
0xe2: {  	v5 =	vld [tilespmem:s19+$0x67B0]  }
0xe3: {  	v4 =	vld [tilespmem:s19+$0x67C0]  }
0xe4: {  	v17 =	vld [tilespmem:s19+$0x1700]  }
0xe5: {  	v18 =	vld [tilespmem:s19+$0x1710]  }
0xe6: {  	v3 =	vld [tilespmem:s19+$0x67D0]  }
0xe7: {  	v19 =	vld [tilespmem:s19+$0x1720]  }
0xe8: {  	v20 =	vld [tilespmem:s19+$0x1730]  }
0xe9: {  	v2 =	vld [tilespmem:s19+$0x67E0];
	v7 =	vadd.f32 v7, v17  }
0xea: {  	v21 =	vld [tilespmem:s19+$0x1740];
	v8 =	vadd.f32 v8, v18  }
0xeb: {  	v60 =	vld [tilespmem:s19+$0x1750];
	v7 =	vmax.f32 v7, $0.0e+00  }
0xec: {  	v1 =	vld [tilespmem:s19+$0x67F0];
	v8 =	vmax.f32 v8, $0.0e+00;
	[tilespmem:s19+$0x1700] =	vst v7;
	v7 =	vadd.f32 v9, v19  }
0xed: {  	v22 =	vld [tilespmem:s19+$0x1760];
	[tilespmem:s19+$0x1710] =	vst v8;
	v8 =	vadd.f32 v10, v20  }
0xee: {  	v61 =	vld [tilespmem:s19+$0x1770];
	v7 =	vmax.f32 v7, $0.0e+00  }
0xef: {  	v62 =	vld [tilespmem:s19+$0x1780];
	v9 =	vmax.f32 v8, $0.0e+00;
	[tilespmem:s19+$0x1720] =	vst v7;
	v7 =	vadd.f32 v11, v21  }
0xf0: {  	v63 =	vld [tilespmem:s19+$0x1790];
	[tilespmem:s19+$0x1730] =	vst v9;
	v9 =	vadd.f32 v12, v60  }
0xf1: {  	v8 =	vld [tilespmem:s19+$0x17A0];
	v10 =	vmax.f32 v7, $0.0e+00  }
0xf2: {  	v7 =	vld [tilespmem:s19+$0x17B0];
	v11 =	vmax.f32 v9, $0.0e+00;
	[tilespmem:s19+$0x1740] =	vst v10;
	v10 =	vadd.f32 v13, v22  }
0xf3: {  	v9 =	vld [tilespmem:s19+$0x17C0];
	[tilespmem:s19+$0x1750] =	vst v11;
	v11 =	vadd.f32 v14, v61  }
0xf4: {  	v13 =	vadd.f32 v15, v62;
	v12 =	vmax.f32 v10, $0.0e+00;
	v10 =	vld [tilespmem:s19+$0x17D0]  }
0xf5: {  	s9 =	simm.s32 $0x400;
	v14 =	vmax.f32 v11, $0.0e+00;
	v11 =	vld [tilespmem:s19+$0x17E0];
	[tilespmem:s19+$0x1760] =	vst v12;
	v12 =	vadd.f32 v16, v63  }
.LBB2_7:
0xf6: {  	s23 =	sshra.s32 s9, $0x2;
	p1 =	sne.s32 s9, $0x4C00;
	[tilespmem:s19+$0x1770] =	vst v14;
	v13 =	vmax.f32 v13, $0.0e+00;
	v6 =	vadd.f32 v6, v8;
	v8 =	vld [tilespmem:s19+$0x17F0]  }
0xf7: {  	v14 =	vld [tilespmem:s23+$0x6700];
	[tilespmem:s19+$0x1780] =	vst v13;
	v12 =	vmax.f32 v12, $0.0e+00;
	v5 =	vadd.f32 v5, v7  }
0xf8: {  	v7 =	vld [tilespmem:s23+$0x6710];
	[tilespmem:s19+$0x1790] =	vst v12;
	v6 =	vmax.f32 v6, $0.0e+00;
	v4 =	vadd.f32 v4, v9  }
0xf9: {  	v9 =	vld [tilespmem:s23+$0x6720];
	[tilespmem:s19+$0x17A0] =	vst v6;
	v5 =	vmax.f32 v5, $0.0e+00;
	v3 =	vadd.f32 v3, v10  }
0xfa: {  	v10 =	vld [tilespmem:s23+$0x6730];
	[tilespmem:s19+$0x17B0] =	vst v5;
	v4 =	vmax.f32 v4, $0.0e+00;
	v2 =	vadd.f32 v2, v11  }
0xfb: {  	v11 =	vld [tilespmem:s23+$0x6740];
	[tilespmem:s19+$0x17C0] =	vst v4;
	v3 =	vmax.f32 v3, $0.0e+00;
	v1 =	vadd.f32 v1, v8  }
0xfc: {  	v8 =	vld [tilespmem:s23+$0x6750];
	[tilespmem:s19+$0x17D0] =	vst v3;
	v2 =	vmax.f32 v2, $0.0e+00  }
0xfd: {  	v12 =	vld [tilespmem:s23+$0x6760];
	[tilespmem:s19+$0x17E0] =	vst v2;
	v1 =	vmax.f32 v1, $0.0e+00  }
0xfe: {  	v13 =	vld [tilespmem:s23+$0x6770];
	[tilespmem:s19+$0x17F0] =	vst v1;
	s19 =	smov.u32 s23  }
0xff: {  	v15 =	vld [tilespmem:s19+$0x6780]  }
0x100: {  	v16 =	vld [tilespmem:s19+$0x6790]  }
0x101: {  	v6 =	vld [tilespmem:s19+$0x67A0]  }
0x102: {  	v5 =	vld [tilespmem:s19+$0x67B0]  }
0x103: {  	v4 =	vld [tilespmem:s19+$0x67C0]  }
0x104: {  	v3 =	vld [tilespmem:s19+$0x67D0]  }
0x105: {  	v2 =	vld [tilespmem:s19+$0x67E0]  }
0x106: {  	v1 =	vld [tilespmem:s19+$0x67F0]  }
0x107: {  	v17 =	vld [tilespmem:s19+$0x1700]  }
0x108: {  	v18 =	vld [tilespmem:s19+$0x1710]  }
0x109: {  	v19 =	vld [tilespmem:s19+$0x1720]  }
0x10a: {  	v20 =	vld [tilespmem:s19+$0x1730]  }
0x10b: {  	v21 =	vld [tilespmem:s19+$0x1740]  }
0x10c: {  	v14 =	vadd.f32 v14, v17;
	v17 =	vld [tilespmem:s19+$0x1750]  }
0x10d: {  	v7 =	vadd.f32 v7, v18;
	v18 =	vld [tilespmem:s19+$0x1760]  }
0x10e: {  	v14 =	vmax.f32 v14, $0.0e+00;
	v9 =	vadd.f32 v9, v19;
	v19 =	vld [tilespmem:s19+$0x1770]  }
0x10f: {  	[tilespmem:s19+$0x1700] =	vst v14;
	v7 =	vmax.f32 v7, $0.0e+00;
	v10 =	vadd.f32 v10, v20;
	v14 =	vld [tilespmem:s19+$0x1780]  }
0x110: {  	[tilespmem:s19+$0x1710] =	vst v7;
	v7 =	vmax.f32 v9, $0.0e+00;
	v9 =	vadd.f32 v11, v21;
	v11 =	vld [tilespmem:s19+$0x1790]  }
.Ltmp3:
0x111: {  	[tilespmem:s19+$0x1720] =	vst v7;
	v7 =	vmax.f32 v10, $0.0e+00;
	v10 =	vadd.f32 v8, v17;
	v8 =	vld [tilespmem:s19+$0x17A0];
	(pc) =	sbr.rel @p1 .LBB2_7-.Ltmp3, $4  }
0x112: {  	[tilespmem:s19+$0x1730] =	vst v7;
	v9 =	vmax.f32 v9, $0.0e+00;
	v12 =	vadd.f32 v12, v18;
	v7 =	vld [tilespmem:s19+$0x17B0]  }
0x113: {  	[tilespmem:s19+$0x1740] =	vst v9;
	v10 =	vmax.f32 v10, $0.0e+00;
	v17 =	vadd.f32 v13, v19;
	v9 =	vld [tilespmem:s19+$0x17C0]  }
0x114: {  	[tilespmem:s19+$0x1750] =	vst v10;
	v12 =	vmax.f32 v12, $0.0e+00;
	v13 =	vadd.f32 v15, v14;
	v10 =	vld [tilespmem:s19+$0x17D0]  }
0x115: {  	s9 =	sadd.s32 $0x400, s9;
	[tilespmem:s19+$0x1760] =	vst v12;
	v14 =	vmax.f32 v17, $0.0e+00;
	v12 =	vadd.f32 v16, v11;
	v11 =	vld [tilespmem:s19+$0x17E0]  }
0x116: {  	[tilespmem:s19+$0x1770] =	vst v14;
	v13 =	vmax.f32 v13, $0.0e+00;
	v6 =	vadd.f32 v6, v8;
	v8 =	vld [tilespmem:s19+$0x17F0]  }
0x117: {  	[tilespmem:s19+$0x1780] =	vst v13;
	v12 =	vmax.f32 v12, $0.0e+00;
	v5 =	vadd.f32 v5, v7  }
0x118: {  	[tilespmem:s19+$0x1790] =	vst v12;
	v6 =	vmax.f32 v6, $0.0e+00;
	v4 =	vadd.f32 v4, v9  }
0x119: {  	[tilespmem:s19+$0x17A0] =	vst v6;
	v5 =	vmax.f32 v5, $0.0e+00;
	v3 =	vadd.f32 v3, v10  }
0x11a: {  	[tilespmem:s19+$0x17B0] =	vst v5;
	v4 =	vmax.f32 v4, $0.0e+00;
	v2 =	vadd.f32 v2, v11  }
0x11b: {  	s9 =	sadd.s32 $0x2, s30;
	[tilespmem:s19+$0x17C0] =	vst v4;
	v3 =	vmax.f32 v3, $0.0e+00;
	v1 =	vadd.f32 v1, v8  }
0x11c: {  	s23 =	smul.u32 $0x50, s9;
	[tilespmem:s19+$0x17D0] =	vst v3;
	v2 =	vmax.f32 v2, $0.0e+00  }
0x11d: {  	[tilespmem:s19+$0x17E0] =	vst v2;
	v1 =	vmax.f32 v1, $0.0e+00  }
0x11e: {  	s9 =	sshll.u32 s9, $0x8;
	[tilespmem:s19+$0x17F0] =	vst v1;
	s19 =	sadd.s32 s8, s23  }
0x11f: {  	[spmem:s4] =	stream.indirect.scatter.add.f32 [tilespmem:s16], [sflag:$0x7], $0x80, s15, s14, $0xb8;
	[tilespmem:$0x1DF80] =	vst v63  }
0x120: {  	s9 =	sadd.s32 s10, s9;
	s23 =	sshrl.u32 s19, $0x3  }
0x121: {  	s9 =	sshrl.u32 s9, $0x3;
	s23 =	sadd.s32 s3, s23  }
0x122: {  	[tilespmem:s5], [sflag:$0x1] =	stream.linear.gather [hbm4b:s23+s5], $0x50, $0x38;
	[tilespmem:$0x1DF80] =	vst v63  }
0x123: {  	s9 =	sadd.s32 s7, s9;
	s19 =	sshll.u32 s19, $0x4  }
0x124: {  	[tilespmem:s22], [sflag:$0x1] =	stream.linear.gather [hbm4b:s9+s5], $0x100, $0x38;
	[tilespmem:$0x1DF80] =	vst v63  }
0x125: {  	s23 =	simm.s32 $0x5300;
	s9 =	sadd.s32 s2, s19  }
0x126: {  	[tilespmem:s23], [sflag:$0x3] =	stream.linear.gather [hbm4b:s9+s5], $0x2800, $0x38;
	[tilespmem:$0x1DF80] =	vst v63  }
0x127: {  	_ =	swait.ge [sflag:s24], $0x50  }
0x128: {  	[sflag:s24] =	ssyncset.done $0x0  }
0x129: {  	[sflag:s24] =	ssyncadd.s32 $0xFFFFFFB0  }
0x12a: {  	_ =	swait.ge [sflag:s24], $0x100  }
0x12b: {  	[sflag:s24] =	ssyncset.done $0x0  }
0x12c: {  	[sflag:s24] =	ssyncadd.s32 $0xFFFFFF00  }
0x12d: {  	_ =	swait.ge [sflag:s17], $0x1400  }
0x12e: {  	[sflag:s17] =	ssyncset.done $0x0  }
0x12f: {  	[sflag:s17] =	ssyncadd.s32 $0xFFFFEC00  }
0x130: {  	_ =	swait.ge [sflag:s17], $0x1400  }
0x131: {  	[sflag:s17] =	ssyncset.done $0x0  }
0x132: {  	[sflag:s17] =	ssyncadd.s32 $0xFFFFEC00  }
0x133: {  	[tilespmem:s26], [sflag:$0x5] =	stream.indirect.gather [hbm4b:s1+s25], $0x80, s5, s25, $0xb8;
	[tilespmem:$0x1DF80] =	vst v63  }
0x134: {  	_ =	swait.ge [sflag:s18], $0x2800  }
0x135: {  	[sflag:s18] =	ssyncset.done $0x0  }
0x136: {  	[sflag:s18] =	ssyncadd.s32 $0xFFFFD800  }
0x137: {  	_ =	swait.ge [sflag:s13], $0x2800  }
0x138: {  	[sflag:s13] =	ssyncset.done $0x0  }
0x139: {  	s19 =	simm.s32 $0xF0;
	[sflag:s13] =	ssyncadd.s32 $0xFFFFD800  }
0x13a: {  	v7 =	vld [tilespmem:s19+$0x7A10]  }
0x13b: {  	v8 =	vld [tilespmem:s19+$0x7A20]  }
0x13c: {  	v9 =	vld [tilespmem:s19+$0x7A30]  }
0x13d: {  	v10 =	vld [tilespmem:s19+$0x7A40]  }
0x13e: {  	v11 =	vld [tilespmem:s19+$0x7A50]  }
0x13f: {  	v12 =	vld [tilespmem:s19+$0x7A60]  }
0x140: {  	v13 =	vld [tilespmem:s19+$0x7A70]  }
0x141: {  	v14 =	vld [tilespmem:s19+$0x7A80]  }
0x142: {  	v15 =	vld [tilespmem:s19+$0x7A90]  }
0x143: {  	v16 =	vld [tilespmem:s19+$0x7AA0]  }
0x144: {  	v6 =	vld [tilespmem:s19+$0x7AB0]  }
0x145: {  	v5 =	vld [tilespmem:s19+$0x7AC0]  }
0x146: {  	v4 =	vld [tilespmem:s19+$0x7AD0]  }
0x147: {  	v17 =	vld [tilespmem:s19+$0x2A10]  }
0x148: {  	v18 =	vld [tilespmem:s19+$0x2A20]  }
0x149: {  	v3 =	vld [tilespmem:s19+$0x7AE0]  }
0x14a: {  	v19 =	vld [tilespmem:s19+$0x2A30]  }
0x14b: {  	v20 =	vld [tilespmem:s19+$0x2A40]  }
0x14c: {  	v2 =	vld [tilespmem:s19+$0x7AF0];
	v7 =	vadd.f32 v7, v17  }
0x14d: {  	v21 =	vld [tilespmem:s19+$0x2A50];
	v8 =	vadd.f32 v8, v18  }
0x14e: {  	v60 =	vld [tilespmem:s19+$0x2A60];
	v7 =	vmax.f32 v7, $0.0e+00  }
0x14f: {  	v1 =	vld [tilespmem:s19+$0x7B00];
	v8 =	vmax.f32 v8, $0.0e+00;
	[tilespmem:s19+$0x2A10] =	vst v7;
	v7 =	vadd.f32 v9, v19  }
0x150: {  	v22 =	vld [tilespmem:s19+$0x2A70];
	[tilespmem:s19+$0x2A20] =	vst v8;
	v8 =	vadd.f32 v10, v20  }
0x151: {  	v61 =	vld [tilespmem:s19+$0x2A80];
	v7 =	vmax.f32 v7, $0.0e+00  }
0x152: {  	v62 =	vld [tilespmem:s19+$0x2A90];
	v9 =	vmax.f32 v8, $0.0e+00;
	[tilespmem:s19+$0x2A30] =	vst v7;
	v7 =	vadd.f32 v11, v21  }
0x153: {  	v63 =	vld [tilespmem:s19+$0x2AA0];
	[tilespmem:s19+$0x2A40] =	vst v9;
	v9 =	vadd.f32 v12, v60  }
0x154: {  	v8 =	vld [tilespmem:s19+$0x2AB0];
	v10 =	vmax.f32 v7, $0.0e+00  }
0x155: {  	v7 =	vld [tilespmem:s19+$0x2AC0];
	v11 =	vmax.f32 v9, $0.0e+00;
	[tilespmem:s19+$0x2A50] =	vst v10;
	v10 =	vadd.f32 v13, v22  }
0x156: {  	v9 =	vld [tilespmem:s19+$0x2AD0];
	[tilespmem:s19+$0x2A60] =	vst v11;
	v11 =	vadd.f32 v14, v61  }
0x157: {  	v13 =	vadd.f32 v15, v62;
	v12 =	vmax.f32 v10, $0.0e+00;
	v10 =	vld [tilespmem:s19+$0x2AE0]  }
0x158: {  	s9 =	simm.s32 $0x7C0;
	v14 =	vmax.f32 v11, $0.0e+00;
	v11 =	vld [tilespmem:s19+$0x2AF0];
	[tilespmem:s19+$0x2A70] =	vst v12;
	v12 =	vadd.f32 v16, v63  }
.LBB2_9:
0x159: {  	s23 =	sshra.s32 s9, $0x2;
	p1 =	sne.s32 s9, $0x4FC0;
	[tilespmem:s19+$0x2A80] =	vst v14;
	v13 =	vmax.f32 v13, $0.0e+00;
	v6 =	vadd.f32 v6, v8;
	v8 =	vld [tilespmem:s19+$0x2B00]  }
0x15a: {  	v14 =	vld [tilespmem:s23+$0x7A10];
	[tilespmem:s19+$0x2A90] =	vst v13;
	v12 =	vmax.f32 v12, $0.0e+00;
	v5 =	vadd.f32 v5, v7  }
0x15b: {  	v7 =	vld [tilespmem:s23+$0x7A20];
	[tilespmem:s19+$0x2AA0] =	vst v12;
	v6 =	vmax.f32 v6, $0.0e+00;
	v4 =	vadd.f32 v4, v9  }
0x15c: {  	v9 =	vld [tilespmem:s23+$0x7A30];
	[tilespmem:s19+$0x2AB0] =	vst v6;
	v5 =	vmax.f32 v5, $0.0e+00;
	v3 =	vadd.f32 v3, v10  }
0x15d: {  	v10 =	vld [tilespmem:s23+$0x7A40];
	[tilespmem:s19+$0x2AC0] =	vst v5;
	v4 =	vmax.f32 v4, $0.0e+00;
	v2 =	vadd.f32 v2, v11  }
0x15e: {  	v11 =	vld [tilespmem:s23+$0x7A50];
	[tilespmem:s19+$0x2AD0] =	vst v4;
	v3 =	vmax.f32 v3, $0.0e+00;
	v1 =	vadd.f32 v1, v8  }
0x15f: {  	v8 =	vld [tilespmem:s23+$0x7A60];
	[tilespmem:s19+$0x2AE0] =	vst v3;
	v2 =	vmax.f32 v2, $0.0e+00  }
0x160: {  	v12 =	vld [tilespmem:s23+$0x7A70];
	[tilespmem:s19+$0x2AF0] =	vst v2;
	v1 =	vmax.f32 v1, $0.0e+00  }
0x161: {  	v13 =	vld [tilespmem:s23+$0x7A80];
	[tilespmem:s19+$0x2B00] =	vst v1;
	s19 =	smov.u32 s23  }
0x162: {  	v15 =	vld [tilespmem:s19+$0x7A90]  }
0x163: {  	v16 =	vld [tilespmem:s19+$0x7AA0]  }
0x164: {  	v6 =	vld [tilespmem:s19+$0x7AB0]  }
0x165: {  	v5 =	vld [tilespmem:s19+$0x7AC0]  }
0x166: {  	v4 =	vld [tilespmem:s19+$0x7AD0]  }
0x167: {  	v3 =	vld [tilespmem:s19+$0x7AE0]  }
0x168: {  	v2 =	vld [tilespmem:s19+$0x7AF0]  }
0x169: {  	v1 =	vld [tilespmem:s19+$0x7B00]  }
0x16a: {  	v17 =	vld [tilespmem:s19+$0x2A10]  }
0x16b: {  	v18 =	vld [tilespmem:s19+$0x2A20]  }
0x16c: {  	v19 =	vld [tilespmem:s19+$0x2A30]  }
0x16d: {  	v20 =	vld [tilespmem:s19+$0x2A40]  }
0x16e: {  	v21 =	vld [tilespmem:s19+$0x2A50]  }
0x16f: {  	v14 =	vadd.f32 v14, v17;
	v17 =	vld [tilespmem:s19+$0x2A60]  }
0x170: {  	v7 =	vadd.f32 v7, v18;
	v18 =	vld [tilespmem:s19+$0x2A70]  }
0x171: {  	v14 =	vmax.f32 v14, $0.0e+00;
	v9 =	vadd.f32 v9, v19;
	v19 =	vld [tilespmem:s19+$0x2A80]  }
0x172: {  	[tilespmem:s19+$0x2A10] =	vst v14;
	v7 =	vmax.f32 v7, $0.0e+00;
	v10 =	vadd.f32 v10, v20;
	v14 =	vld [tilespmem:s19+$0x2A90]  }
0x173: {  	[tilespmem:s19+$0x2A20] =	vst v7;
	v7 =	vmax.f32 v9, $0.0e+00;
	v9 =	vadd.f32 v11, v21;
	v11 =	vld [tilespmem:s19+$0x2AA0]  }
.Ltmp4:
0x174: {  	[tilespmem:s19+$0x2A30] =	vst v7;
	v7 =	vmax.f32 v10, $0.0e+00;
	v10 =	vadd.f32 v8, v17;
	v8 =	vld [tilespmem:s19+$0x2AB0];
	(pc) =	sbr.rel @p1 .LBB2_9-.Ltmp4, $4  }
0x175: {  	[tilespmem:s19+$0x2A40] =	vst v7;
	v9 =	vmax.f32 v9, $0.0e+00;
	v12 =	vadd.f32 v12, v18;
	v7 =	vld [tilespmem:s19+$0x2AC0]  }
0x176: {  	[tilespmem:s19+$0x2A50] =	vst v9;
	v10 =	vmax.f32 v10, $0.0e+00;
	v17 =	vadd.f32 v13, v19;
	v9 =	vld [tilespmem:s19+$0x2AD0]  }
0x177: {  	[tilespmem:s19+$0x2A60] =	vst v10;
	v12 =	vmax.f32 v12, $0.0e+00;
	v13 =	vadd.f32 v15, v14;
	v10 =	vld [tilespmem:s19+$0x2AE0]  }
0x178: {  	s9 =	sadd.s32 $0x400, s9;
	[tilespmem:s19+$0x2A70] =	vst v12;
	v14 =	vmax.f32 v17, $0.0e+00;
	v12 =	vadd.f32 v16, v11;
	v11 =	vld [tilespmem:s19+$0x2AF0]  }
0x179: {  	[tilespmem:s19+$0x2A80] =	vst v14;
	v13 =	vmax.f32 v13, $0.0e+00;
	v6 =	vadd.f32 v6, v8;
	v8 =	vld [tilespmem:s19+$0x2B00]  }
0x17a: {  	[tilespmem:s19+$0x2A90] =	vst v13;
	v12 =	vmax.f32 v12, $0.0e+00;
	v5 =	vadd.f32 v5, v7  }
0x17b: {  	[tilespmem:s19+$0x2AA0] =	vst v12;
	v6 =	vmax.f32 v6, $0.0e+00;
	v4 =	vadd.f32 v4, v9  }
0x17c: {  	[tilespmem:s19+$0x2AB0] =	vst v6;
	v5 =	vmax.f32 v5, $0.0e+00;
	v3 =	vadd.f32 v3, v10  }
0x17d: {  	[tilespmem:s19+$0x2AC0] =	vst v5;
	v4 =	vmax.f32 v4, $0.0e+00;
	v2 =	vadd.f32 v2, v11  }
0x17e: {  	[tilespmem:s19+$0x2AD0] =	vst v4;
	v3 =	vmax.f32 v3, $0.0e+00;
	v1 =	vadd.f32 v1, v8  }
0x17f: {  	[tilespmem:s19+$0x2AE0] =	vst v3;
	v2 =	vmax.f32 v2, $0.0e+00  }
0x180: {  	[tilespmem:s19+$0x2AF0] =	vst v2;
	v1 =	vmax.f32 v1, $0.0e+00  }
0x181: {  	[tilespmem:s19+$0x2B00] =	vst v1;
	s19 =	simm.s32 $0x0  }
0x182: {  	[spmem:s4] =	stream.indirect.scatter.add.f32 [tilespmem:s0], [sflag:$0x8], $0x80, s29, s14, $0xb8;
	[tilespmem:$0x1DF80] =	vst v63  }
0x183: {  	v7 =	vld [tilespmem:s19+$0x8F00]  }
0x184: {  	v8 =	vld [tilespmem:s19+$0x8F10]  }
0x185: {  	v9 =	vld [tilespmem:s19+$0x8F20]  }
0x186: {  	v10 =	vld [tilespmem:s19+$0x8F30]  }
0x187: {  	v11 =	vld [tilespmem:s19+$0x8F40]  }
0x188: {  	v12 =	vld [tilespmem:s19+$0x8F50]  }
0x189: {  	v13 =	vld [tilespmem:s19+$0x8F60]  }
0x18a: {  	v14 =	vld [tilespmem:s19+$0x8F70]  }
0x18b: {  	v15 =	vld [tilespmem:s19+$0x8F80]  }
0x18c: {  	v16 =	vld [tilespmem:s19+$0x8F90]  }
0x18d: {  	v6 =	vld [tilespmem:s19+$0x8FA0]  }
0x18e: {  	v5 =	vld [tilespmem:s19+$0x8FB0]  }
0x18f: {  	v4 =	vld [tilespmem:s19+$0x8FC0]  }
0x190: {  	v17 =	vld [tilespmem:s19+$0x3F00]  }
0x191: {  	v18 =	vld [tilespmem:s19+$0x3F10]  }
0x192: {  	v3 =	vld [tilespmem:s19+$0x8FD0]  }
0x193: {  	v19 =	vld [tilespmem:s19+$0x3F20]  }
0x194: {  	v20 =	vld [tilespmem:s19+$0x3F30]  }
0x195: {  	v2 =	vld [tilespmem:s19+$0x8FE0];
	v7 =	vadd.f32 v7, v17  }
0x196: {  	v21 =	vld [tilespmem:s19+$0x3F40];
	v8 =	vadd.f32 v8, v18  }
0x197: {  	v60 =	vld [tilespmem:s19+$0x3F50];
	v7 =	vmax.f32 v7, $0.0e+00  }
0x198: {  	v1 =	vld [tilespmem:s19+$0x8FF0];
	v8 =	vmax.f32 v8, $0.0e+00;
	[tilespmem:s19+$0x3F00] =	vst v7;
	v7 =	vadd.f32 v9, v19  }
0x199: {  	v22 =	vld [tilespmem:s19+$0x3F60];
	[tilespmem:s19+$0x3F10] =	vst v8;
	v8 =	vadd.f32 v10, v20  }
0x19a: {  	v61 =	vld [tilespmem:s19+$0x3F70];
	v7 =	vmax.f32 v7, $0.0e+00  }
0x19b: {  	v62 =	vld [tilespmem:s19+$0x3F80];
	v9 =	vmax.f32 v8, $0.0e+00;
	[tilespmem:s19+$0x3F20] =	vst v7;
	v7 =	vadd.f32 v11, v21  }
0x19c: {  	v63 =	vld [tilespmem:s19+$0x3F90];
	[tilespmem:s19+$0x3F30] =	vst v9;
	v9 =	vadd.f32 v12, v60  }
0x19d: {  	v8 =	vld [tilespmem:s19+$0x3FA0];
	v10 =	vmax.f32 v7, $0.0e+00  }
0x19e: {  	v7 =	vld [tilespmem:s19+$0x3FB0];
	v11 =	vmax.f32 v9, $0.0e+00;
	[tilespmem:s19+$0x3F40] =	vst v10;
	v10 =	vadd.f32 v13, v22  }
0x19f: {  	v9 =	vld [tilespmem:s19+$0x3FC0];
	[tilespmem:s19+$0x3F50] =	vst v11;
	v11 =	vadd.f32 v14, v61  }
0x1a0: {  	v13 =	vadd.f32 v15, v62;
	v12 =	vmax.f32 v10, $0.0e+00;
	v10 =	vld [tilespmem:s19+$0x3FD0]  }
0x1a1: {  	s9 =	simm.s32 $0x400;
	v14 =	vmax.f32 v11, $0.0e+00;
	v11 =	vld [tilespmem:s19+$0x3FE0];
	[tilespmem:s19+$0x3F60] =	vst v12;
	v12 =	vadd.f32 v16, v63  }
.LBB2_11:
0x1a2: {  	s23 =	sshra.s32 s9, $0x2;
	p1 =	sne.s32 s9, $0x4C00;
	[tilespmem:s19+$0x3F70] =	vst v14;
	v13 =	vmax.f32 v13, $0.0e+00;
	v6 =	vadd.f32 v6, v8;
	v8 =	vld [tilespmem:s19+$0x3FF0]  }
0x1a3: {  	v14 =	vld [tilespmem:s23+$0x8F00];
	[tilespmem:s19+$0x3F80] =	vst v13;
	v12 =	vmax.f32 v12, $0.0e+00;
	v5 =	vadd.f32 v5, v7  }
0x1a4: {  	v7 =	vld [tilespmem:s23+$0x8F10];
	[tilespmem:s19+$0x3F90] =	vst v12;
	v6 =	vmax.f32 v6, $0.0e+00;
	v4 =	vadd.f32 v4, v9  }
0x1a5: {  	v9 =	vld [tilespmem:s23+$0x8F20];
	[tilespmem:s19+$0x3FA0] =	vst v6;
	v5 =	vmax.f32 v5, $0.0e+00;
	v3 =	vadd.f32 v3, v10  }
0x1a6: {  	v10 =	vld [tilespmem:s23+$0x8F30];
	[tilespmem:s19+$0x3FB0] =	vst v5;
	v4 =	vmax.f32 v4, $0.0e+00;
	v2 =	vadd.f32 v2, v11  }
0x1a7: {  	v11 =	vld [tilespmem:s23+$0x8F40];
	[tilespmem:s19+$0x3FC0] =	vst v4;
	v3 =	vmax.f32 v3, $0.0e+00;
	v1 =	vadd.f32 v1, v8  }
0x1a8: {  	v8 =	vld [tilespmem:s23+$0x8F50];
	[tilespmem:s19+$0x3FD0] =	vst v3;
	v2 =	vmax.f32 v2, $0.0e+00  }
0x1a9: {  	v12 =	vld [tilespmem:s23+$0x8F60];
	[tilespmem:s19+$0x3FE0] =	vst v2;
	v1 =	vmax.f32 v1, $0.0e+00  }
0x1aa: {  	v13 =	vld [tilespmem:s23+$0x8F70];
	[tilespmem:s19+$0x3FF0] =	vst v1;
	s19 =	smov.u32 s23  }
0x1ab: {  	v15 =	vld [tilespmem:s19+$0x8F80]  }
0x1ac: {  	v16 =	vld [tilespmem:s19+$0x8F90]  }
0x1ad: {  	v6 =	vld [tilespmem:s19+$0x8FA0]  }
0x1ae: {  	v5 =	vld [tilespmem:s19+$0x8FB0]  }
0x1af: {  	v4 =	vld [tilespmem:s19+$0x8FC0]  }
0x1b0: {  	v3 =	vld [tilespmem:s19+$0x8FD0]  }
0x1b1: {  	v2 =	vld [tilespmem:s19+$0x8FE0]  }
0x1b2: {  	v1 =	vld [tilespmem:s19+$0x8FF0]  }
0x1b3: {  	v17 =	vld [tilespmem:s19+$0x3F00]  }
0x1b4: {  	v18 =	vld [tilespmem:s19+$0x3F10]  }
0x1b5: {  	v19 =	vld [tilespmem:s19+$0x3F20]  }
0x1b6: {  	v20 =	vld [tilespmem:s19+$0x3F30]  }
0x1b7: {  	v21 =	vld [tilespmem:s19+$0x3F40]  }
0x1b8: {  	v14 =	vadd.f32 v14, v17;
	v17 =	vld [tilespmem:s19+$0x3F50]  }
0x1b9: {  	v7 =	vadd.f32 v7, v18;
	v18 =	vld [tilespmem:s19+$0x3F60]  }
0x1ba: {  	v14 =	vmax.f32 v14, $0.0e+00;
	v9 =	vadd.f32 v9, v19;
	v19 =	vld [tilespmem:s19+$0x3F70]  }
0x1bb: {  	[tilespmem:s19+$0x3F00] =	vst v14;
	v7 =	vmax.f32 v7, $0.0e+00;
	v10 =	vadd.f32 v10, v20;
	v14 =	vld [tilespmem:s19+$0x3F80]  }
0x1bc: {  	[tilespmem:s19+$0x3F10] =	vst v7;
	v7 =	vmax.f32 v9, $0.0e+00;
	v9 =	vadd.f32 v11, v21;
	v11 =	vld [tilespmem:s19+$0x3F90]  }
.Ltmp5:
0x1bd: {  	[tilespmem:s19+$0x3F20] =	vst v7;
	v7 =	vmax.f32 v10, $0.0e+00;
	v10 =	vadd.f32 v8, v17;
	v8 =	vld [tilespmem:s19+$0x3FA0];
	(pc) =	sbr.rel @p1 .LBB2_11-.Ltmp5, $4  }
0x1be: {  	[tilespmem:s19+$0x3F30] =	vst v7;
	v9 =	vmax.f32 v9, $0.0e+00;
	v12 =	vadd.f32 v12, v18;
	v7 =	vld [tilespmem:s19+$0x3FB0]  }
0x1bf: {  	[tilespmem:s19+$0x3F40] =	vst v9;
	v10 =	vmax.f32 v10, $0.0e+00;
	v17 =	vadd.f32 v13, v19;
	v9 =	vld [tilespmem:s19+$0x3FC0]  }
0x1c0: {  	[tilespmem:s19+$0x3F50] =	vst v10;
	v12 =	vmax.f32 v12, $0.0e+00;
	v13 =	vadd.f32 v15, v14;
	v10 =	vld [tilespmem:s19+$0x3FD0]  }
0x1c1: {  	s9 =	sadd.s32 $0x400, s9;
	[tilespmem:s19+$0x3F60] =	vst v12;
	v14 =	vmax.f32 v17, $0.0e+00;
	v12 =	vadd.f32 v16, v11;
	v11 =	vld [tilespmem:s19+$0x3FE0]  }
0x1c2: {  	[tilespmem:s19+$0x3F70] =	vst v14;
	v13 =	vmax.f32 v13, $0.0e+00;
	v6 =	vadd.f32 v6, v8;
	v63 =	vld [tilespmem:s19+$0x3FF0]  }
0x1c3: {  	[tilespmem:s19+$0x3F80] =	vst v13;
	v12 =	vmax.f32 v12, $0.0e+00;
	v5 =	vadd.f32 v5, v7  }
0x1c4: {  	[tilespmem:s19+$0x3F90] =	vst v12;
	v6 =	vmax.f32 v6, $0.0e+00;
	v4 =	vadd.f32 v4, v9  }
0x1c5: {  	[tilespmem:s19+$0x3FA0] =	vst v6;
	v5 =	vmax.f32 v5, $0.0e+00;
	v3 =	vadd.f32 v3, v10  }
0x1c6: {  	p1 =	seq.s32 s11, $0x3D;
	[tilespmem:s19+$0x3FB0] =	vst v5;
	v4 =	vmax.f32 v4, $0.0e+00;
	v2 =	vadd.f32 v2, v11  }
.Ltmp6:
0x1c7: {  	[tilespmem:s19+$0x3FC0] =	vst v4;
	v3 =	vmax.f32 v3, $0.0e+00;
	v1 =	vadd.f32 v1, v63;
	(pc) =	sbr.rel @p1 .LBB2_14-.Ltmp6, $4  }
0x1c8: {  	[tilespmem:s19+$0x3FD0] =	vst v3;
	v2 =	vmax.f32 v2, $0.0e+00  }
0x1c9: {  	[tilespmem:s19+$0x3FE0] =	vst v2;
	v1 =	vmax.f32 v1, $0.0e+00  }
0x1ca: {  	s9 =	simm.s32 $0x280;
	s23 =	simm.s32 $0x3F00;
	[tilespmem:s19+$0x3FF0] =	vst v1  }
0x1cb: {  	[spmem:s4] =	stream.indirect.scatter.add.f32 [tilespmem:s23], [sflag:$0x8], $0x80, s9, s14, $0xb8;
	[tilespmem:$0x1DF80] =	vst v63  }
0x1cc: {  	s9 =	sadd.s32 $0x3, s30  }
0x1cd: {  	s19 =	smul.u32 $0x50, s9;
	_ =	sdelay $0x1  }
0x1ce: {  	s19 =	sadd.s32 s8, s19  }
0x1cf: {  	s9 =	sshll.u32 s9, $0x8;
	s23 =	sshrl.u32 s19, $0x3  }
0x1d0: {  	s9 =	sadd.s32 s10, s9;
	s23 =	sadd.s32 s3, s23  }
0x1d1: {  	[tilespmem:s28], [sflag:$0x2] =	stream.linear.gather [hbm4b:s23+s5], $0x50, $0x38;
	[tilespmem:$0x1DF80] =	vst v63  }
.Ltmp7:
0x1d2: {  	s9 =	sshrl.u32 s9, $0x3;
	(pc) =	sbr.rel .LBB2_4-.Ltmp7, $4  }
0x1d3: {  	s9 =	sadd.s32 s7, s9;
	s23 =	sshll.u32 s19, $0x4  }
0x1d4: {  	[tilespmem:s29], [sflag:$0x2] =	stream.linear.gather [hbm4b:s9+s5], $0x100, $0x38;
	[tilespmem:$0x1DF80] =	vst v63  }
0x1d5: {  	s30 =	simm.s32 $0x7B00;
	s11 =	sadd.s32 $0x1, s11;
	s9 =	sadd.s32 s2, s23  }
0x1d6: {  	[tilespmem:s30], [sflag:$0x4] =	stream.linear.gather [hbm4b:s9+s5], $0x2800, $0x38;
	[tilespmem:$0x1DF80] =	vst v63  }
.LBB2_14:
0x1d7: {  	_ =	swait.ge [sflag:s6], $0x2800  }
0x1d8: {  	[sflag:s6] =	ssyncset.done $0x0  }
0x1d9: {  	[sflag:s6] =	ssyncadd.s32 $0xFFFFD800  }
0x1da: {  	_ =	swait.ge [sflag:s12], $0x2800  }
0x1db: {  	[sflag:s12] =	ssyncset.done $0x0  }
0x1dc: {  	s11 =	simm.s32 $0xF0;
	[sflag:s12] =	ssyncadd.s32 $0xFFFFD800  }
0x1dd: {  	v7 =	vld [tilespmem:s11+$0x5210]  }
0x1de: {  	v8 =	vld [tilespmem:s11+$0x5220]  }
0x1df: {  	v9 =	vld [tilespmem:s11+$0x5230]  }
0x1e0: {  	v10 =	vld [tilespmem:s11+$0x5240]  }
0x1e1: {  	v11 =	vld [tilespmem:s11+$0x5250]  }
0x1e2: {  	v12 =	vld [tilespmem:s11+$0x5260]  }
0x1e3: {  	v13 =	vld [tilespmem:s11+$0x5270]  }
0x1e4: {  	v14 =	vld [tilespmem:s11+$0x5280]  }
0x1e5: {  	v15 =	vld [tilespmem:s11+$0x5290]  }
0x1e6: {  	v16 =	vld [tilespmem:s11+$0x52A0]  }
0x1e7: {  	v6 =	vld [tilespmem:s11+$0x52B0]  }
0x1e8: {  	v5 =	vld [tilespmem:s11+$0x52C0]  }
0x1e9: {  	v4 =	vld [tilespmem:s11+$0x52D0]  }
0x1ea: {  	v17 =	vld [tilespmem:s11+$0x210]  }
0x1eb: {  	v18 =	vld [tilespmem:s11+$0x220]  }
0x1ec: {  	v3 =	vld [tilespmem:s11+$0x52E0]  }
0x1ed: {  	v19 =	vld [tilespmem:s11+$0x230]  }
0x1ee: {  	v20 =	vld [tilespmem:s11+$0x240]  }
0x1ef: {  	v2 =	vld [tilespmem:s11+$0x52F0];
	v7 =	vadd.f32 v7, v17  }
0x1f0: {  	v21 =	vld [tilespmem:s11+$0x250];
	v8 =	vadd.f32 v8, v18  }
0x1f1: {  	v60 =	vld [tilespmem:s11+$0x260];
	v7 =	vmax.f32 v7, $0.0e+00  }
0x1f2: {  	v1 =	vld [tilespmem:s11+$0x5300];
	v8 =	vmax.f32 v8, $0.0e+00;
	[tilespmem:s11+$0x210] =	vst v7;
	v7 =	vadd.f32 v9, v19  }
0x1f3: {  	v22 =	vld [tilespmem:s11+$0x270];
	[tilespmem:s11+$0x220] =	vst v8;
	v8 =	vadd.f32 v10, v20  }
0x1f4: {  	v61 =	vld [tilespmem:s11+$0x280];
	v7 =	vmax.f32 v7, $0.0e+00  }
0x1f5: {  	v62 =	vld [tilespmem:s11+$0x290];
	v9 =	vmax.f32 v8, $0.0e+00;
	[tilespmem:s11+$0x230] =	vst v7;
	v7 =	vadd.f32 v11, v21  }
0x1f6: {  	v63 =	vld [tilespmem:s11+$0x2A0];
	[tilespmem:s11+$0x240] =	vst v9;
	v9 =	vadd.f32 v12, v60  }
0x1f7: {  	v8 =	vld [tilespmem:s11+$0x2B0];
	v10 =	vmax.f32 v7, $0.0e+00  }
0x1f8: {  	v7 =	vld [tilespmem:s11+$0x2C0];
	v11 =	vmax.f32 v9, $0.0e+00;
	[tilespmem:s11+$0x250] =	vst v10;
	v10 =	vadd.f32 v13, v22  }
0x1f9: {  	v9 =	vld [tilespmem:s11+$0x2D0];
	[tilespmem:s11+$0x260] =	vst v11;
	v11 =	vadd.f32 v14, v61  }
0x1fa: {  	v13 =	vadd.f32 v15, v62;
	v12 =	vmax.f32 v10, $0.0e+00;
	v10 =	vld [tilespmem:s11+$0x2E0]  }
0x1fb: {  	s9 =	simm.s32 $0x7C0;
	v14 =	vmax.f32 v11, $0.0e+00;
	v11 =	vld [tilespmem:s11+$0x2F0];
	[tilespmem:s11+$0x270] =	vst v12;
	v12 =	vadd.f32 v16, v63  }
.LBB2_15:
0x1fc: {  	s19 =	sshra.s32 s9, $0x2;
	p1 =	sne.s32 s9, $0x4FC0;
	[tilespmem:s11+$0x280] =	vst v14;
	v13 =	vmax.f32 v13, $0.0e+00;
	v6 =	vadd.f32 v6, v8;
	v8 =	vld [tilespmem:s11+$0x300]  }
0x1fd: {  	v14 =	vld [tilespmem:s19+$0x5210];
	[tilespmem:s11+$0x290] =	vst v13;
	v12 =	vmax.f32 v12, $0.0e+00;
	v5 =	vadd.f32 v5, v7  }
0x1fe: {  	v7 =	vld [tilespmem:s19+$0x5220];
	[tilespmem:s11+$0x2A0] =	vst v12;
	v6 =	vmax.f32 v6, $0.0e+00;
	v4 =	vadd.f32 v4, v9  }
0x1ff: {  	v9 =	vld [tilespmem:s19+$0x5230];
	[tilespmem:s11+$0x2B0] =	vst v6;
	v5 =	vmax.f32 v5, $0.0e+00;
	v3 =	vadd.f32 v3, v10  }
0x200: {  	v10 =	vld [tilespmem:s19+$0x5240];
	[tilespmem:s11+$0x2C0] =	vst v5;
	v4 =	vmax.f32 v4, $0.0e+00;
	v2 =	vadd.f32 v2, v11  }
0x201: {  	v11 =	vld [tilespmem:s19+$0x5250];
	[tilespmem:s11+$0x2D0] =	vst v4;
	v3 =	vmax.f32 v3, $0.0e+00;
	v1 =	vadd.f32 v1, v8  }
0x202: {  	v8 =	vld [tilespmem:s19+$0x5260];
	[tilespmem:s11+$0x2E0] =	vst v3;
	v2 =	vmax.f32 v2, $0.0e+00  }
0x203: {  	v12 =	vld [tilespmem:s19+$0x5270];
	[tilespmem:s11+$0x2F0] =	vst v2;
	v1 =	vmax.f32 v1, $0.0e+00  }
0x204: {  	v13 =	vld [tilespmem:s19+$0x5280];
	[tilespmem:s11+$0x300] =	vst v1;
	s11 =	smov.u32 s19  }
0x205: {  	v15 =	vld [tilespmem:s11+$0x5290]  }
0x206: {  	v16 =	vld [tilespmem:s11+$0x52A0]  }
0x207: {  	v6 =	vld [tilespmem:s11+$0x52B0]  }
0x208: {  	v5 =	vld [tilespmem:s11+$0x52C0]  }
0x209: {  	v4 =	vld [tilespmem:s11+$0x52D0]  }
0x20a: {  	v3 =	vld [tilespmem:s11+$0x52E0]  }
0x20b: {  	v2 =	vld [tilespmem:s11+$0x52F0]  }
0x20c: {  	v1 =	vld [tilespmem:s11+$0x5300]  }
0x20d: {  	v17 =	vld [tilespmem:s11+$0x210]  }
0x20e: {  	v18 =	vld [tilespmem:s11+$0x220]  }
0x20f: {  	v19 =	vld [tilespmem:s11+$0x230]  }
0x210: {  	v20 =	vld [tilespmem:s11+$0x240]  }
0x211: {  	v21 =	vld [tilespmem:s11+$0x250]  }
0x212: {  	v14 =	vadd.f32 v14, v17;
	v17 =	vld [tilespmem:s11+$0x260]  }
0x213: {  	v7 =	vadd.f32 v7, v18;
	v18 =	vld [tilespmem:s11+$0x270]  }
0x214: {  	v14 =	vmax.f32 v14, $0.0e+00;
	v9 =	vadd.f32 v9, v19;
	v19 =	vld [tilespmem:s11+$0x280]  }
0x215: {  	[tilespmem:s11+$0x210] =	vst v14;
	v7 =	vmax.f32 v7, $0.0e+00;
	v10 =	vadd.f32 v10, v20;
	v14 =	vld [tilespmem:s11+$0x290]  }
0x216: {  	[tilespmem:s11+$0x220] =	vst v7;
	v7 =	vmax.f32 v9, $0.0e+00;
	v9 =	vadd.f32 v11, v21;
	v11 =	vld [tilespmem:s11+$0x2A0]  }
.Ltmp8:
0x217: {  	[tilespmem:s11+$0x230] =	vst v7;
	v7 =	vmax.f32 v10, $0.0e+00;
	v10 =	vadd.f32 v8, v17;
	v8 =	vld [tilespmem:s11+$0x2B0];
	(pc) =	sbr.rel @p1 .LBB2_15-.Ltmp8, $4  }
0x218: {  	[tilespmem:s11+$0x240] =	vst v7;
	v9 =	vmax.f32 v9, $0.0e+00;
	v12 =	vadd.f32 v12, v18;
	v7 =	vld [tilespmem:s11+$0x2C0]  }
0x219: {  	[tilespmem:s11+$0x250] =	vst v9;
	v10 =	vmax.f32 v10, $0.0e+00;
	v17 =	vadd.f32 v13, v19;
	v9 =	vld [tilespmem:s11+$0x2D0]  }
0x21a: {  	[tilespmem:s11+$0x260] =	vst v10;
	v12 =	vmax.f32 v12, $0.0e+00;
	v13 =	vadd.f32 v15, v14;
	v10 =	vld [tilespmem:s11+$0x2E0]  }
0x21b: {  	s9 =	sadd.s32 $0x400, s9;
	[tilespmem:s11+$0x270] =	vst v12;
	v14 =	vmax.f32 v17, $0.0e+00;
	v12 =	vadd.f32 v16, v11;
	v11 =	vld [tilespmem:s11+$0x2F0]  }
0x21c: {  	[tilespmem:s11+$0x280] =	vst v14;
	v13 =	vmax.f32 v13, $0.0e+00;
	v6 =	vadd.f32 v6, v8;
	v8 =	vld [tilespmem:s11+$0x300]  }
0x21d: {  	[tilespmem:s11+$0x290] =	vst v13;
	v12 =	vmax.f32 v12, $0.0e+00;
	v5 =	vadd.f32 v5, v7  }
0x21e: {  	[tilespmem:s11+$0x2A0] =	vst v12;
	v6 =	vmax.f32 v6, $0.0e+00;
	v4 =	vadd.f32 v4, v9  }
0x21f: {  	[tilespmem:s11+$0x2B0] =	vst v6;
	v5 =	vmax.f32 v5, $0.0e+00;
	v3 =	vadd.f32 v3, v10  }
0x220: {  	[tilespmem:s11+$0x2C0] =	vst v5;
	v4 =	vmax.f32 v4, $0.0e+00;
	v2 =	vadd.f32 v2, v11  }
0x221: {  	[tilespmem:s11+$0x2D0] =	vst v4;
	v3 =	vmax.f32 v3, $0.0e+00;
	v1 =	vadd.f32 v1, v8  }
0x222: {  	[tilespmem:s11+$0x2E0] =	vst v3;
	v2 =	vmax.f32 v2, $0.0e+00  }
0x223: {  	[tilespmem:s11+$0x2F0] =	vst v2;
	v1 =	vmax.f32 v1, $0.0e+00  }
0x224: {  	[tilespmem:s11+$0x300] =	vst v1;
	s11 =	simm.s32 $0x0  }
0x225: {  	[spmem:s4] =	stream.indirect.scatter.add.f32 [tilespmem:s26], [sflag:$0x7], $0x80, s22, s14, $0xb8;
	[tilespmem:$0x1DF80] =	vst v63  }
0x226: {  	v7 =	vld [tilespmem:s11+$0x6700]  }
0x227: {  	v8 =	vld [tilespmem:s11+$0x6710]  }
0x228: {  	v9 =	vld [tilespmem:s11+$0x6720]  }
0x229: {  	v10 =	vld [tilespmem:s11+$0x6730]  }
0x22a: {  	v11 =	vld [tilespmem:s11+$0x6740]  }
0x22b: {  	v12 =	vld [tilespmem:s11+$0x6750]  }
0x22c: {  	v13 =	vld [tilespmem:s11+$0x6760]  }
0x22d: {  	v14 =	vld [tilespmem:s11+$0x6770]  }
0x22e: {  	v15 =	vld [tilespmem:s11+$0x6780]  }
0x22f: {  	v16 =	vld [tilespmem:s11+$0x6790]  }
0x230: {  	v6 =	vld [tilespmem:s11+$0x67A0]  }
0x231: {  	v5 =	vld [tilespmem:s11+$0x67B0]  }
0x232: {  	v4 =	vld [tilespmem:s11+$0x67C0]  }
0x233: {  	v17 =	vld [tilespmem:s11+$0x1700]  }
0x234: {  	v18 =	vld [tilespmem:s11+$0x1710]  }
0x235: {  	v3 =	vld [tilespmem:s11+$0x67D0]  }
0x236: {  	v19 =	vld [tilespmem:s11+$0x1720]  }
0x237: {  	v20 =	vld [tilespmem:s11+$0x1730]  }
0x238: {  	v2 =	vld [tilespmem:s11+$0x67E0];
	v7 =	vadd.f32 v7, v17  }
0x239: {  	v21 =	vld [tilespmem:s11+$0x1740];
	v8 =	vadd.f32 v8, v18  }
0x23a: {  	v60 =	vld [tilespmem:s11+$0x1750];
	v7 =	vmax.f32 v7, $0.0e+00  }
0x23b: {  	v1 =	vld [tilespmem:s11+$0x67F0];
	v8 =	vmax.f32 v8, $0.0e+00;
	[tilespmem:s11+$0x1700] =	vst v7;
	v7 =	vadd.f32 v9, v19  }
0x23c: {  	v22 =	vld [tilespmem:s11+$0x1760];
	[tilespmem:s11+$0x1710] =	vst v8;
	v8 =	vadd.f32 v10, v20  }
0x23d: {  	v61 =	vld [tilespmem:s11+$0x1770];
	v7 =	vmax.f32 v7, $0.0e+00  }
0x23e: {  	v62 =	vld [tilespmem:s11+$0x1780];
	v9 =	vmax.f32 v8, $0.0e+00;
	[tilespmem:s11+$0x1720] =	vst v7;
	v7 =	vadd.f32 v11, v21  }
0x23f: {  	v63 =	vld [tilespmem:s11+$0x1790];
	[tilespmem:s11+$0x1730] =	vst v9;
	v9 =	vadd.f32 v12, v60  }
0x240: {  	v8 =	vld [tilespmem:s11+$0x17A0];
	v10 =	vmax.f32 v7, $0.0e+00  }
0x241: {  	v7 =	vld [tilespmem:s11+$0x17B0];
	v11 =	vmax.f32 v9, $0.0e+00;
	[tilespmem:s11+$0x1740] =	vst v10;
	v10 =	vadd.f32 v13, v22  }
0x242: {  	v9 =	vld [tilespmem:s11+$0x17C0];
	[tilespmem:s11+$0x1750] =	vst v11;
	v11 =	vadd.f32 v14, v61  }
0x243: {  	v13 =	vadd.f32 v15, v62;
	v12 =	vmax.f32 v10, $0.0e+00;
	v10 =	vld [tilespmem:s11+$0x17D0]  }
0x244: {  	s9 =	simm.s32 $0x400;
	v14 =	vmax.f32 v11, $0.0e+00;
	v11 =	vld [tilespmem:s11+$0x17E0];
	[tilespmem:s11+$0x1760] =	vst v12;
	v12 =	vadd.f32 v16, v63  }
.LBB2_17:
0x245: {  	s19 =	sshra.s32 s9, $0x2;
	p1 =	sne.s32 s9, $0x4C00;
	[tilespmem:s11+$0x1770] =	vst v14;
	v13 =	vmax.f32 v13, $0.0e+00;
	v6 =	vadd.f32 v6, v8;
	v8 =	vld [tilespmem:s11+$0x17F0]  }
0x246: {  	v14 =	vld [tilespmem:s19+$0x6700];
	[tilespmem:s11+$0x1780] =	vst v13;
	v12 =	vmax.f32 v12, $0.0e+00;
	v5 =	vadd.f32 v5, v7  }
0x247: {  	v7 =	vld [tilespmem:s19+$0x6710];
	[tilespmem:s11+$0x1790] =	vst v12;
	v6 =	vmax.f32 v6, $0.0e+00;
	v4 =	vadd.f32 v4, v9  }
0x248: {  	v9 =	vld [tilespmem:s19+$0x6720];
	[tilespmem:s11+$0x17A0] =	vst v6;
	v5 =	vmax.f32 v5, $0.0e+00;
	v3 =	vadd.f32 v3, v10  }
0x249: {  	v10 =	vld [tilespmem:s19+$0x6730];
	[tilespmem:s11+$0x17B0] =	vst v5;
	v4 =	vmax.f32 v4, $0.0e+00;
	v2 =	vadd.f32 v2, v11  }
0x24a: {  	v11 =	vld [tilespmem:s19+$0x6740];
	[tilespmem:s11+$0x17C0] =	vst v4;
	v3 =	vmax.f32 v3, $0.0e+00;
	v1 =	vadd.f32 v1, v8  }
0x24b: {  	v8 =	vld [tilespmem:s19+$0x6750];
	[tilespmem:s11+$0x17D0] =	vst v3;
	v2 =	vmax.f32 v2, $0.0e+00  }
0x24c: {  	v12 =	vld [tilespmem:s19+$0x6760];
	[tilespmem:s11+$0x17E0] =	vst v2;
	v1 =	vmax.f32 v1, $0.0e+00  }
0x24d: {  	v13 =	vld [tilespmem:s19+$0x6770];
	[tilespmem:s11+$0x17F0] =	vst v1;
	s11 =	smov.u32 s19  }
0x24e: {  	v15 =	vld [tilespmem:s11+$0x6780]  }
0x24f: {  	v16 =	vld [tilespmem:s11+$0x6790]  }
0x250: {  	v6 =	vld [tilespmem:s11+$0x67A0]  }
0x251: {  	v5 =	vld [tilespmem:s11+$0x67B0]  }
0x252: {  	v4 =	vld [tilespmem:s11+$0x67C0]  }
0x253: {  	v3 =	vld [tilespmem:s11+$0x67D0]  }
0x254: {  	v2 =	vld [tilespmem:s11+$0x67E0]  }
0x255: {  	v1 =	vld [tilespmem:s11+$0x67F0]  }
0x256: {  	v17 =	vld [tilespmem:s11+$0x1700]  }
0x257: {  	v18 =	vld [tilespmem:s11+$0x1710]  }
0x258: {  	v19 =	vld [tilespmem:s11+$0x1720]  }
0x259: {  	v20 =	vld [tilespmem:s11+$0x1730]  }
0x25a: {  	v21 =	vld [tilespmem:s11+$0x1740]  }
0x25b: {  	v14 =	vadd.f32 v14, v17;
	v17 =	vld [tilespmem:s11+$0x1750]  }
0x25c: {  	v7 =	vadd.f32 v7, v18;
	v18 =	vld [tilespmem:s11+$0x1760]  }
0x25d: {  	v14 =	vmax.f32 v14, $0.0e+00;
	v9 =	vadd.f32 v9, v19;
	v19 =	vld [tilespmem:s11+$0x1770]  }
0x25e: {  	[tilespmem:s11+$0x1700] =	vst v14;
	v7 =	vmax.f32 v7, $0.0e+00;
	v10 =	vadd.f32 v10, v20;
	v14 =	vld [tilespmem:s11+$0x1780]  }
0x25f: {  	[tilespmem:s11+$0x1710] =	vst v7;
	v7 =	vmax.f32 v9, $0.0e+00;
	v9 =	vadd.f32 v11, v21;
	v11 =	vld [tilespmem:s11+$0x1790]  }
.Ltmp9:
0x260: {  	[tilespmem:s11+$0x1720] =	vst v7;
	v7 =	vmax.f32 v10, $0.0e+00;
	v10 =	vadd.f32 v8, v17;
	v8 =	vld [tilespmem:s11+$0x17A0];
	(pc) =	sbr.rel @p1 .LBB2_17-.Ltmp9, $4  }
0x261: {  	[tilespmem:s11+$0x1730] =	vst v7;
	v9 =	vmax.f32 v9, $0.0e+00;
	v12 =	vadd.f32 v12, v18;
	v7 =	vld [tilespmem:s11+$0x17B0]  }
0x262: {  	[tilespmem:s11+$0x1740] =	vst v9;
	v10 =	vmax.f32 v10, $0.0e+00;
	v17 =	vadd.f32 v13, v19;
	v9 =	vld [tilespmem:s11+$0x17C0]  }
0x263: {  	[tilespmem:s11+$0x1750] =	vst v10;
	v12 =	vmax.f32 v12, $0.0e+00;
	v13 =	vadd.f32 v15, v14;
	v10 =	vld [tilespmem:s11+$0x17D0]  }
0x264: {  	s9 =	sadd.s32 $0x400, s9;
	[tilespmem:s11+$0x1760] =	vst v12;
	v14 =	vmax.f32 v17, $0.0e+00;
	v12 =	vadd.f32 v16, v11;
	v11 =	vld [tilespmem:s11+$0x17E0]  }
0x265: {  	[tilespmem:s11+$0x1770] =	vst v14;
	v13 =	vmax.f32 v13, $0.0e+00;
	v6 =	vadd.f32 v6, v8;
	v63 =	vld [tilespmem:s11+$0x17F0]  }
0x266: {  	[tilespmem:s11+$0x1780] =	vst v13;
	v12 =	vmax.f32 v12, $0.0e+00;
	v5 =	vadd.f32 v5, v7  }
0x267: {  	[tilespmem:s11+$0x1790] =	vst v12;
	v6 =	vmax.f32 v6, $0.0e+00;
	v4 =	vadd.f32 v4, v9  }
0x268: {  	[tilespmem:s11+$0x17A0] =	vst v6;
	v5 =	vmax.f32 v5, $0.0e+00;
	v3 =	vadd.f32 v3, v10  }
0x269: {  	[tilespmem:s11+$0x17B0] =	vst v5;
	v4 =	vmax.f32 v4, $0.0e+00;
	v2 =	vadd.f32 v2, v11  }
0x26a: {  	[tilespmem:s11+$0x17C0] =	vst v4;
	v3 =	vmax.f32 v3, $0.0e+00;
	v1 =	vadd.f32 v1, v63  }
0x26b: {  	[tilespmem:s11+$0x17D0] =	vst v3;
	v2 =	vmax.f32 v2, $0.0e+00  }
0x26c: {  	[tilespmem:s11+$0x17E0] =	vst v2;
	v1 =	vmax.f32 v1, $0.0e+00  }
0x26d: {  	s9 =	simm.s32 $0x8;
	[tilespmem:s11+$0x17F0] =	vst v1  }
0x26e: {  	[spmem:s4] =	stream.indirect.scatter.add.f32 [tilespmem:s16], [sflag:$0x7], $0x80, s15, s14, $0xb8;
	[tilespmem:$0x1DF80] =	vst v63  }
0x26f: {  	_ =	swait.ge [sflag:s9], $0x1400  }
0x270: {  	[sflag:s9] =	ssyncset.done $0x0  }
0x271: {  	[sflag:s9] =	ssyncadd.s32 $0xFFFFEC00  }
0x272: {  	_ =	swait.ge [sflag:s9], $0x1400  }
0x273: {  	[sflag:s9] =	ssyncset.done $0x0  }
0x274: {  	[sflag:s9] =	ssyncadd.s32 $0xFFFFEC00  }
0x275: {  	_ =	swait.ge [sflag:s17], $0x1400  }
0x276: {  	[sflag:s17] =	ssyncset.done $0x0  }
0x277: {  	[sflag:s17] =	ssyncadd.s32 $0xFFFFEC00  }
0x278: {  	_ =	swait.ge [sflag:s17], $0x1400  }
0x279: {  	[sflag:s17] =	ssyncset.done $0x0  }
0x27a: {  	[sflag:s17] =	ssyncadd.s32 $0xFFFFEC00  }
0x27b: {  	s19 =	stileid.u32;
	[bflag:$0x0] =	sbarrier.arrive $0xFFFF  }
.Ltmp10:
0x27c: {  	s9 =	sshll.u32 s19, $0x6;
	s30 =	rddreg [dreg:$0x8];
	(pc) =	sbr.rel @!p0 .LBB2_20-.Ltmp10, $4  }
0x27d: {  	s9 =	sor.u32 $0x1C09, s9;
	s19 =	rddreg [dreg:$0x10];
	s23 =	sshrl.u32 s30, $0x3  }
0x27e: {  	[hbm:s19], [sflag:s9] =	dma.local [spmem:s23], $0x80  }
0x27f: {  	s11 =	rddreg [dreg:$0x7]  }
0x280: {  	s19 =	sadd.s32 $0x80, s19;
	_ =	swait.ge [sflag:s21], $0x80;
	s11 =	sadd.s32 $0xFFFFFFFF, s11  }
.LBB2_19:
0x281: {  	[sflag:s21] =	ssyncset.done $0x0;
	s30 =	sadd.s32 $0x400, s30;
	p0 =	sne.s32 s11, $0x1  }
.Ltmp11:
0x282: {  	s23 =	sshrl.u32 s30, $0x3;
	[sflag:s21] =	ssyncadd.s32 $0xFFFFFF80;
	(pc) =	sbr.rel @p0 .LBB2_19-.Ltmp11, $3  }
0x283: {  	[hbm:s19], [sflag:s9] =	dma.local [spmem:s23], $0x80  }
0x284: {  	s11 =	sadd.s32 $0xFFFFFFFF, s11;
	_ =	sdelay $0x1  }
0x285: {  	s19 =	sadd.s32 $0x80, s19;
	_ =	swait.ge [sflag:s21], $0x80  }
.LBB2_20:
0x286: {  	s11 =	rddreg [dreg:$0x11]  }
0x287: {  	s9 =	rddreg [dreg:$0xf];
	s11 =	sadd.s32 $0x1, s11  }
0x288: {  	p0 =	sne.s32 s11, s9  }
.Ltmp12:
0x289: {  	_ = 	snop;
	(pc) =	sbr.rel @p0 .LBB2_1-.Ltmp12, $3  }
0x28a: {  	_ =	sdelay $0x1  }
0x28b: {  	[sflag:s21] =	ssyncset.done $0x0  }
0x28c: {  	[sflag:s21] =	ssyncadd.s32 $0xFFFFFF80  }
0x28d: {  	_ =	sfence.sel $0x180000  }
0x28e: {  	[bflag:$0x0] =	sbarrier.arrive $0xFFFF  }
0x28f: {  	_ =	strace $0x90000047  }
0x290: {  	s0 =	stileid.u32;
	[bflag:$0x2] =	sbarrier.arrive $0xFFFF  }
0x291: {  	p0 =	sne.s32 s0, $0x0;
	s0 =	rddreg [dreg:$0x6]  }
0x292: {  	s0 =	sadd.s32 @!p0 $0x100000, s0  }
0x293: {  	[sflag:s0] =	ssyncadd.tile.s32 @!p0 $0x1;
	_ =	shalt  }
.Lfunc_end2:
_tile_overlayer_lowered:
.L_overlay_start_2:
0x294: {  	(tag) =	ssettag $0x2  }
0x295: {  	s0 =	rddreg [dreg:$0x0];
	s2 =	stileid.u32  }
0x296: {  	s1 =	rddreg [dreg:$0x1];
	p0 =	sne.s32 s2, $0x0  }
0x297: {  	s3 =	rddreg [dreg:$0x2];
	[bflag:$0x3] =	sbarrier.arrive $0xFFFF;
	s2 =	simm.s32 @!p0 $0x1C09  }
0x298: {  	[timem:s3], [sflag:s2] =	dma.local @!p0 [hbm:s0], s1  }
0x299: {  	s0 =	simm.s32 @!p0 $0x9  }
0x29a: {  	_ =	swait.ge @!p0 [sflag:s0], s1  }
0x29b: {  	s1 =	ssub.s32 @!p0 $0x0, s1;
	[sflag:s0] =	ssyncset.done @!p0 $0x0  }
0x29c: {  	[sflag:s0] =	ssyncadd.s32 @!p0 s1  }
0x29d: {  	[bflag:$0x3] =	sbarrier.arrive $0xFFFF  }
0x29e: {  	_ =	shalt  }

</sc_bundles>
